<compile_context>
chip_gen: v7x
topology: tpu7x:2x2x1
jax: 0.10.2.dev20260603
libtpu: 0.0.44.dev20260713+nightly
codegen_flags: <defaults>
</compile_context>

<pallas_src>
import functools

import jax
import jax.numpy as jnp
from jax import lax
from jax.experimental import pallas as pl
from jax.experimental.pallas import tpu as pltpu, tpu_sc as plsc

N = 10000
E = 320000
D = 128
HD = 64
G = 64
C = 16

NC = 2
NS = 16
CHUNK = 128
NCH = 160
SCH = 40
EPAD = NS * NCH * CHUNK
SCRAP = 16
NROWS = N + SCRAP

ZGROUPS = NROWS // 16
OGROUPS = N // 16
TSLOTS = N // CHUNK


def _split16(count, sid):
    base = count // NS
    ext = count - base * NS
    n = jnp.where(sid < ext, base + 1, base)
    start = jnp.where(sid < ext, sid * (base + 1),
                      ext * (base + 1) + (sid - ext) * base)
    return n, start


def _sc_scatter_cols(tabl, tabr, src3, dst3):

    mesh = plsc.VectorSubcoreMesh(core_axis_name="c", subcore_axis_name="s")

    @functools.partial(
        pl.kernel,
        out_type=(
            jax.ShapeDtypeStruct((N, HD), jnp.float32),
            jax.ShapeDtypeStruct((N, HD), jnp.float32),
        ),
        mesh=mesh,
        compiler_params=pltpu.CompilerParams(use_tc_tiling_on_sc=False),
        scratch_types=[
            pltpu.VMEM((SCH, CHUNK), jnp.int32),
            pltpu.VMEM((SCH, CHUNK), jnp.int32),
            [pltpu.VMEM((CHUNK, HD), jnp.float32) for _ in range(2)],
            pltpu.VMEM_SHARED((N, HD), jnp.float32),
            pltpu.VMEM_SHARED((NROWS, HD), jnp.float32),
            [pltpu.SemaphoreType.DMA for _ in range(2)],
        ],
    )
    def sc_fn(tabl_hbm, tabr_hbm, src_hbm, dst_hbm, outl_hbm, outr_hbm,
              src_v, dst_v, rows, tab, acc, gsem):
        cid = lax.axis_index("c")
        sid = lax.axis_index("s")

        for k in range(TSLOTS // NS + 1):
            slot = sid + NS * k

            @pl.when(slot < TSLOTS)
            def _():
                rs = slot * CHUNK

                @pl.when(cid == 0)
                def _():
                    pltpu.sync_copy(tabl_hbm.at[pl.ds(rs, CHUNK)], rows[0])

                @pl.when(cid == 1)
                def _():
                    pltpu.sync_copy(tabr_hbm.at[pl.ds(rs, CHUNK)], rows[0])

                pltpu.sync_copy(rows[0], tab.at[pl.ds(rs, CHUNK)])

            @pl.when(slot == TSLOTS)
            def _():
                rs = TSLOTS * CHUNK

                @pl.when(cid == 0)
                def _():
                    pltpu.sync_copy(tabl_hbm.at[pl.ds(rs, N - rs)],
                                    rows[0].at[pl.ds(0, N - rs)])

                @pl.when(cid == 1)
                def _():
                    pltpu.sync_copy(tabr_hbm.at[pl.ds(rs, N - rs)],
                                    rows[0].at[pl.ds(0, N - rs)])

                pltpu.sync_copy(rows[0].at[pl.ds(0, N - rs)],
                                tab.at[pl.ds(rs, N - rs)])

        zv = jnp.zeros((16,), jnp.float32)
        for r in range(16):
            for k in range(HD // 16):
                rows[0][r, pl.ds(k * 16, 16)] = zv

        zn, zstart = _split16(ZGROUPS, sid)

        def zero_body(i, carry):
            pltpu.sync_copy(rows[0].at[pl.ds(0, 16)],
                            acc.at[pl.ds((zstart + i) * 16, 16)])
            return carry

        lax.fori_loop(0, zn, zero_body, 0)
        plsc.subcore_barrier()

        for m in range(NCH // SCH):
            pltpu.sync_copy(src_hbm.at[sid, pl.ds(m * SCH, SCH)], src_v)
            pltpu.sync_copy(dst_hbm.at[sid, pl.ds(m * SCH, SCH)], dst_v)

            for b in range(2):
                pltpu.async_copy(tab.at[src_v.at[b]], rows[b], gsem[b])

            def pair_body(p, carry):
                j0 = 2 * p
                for b in range(2):
                    j = j0 + b
                    pltpu.make_async_copy(
                        tab.at[src_v.at[j]], rows[b], gsem[b]).wait()
                    pltpu.sync_copy(rows[b], acc.at[dst_v.at[j]], add=True)

                    @pl.when(j + 2 < SCH)
                    def _():
                        pltpu.async_copy(
                            tab.at[src_v.at[j + 2]], rows[b], gsem[b])

                return carry

            lax.fori_loop(0, SCH // 2, pair_body, 0)
        plsc.subcore_barrier()

        on, ostart = _split16(OGROUPS, sid)

        def out_body(i, carry):
            rs = (ostart + i) * 16

            @pl.when(cid == 0)
            def _():
                pltpu.sync_copy(acc.at[pl.ds(rs, 16)],
                                outl_hbm.at[pl.ds(rs, 16)])

            @pl.when(cid == 1)
            def _():
                pltpu.sync_copy(acc.at[pl.ds(rs, 16)],
                                outr_hbm.at[pl.ds(rs, 16)])

            return carry

        lax.fori_loop(0, on, out_body, 0)

    return sc_fn(tabl, tabr, src3, dst3)


def _tc_layer1(xin, pl_, pr_, Wa, ba, Wb, bb, g, be):
    BR = 1000
    nb = N // BR

    def body(x_ref, pl_ref, pr_ref, Wa_ref, ba_ref, Wb_ref, bb_ref,
             g_ref, be_ref, outl_ref, outr_ref, hpre, stats):
        i = pl.program_id(0)

        @pl.when(i < nb)
        def _compute():
            a = x_ref[...] + jnp.concatenate([pl_ref[...], pr_ref[...]], 1)
            t = jnp.maximum(
                jnp.dot(a, Wa_ref[...], preferred_element_type=jnp.float32)
                + ba_ref[...], 0.0)
            hp = (jnp.dot(t, Wb_ref[...], preferred_element_type=jnp.float32)
                  + bb_ref[...])

            @pl.when(i == 0)
            def _():
                stats[0:2, :] = jnp.zeros((2, D), jnp.float32)

            hpre[pl.ds(i * BR, BR), :] = hp
            stats[0:1, :] += jnp.sum(hp, axis=0, keepdims=True)
            stats[1:2, :] += jnp.sum(hp * hp, axis=0, keepdims=True)

            @pl.when(i == nb - 1)
            def _():
                mu = stats[0:1, :] / N
                var = stats[1:2, :] / N - mu * mu
                scale = g_ref[...] * lax.rsqrt(var + 1e-5)
                stats[2:3, :] = scale
                stats[3:4, :] = be_ref[...] - mu * scale

        @pl.when(i >= nb)
        def _apply():
            blk = i - nb
            hp = hpre[pl.ds(blk * BR, BR), :]
            res = jnp.maximum(hp * stats[2:3, :] + stats[3:4, :], 0.0)
            outl_ref[...] = res[:, :HD]
            outr_ref[...] = res[:, HD:]

    return pl.pallas_call(
        body,
        grid=(2 * nb,),
        in_specs=[
            pl.BlockSpec((BR, D), lambda i: (jnp.minimum(i, nb - 1), 0)),
            pl.BlockSpec((BR, HD), lambda i: (jnp.minimum(i, nb - 1), 0)),
            pl.BlockSpec((BR, HD), lambda i: (jnp.minimum(i, nb - 1), 0)),
            pl.BlockSpec((D, D), lambda i: (0, 0)),
            pl.BlockSpec((1, D), lambda i: (0, 0)),
            pl.BlockSpec((D, D), lambda i: (0, 0)),
            pl.BlockSpec((1, D), lambda i: (0, 0)),
            pl.BlockSpec((1, D), lambda i: (0, 0)),
            pl.BlockSpec((1, D), lambda i: (0, 0)),
        ],
        out_specs=[
            pl.BlockSpec((BR, HD), lambda i: (jnp.maximum(i - nb, 0), 0)),
            pl.BlockSpec((BR, HD), lambda i: (jnp.maximum(i - nb, 0), 0)),
        ],
        out_shape=[
            jax.ShapeDtypeStruct((N, HD), jnp.float32),
            jax.ShapeDtypeStruct((N, HD), jnp.float32),
        ],
        scratch_shapes=[
            pltpu.VMEM((N, D), jnp.float32),
            pltpu.VMEM((8, D), jnp.float32),
        ],
        compiler_params=pltpu.CompilerParams(
            dimension_semantics=("arbitrary",)),
    )(xin, pl_, pr_, Wa, ba, Wb, bb, g, be)


def _tc_layer2(hl_, hr_, ql_, qr_, batch3, Wa, ba, Wb, bb, g, be, Wl, bl):
    BR = 1000
    nb = N // BR

    def body(hl_ref, hr_ref, ql_ref, qr_ref, b_ref, Wa_ref, ba_ref, Wb_ref,
             bb_ref, g_ref, be_ref, Wl_ref, bl_ref, out_ref, hpre, stats,
             pooled):
        i = pl.program_id(0)

        @pl.when(i < nb)
        def _compute():
            a = jnp.concatenate([hl_ref[...] + ql_ref[...],
                                 hr_ref[...] + qr_ref[...]], 1)
            t = jnp.maximum(
                jnp.dot(a, Wa_ref[...], preferred_element_type=jnp.float32)
                + ba_ref[...], 0.0)
            hp = (jnp.dot(t, Wb_ref[...], preferred_element_type=jnp.float32)
                  + bb_ref[...])

            @pl.when(i == 0)
            def _():
                stats[0:2, :] = jnp.zeros((2, D), jnp.float32)

            hpre[pl.ds(i * BR, BR), :] = hp
            stats[0:1, :] += jnp.sum(hp, axis=0, keepdims=True)
            stats[1:2, :] += jnp.sum(hp * hp, axis=0, keepdims=True)

            @pl.when(i == nb - 1)
            def _():
                mu = stats[0:1, :] / N
                var = stats[1:2, :] / N - mu * mu
                scale = g_ref[...] * lax.rsqrt(var + 1e-5)
                stats[2:3, :] = scale
                stats[3:4, :] = be_ref[...] - mu * scale

        @pl.when(i >= nb)
        def _apply():
            blk = i - nb
            hp = hpre[pl.ds(blk * BR, BR), :]
            h2 = jnp.maximum(hp * stats[2:3, :] + stats[3:4, :], 0.0)
            b = b_ref[0, 0, :]
            oh = (b[:, None]
                  == lax.broadcasted_iota(jnp.int32, (BR, G), 1)
                  ).astype(jnp.float32)
            seg = lax.dot_general(oh, h2, (((0,), (0,)), ((), ())),
                                  preferred_element_type=jnp.float32)

            @pl.when(i == nb)
            def _():
                pooled[...] = jnp.zeros((G, D), jnp.float32)

            pooled[...] += seg

            @pl.when(i == 2 * nb - 1)
            def _():
                out_ref[...] = (
                    jnp.dot(pooled[...], Wl_ref[...],
                            preferred_element_type=jnp.float32)
                    + bl_ref[...])

    return pl.pallas_call(
        body,
        grid=(2 * nb,),
        in_specs=[
            pl.BlockSpec((BR, HD), lambda i: (jnp.minimum(i, nb - 1), 0)),
            pl.BlockSpec((BR, HD), lambda i: (jnp.minimum(i, nb - 1), 0)),
            pl.BlockSpec((BR, HD), lambda i: (jnp.minimum(i, nb - 1), 0)),
            pl.BlockSpec((BR, HD), lambda i: (jnp.minimum(i, nb - 1), 0)),
            pl.BlockSpec((1, 1, BR), lambda i: (jnp.maximum(i - nb, 0), 0, 0)),
            pl.BlockSpec((D, D), lambda i: (0, 0)),
            pl.BlockSpec((1, D), lambda i: (0, 0)),
            pl.BlockSpec((D, D), lambda i: (0, 0)),
            pl.BlockSpec((1, D), lambda i: (0, 0)),
            pl.BlockSpec((1, D), lambda i: (0, 0)),
            pl.BlockSpec((1, D), lambda i: (0, 0)),
            pl.BlockSpec((D, C), lambda i: (0, 0)),
            pl.BlockSpec((1, C), lambda i: (0, 0)),
        ],
        out_specs=pl.BlockSpec((G, C), lambda i: (0, 0)),
        out_shape=jax.ShapeDtypeStruct((G, C), jnp.float32),
        scratch_shapes=[
            pltpu.VMEM((N, D), jnp.float32),
            pltpu.VMEM((8, D), jnp.float32),
            pltpu.VMEM((G, D), jnp.float32),
        ],
        compiler_params=pltpu.CompilerParams(
            dimension_semantics=("arbitrary",)),
    )(hl_, hr_, ql_, qr_, batch3, Wa, ba, Wb, bb, g, be, Wl, bl)


def kernel(x, edge_index, batch, W1a, b1a, W1b, b1b, g1, be1,
           W2a, b2a, W2b, b2b, g2, be2, Wl, bl):
    src = edge_index[0]
    dst = edge_index[1]
    pad = EPAD - E
    src_p = jnp.concatenate([src, jnp.zeros((pad,), jnp.int32)])
    dst_p = jnp.concatenate(
        [dst, N + (jnp.arange(pad, dtype=jnp.int32) % SCRAP)])
    src3 = src_p.reshape(NS, NCH, CHUNK)
    dst3 = dst_p.reshape(NS, NCH, CHUNK)
    batch3 = batch.reshape(N // 1000, 1, 1000)

    b1a_ = b1a.reshape(1, D)
    b1b_ = b1b.reshape(1, D)
    g1_ = g1.reshape(1, D)
    be1_ = be1.reshape(1, D)
    b2a_ = b2a.reshape(1, D)
    b2b_ = b2b.reshape(1, D)
    g2_ = g2.reshape(1, D)
    be2_ = be2.reshape(1, D)
    bl_ = bl.reshape(1, C)

    pl_, pr_ = _sc_scatter_cols(x[:, :HD], x[:, HD:], src3, dst3)
    hl_, hr_ = _tc_layer1(x, pl_, pr_, W1a, b1a_, W1b, b1b_, g1_, be1_)
    ql_, qr_ = _sc_scatter_cols(hl_, hr_, src3, dst3)
    logits = _tc_layer2(hl_, hr_, ql_, qr_, batch3, W2a, b2a_, W2b, b2b_,
                        g2_, be2_, Wl, bl_)
    return logits

# --- scband reference (transcript-rebuilt; emitter-appended) ---
"""Pipeline reference for scband-gin-8718783611640 (READ-ONLY COPY).

The authoritative reference and input builder live on the scoring server;
editing this copy changes nothing except your own understanding.
"""

import jax, jax.numpy as jnp
import numpy as np

N = 10000
E = 320000
D = 128
H1 = 128
H2 = 128
C = 16
G = 64


def setup_inputs(seed: int = 0) -> dict:
    key = jax.random.key(seed)
    ks = jax.random.split(key, 20)
    x = jax.random.normal(ks[0], (N, D), dtype=jnp.float32)
    edge_index = jax.random.randint(ks[1], (2, E), 0, N, dtype=jnp.int32)
    batch = jnp.sort(jax.random.randint(ks[2], (N,), 0, G, dtype=jnp.int32))
    s = 1.0 / np.sqrt(D)
    W1a = jax.random.uniform(ks[3], (D, H1), jnp.float32, -s, s)
    b1a = jax.random.uniform(ks[4], (H1,), jnp.float32, -s, s)
    W1b = jax.random.uniform(ks[5], (H1, H1), jnp.float32, -s, s)
    b1b = jax.random.uniform(ks[6], (H1,), jnp.float32, -s, s)
    g1 = jnp.ones((H1,), jnp.float32)
    be1 = jnp.zeros((H1,), jnp.float32)
    W2a = jax.random.uniform(ks[7], (H1, H2), jnp.float32, -s, s)
    b2a = jax.random.uniform(ks[8], (H2,), jnp.float32, -s, s)
    W2b = jax.random.uniform(ks[9], (H2, H2), jnp.float32, -s, s)
    b2b = jax.random.uniform(ks[10], (H2,), jnp.float32, -s, s)
    g2 = jnp.ones((H2,), jnp.float32)
    be2 = jnp.zeros((H2,), jnp.float32)
    Wl = jax.random.uniform(ks[11], (H2, C), jnp.float32, -s, s)
    bl = jax.random.uniform(ks[12], (C,), jnp.float32, -s, s)
    return {"x": x, "edge_index": edge_index, "batch": batch,
            "W1a": W1a, "b1a": b1a, "W1b": W1b, "b1b": b1b, "g1": g1, "be1": be1,
            "W2a": W2a, "b2a": b2a, "W2b": W2b, "b2b": b2b, "g2": g2, "be2": be2,
            "Wl": Wl, "bl": bl}


def _mlp(h, Wa, ba, Wb, bb):
    h = h @ Wa + ba
    h = jax.nn.relu(h)
    return h @ Wb + bb


def _bn(h, gamma, beta):
    mu = jnp.mean(h, axis=0)
    var = jnp.var(h, axis=0)
    return gamma * (h - mu) / jnp.sqrt(var + 1e-5) + beta


def reference(x, edge_index, batch, W1a, b1a, W1b, b1b, g1, be1, W2a, b2a, W2b, b2b, g2, be2, Wl, bl):
    src = edge_index[0]
    dst = edge_index[1]
    eps = 0.0
    # GINConv layer 1: aggregate neighbor sum at dst, then MLP((1+eps)*x + agg)
    agg1 = jnp.zeros_like(x).at[dst].add(x[src])
    h = _mlp((1.0 + eps) * x + agg1, W1a, b1a, W1b, b1b)
    h = jax.nn.relu(_bn(h, g1, be1))
    # GINConv layer 2
    agg2 = jnp.zeros_like(h).at[dst].add(h[src])
    h2 = _mlp((1.0 + eps) * h + agg2, W2a, b2a, W2b, b2b)
    h2 = jax.nn.relu(_bn(h2, g2, be2))
    # global_add_pool over batch ids
    pooled = jax.ops.segment_sum(h2, batch, num_segments=G)
    logits = pooled @ Wl + bl
    return logits

if __name__ == "__main__":
    import jax
    _d = setup_inputs()
    print(jax.jit(kernel)(*tuple(_d.values())))

</pallas_src>

<mosaic_0001>
#map = affine_map<(d0, d1) -> (0, 0)>
#map1 = affine_map<(d0, d1) -> (0, 0, 0)>
module attributes {stable_mosaic.version = 14 : i64} {
  func.func @sc_fn(%arg0: i32, %arg1: i32, %arg2: memref<10000x64xf32, #tpu.memory_space<hbm>>, %arg3: memref<10000x64xf32, #tpu.memory_space<hbm>>, %arg4: memref<16x160x128xi32, #tpu.memory_space<hbm>>, %arg5: memref<16x160x128xi32, #tpu.memory_space<hbm>>, %arg6: memref<10000x64xf32, #tpu.memory_space<hbm>>, %arg7: memref<10000x64xf32, #tpu.memory_space<hbm>>, %arg8: memref<40x128xi32, #tpu.memory_space<vmem>>, %arg9: memref<40x128xi32, #tpu.memory_space<vmem>>, %arg10: memref<128x64xf32, #tpu.memory_space<vmem>>, %arg11: memref<128x64xf32, #tpu.memory_space<vmem>>, %arg12: memref<10000x64xf32, #tpu.memory_space<vmem_shared>>, %arg13: memref<10016x64xf32, #tpu.memory_space<vmem_shared>>, %arg14: memref<!tpu.dma_semaphore, #tpu.memory_space<semaphore_mem>>, %arg15: memref<!tpu.dma_semaphore, #tpu.memory_space<semaphore_mem>>) attributes {dimension_semantics = [#tpu.dimension_semantics<core_parallel>, #tpu.dimension_semantics<subcore_parallel>], iteration_bounds = array<i64: 2, 16>, scalar_prefetch = 0 : i64, scratch_operands = 8 : i64, tpu.core_type = #tpu.core_type<sc_vector_subcore>, window_params = [{transform_indices = #map}, {transform_indices = #map}, {transform_indices = #map1}, {transform_indices = #map1}, {transform_indices = #map}, {transform_indices = #map}]} {
    %add3A = arith.constant 0 : i32
    %add3A_0 = arith.addi %arg1, %add3A : i32
    %lt3A = arith.constant 78 : i32
    %lt3A_1 = arith.cmpi slt, %add3A_0, %lt3A : i32
    %convert_element_type3A = arith.extui %lt3A_1 : i1 to i32
    %cond3A = arith.constant 0 : i32
    %cond3A_2 = arith.cmpi ne, %convert_element_type3A, %cond3A : i32
    scf.if %cond3A_2 {
      %mul3A_565 = arith.constant 128 : i32
      %mul3A_566 = arith.muli %add3A_0, %mul3A_565 : i32
      %eq3A_567 = arith.constant 0 : i32
      %eq3A_568 = arith.cmpi eq, %arg0, %eq3A_567 : i32
      %convert_element_type3A_569 = arith.extui %eq3A_568 : i1 to i32
      %cond3A_570 = arith.constant 0 : i32
      %cond3A_571 = arith.cmpi ne, %convert_element_type3A_569, %cond3A_570 : i32
      scf.if %cond3A_571 {
        "tpu.region"() ({
          %run_scoped3A = tpu.sem_alloc : memref<!tpu.dma_semaphore, #tpu.memory_space<semaphore_mem>>
          %dma_start3A_577 = arith.constant 0 : i32
          %dma_start3A_578 = tpu.memref_slice %arg2[%mul3A_566, %dma_start3A_577] : memref<10000x64xf32, #tpu.memory_space<hbm>> -> memref<128x64xf32, #tpu.memory_space<hbm>>
          %dma_start3A_579 = arith.constant 0 : i32
          %dma_start3A_580 = tpu.memref_slice %arg2[%mul3A_566, %dma_start3A_579] : memref<10000x64xf32, #tpu.memory_space<hbm>> -> memref<128x64xf32, #tpu.memory_space<hbm>>
          tpu.enqueue_dma source(%dma_start3A_580 : memref<128x64xf32, #tpu.memory_space<hbm>>) target(%arg10 : memref<128x64xf32, #tpu.memory_space<vmem>>) target_semaphore(%run_scoped3A : memref<!tpu.dma_semaphore, #tpu.memory_space<semaphore_mem>>)
          %dma_wait3A = arith.constant 0 : i32
          %dma_wait3A_581 = tpu.memref_slice %arg2[%mul3A_566, %dma_wait3A] : memref<10000x64xf32, #tpu.memory_space<hbm>> -> memref<128x64xf32, #tpu.memory_space<hbm>>
          %dma_wait3A_582 = arith.constant 0 : i32
          %dma_wait3A_583 = tpu.memref_slice %arg2[%mul3A_566, %dma_wait3A_582] : memref<10000x64xf32, #tpu.memory_space<hbm>> -> memref<128x64xf32, #tpu.memory_space<hbm>>
          tpu.wait_dma2 semaphore(%run_scoped3A : memref<!tpu.dma_semaphore, #tpu.memory_space<semaphore_mem>>) src(%dma_wait3A_583 : memref<128x64xf32, #tpu.memory_space<hbm>>) dst(%arg10 : memref<128x64xf32, #tpu.memory_space<vmem>>)
          tpu.yield
        }) : () -> ()
      } else {
      }
      %eq3A_572 = arith.constant 1 : i32
      %eq3A_573 = arith.cmpi eq, %arg0, %eq3A_572 : i32
      %convert_element_type3A_574 = arith.extui %eq3A_573 : i1 to i32
      %cond3A_575 = arith.constant 0 : i32
      %cond3A_576 = arith.cmpi ne, %convert_element_type3A_574, %cond3A_575 : i32
      scf.if %cond3A_576 {
        "tpu.region"() ({
          %run_scoped3A = tpu.sem_alloc : memref<!tpu.dma_semaphore, #tpu.memory_space<semaphore_mem>>
          %dma_start3A_577 = arith.constant 0 : i32
          %dma_start3A_578 = tpu.memref_slice %arg3[%mul3A_566, %dma_start3A_577] : memref<10000x64xf32, #tpu.memory_space<hbm>> -> memref<128x64xf32, #tpu.memory_space<hbm>>
          %dma_start3A_579 = arith.constant 0 : i32
          %dma_start3A_580 = tpu.memref_slice %arg3[%mul3A_566, %dma_start3A_579] : memref<10000x64xf32, #tpu.memory_space<hbm>> -> memref<128x64xf32, #tpu.memory_space<hbm>>
          tpu.enqueue_dma source(%dma_start3A_580 : memref<128x64xf32, #tpu.memory_space<hbm>>) target(%arg10 : memref<128x64xf32, #tpu.memory_space<vmem>>) target_semaphore(%run_scoped3A : memref<!tpu.dma_semaphore, #tpu.memory_space<semaphore_mem>>)
          %dma_wait3A = arith.constant 0 : i32
          %dma_wait3A_581 = tpu.memref_slice %arg3[%mul3A_566, %dma_wait3A] : memref<10000x64xf32, #tpu.memory_space<hbm>> -> memref<128x64xf32, #tpu.memory_space<hbm>>
          %dma_wait3A_582 = arith.constant 0 : i32
          %dma_wait3A_583 = tpu.memref_slice %arg3[%mul3A_566, %dma_wait3A_582] : memref<10000x64xf32, #tpu.memory_space<hbm>> -> memref<128x64xf32, #tpu.memory_space<hbm>>
          tpu.wait_dma2 semaphore(%run_scoped3A : memref<!tpu.dma_semaphore, #tpu.memory_space<semaphore_mem>>) src(%dma_wait3A_583 : memref<128x64xf32, #tpu.memory_space<hbm>>) dst(%arg10 : memref<128x64xf32, #tpu.memory_space<vmem>>)
          tpu.yield
        }) : () -> ()
      } else {
      }
      "tpu.region"() ({
        %run_scoped3A = tpu.sem_alloc : memref<!tpu.dma_semaphore, #tpu.memory_space<semaphore_mem>>
        %dma_start3A_577 = arith.constant 0 : i32
        %dma_start3A_578 = tpu.memref_slice %arg12[%mul3A_566, %dma_start3A_577] : memref<10000x64xf32, #tpu.memory_space<vmem_shared>> -> memref<128x64xf32, #tpu.memory_space<vmem_shared>>
        %dma_start3A_579 = arith.constant 0 : i32
        %dma_start3A_580 = tpu.memref_slice %arg12[%mul3A_566, %dma_start3A_579] : memref<10000x64xf32, #tpu.memory_space<vmem_shared>> -> memref<128x64xf32, #tpu.memory_space<vmem_shared>>
        tpu.enqueue_dma source(%arg10 : memref<128x64xf32, #tpu.memory_space<vmem>>) target(%dma_start3A_580 : memref<128x64xf32, #tpu.memory_space<vmem_shared>>) target_semaphore(%run_scoped3A : memref<!tpu.dma_semaphore, #tpu.memory_space<semaphore_mem>>)
        %dma_wait3A = arith.constant 0 : i32
        %dma_wait3A_581 = tpu.memref_slice %arg12[%mul3A_566, %dma_wait3A] : memref<10000x64xf32, #tpu.memory_space<vmem_shared>> -> memref<128x64xf32, #tpu.memory_space<vmem_shared>>
        %dma_wait3A_582 = arith.constant 0 : i32
        %dma_wait3A_583 = tpu.memref_slice %arg12[%mul3A_566, %dma_wait3A_582] : memref<10000x64xf32, #tpu.memory_space<vmem_shared>> -> memref<128x64xf32, #tpu.memory_space<vmem_shared>>
        tpu.wait_dma2 semaphore(%run_scoped3A : memref<!tpu.dma_semaphore, #tpu.memory_space<semaphore_mem>>) src(%arg10 : memref<128x64xf32, #tpu.memory_space<vmem>>) dst(%dma_wait3A_583 : memref<128x64xf32, #tpu.memory_space<vmem_shared>>)
        tpu.yield
      }) : () -> ()
    } else {
    }
    %eq3A = arith.constant 78 : i32
    %eq3A_3 = arith.cmpi eq, %add3A_0, %eq3A : i32
    %convert_element_type3A_4 = arith.extui %eq3A_3 : i1 to i32
    %cond3A_5 = arith.constant 0 : i32
    %cond3A_6 = arith.cmpi ne, %convert_element_type3A_4, %cond3A_5 : i32
    scf.if %cond3A_6 {
      %eq3A_565 = arith.constant 0 : i32
      %eq3A_566 = arith.cmpi eq, %arg0, %eq3A_565 : i32
      %convert_element_type3A_567 = arith.extui %eq3A_566 : i1 to i32
      %cond3A_568 = arith.constant 0 : i32
      %cond3A_569 = arith.cmpi ne, %convert_element_type3A_567, %cond3A_568 : i32
      scf.if %cond3A_569 {
        "tpu.region"() ({
          %run_scoped3A = tpu.sem_alloc : memref<!tpu.dma_semaphore, #tpu.memory_space<semaphore_mem>>
          %dma_start3A_575 = arith.constant 0 : i32
          %dma_start3A_576 = arith.constant 0 : i32
          %dma_start3A_577 = tpu.memref_slice %arg10[%dma_start3A_575, %dma_start3A_576] : memref<128x64xf32, #tpu.memory_space<vmem>> -> memref<16x64xf32, #tpu.memory_space<vmem>>
          %dma_start3A_578 = arith.constant 9984 : i32
          %dma_start3A_579 = arith.constant 0 : i32
          %dma_start3A_580 = tpu.memref_slice %arg2[%dma_start3A_578, %dma_start3A_579] : memref<10000x64xf32, #tpu.memory_space<hbm>> -> memref<16x64xf32, #tpu.memory_space<hbm>>
          %dma_start3A_581 = arith.constant 0 : i32
          %dma_start3A_582 = arith.constant 0 : i32
          %dma_start3A_583 = tpu.memref_slice %arg10[%dma_start3A_581, %dma_start3A_582] : memref<128x64xf32, #tpu.memory_space<vmem>> -> memref<16x64xf32, #tpu.memory_space<vmem>>
          %dma_start3A_584 = arith.constant 9984 : i32
          %dma_start3A_585 = arith.constant 0 : i32
          %dma_start3A_586 = tpu.memref_slice %arg2[%dma_start3A_584, %dma_start3A_585] : memref<10000x64xf32, #tpu.memory_space<hbm>> -> memref<16x64xf32, #tpu.memory_space<hbm>>
          tpu.enqueue_dma source(%dma_start3A_586 : memref<16x64xf32, #tpu.memory_space<hbm>>) target(%dma_start3A_583 : memref<16x64xf32, #tpu.memory_space<vmem>>) target_semaphore(%run_scoped3A : memref<!tpu.dma_semaphore, #tpu.memory_space<semaphore_mem>>)
          %dma_wait3A = arith.constant 0 : i32
          %dma_wait3A_587 = arith.constant 0 : i32
          %dma_wait3A_588 = tpu.memref_slice %arg10[%dma_wait3A, %dma_wait3A_587] : memref<128x64xf32, #tpu.memory_space<vmem>> -> memref<16x64xf32, #tpu.memory_space<vmem>>
          %dma_wait3A_589 = arith.constant 9984 : i32
          %dma_wait3A_590 = arith.constant 0 : i32
          %dma_wait3A_591 = tpu.memref_slice %arg2[%dma_wait3A_589, %dma_wait3A_590] : memref<10000x64xf32, #tpu.memory_space<hbm>> -> memref<16x64xf32, #tpu.memory_space<hbm>>
          %dma_wait3A_592 = arith.constant 0 : i32
          %dma_wait3A_593 = arith.constant 0 : i32
          %dma_wait3A_594 = tpu.memref_slice %arg10[%dma_wait3A_592, %dma_wait3A_593] : memref<128x64xf32, #tpu.memory_space<vmem>> -> memref<16x64xf32, #tpu.memory_space<vmem>>
          %dma_wait3A_595 = arith.constant 9984 : i32
          %dma_wait3A_596 = arith.constant 0 : i32
          %dma_wait3A_597 = tpu.memref_slice %arg2[%dma_wait3A_595, %dma_wait3A_596] : memref<10000x64xf32, #tpu.memory_space<hbm>> -> memref<16x64xf32, #tpu.memory_space<hbm>>
          tpu.wait_dma2 semaphore(%run_scoped3A : memref<!tpu.dma_semaphore, #tpu.memory_space<semaphore_mem>>) src(%dma_wait3A_597 : memref<16x64xf32, #tpu.memory_space<hbm>>) dst(%dma_wait3A_594 : memref<16x64xf32, #tpu.memory_space<vmem>>)
          tpu.yield
        }) : () -> ()
      } else {
      }
      %eq3A_570 = arith.constant 1 : i32
      %eq3A_571 = arith.cmpi eq, %arg0, %eq3A_570 : i32
      %convert_element_type3A_572 = arith.extui %eq3A_571 : i1 to i32
      %cond3A_573 = arith.constant 0 : i32
      %cond3A_574 = arith.cmpi ne, %convert_element_type3A_572, %cond3A_573 : i32
      scf.if %cond3A_574 {
        "tpu.region"() ({
          %run_scoped3A = tpu.sem_alloc : memref<!tpu.dma_semaphore, #tpu.memory_space<semaphore_mem>>
          %dma_start3A_575 = arith.constant 0 : i32
          %dma_start3A_576 = arith.constant 0 : i32
          %dma_start3A_577 = tpu.memref_slice %arg10[%dma_start3A_575, %dma_start3A_576] : memref<128x64xf32, #tpu.memory_space<vmem>> -> memref<16x64xf32, #tpu.memory_space<vmem>>
          %dma_start3A_578 = arith.constant 9984 : i32
          %dma_start3A_579 = arith.constant 0 : i32
          %dma_start3A_580 = tpu.memref_slice %arg3[%dma_start3A_578, %dma_start3A_579] : memref<10000x64xf32, #tpu.memory_space<hbm>> -> memref<16x64xf32, #tpu.memory_space<hbm>>
          %dma_start3A_581 = arith.constant 0 : i32
          %dma_start3A_582 = arith.constant 0 : i32
          %dma_start3A_583 = tpu.memref_slice %arg10[%dma_start3A_581, %dma_start3A_582] : memref<128x64xf32, #tpu.memory_space<vmem>> -> memref<16x64xf32, #tpu.memory_space<vmem>>
          %dma_start3A_584 = arith.constant 9984 : i32
          %dma_start3A_585 = arith.constant 0 : i32
          %dma_start3A_586 = tpu.memref_slice %arg3[%dma_start3A_584, %dma_start3A_585] : memref<10000x64xf32, #tpu.memory_space<hbm>> -> memref<16x64xf32, #tpu.memory_space<hbm>>
          tpu.enqueue_dma source(%dma_start3A_586 : memref<16x64xf32, #tpu.memory_space<hbm>>) target(%dma_start3A_583 : memref<16x64xf32, #tpu.memory_space<vmem>>) target_semaphore(%run_scoped3A : memref<!tpu.dma_semaphore, #tpu.memory_space<semaphore_mem>>)
          %dma_wait3A = arith.constant 0 : i32
          %dma_wait3A_587 = arith.constant 0 : i32
          %dma_wait3A_588 = tpu.memref_slice %arg10[%dma_wait3A, %dma_wait3A_587] : memref<128x64xf32, #tpu.memory_space<vmem>> -> memref<16x64xf32, #tpu.memory_space<vmem>>
          %dma_wait3A_589 = arith.constant 9984 : i32
          %dma_wait3A_590 = arith.constant 0 : i32
          %dma_wait3A_591 = tpu.memref_slice %arg3[%dma_wait3A_589, %dma_wait3A_590] : memref<10000x64xf32, #tpu.memory_space<hbm>> -> memref<16x64xf32, #tpu.memory_space<hbm>>
          %dma_wait3A_592 = arith.constant 0 : i32
          %dma_wait3A_593 = arith.constant 0 : i32
          %dma_wait3A_594 = tpu.memref_slice %arg10[%dma_wait3A_592, %dma_wait3A_593] : memref<128x64xf32, #tpu.memory_space<vmem>> -> memref<16x64xf32, #tpu.memory_space<vmem>>
          %dma_wait3A_595 = arith.constant 9984 : i32
          %dma_wait3A_596 = arith.constant 0 : i32
          %dma_wait3A_597 = tpu.memref_slice %arg3[%dma_wait3A_595, %dma_wait3A_596] : memref<10000x64xf32, #tpu.memory_space<hbm>> -> memref<16x64xf32, #tpu.memory_space<hbm>>
          tpu.wait_dma2 semaphore(%run_scoped3A : memref<!tpu.dma_semaphore, #tpu.memory_space<semaphore_mem>>) src(%dma_wait3A_597 : memref<16x64xf32, #tpu.memory_space<hbm>>) dst(%dma_wait3A_594 : memref<16x64xf32, #tpu.memory_space<vmem>>)
          tpu.yield
        }) : () -> ()
      } else {
      }
      "tpu.region"() ({
        %run_scoped3A = tpu.sem_alloc : memref<!tpu.dma_semaphore, #tpu.memory_space<semaphore_mem>>
        %dma_start3A_575 = arith.constant 0 : i32
        %dma_start3A_576 = arith.constant 0 : i32
        %dma_start3A_577 = tpu.memref_slice %arg10[%dma_start3A_575, %dma_start3A_576] : memref<128x64xf32, #tpu.memory_space<vmem>> -> memref<16x64xf32, #tpu.memory_space<vmem>>
        %dma_start3A_578 = arith.constant 9984 : i32
        %dma_start3A_579 = arith.constant 0 : i32
        %dma_start3A_580 = tpu.memref_slice %arg12[%dma_start3A_578, %dma_start3A_579] : memref<10000x64xf32, #tpu.memory_space<vmem_shared>> -> memref<16x64xf32, #tpu.memory_space<vmem_shared>>
        %dma_start3A_581 = arith.constant 9984 : i32
        %dma_start3A_582 = arith.constant 0 : i32
        %dma_start3A_583 = tpu.memref_slice %arg12[%dma_start3A_581, %dma_start3A_582] : memref<10000x64xf32, #tpu.memory_space<vmem_shared>> -> memref<16x64xf32, #tpu.memory_space<vmem_shared>>
        %dma_start3A_584 = arith.constant 0 : i32
        %dma_start3A_585 = arith.constant 0 : i32
        %dma_start3A_586 = tpu.memref_slice %arg10[%dma_start3A_584, %dma_start3A_585] : memref<128x64xf32, #tpu.memory_space<vmem>> -> memref<16x64xf32, #tpu.memory_space<vmem>>
        tpu.enqueue_dma source(%dma_start3A_586 : memref<16x64xf32, #tpu.memory_space<vmem>>) target(%dma_start3A_583 : memref<16x64xf32, #tpu.memory_space<vmem_shared>>) target_semaphore(%run_scoped3A : memref<!tpu.dma_semaphore, #tpu.memory_space<semaphore_mem>>)
        %dma_wait3A = arith.constant 0 : i32
        %dma_wait3A_587 = arith.constant 0 : i32
        %dma_wait3A_588 = tpu.memref_slice %arg10[%dma_wait3A, %dma_wait3A_587] : memref<128x64xf32, #tpu.memory_space<vmem>> -> memref<16x64xf32, #tpu.memory_space<vmem>>
        %dma_wait3A_589 = arith.constant 9984 : i32
        %dma_wait3A_590 = arith.constant 0 : i32
        %dma_wait3A_591 = tpu.memref_slice %arg12[%dma_wait3A_589, %dma_wait3A_590] : memref<10000x64xf32, #tpu.memory_space<vmem_shared>> -> memref<16x64xf32, #tpu.memory_space<vmem_shared>>
        %dma_wait3A_592 = arith.constant 9984 : i32
        %dma_wait3A_593 = arith.constant 0 : i32
        %dma_wait3A_594 = tpu.memref_slice %arg12[%dma_wait3A_592, %dma_wait3A_593] : memref<10000x64xf32, #tpu.memory_space<vmem_shared>> -> memref<16x64xf32, #tpu.memory_space<vmem_shared>>
        %dma_wait3A_595 = arith.constant 0 : i32
        %dma_wait3A_596 = arith.constant 0 : i32
        %dma_wait3A_597 = tpu.memref_slice %arg10[%dma_wait3A_595, %dma_wait3A_596] : memref<128x64xf32, #tpu.memory_space<vmem>> -> memref<16x64xf32, #tpu.memory_space<vmem>>
        tpu.wait_dma2 semaphore(%run_scoped3A : memref<!tpu.dma_semaphore, #tpu.memory_space<semaphore_mem>>) src(%dma_wait3A_597 : memref<16x64xf32, #tpu.memory_space<vmem>>) dst(%dma_wait3A_594 : memref<16x64xf32, #tpu.memory_space<vmem_shared>>)
        tpu.yield
      }) : () -> ()
    } else {
    }
    %add3A_7 = arith.constant 16 : i32
    %add3A_8 = arith.addi %arg1, %add3A_7 : i32
    %lt3A_9 = arith.constant 78 : i32
    %lt3A_10 = arith.cmpi slt, %add3A_8, %lt3A_9 : i32
    %convert_element_type3A_11 = arith.extui %lt3A_10 : i1 to i32
    %cond3A_12 = arith.constant 0 : i32
    %cond3A_13 = arith.cmpi ne, %convert_element_type3A_11, %cond3A_12 : i32
    scf.if %cond3A_13 {
      %mul3A_565 = arith.constant 128 : i32
      %mul3A_566 = arith.muli %add3A_8, %mul3A_565 : i32
      %eq3A_567 = arith.constant 0 : i32
      %eq3A_568 = arith.cmpi eq, %arg0, %eq3A_567 : i32
      %convert_element_type3A_569 = arith.extui %eq3A_568 : i1 to i32
      %cond3A_570 = arith.constant 0 : i32
      %cond3A_571 = arith.cmpi ne, %convert_element_type3A_569, %cond3A_570 : i32
      scf.if %cond3A_571 {
        "tpu.region"() ({
          %run_scoped3A = tpu.sem_alloc : memref<!tpu.dma_semaphore, #tpu.memory_space<semaphore_mem>>
          %dma_start3A_577 = arith.constant 0 : i32
          %dma_start3A_578 = tpu.memref_slice %arg2[%mul3A_566, %dma_start3A_577] : memref<10000x64xf32, #tpu.memory_space<hbm>> -> memref<128x64xf32, #tpu.memory_space<hbm>>
          %dma_start3A_579 = arith.constant 0 : i32
          %dma_start3A_580 = tpu.memref_slice %arg2[%mul3A_566, %dma_start3A_579] : memref<10000x64xf32, #tpu.memory_space<hbm>> -> memref<128x64xf32, #tpu.memory_space<hbm>>
          tpu.enqueue_dma source(%dma_start3A_580 : memref<128x64xf32, #tpu.memory_space<hbm>>) target(%arg10 : memref<128x64xf32, #tpu.memory_space<vmem>>) target_semaphore(%run_scoped3A : memref<!tpu.dma_semaphore, #tpu.memory_space<semaphore_mem>>)
          %dma_wait3A = arith.constant 0 : i32
          %dma_wait3A_581 = tpu.memref_slice %arg2[%mul3A_566, %dma_wait3A] : memref<10000x64xf32, #tpu.memory_space<hbm>> -> memref<128x64xf32, #tpu.memory_space<hbm>>
          %dma_wait3A_582 = arith.constant 0 : i32
          %dma_wait3A_583 = tpu.memref_slice %arg2[%mul3A_566, %dma_wait3A_582] : memref<10000x64xf32, #tpu.memory_space<hbm>> -> memref<128x64xf32, #tpu.memory_space<hbm>>
          tpu.wait_dma2 semaphore(%run_scoped3A : memref<!tpu.dma_semaphore, #tpu.memory_space<semaphore_mem>>) src(%dma_wait3A_583 : memref<128x64xf32, #tpu.memory_space<hbm>>) dst(%arg10 : memref<128x64xf32, #tpu.memory_space<vmem>>)
          tpu.yield
        }) : () -> ()
      } else {
      }
      %eq3A_572 = arith.constant 1 : i32
      %eq3A_573 = arith.cmpi eq, %arg0, %eq3A_572 : i32
      %convert_element_type3A_574 = arith.extui %eq3A_573 : i1 to i32
      %cond3A_575 = arith.constant 0 : i32
      %cond3A_576 = arith.cmpi ne, %convert_element_type3A_574, %cond3A_575 : i32
      scf.if %cond3A_576 {
        "tpu.region"() ({
          %run_scoped3A = tpu.sem_alloc : memref<!tpu.dma_semaphore, #tpu.memory_space<semaphore_mem>>
          %dma_start3A_577 = arith.constant 0 : i32
          %dma_start3A_578 = tpu.memref_slice %arg3[%mul3A_566, %dma_start3A_577] : memref<10000x64xf32, #tpu.memory_space<hbm>> -> memref<128x64xf32, #tpu.memory_space<hbm>>
          %dma_start3A_579 = arith.constant 0 : i32
          %dma_start3A_580 = tpu.memref_slice %arg3[%mul3A_566, %dma_start3A_579] : memref<10000x64xf32, #tpu.memory_space<hbm>> -> memref<128x64xf32, #tpu.memory_space<hbm>>
          tpu.enqueue_dma source(%dma_start3A_580 : memref<128x64xf32, #tpu.memory_space<hbm>>) target(%arg10 : memref<128x64xf32, #tpu.memory_space<vmem>>) target_semaphore(%run_scoped3A : memref<!tpu.dma_semaphore, #tpu.memory_space<semaphore_mem>>)
          %dma_wait3A = arith.constant 0 : i32
          %dma_wait3A_581 = tpu.memref_slice %arg3[%mul3A_566, %dma_wait3A] : memref<10000x64xf32, #tpu.memory_space<hbm>> -> memref<128x64xf32, #tpu.memory_space<hbm>>
          %dma_wait3A_582 = arith.constant 0 : i32
          %dma_wait3A_583 = tpu.memref_slice %arg3[%mul3A_566, %dma_wait3A_582] : memref<10000x64xf32, #tpu.memory_space<hbm>> -> memref<128x64xf32, #tpu.memory_space<hbm>>
          tpu.wait_dma2 semaphore(%run_scoped3A : memref<!tpu.dma_semaphore, #tpu.memory_space<semaphore_mem>>) src(%dma_wait3A_583 : memref<128x64xf32, #tpu.memory_space<hbm>>) dst(%arg10 : memref<128x64xf32, #tpu.memory_space<vmem>>)
          tpu.yield
        }) : () -> ()
      } else {
      }
      "tpu.region"() ({
        %run_scoped3A = tpu.sem_alloc : memref<!tpu.dma_semaphore, #tpu.memory_space<semaphore_mem>>
        %dma_start3A_577 = arith.constant 0 : i32
        %dma_start3A_578 = tpu.memref_slice %arg12[%mul3A_566, %dma_start3A_577] : memref<10000x64xf32, #tpu.memory_space<vmem_shared>> -> memref<128x64xf32, #tpu.memory_space<vmem_shared>>
        %dma_start3A_579 = arith.constant 0 : i32
        %dma_start3A_580 = tpu.memref_slice %arg12[%mul3A_566, %dma_start3A_579] : memref<10000x64xf32, #tpu.memory_space<vmem_shared>> -> memref<128x64xf32, #tpu.memory_space<vmem_shared>>
        tpu.enqueue_dma source(%arg10 : memref<128x64xf32, #tpu.memory_space<vmem>>) target(%dma_start3A_580 : memref<128x64xf32, #tpu.memory_space<vmem_shared>>) target_semaphore(%run_scoped3A : memref<!tpu.dma_semaphore, #tpu.memory_space<semaphore_mem>>)
        %dma_wait3A = arith.constant 0 : i32
        %dma_wait3A_581 = tpu.memref_slice %arg12[%mul3A_566, %dma_wait3A] : memref<10000x64xf32, #tpu.memory_space<vmem_shared>> -> memref<128x64xf32, #tpu.memory_space<vmem_shared>>
        %dma_wait3A_582 = arith.constant 0 : i32
        %dma_wait3A_583 = tpu.memref_slice %arg12[%mul3A_566, %dma_wait3A_582] : memref<10000x64xf32, #tpu.memory_space<vmem_shared>> -> memref<128x64xf32, #tpu.memory_space<vmem_shared>>
        tpu.wait_dma2 semaphore(%run_scoped3A : memref<!tpu.dma_semaphore, #tpu.memory_space<semaphore_mem>>) src(%arg10 : memref<128x64xf32, #tpu.memory_space<vmem>>) dst(%dma_wait3A_583 : memref<128x64xf32, #tpu.memory_space<vmem_shared>>)
        tpu.yield
      }) : () -> ()
    } else {
    }
    %eq3A_14 = arith.constant 78 : i32
    %eq3A_15 = arith.cmpi eq, %add3A_8, %eq3A_14 : i32
    %convert_element_type3A_16 = arith.extui %eq3A_15 : i1 to i32
    %cond3A_17 = arith.constant 0 : i32
    %cond3A_18 = arith.cmpi ne, %convert_element_type3A_16, %cond3A_17 : i32
    scf.if %cond3A_18 {
      %eq3A_565 = arith.constant 0 : i32
      %eq3A_566 = arith.cmpi eq, %arg0, %eq3A_565 : i32
      %convert_element_type3A_567 = arith.extui %eq3A_566 : i1 to i32
      %cond3A_568 = arith.constant 0 : i32
      %cond3A_569 = arith.cmpi ne, %convert_element_type3A_567, %cond3A_568 : i32
      scf.if %cond3A_569 {
        "tpu.region"() ({
          %run_scoped3A = tpu.sem_alloc : memref<!tpu.dma_semaphore, #tpu.memory_space<semaphore_mem>>
          %dma_start3A_575 = arith.constant 0 : i32
          %dma_start3A_576 = arith.constant 0 : i32
          %dma_start3A_577 = tpu.memref_slice %arg10[%dma_start3A_575, %dma_start3A_576] : memref<128x64xf32, #tpu.memory_space<vmem>> -> memref<16x64xf32, #tpu.memory_space<vmem>>
          %dma_start3A_578 = arith.constant 9984 : i32
          %dma_start3A_579 = arith.constant 0 : i32
          %dma_start3A_580 = tpu.memref_slice %arg2[%dma_start3A_578, %dma_start3A_579] : memref<10000x64xf32, #tpu.memory_space<hbm>> -> memref<16x64xf32, #tpu.memory_space<hbm>>
          %dma_start3A_581 = arith.constant 0 : i32
          %dma_start3A_582 = arith.constant 0 : i32
          %dma_start3A_583 = tpu.memref_slice %arg10[%dma_start3A_581, %dma_start3A_582] : memref<128x64xf32, #tpu.memory_space<vmem>> -> memref<16x64xf32, #tpu.memory_space<vmem>>
          %dma_start3A_584 = arith.constant 9984 : i32
          %dma_start3A_585 = arith.constant 0 : i32
          %dma_start3A_586 = tpu.memref_slice %arg2[%dma_start3A_584, %dma_start3A_585] : memref<10000x64xf32, #tpu.memory_space<hbm>> -> memref<16x64xf32, #tpu.memory_space<hbm>>
          tpu.enqueue_dma source(%dma_start3A_586 : memref<16x64xf32, #tpu.memory_space<hbm>>) target(%dma_start3A_583 : memref<16x64xf32, #tpu.memory_space<vmem>>) target_semaphore(%run_scoped3A : memref<!tpu.dma_semaphore, #tpu.memory_space<semaphore_mem>>)
          %dma_wait3A = arith.constant 0 : i32
          %dma_wait3A_587 = arith.constant 0 : i32
          %dma_wait3A_588 = tpu.memref_slice %arg10[%dma_wait3A, %dma_wait3A_587] : memref<128x64xf32, #tpu.memory_space<vmem>> -> memref<16x64xf32, #tpu.memory_space<vmem>>
          %dma_wait3A_589 = arith.constant 9984 : i32
          %dma_wait3A_590 = arith.constant 0 : i32
          %dma_wait3A_591 = tpu.memref_slice %arg2[%dma_wait3A_589, %dma_wait3A_590] : memref<10000x64xf32, #tpu.memory_space<hbm>> -> memref<16x64xf32, #tpu.memory_space<hbm>>
          %dma_wait3A_592 = arith.constant 0 : i32
          %dma_wait3A_593 = arith.constant 0 : i32
          %dma_wait3A_594 = tpu.memref_slice %arg10[%dma_wait3A_592, %dma_wait3A_593] : memref<128x64xf32, #tpu.memory_space<vmem>> -> memref<16x64xf32, #tpu.memory_space<vmem>>
          %dma_wait3A_595 = arith.constant 9984 : i32
          %dma_wait3A_596 = arith.constant 0 : i32
          %dma_wait3A_597 = tpu.memref_slice %arg2[%dma_wait3A_595, %dma_wait3A_596] : memref<10000x64xf32, #tpu.memory_space<hbm>> -> memref<16x64xf32, #tpu.memory_space<hbm>>
          tpu.wait_dma2 semaphore(%run_scoped3A : memref<!tpu.dma_semaphore, #tpu.memory_space<semaphore_mem>>) src(%dma_wait3A_597 : memref<16x64xf32, #tpu.memory_space<hbm>>) dst(%dma_wait3A_594 : memref<16x64xf32, #tpu.memory_space<vmem>>)
          tpu.yield
        }) : () -> ()
      } else {
      }
      %eq3A_570 = arith.constant 1 : i32
      %eq3A_571 = arith.cmpi eq, %arg0, %eq3A_570 : i32
      %convert_element_type3A_572 = arith.extui %eq3A_571 : i1 to i32
      %cond3A_573 = arith.constant 0 : i32
      %cond3A_574 = arith.cmpi ne, %convert_element_type3A_572, %cond3A_573 : i32
      scf.if %cond3A_574 {
        "tpu.region"() ({
          %run_scoped3A = tpu.sem_alloc : memref<!tpu.dma_semaphore, #tpu.memory_space<semaphore_mem>>
          %dma_start3A_575 = arith.constant 0 : i32
          %dma_start3A_576 = arith.constant 0 : i32
          %dma_start3A_577 = tpu.memref_slice %arg10[%dma_start3A_575, %dma_start3A_576] : memref<128x64xf32, #tpu.memory_space<vmem>> -> memref<16x64xf32, #tpu.memory_space<vmem>>
          %dma_start3A_578 = arith.constant 9984 : i32
          %dma_start3A_579 = arith.constant 0 : i32
          %dma_start3A_580 = tpu.memref_slice %arg3[%dma_start3A_578, %dma_start3A_579] : memref<10000x64xf32, #tpu.memory_space<hbm>> -> memref<16x64xf32, #tpu.memory_space<hbm>>
          %dma_start3A_581 = arith.constant 0 : i32
          %dma_start3A_582 = arith.constant 0 : i32
          %dma_start3A_583 = tpu.memref_slice %arg10[%dma_start3A_581, %dma_start3A_582] : memref<128x64xf32, #tpu.memory_space<vmem>> -> memref<16x64xf32, #tpu.memory_space<vmem>>
          %dma_start3A_584 = arith.constant 9984 : i32
          %dma_start3A_585 = arith.constant 0 : i32
          %dma_start3A_586 = tpu.memref_slice %arg3[%dma_start3A_584, %dma_start3A_585] : memref<10000x64xf32, #tpu.memory_space<hbm>> -> memref<16x64xf32, #tpu.memory_space<hbm>>
          tpu.enqueue_dma source(%dma_start3A_586 : memref<16x64xf32, #tpu.memory_space<hbm>>) target(%dma_start3A_583 : memref<16x64xf32, #tpu.memory_space<vmem>>) target_semaphore(%run_scoped3A : memref<!tpu.dma_semaphore, #tpu.memory_space<semaphore_mem>>)
          %dma_wait3A = arith.constant 0 : i32
          %dma_wait3A_587 = arith.constant 0 : i32
          %dma_wait3A_588 = tpu.memref_slice %arg10[%dma_wait3A, %dma_wait3A_587] : memref<128x64xf32, #tpu.memory_space<vmem>> -> memref<16x64xf32, #tpu.memory_space<vmem>>
          %dma_wait3A_589 = arith.constant 9984 : i32
          %dma_wait3A_590 = arith.constant 0 : i32
          %dma_wait3A_591 = tpu.memref_slice %arg3[%dma_wait3A_589, %dma_wait3A_590] : memref<10000x64xf32, #tpu.memory_space<hbm>> -> memref<16x64xf32, #tpu.memory_space<hbm>>
          %dma_wait3A_592 = arith.constant 0 : i32
          %dma_wait3A_593 = arith.constant 0 : i32
          %dma_wait3A_594 = tpu.memref_slice %arg10[%dma_wait3A_592, %dma_wait3A_593] : memref<128x64xf32, #tpu.memory_space<vmem>> -> memref<16x64xf32, #tpu.memory_space<vmem>>
          %dma_wait3A_595 = arith.constant 9984 : i32
          %dma_wait3A_596 = arith.constant 0 : i32
          %dma_wait3A_597 = tpu.memref_slice %arg3[%dma_wait3A_595, %dma_wait3A_596] : memref<10000x64xf32, #tpu.memory_space<hbm>> -> memref<16x64xf32, #tpu.memory_space<hbm>>
          tpu.wait_dma2 semaphore(%run_scoped3A : memref<!tpu.dma_semaphore, #tpu.memory_space<semaphore_mem>>) src(%dma_wait3A_597 : memref<16x64xf32, #tpu.memory_space<hbm>>) dst(%dma_wait3A_594 : memref<16x64xf32, #tpu.memory_space<vmem>>)
          tpu.yield
        }) : () -> ()
      } else {
      }
      "tpu.region"() ({
        %run_scoped3A = tpu.sem_alloc : memref<!tpu.dma_semaphore, #tpu.memory_space<semaphore_mem>>
        %dma_start3A_575 = arith.constant 0 : i32
        %dma_start3A_576 = arith.constant 0 : i32
        %dma_start3A_577 = tpu.memref_slice %arg10[%dma_start3A_575, %dma_start3A_576] : memref<128x64xf32, #tpu.memory_space<vmem>> -> memref<16x64xf32, #tpu.memory_space<vmem>>
        %dma_start3A_578 = arith.constant 9984 : i32
        %dma_start3A_579 = arith.constant 0 : i32
        %dma_start3A_580 = tpu.memref_slice %arg12[%dma_start3A_578, %dma_start3A_579] : memref<10000x64xf32, #tpu.memory_space<vmem_shared>> -> memref<16x64xf32, #tpu.memory_space<vmem_shared>>
        %dma_start3A_581 = arith.constant 9984 : i32
        %dma_start3A_582 = arith.constant 0 : i32
        %dma_start3A_583 = tpu.memref_slice %arg12[%dma_start3A_581, %dma_start3A_582] : memref<10000x64xf32, #tpu.memory_space<vmem_shared>> -> memref<16x64xf32, #tpu.memory_space<vmem_shared>>
        %dma_start3A_584 = arith.constant 0 : i32
        %dma_start3A_585 = arith.constant 0 : i32
        %dma_start3A_586 = tpu.memref_slice %arg10[%dma_start3A_584, %dma_start3A_585] : memref<128x64xf32, #tpu.memory_space<vmem>> -> memref<16x64xf32, #tpu.memory_space<vmem>>
        tpu.enqueue_dma source(%dma_start3A_586 : memref<16x64xf32, #tpu.memory_space<vmem>>) target(%dma_start3A_583 : memref<16x64xf32, #tpu.memory_space<vmem_shared>>) target_semaphore(%run_scoped3A : memref<!tpu.dma_semaphore, #tpu.memory_space<semaphore_mem>>)
        %dma_wait3A = arith.constant 0 : i32
        %dma_wait3A_587 = arith.constant 0 : i32
        %dma_wait3A_588 = tpu.memref_slice %arg10[%dma_wait3A, %dma_wait3A_587] : memref<128x64xf32, #tpu.memory_space<vmem>> -> memref<16x64xf32, #tpu.memory_space<vmem>>
        %dma_wait3A_589 = arith.constant 9984 : i32
        %dma_wait3A_590 = arith.constant 0 : i32
        %dma_wait3A_591 = tpu.memref_slice %arg12[%dma_wait3A_589, %dma_wait3A_590] : memref<10000x64xf32, #tpu.memory_space<vmem_shared>> -> memref<16x64xf32, #tpu.memory_space<vmem_shared>>
        %dma_wait3A_592 = arith.constant 9984 : i32
        %dma_wait3A_593 = arith.constant 0 : i32
        %dma_wait3A_594 = tpu.memref_slice %arg12[%dma_wait3A_592, %dma_wait3A_593] : memref<10000x64xf32, #tpu.memory_space<vmem_shared>> -> memref<16x64xf32, #tpu.memory_space<vmem_shared>>
        %dma_wait3A_595 = arith.constant 0 : i32
        %dma_wait3A_596 = arith.constant 0 : i32
        %dma_wait3A_597 = tpu.memref_slice %arg10[%dma_wait3A_595, %dma_wait3A_596] : memref<128x64xf32, #tpu.memory_space<vmem>> -> memref<16x64xf32, #tpu.memory_space<vmem>>
        tpu.wait_dma2 semaphore(%run_scoped3A : memref<!tpu.dma_semaphore, #tpu.memory_space<semaphore_mem>>) src(%dma_wait3A_597 : memref<16x64xf32, #tpu.memory_space<vmem>>) dst(%dma_wait3A_594 : memref<16x64xf32, #tpu.memory_space<vmem_shared>>)
        tpu.yield
      }) : () -> ()
    } else {
    }
    %add3A_19 = arith.constant 32 : i32
    %add3A_20 = arith.addi %arg1, %add3A_19 : i32
    %lt3A_21 = arith.constant 78 : i32
    %lt3A_22 = arith.cmpi slt, %add3A_20, %lt3A_21 : i32
    %convert_element_type3A_23 = arith.extui %lt3A_22 : i1 to i32
    %cond3A_24 = arith.constant 0 : i32
    %cond3A_25 = arith.cmpi ne, %convert_element_type3A_23, %cond3A_24 : i32
    scf.if %cond3A_25 {
      %mul3A_565 = arith.constant 128 : i32
      %mul3A_566 = arith.muli %add3A_20, %mul3A_565 : i32
      %eq3A_567 = arith.constant 0 : i32
      %eq3A_568 = arith.cmpi eq, %arg0, %eq3A_567 : i32
      %convert_element_type3A_569 = arith.extui %eq3A_568 : i1 to i32
      %cond3A_570 = arith.constant 0 : i32
      %cond3A_571 = arith.cmpi ne, %convert_element_type3A_569, %cond3A_570 : i32
      scf.if %cond3A_571 {
        "tpu.region"() ({
          %run_scoped3A = tpu.sem_alloc : memref<!tpu.dma_semaphore, #tpu.memory_space<semaphore_mem>>
          %dma_start3A_577 = arith.constant 0 : i32
          %dma_start3A_578 = tpu.memref_slice %arg2[%mul3A_566, %dma_start3A_577] : memref<10000x64xf32, #tpu.memory_space<hbm>> -> memref<128x64xf32, #tpu.memory_space<hbm>>
          %dma_start3A_579 = arith.constant 0 : i32
          %dma_start3A_580 = tpu.memref_slice %arg2[%mul3A_566, %dma_start3A_579] : memref<10000x64xf32, #tpu.memory_space<hbm>> -> memref<128x64xf32, #tpu.memory_space<hbm>>
          tpu.enqueue_dma source(%dma_start3A_580 : memref<128x64xf32, #tpu.memory_space<hbm>>) target(%arg10 : memref<128x64xf32, #tpu.memory_space<vmem>>) target_semaphore(%run_scoped3A : memref<!tpu.dma_semaphore, #tpu.memory_space<semaphore_mem>>)
          %dma_wait3A = arith.constant 0 : i32
          %dma_wait3A_581 = tpu.memref_slice %arg2[%mul3A_566, %dma_wait3A] : memref<10000x64xf32, #tpu.memory_space<hbm>> -> memref<128x64xf32, #tpu.memory_space<hbm>>
          %dma_wait3A_582 = arith.constant 0 : i32
          %dma_wait3A_583 = tpu.memref_slice %arg2[%mul3A_566, %dma_wait3A_582] : memref<10000x64xf32, #tpu.memory_space<hbm>> -> memref<128x64xf32, #tpu.memory_space<hbm>>
          tpu.wait_dma2 semaphore(%run_scoped3A : memref<!tpu.dma_semaphore, #tpu.memory_space<semaphore_mem>>) src(%dma_wait3A_583 : memref<128x64xf32, #tpu.memory_space<hbm>>) dst(%arg10 : memref<128x64xf32, #tpu.memory_space<vmem>>)
          tpu.yield
        }) : () -> ()
      } else {
      }
      %eq3A_572 = arith.constant 1 : i32
      %eq3A_573 = arith.cmpi eq, %arg0, %eq3A_572 : i32
      %convert_element_type3A_574 = arith.extui %eq3A_573 : i1 to i32
      %cond3A_575 = arith.constant 0 : i32
      %cond3A_576 = arith.cmpi ne, %convert_element_type3A_574, %cond3A_575 : i32
      scf.if %cond3A_576 {
        "tpu.region"() ({
          %run_scoped3A = tpu.sem_alloc : memref<!tpu.dma_semaphore, #tpu.memory_space<semaphore_mem>>
          %dma_start3A_577 = arith.constant 0 : i32
          %dma_start3A_578 = tpu.memref_slice %arg3[%mul3A_566, %dma_start3A_577] : memref<10000x64xf32, #tpu.memory_space<hbm>> -> memref<128x64xf32, #tpu.memory_space<hbm>>
          %dma_start3A_579 = arith.constant 0 : i32
          %dma_start3A_580 = tpu.memref_slice %arg3[%mul3A_566, %dma_start3A_579] : memref<10000x64xf32, #tpu.memory_space<hbm>> -> memref<128x64xf32, #tpu.memory_space<hbm>>
          tpu.enqueue_dma source(%dma_start3A_580 : memref<128x64xf32, #tpu.memory_space<hbm>>) target(%arg10 : memref<128x64xf32, #tpu.memory_space<vmem>>) target_semaphore(%run_scoped3A : memref<!tpu.dma_semaphore, #tpu.memory_space<semaphore_mem>>)
          %dma_wait3A = arith.constant 0 : i32
          %dma_wait3A_581 = tpu.memref_slice %arg3[%mul3A_566, %dma_wait3A] : memref<10000x64xf32, #tpu.memory_space<hbm>> -> memref<128x64xf32, #tpu.memory_space<hbm>>
          %dma_wait3A_582 = arith.constant 0 : i32
          %dma_wait3A_583 = tpu.memref_slice %arg3[%mul3A_566, %dma_wait3A_582] : memref<10000x64xf32, #tpu.memory_space<hbm>> -> memref<128x64xf32, #tpu.memory_space<hbm>>
          tpu.wait_dma2 semaphore(%run_scoped3A : memref<!tpu.dma_semaphore, #tpu.memory_space<semaphore_mem>>) src(%dma_wait3A_583 : memref<128x64xf32, #tpu.memory_space<hbm>>) dst(%arg10 : memref<128x64xf32, #tpu.memory_space<vmem>>)
          tpu.yield
        }) : () -> ()
      } else {
      }
      "tpu.region"() ({
        %run_scoped3A = tpu.sem_alloc : memref<!tpu.dma_semaphore, #tpu.memory_space<semaphore_mem>>
        %dma_start3A_577 = arith.constant 0 : i32
        %dma_start3A_578 = tpu.memref_slice %arg12[%mul3A_566, %dma_start3A_577] : memref<10000x64xf32, #tpu.memory_space<vmem_shared>> -> memref<128x64xf32, #tpu.memory_space<vmem_shared>>
        %dma_start3A_579 = arith.constant 0 : i32
        %dma_start3A_580 = tpu.memref_slice %arg12[%mul3A_566, %dma_start3A_579] : memref<10000x64xf32, #tpu.memory_space<vmem_shared>> -> memref<128x64xf32, #tpu.memory_space<vmem_shared>>
        tpu.enqueue_dma source(%arg10 : memref<128x64xf32, #tpu.memory_space<vmem>>) target(%dma_start3A_580 : memref<128x64xf32, #tpu.memory_space<vmem_shared>>) target_semaphore(%run_scoped3A : memref<!tpu.dma_semaphore, #tpu.memory_space<semaphore_mem>>)
        %dma_wait3A = arith.constant 0 : i32
        %dma_wait3A_581 = tpu.memref_slice %arg12[%mul3A_566, %dma_wait3A] : memref<10000x64xf32, #tpu.memory_space<vmem_shared>> -> memref<128x64xf32, #tpu.memory_space<vmem_shared>>
        %dma_wait3A_582 = arith.constant 0 : i32
        %dma_wait3A_583 = tpu.memref_slice %arg12[%mul3A_566, %dma_wait3A_582] : memref<10000x64xf32, #tpu.memory_space<vmem_shared>> -> memref<128x64xf32, #tpu.memory_space<vmem_shared>>
        tpu.wait_dma2 semaphore(%run_scoped3A : memref<!tpu.dma_semaphore, #tpu.memory_space<semaphore_mem>>) src(%arg10 : memref<128x64xf32, #tpu.memory_space<vmem>>) dst(%dma_wait3A_583 : memref<128x64xf32, #tpu.memory_space<vmem_shared>>)
        tpu.yield
      }) : () -> ()
    } else {
    }
    %eq3A_26 = arith.constant 78 : i32
    %eq3A_27 = arith.cmpi eq, %add3A_20, %eq3A_26 : i32
    %convert_element_type3A_28 = arith.extui %eq3A_27 : i1 to i32
    %cond3A_29 = arith.constant 0 : i32
    %cond3A_30 = arith.cmpi ne, %convert_element_type3A_28, %cond3A_29 : i32
    scf.if %cond3A_30 {
      %eq3A_565 = arith.constant 0 : i32
      %eq3A_566 = arith.cmpi eq, %arg0, %eq3A_565 : i32
      %convert_element_type3A_567 = arith.extui %eq3A_566 : i1 to i32
      %cond3A_568 = arith.constant 0 : i32
      %cond3A_569 = arith.cmpi ne, %convert_element_type3A_567, %cond3A_568 : i32
      scf.if %cond3A_569 {
        "tpu.region"() ({
          %run_scoped3A = tpu.sem_alloc : memref<!tpu.dma_semaphore, #tpu.memory_space<semaphore_mem>>
          %dma_start3A_575 = arith.constant 0 : i32
          %dma_start3A_576 = arith.constant 0 : i32
          %dma_start3A_577 = tpu.memref_slice %arg10[%dma_start3A_575, %dma_start3A_576] : memref<128x64xf32, #tpu.memory_space<vmem>> -> memref<16x64xf32, #tpu.memory_space<vmem>>
          %dma_start3A_578 = arith.constant 9984 : i32
          %dma_start3A_579 = arith.constant 0 : i32
          %dma_start3A_580 = tpu.memref_slice %arg2[%dma_start3A_578, %dma_start3A_579] : memref<10000x64xf32, #tpu.memory_space<hbm>> -> memref<16x64xf32, #tpu.memory_space<hbm>>
          %dma_start3A_581 = arith.constant 0 : i32
          %dma_start3A_582 = arith.constant 0 : i32
          %dma_start3A_583 = tpu.memref_slice %arg10[%dma_start3A_581, %dma_start3A_582] : memref<128x64xf32, #tpu.memory_space<vmem>> -> memref<16x64xf32, #tpu.memory_space<vmem>>
          %dma_start3A_584 = arith.constant 9984 : i32
          %dma_start3A_585 = arith.constant 0 : i32
          %dma_start3A_586 = tpu.memref_slice %arg2[%dma_start3A_584, %dma_start3A_585] : memref<10000x64xf32, #tpu.memory_space<hbm>> -> memref<16x64xf32, #tpu.memory_space<hbm>>
          tpu.enqueue_dma source(%dma_start3A_586 : memref<16x64xf32, #tpu.memory_space<hbm>>) target(%dma_start3A_583 : memref<16x64xf32, #tpu.memory_space<vmem>>) target_semaphore(%run_scoped3A : memref<!tpu.dma_semaphore, #tpu.memory_space<semaphore_mem>>)
          %dma_wait3A = arith.constant 0 : i32
          %dma_wait3A_587 = arith.constant 0 : i32
          %dma_wait3A_588 = tpu.memref_slice %arg10[%dma_wait3A, %dma_wait3A_587] : memref<128x64xf32, #tpu.memory_space<vmem>> -> memref<16x64xf32, #tpu.memory_space<vmem>>
          %dma_wait3A_589 = arith.constant 9984 : i32
          %dma_wait3A_590 = arith.constant 0 : i32
          %dma_wait3A_591 = tpu.memref_slice %arg2[%dma_wait3A_589, %dma_wait3A_590] : memref<10000x64xf32, #tpu.memory_space<hbm>> -> memref<16x64xf32, #tpu.memory_space<hbm>>
          %dma_wait3A_592 = arith.constant 0 : i32
          %dma_wait3A_593 = arith.constant 0 : i32
          %dma_wait3A_594 = tpu.memref_slice %arg10[%dma_wait3A_592, %dma_wait3A_593] : memref<128x64xf32, #tpu.memory_space<vmem>> -> memref<16x64xf32, #tpu.memory_space<vmem>>
          %dma_wait3A_595 = arith.constant 9984 : i32
          %dma_wait3A_596 = arith.constant 0 : i32
          %dma_wait3A_597 = tpu.memref_slice %arg2[%dma_wait3A_595, %dma_wait3A_596] : memref<10000x64xf32, #tpu.memory_space<hbm>> -> memref<16x64xf32, #tpu.memory_space<hbm>>
          tpu.wait_dma2 semaphore(%run_scoped3A : memref<!tpu.dma_semaphore, #tpu.memory_space<semaphore_mem>>) src(%dma_wait3A_597 : memref<16x64xf32, #tpu.memory_space<hbm>>) dst(%dma_wait3A_594 : memref<16x64xf32, #tpu.memory_space<vmem>>)
          tpu.yield
        }) : () -> ()
      } else {
      }
      %eq3A_570 = arith.constant 1 : i32
      %eq3A_571 = arith.cmpi eq, %arg0, %eq3A_570 : i32
      %convert_element_type3A_572 = arith.extui %eq3A_571 : i1 to i32
      %cond3A_573 = arith.constant 0 : i32
      %cond3A_574 = arith.cmpi ne, %convert_element_type3A_572, %cond3A_573 : i32
      scf.if %cond3A_574 {
        "tpu.region"() ({
          %run_scoped3A = tpu.sem_alloc : memref<!tpu.dma_semaphore, #tpu.memory_space<semaphore_mem>>
          %dma_start3A_575 = arith.constant 0 : i32
          %dma_start3A_576 = arith.constant 0 : i32
          %dma_start3A_577 = tpu.memref_slice %arg10[%dma_start3A_575, %dma_start3A_576] : memref<128x64xf32, #tpu.memory_space<vmem>> -> memref<16x64xf32, #tpu.memory_space<vmem>>
          %dma_start3A_578 = arith.constant 9984 : i32
          %dma_start3A_579 = arith.constant 0 : i32
          %dma_start3A_580 = tpu.memref_slice %arg3[%dma_start3A_578, %dma_start3A_579] : memref<10000x64xf32, #tpu.memory_space<hbm>> -> memref<16x64xf32, #tpu.memory_space<hbm>>
          %dma_start3A_581 = arith.constant 0 : i32
          %dma_start3A_582 = arith.constant 0 : i32
          %dma_start3A_583 = tpu.memref_slice %arg10[%dma_start3A_581, %dma_start3A_582] : memref<128x64xf32, #tpu.memory_space<vmem>> -> memref<16x64xf32, #tpu.memory_space<vmem>>
          %dma_start3A_584 = arith.constant 9984 : i32
          %dma_start3A_585 = arith.constant 0 : i32
          %dma_start3A_586 = tpu.memref_slice %arg3[%dma_start3A_584, %dma_start3A_585] : memref<10000x64xf32, #tpu.memory_space<hbm>> -> memref<16x64xf32, #tpu.memory_space<hbm>>
          tpu.enqueue_dma source(%dma_start3A_586 : memref<16x64xf32, #tpu.memory_space<hbm>>) target(%dma_start3A_583 : memref<16x64xf32, #tpu.memory_space<vmem>>) target_semaphore(%run_scoped3A : memref<!tpu.dma_semaphore, #tpu.memory_space<semaphore_mem>>)
          %dma_wait3A = arith.constant 0 : i32
          %dma_wait3A_587 = arith.constant 0 : i32
          %dma_wait3A_588 = tpu.memref_slice %arg10[%dma_wait3A, %dma_wait3A_587] : memref<128x64xf32, #tpu.memory_space<vmem>> -> memref<16x64xf32, #tpu.memory_space<vmem>>
          %dma_wait3A_589 = arith.constant 9984 : i32
          %dma_wait3A_590 = arith.constant 0 : i32
          %dma_wait3A_591 = tpu.memref_slice %arg3[%dma_wait3A_589, %dma_wait3A_590] : memref<10000x64xf32, #tpu.memory_space<hbm>> -> memref<16x64xf32, #tpu.memory_space<hbm>>
          %dma_wait3A_592 = arith.constant 0 : i32
          %dma_wait3A_593 = arith.constant 0 : i32
          %dma_wait3A_594 = tpu.memref_slice %arg10[%dma_wait3A_592, %dma_wait3A_593] : memref<128x64xf32, #tpu.memory_space<vmem>> -> memref<16x64xf32, #tpu.memory_space<vmem>>
          %dma_wait3A_595 = arith.constant 9984 : i32
          %dma_wait3A_596 = arith.constant 0 : i32
          %dma_wait3A_597 = tpu.memref_slice %arg3[%dma_wait3A_595, %dma_wait3A_596] : memref<10000x64xf32, #tpu.memory_space<hbm>> -> memref<16x64xf32, #tpu.memory_space<hbm>>
          tpu.wait_dma2 semaphore(%run_scoped3A : memref<!tpu.dma_semaphore, #tpu.memory_space<semaphore_mem>>) src(%dma_wait3A_597 : memref<16x64xf32, #tpu.memory_space<hbm>>) dst(%dma_wait3A_594 : memref<16x64xf32, #tpu.memory_space<vmem>>)
          tpu.yield
        }) : () -> ()
      } else {
      }
      "tpu.region"() ({
        %run_scoped3A = tpu.sem_alloc : memref<!tpu.dma_semaphore, #tpu.memory_space<semaphore_mem>>
        %dma_start3A_575 = arith.constant 0 : i32
        %dma_start3A_576 = arith.constant 0 : i32
        %dma_start3A_577 = tpu.memref_slice %arg10[%dma_start3A_575, %dma_start3A_576] : memref<128x64xf32, #tpu.memory_space<vmem>> -> memref<16x64xf32, #tpu.memory_space<vmem>>
        %dma_start3A_578 = arith.constant 9984 : i32
        %dma_start3A_579 = arith.constant 0 : i32
        %dma_start3A_580 = tpu.memref_slice %arg12[%dma_start3A_578, %dma_start3A_579] : memref<10000x64xf32, #tpu.memory_space<vmem_shared>> -> memref<16x64xf32, #tpu.memory_space<vmem_shared>>
        %dma_start3A_581 = arith.constant 9984 : i32
        %dma_start3A_582 = arith.constant 0 : i32
        %dma_start3A_583 = tpu.memref_slice %arg12[%dma_start3A_581, %dma_start3A_582] : memref<10000x64xf32, #tpu.memory_space<vmem_shared>> -> memref<16x64xf32, #tpu.memory_space<vmem_shared>>
        %dma_start3A_584 = arith.constant 0 : i32
        %dma_start3A_585 = arith.constant 0 : i32
        %dma_start3A_586 = tpu.memref_slice %arg10[%dma_start3A_584, %dma_start3A_585] : memref<128x64xf32, #tpu.memory_space<vmem>> -> memref<16x64xf32, #tpu.memory_space<vmem>>
        tpu.enqueue_dma source(%dma_start3A_586 : memref<16x64xf32, #tpu.memory_space<vmem>>) target(%dma_start3A_583 : memref<16x64xf32, #tpu.memory_space<vmem_shared>>) target_semaphore(%run_scoped3A : memref<!tpu.dma_semaphore, #tpu.memory_space<semaphore_mem>>)
        %dma_wait3A = arith.constant 0 : i32
        %dma_wait3A_587 = arith.constant 0 : i32
        %dma_wait3A_588 = tpu.memref_slice %arg10[%dma_wait3A, %dma_wait3A_587] : memref<128x64xf32, #tpu.memory_space<vmem>> -> memref<16x64xf32, #tpu.memory_space<vmem>>
        %dma_wait3A_589 = arith.constant 9984 : i32
        %dma_wait3A_590 = arith.constant 0 : i32
        %dma_wait3A_591 = tpu.memref_slice %arg12[%dma_wait3A_589, %dma_wait3A_590] : memref<10000x64xf32, #tpu.memory_space<vmem_shared>> -> memref<16x64xf32, #tpu.memory_space<vmem_shared>>
        %dma_wait3A_592 = arith.constant 9984 : i32
        %dma_wait3A_593 = arith.constant 0 : i32
        %dma_wait3A_594 = tpu.memref_slice %arg12[%dma_wait3A_592, %dma_wait3A_593] : memref<10000x64xf32, #tpu.memory_space<vmem_shared>> -> memref<16x64xf32, #tpu.memory_space<vmem_shared>>
        %dma_wait3A_595 = arith.constant 0 : i32
        %dma_wait3A_596 = arith.constant 0 : i32
        %dma_wait3A_597 = tpu.memref_slice %arg10[%dma_wait3A_595, %dma_wait3A_596] : memref<128x64xf32, #tpu.memory_space<vmem>> -> memref<16x64xf32, #tpu.memory_space<vmem>>
        tpu.wait_dma2 semaphore(%run_scoped3A : memref<!tpu.dma_semaphore, #tpu.memory_space<semaphore_mem>>) src(%dma_wait3A_597 : memref<16x64xf32, #tpu.memory_space<vmem>>) dst(%dma_wait3A_594 : memref<16x64xf32, #tpu.memory_space<vmem_shared>>)
        tpu.yield
      }) : () -> ()
    } else {
    }
    %add3A_31 = arith.constant 48 : i32
    %add3A_32 = arith.addi %arg1, %add3A_31 : i32
    %lt3A_33 = arith.constant 78 : i32
    %lt3A_34 = arith.cmpi slt, %add3A_32, %lt3A_33 : i32
    %convert_element_type3A_35 = arith.extui %lt3A_34 : i1 to i32
    %cond3A_36 = arith.constant 0 : i32
    %cond3A_37 = arith.cmpi ne, %convert_element_type3A_35, %cond3A_36 : i32
    scf.if %cond3A_37 {
      %mul3A_565 = arith.constant 128 : i32
      %mul3A_566 = arith.muli %add3A_32, %mul3A_565 : i32
      %eq3A_567 = arith.constant 0 : i32
      %eq3A_568 = arith.cmpi eq, %arg0, %eq3A_567 : i32
      %convert_element_type3A_569 = arith.extui %eq3A_568 : i1 to i32
      %cond3A_570 = arith.constant 0 : i32
      %cond3A_571 = arith.cmpi ne, %convert_element_type3A_569, %cond3A_570 : i32
      scf.if %cond3A_571 {
        "tpu.region"() ({
          %run_scoped3A = tpu.sem_alloc : memref<!tpu.dma_semaphore, #tpu.memory_space<semaphore_mem>>
          %dma_start3A_577 = arith.constant 0 : i32
          %dma_start3A_578 = tpu.memref_slice %arg2[%mul3A_566, %dma_start3A_577] : memref<10000x64xf32, #tpu.memory_space<hbm>> -> memref<128x64xf32, #tpu.memory_space<hbm>>
          %dma_start3A_579 = arith.constant 0 : i32
          %dma_start3A_580 = tpu.memref_slice %arg2[%mul3A_566, %dma_start3A_579] : memref<10000x64xf32, #tpu.memory_space<hbm>> -> memref<128x64xf32, #tpu.memory_space<hbm>>
          tpu.enqueue_dma source(%dma_start3A_580 : memref<128x64xf32, #tpu.memory_space<hbm>>) target(%arg10 : memref<128x64xf32, #tpu.memory_space<vmem>>) target_semaphore(%run_scoped3A : memref<!tpu.dma_semaphore, #tpu.memory_space<semaphore_mem>>)
          %dma_wait3A = arith.constant 0 : i32
          %dma_wait3A_581 = tpu.memref_slice %arg2[%mul3A_566, %dma_wait3A] : memref<10000x64xf32, #tpu.memory_space<hbm>> -> memref<128x64xf32, #tpu.memory_space<hbm>>
          %dma_wait3A_582 = arith.constant 0 : i32
          %dma_wait3A_583 = tpu.memref_slice %arg2[%mul3A_566, %dma_wait3A_582] : memref<10000x64xf32, #tpu.memory_space<hbm>> -> memref<128x64xf32, #tpu.memory_space<hbm>>
          tpu.wait_dma2 semaphore(%run_scoped3A : memref<!tpu.dma_semaphore, #tpu.memory_space<semaphore_mem>>) src(%dma_wait3A_583 : memref<128x64xf32, #tpu.memory_space<hbm>>) dst(%arg10 : memref<128x64xf32, #tpu.memory_space<vmem>>)
          tpu.yield
        }) : () -> ()
      } else {
      }
      %eq3A_572 = arith.constant 1 : i32
      %eq3A_573 = arith.cmpi eq, %arg0, %eq3A_572 : i32
      %convert_element_type3A_574 = arith.extui %eq3A_573 : i1 to i32
      %cond3A_575 = arith.constant 0 : i32
      %cond3A_576 = arith.cmpi ne, %convert_element_type3A_574, %cond3A_575 : i32
      scf.if %cond3A_576 {
        "tpu.region"() ({
          %run_scoped3A = tpu.sem_alloc : memref<!tpu.dma_semaphore, #tpu.memory_space<semaphore_mem>>
          %dma_start3A_577 = arith.constant 0 : i32
          %dma_start3A_578 = tpu.memref_slice %arg3[%mul3A_566, %dma_start3A_577] : memref<10000x64xf32, #tpu.memory_space<hbm>> -> memref<128x64xf32, #tpu.memory_space<hbm>>
          %dma_start3A_579 = arith.constant 0 : i32
          %dma_start3A_580 = tpu.memref_slice %arg3[%mul3A_566, %dma_start3A_579] : memref<10000x64xf32, #tpu.memory_space<hbm>> -> memref<128x64xf32, #tpu.memory_space<hbm>>
          tpu.enqueue_dma source(%dma_start3A_580 : memref<128x64xf32, #tpu.memory_space<hbm>>) target(%arg10 : memref<128x64xf32, #tpu.memory_space<vmem>>) target_semaphore(%run_scoped3A : memref<!tpu.dma_semaphore, #tpu.memory_space<semaphore_mem>>)
          %dma_wait3A = arith.constant 0 : i32
          %dma_wait3A_581 = tpu.memref_slice %arg3[%mul3A_566, %dma_wait3A] : memref<10000x64xf32, #tpu.memory_space<hbm>> -> memref<128x64xf32, #tpu.memory_space<hbm>>
          %dma_wait3A_582 = arith.constant 0 : i32
          %dma_wait3A_583 = tpu.memref_slice %arg3[%mul3A_566, %dma_wait3A_582] : memref<10000x64xf32, #tpu.memory_space<hbm>> -> memref<128x64xf32, #tpu.memory_space<hbm>>
          tpu.wait_dma2 semaphore(%run_scoped3A : memref<!tpu.dma_semaphore, #tpu.memory_space<semaphore_mem>>) src(%dma_wait3A_583 : memref<128x64xf32, #tpu.memory_space<hbm>>) dst(%arg10 : memref<128x64xf32, #tpu.memory_space<vmem>>)
          tpu.yield
        }) : () -> ()
      } else {
      }
      "tpu.region"() ({
        %run_scoped3A = tpu.sem_alloc : memref<!tpu.dma_semaphore, #tpu.memory_space<semaphore_mem>>
        %dma_start3A_577 = arith.constant 0 : i32
        %dma_start3A_578 = tpu.memref_slice %arg12[%mul3A_566, %dma_start3A_577] : memref<10000x64xf32, #tpu.memory_space<vmem_shared>> -> memref<128x64xf32, #tpu.memory_space<vmem_shared>>
        %dma_start3A_579 = arith.constant 0 : i32
        %dma_start3A_580 = tpu.memref_slice %arg12[%mul3A_566, %dma_start3A_579] : memref<10000x64xf32, #tpu.memory_space<vmem_shared>> -> memref<128x64xf32, #tpu.memory_space<vmem_shared>>
        tpu.enqueue_dma source(%arg10 : memref<128x64xf32, #tpu.memory_space<vmem>>) target(%dma_start3A_580 : memref<128x64xf32, #tpu.memory_space<vmem_shared>>) target_semaphore(%run_scoped3A : memref<!tpu.dma_semaphore, #tpu.memory_space<semaphore_mem>>)
        %dma_wait3A = arith.constant 0 : i32
        %dma_wait3A_581 = tpu.memref_slice %arg12[%mul3A_566, %dma_wait3A] : memref<10000x64xf32, #tpu.memory_space<vmem_shared>> -> memref<128x64xf32, #tpu.memory_space<vmem_shared>>
        %dma_wait3A_582 = arith.constant 0 : i32
        %dma_wait3A_583 = tpu.memref_slice %arg12[%mul3A_566, %dma_wait3A_582] : memref<10000x64xf32, #tpu.memory_space<vmem_shared>> -> memref<128x64xf32, #tpu.memory_space<vmem_shared>>
        tpu.wait_dma2 semaphore(%run_scoped3A : memref<!tpu.dma_semaphore, #tpu.memory_space<semaphore_mem>>) src(%arg10 : memref<128x64xf32, #tpu.memory_space<vmem>>) dst(%dma_wait3A_583 : memref<128x64xf32, #tpu.memory_space<vmem_shared>>)
        tpu.yield
      }) : () -> ()
    } else {
    }
    %eq3A_38 = arith.constant 78 : i32
    %eq3A_39 = arith.cmpi eq, %add3A_32, %eq3A_38 : i32
    %convert_element_type3A_40 = arith.extui %eq3A_39 : i1 to i32
    %cond3A_41 = arith.constant 0 : i32
    %cond3A_42 = arith.cmpi ne, %convert_element_type3A_40, %cond3A_41 : i32
    scf.if %cond3A_42 {
      %eq3A_565 = arith.constant 0 : i32
      %eq3A_566 = arith.cmpi eq, %arg0, %eq3A_565 : i32
      %convert_element_type3A_567 = arith.extui %eq3A_566 : i1 to i32
      %cond3A_568 = arith.constant 0 : i32
      %cond3A_569 = arith.cmpi ne, %convert_element_type3A_567, %cond3A_568 : i32
      scf.if %cond3A_569 {
        "tpu.region"() ({
          %run_scoped3A = tpu.sem_alloc : memref<!tpu.dma_semaphore, #tpu.memory_space<semaphore_mem>>
          %dma_start3A_575 = arith.constant 0 : i32
          %dma_start3A_576 = arith.constant 0 : i32
          %dma_start3A_577 = tpu.memref_slice %arg10[%dma_start3A_575, %dma_start3A_576] : memref<128x64xf32, #tpu.memory_space<vmem>> -> memref<16x64xf32, #tpu.memory_space<vmem>>
          %dma_start3A_578 = arith.constant 9984 : i32
          %dma_start3A_579 = arith.constant 0 : i32
          %dma_start3A_580 = tpu.memref_slice %arg2[%dma_start3A_578, %dma_start3A_579] : memref<10000x64xf32, #tpu.memory_space<hbm>> -> memref<16x64xf32, #tpu.memory_space<hbm>>
          %dma_start3A_581 = arith.constant 0 : i32
          %dma_start3A_582 = arith.constant 0 : i32
          %dma_start3A_583 = tpu.memref_slice %arg10[%dma_start3A_581, %dma_start3A_582] : memref<128x64xf32, #tpu.memory_space<vmem>> -> memref<16x64xf32, #tpu.memory_space<vmem>>
          %dma_start3A_584 = arith.constant 9984 : i32
          %dma_start3A_585 = arith.constant 0 : i32
          %dma_start3A_586 = tpu.memref_slice %arg2[%dma_start3A_584, %dma_start3A_585] : memref<10000x64xf32, #tpu.memory_space<hbm>> -> memref<16x64xf32, #tpu.memory_space<hbm>>
          tpu.enqueue_dma source(%dma_start3A_586 : memref<16x64xf32, #tpu.memory_space<hbm>>) target(%dma_start3A_583 : memref<16x64xf32, #tpu.memory_space<vmem>>) target_semaphore(%run_scoped3A : memref<!tpu.dma_semaphore, #tpu.memory_space<semaphore_mem>>)
          %dma_wait3A = arith.constant 0 : i32
          %dma_wait3A_587 = arith.constant 0 : i32
          %dma_wait3A_588 = tpu.memref_slice %arg10[%dma_wait3A, %dma_wait3A_587] : memref<128x64xf32, #tpu.memory_space<vmem>> -> memref<16x64xf32, #tpu.memory_space<vmem>>
          %dma_wait3A_589 = arith.constant 9984 : i32
          %dma_wait3A_590 = arith.constant 0 : i32
          %dma_wait3A_591 = tpu.memref_slice %arg2[%dma_wait3A_589, %dma_wait3A_590] : memref<10000x64xf32, #tpu.memory_space<hbm>> -> memref<16x64xf32, #tpu.memory_space<hbm>>
          %dma_wait3A_592 = arith.constant 0 : i32
          %dma_wait3A_593 = arith.constant 0 : i32
          %dma_wait3A_594 = tpu.memref_slice %arg10[%dma_wait3A_592, %dma_wait3A_593] : memref<128x64xf32, #tpu.memory_space<vmem>> -> memref<16x64xf32, #tpu.memory_space<vmem>>
          %dma_wait3A_595 = arith.constant 9984 : i32
          %dma_wait3A_596 = arith.constant 0 : i32
          %dma_wait3A_597 = tpu.memref_slice %arg2[%dma_wait3A_595, %dma_wait3A_596] : memref<10000x64xf32, #tpu.memory_space<hbm>> -> memref<16x64xf32, #tpu.memory_space<hbm>>
          tpu.wait_dma2 semaphore(%run_scoped3A : memref<!tpu.dma_semaphore, #tpu.memory_space<semaphore_mem>>) src(%dma_wait3A_597 : memref<16x64xf32, #tpu.memory_space<hbm>>) dst(%dma_wait3A_594 : memref<16x64xf32, #tpu.memory_space<vmem>>)
          tpu.yield
        }) : () -> ()
      } else {
      }
      %eq3A_570 = arith.constant 1 : i32
      %eq3A_571 = arith.cmpi eq, %arg0, %eq3A_570 : i32
      %convert_element_type3A_572 = arith.extui %eq3A_571 : i1 to i32
      %cond3A_573 = arith.constant 0 : i32
      %cond3A_574 = arith.cmpi ne, %convert_element_type3A_572, %cond3A_573 : i32
      scf.if %cond3A_574 {
        "tpu.region"() ({
          %run_scoped3A = tpu.sem_alloc : memref<!tpu.dma_semaphore, #tpu.memory_space<semaphore_mem>>
          %dma_start3A_575 = arith.constant 0 : i32
          %dma_start3A_576 = arith.constant 0 : i32
          %dma_start3A_577 = tpu.memref_slice %arg10[%dma_start3A_575, %dma_start3A_576] : memref<128x64xf32, #tpu.memory_space<vmem>> -> memref<16x64xf32, #tpu.memory_space<vmem>>
          %dma_start3A_578 = arith.constant 9984 : i32
          %dma_start3A_579 = arith.constant 0 : i32
          %dma_start3A_580 = tpu.memref_slice %arg3[%dma_start3A_578, %dma_start3A_579] : memref<10000x64xf32, #tpu.memory_space<hbm>> -> memref<16x64xf32, #tpu.memory_space<hbm>>
          %dma_start3A_581 = arith.constant 0 : i32
          %dma_start3A_582 = arith.constant 0 : i32
          %dma_start3A_583 = tpu.memref_slice %arg10[%dma_start3A_581, %dma_start3A_582] : memref<128x64xf32, #tpu.memory_space<vmem>> -> memref<16x64xf32, #tpu.memory_space<vmem>>
          %dma_start3A_584 = arith.constant 9984 : i32
          %dma_start3A_585 = arith.constant 0 : i32
          %dma_start3A_586 = tpu.memref_slice %arg3[%dma_start3A_584, %dma_start3A_585] : memref<10000x64xf32, #tpu.memory_space<hbm>> -> memref<16x64xf32, #tpu.memory_space<hbm>>
          tpu.enqueue_dma source(%dma_start3A_586 : memref<16x64xf32, #tpu.memory_space<hbm>>) target(%dma_start3A_583 : memref<16x64xf32, #tpu.memory_space<vmem>>) target_semaphore(%run_scoped3A : memref<!tpu.dma_semaphore, #tpu.memory_space<semaphore_mem>>)
          %dma_wait3A = arith.constant 0 : i32
          %dma_wait3A_587 = arith.constant 0 : i32
          %dma_wait3A_588 = tpu.memref_slice %arg10[%dma_wait3A, %dma_wait3A_587] : memref<128x64xf32, #tpu.memory_space<vmem>> -> memref<16x64xf32, #tpu.memory_space<vmem>>
          %dma_wait3A_589 = arith.constant 9984 : i32
          %dma_wait3A_590 = arith.constant 0 : i32
          %dma_wait3A_591 = tpu.memref_slice %arg3[%dma_wait3A_589, %dma_wait3A_590] : memref<10000x64xf32, #tpu.memory_space<hbm>> -> memref<16x64xf32, #tpu.memory_space<hbm>>
          %dma_wait3A_592 = arith.constant 0 : i32
          %dma_wait3A_593 = arith.constant 0 : i32
          %dma_wait3A_594 = tpu.memref_slice %arg10[%dma_wait3A_592, %dma_wait3A_593] : memref<128x64xf32, #tpu.memory_space<vmem>> -> memref<16x64xf32, #tpu.memory_space<vmem>>
          %dma_wait3A_595 = arith.constant 9984 : i32
          %dma_wait3A_596 = arith.constant 0 : i32
          %dma_wait3A_597 = tpu.memref_slice %arg3[%dma_wait3A_595, %dma_wait3A_596] : memref<10000x64xf32, #tpu.memory_space<hbm>> -> memref<16x64xf32, #tpu.memory_space<hbm>>
          tpu.wait_dma2 semaphore(%run_scoped3A : memref<!tpu.dma_semaphore, #tpu.memory_space<semaphore_mem>>) src(%dma_wait3A_597 : memref<16x64xf32, #tpu.memory_space<hbm>>) dst(%dma_wait3A_594 : memref<16x64xf32, #tpu.memory_space<vmem>>)
          tpu.yield
        }) : () -> ()
      } else {
      }
      "tpu.region"() ({
        %run_scoped3A = tpu.sem_alloc : memref<!tpu.dma_semaphore, #tpu.memory_space<semaphore_mem>>
        %dma_start3A_575 = arith.constant 0 : i32
        %dma_start3A_576 = arith.constant 0 : i32
        %dma_start3A_577 = tpu.memref_slice %arg10[%dma_start3A_575, %dma_start3A_576] : memref<128x64xf32, #tpu.memory_space<vmem>> -> memref<16x64xf32, #tpu.memory_space<vmem>>
        %dma_start3A_578 = arith.constant 9984 : i32
        %dma_start3A_579 = arith.constant 0 : i32
        %dma_start3A_580 = tpu.memref_slice %arg12[%dma_start3A_578, %dma_start3A_579] : memref<10000x64xf32, #tpu.memory_space<vmem_shared>> -> memref<16x64xf32, #tpu.memory_space<vmem_shared>>
        %dma_start3A_581 = arith.constant 9984 : i32
        %dma_start3A_582 = arith.constant 0 : i32
        %dma_start3A_583 = tpu.memref_slice %arg12[%dma_start3A_581, %dma_start3A_582] : memref<10000x64xf32, #tpu.memory_space<vmem_shared>> -> memref<16x64xf32, #tpu.memory_space<vmem_shared>>
        %dma_start3A_584 = arith.constant 0 : i32
        %dma_start3A_585 = arith.constant 0 : i32
        %dma_start3A_586 = tpu.memref_slice %arg10[%dma_start3A_584, %dma_start3A_585] : memref<128x64xf32, #tpu.memory_space<vmem>> -> memref<16x64xf32, #tpu.memory_space<vmem>>
        tpu.enqueue_dma source(%dma_start3A_586 : memref<16x64xf32, #tpu.memory_space<vmem>>) target(%dma_start3A_583 : memref<16x64xf32, #tpu.memory_space<vmem_shared>>) target_semaphore(%run_scoped3A : memref<!tpu.dma_semaphore, #tpu.memory_space<semaphore_mem>>)
        %dma_wait3A = arith.constant 0 : i32
        %dma_wait3A_587 = arith.constant 0 : i32
        %dma_wait3A_588 = tpu.memref_slice %arg10[%dma_wait3A, %dma_wait3A_587] : memref<128x64xf32, #tpu.memory_space<vmem>> -> memref<16x64xf32, #tpu.memory_space<vmem>>
        %dma_wait3A_589 = arith.constant 9984 : i32
        %dma_wait3A_590 = arith.constant 0 : i32
        %dma_wait3A_591 = tpu.memref_slice %arg12[%dma_wait3A_589, %dma_wait3A_590] : memref<10000x64xf32, #tpu.memory_space<vmem_shared>> -> memref<16x64xf32, #tpu.memory_space<vmem_shared>>
        %dma_wait3A_592 = arith.constant 9984 : i32
        %dma_wait3A_593 = arith.constant 0 : i32
        %dma_wait3A_594 = tpu.memref_slice %arg12[%dma_wait3A_592, %dma_wait3A_593] : memref<10000x64xf32, #tpu.memory_space<vmem_shared>> -> memref<16x64xf32, #tpu.memory_space<vmem_shared>>
        %dma_wait3A_595 = arith.constant 0 : i32
        %dma_wait3A_596 = arith.constant 0 : i32
        %dma_wait3A_597 = tpu.memref_slice %arg10[%dma_wait3A_595, %dma_wait3A_596] : memref<128x64xf32, #tpu.memory_space<vmem>> -> memref<16x64xf32, #tpu.memory_space<vmem>>
        tpu.wait_dma2 semaphore(%run_scoped3A : memref<!tpu.dma_semaphore, #tpu.memory_space<semaphore_mem>>) src(%dma_wait3A_597 : memref<16x64xf32, #tpu.memory_space<vmem>>) dst(%dma_wait3A_594 : memref<16x64xf32, #tpu.memory_space<vmem_shared>>)
        tpu.yield
      }) : () -> ()
    } else {
    }
    %add3A_43 = arith.constant 64 : i32
    %add3A_44 = arith.addi %arg1, %add3A_43 : i32
    %lt3A_45 = arith.constant 78 : i32
    %lt3A_46 = arith.cmpi slt, %add3A_44, %lt3A_45 : i32
    %convert_element_type3A_47 = arith.extui %lt3A_46 : i1 to i32
    %cond3A_48 = arith.constant 0 : i32
    %cond3A_49 = arith.cmpi ne, %convert_element_type3A_47, %cond3A_48 : i32
    scf.if %cond3A_49 {
      %mul3A_565 = arith.constant 128 : i32
      %mul3A_566 = arith.muli %add3A_44, %mul3A_565 : i32
      %eq3A_567 = arith.constant 0 : i32
      %eq3A_568 = arith.cmpi eq, %arg0, %eq3A_567 : i32
      %convert_element_type3A_569 = arith.extui %eq3A_568 : i1 to i32
      %cond3A_570 = arith.constant 0 : i32
      %cond3A_571 = arith.cmpi ne, %convert_element_type3A_569, %cond3A_570 : i32
      scf.if %cond3A_571 {
        "tpu.region"() ({
          %run_scoped3A = tpu.sem_alloc : memref<!tpu.dma_semaphore, #tpu.memory_space<semaphore_mem>>
          %dma_start3A_577 = arith.constant 0 : i32
          %dma_start3A_578 = tpu.memref_slice %arg2[%mul3A_566, %dma_start3A_577] : memref<10000x64xf32, #tpu.memory_space<hbm>> -> memref<128x64xf32, #tpu.memory_space<hbm>>
          %dma_start3A_579 = arith.constant 0 : i32
          %dma_start3A_580 = tpu.memref_slice %arg2[%mul3A_566, %dma_start3A_579] : memref<10000x64xf32, #tpu.memory_space<hbm>> -> memref<128x64xf32, #tpu.memory_space<hbm>>
          tpu.enqueue_dma source(%dma_start3A_580 : memref<128x64xf32, #tpu.memory_space<hbm>>) target(%arg10 : memref<128x64xf32, #tpu.memory_space<vmem>>) target_semaphore(%run_scoped3A : memref<!tpu.dma_semaphore, #tpu.memory_space<semaphore_mem>>)
          %dma_wait3A = arith.constant 0 : i32
          %dma_wait3A_581 = tpu.memref_slice %arg2[%mul3A_566, %dma_wait3A] : memref<10000x64xf32, #tpu.memory_space<hbm>> -> memref<128x64xf32, #tpu.memory_space<hbm>>
          %dma_wait3A_582 = arith.constant 0 : i32
          %dma_wait3A_583 = tpu.memref_slice %arg2[%mul3A_566, %dma_wait3A_582] : memref<10000x64xf32, #tpu.memory_space<hbm>> -> memref<128x64xf32, #tpu.memory_space<hbm>>
          tpu.wait_dma2 semaphore(%run_scoped3A : memref<!tpu.dma_semaphore, #tpu.memory_space<semaphore_mem>>) src(%dma_wait3A_583 : memref<128x64xf32, #tpu.memory_space<hbm>>) dst(%arg10 : memref<128x64xf32, #tpu.memory_space<vmem>>)
          tpu.yield
        }) : () -> ()
      } else {
      }
      %eq3A_572 = arith.constant 1 : i32
      %eq3A_573 = arith.cmpi eq, %arg0, %eq3A_572 : i32
      %convert_element_type3A_574 = arith.extui %eq3A_573 : i1 to i32
      %cond3A_575 = arith.constant 0 : i32
      %cond3A_576 = arith.cmpi ne, %convert_element_type3A_574, %cond3A_575 : i32
      scf.if %cond3A_576 {
        "tpu.region"() ({
          %run_scoped3A = tpu.sem_alloc : memref<!tpu.dma_semaphore, #tpu.memory_space<semaphore_mem>>
          %dma_start3A_577 = arith.constant 0 : i32
          %dma_start3A_578 = tpu.memref_slice %arg3[%mul3A_566, %dma_start3A_577] : memref<10000x64xf32, #tpu.memory_space<hbm>> -> memref<128x64xf32, #tpu.memory_space<hbm>>
          %dma_start3A_579 = arith.constant 0 : i32
          %dma_start3A_580 = tpu.memref_slice %arg3[%mul3A_566, %dma_start3A_579] : memref<10000x64xf32, #tpu.memory_space<hbm>> -> memref<128x64xf32, #tpu.memory_space<hbm>>
          tpu.enqueue_dma source(%dma_start3A_580 : memref<128x64xf32, #tpu.memory_space<hbm>>) target(%arg10 : memref<128x64xf32, #tpu.memory_space<vmem>>) target_semaphore(%run_scoped3A : memref<!tpu.dma_semaphore, #tpu.memory_space<semaphore_mem>>)
          %dma_wait3A = arith.constant 0 : i32
          %dma_wait3A_581 = tpu.memref_slice %arg3[%mul3A_566, %dma_wait3A] : memref<10000x64xf32, #tpu.memory_space<hbm>> -> memref<128x64xf32, #tpu.memory_space<hbm>>
          %dma_wait3A_582 = arith.constant 0 : i32
          %dma_wait3A_583 = tpu.memref_slice %arg3[%mul3A_566, %dma_wait3A_582] : memref<10000x64xf32, #tpu.memory_space<hbm>> -> memref<128x64xf32, #tpu.memory_space<hbm>>
          tpu.wait_dma2 semaphore(%run_scoped3A : memref<!tpu.dma_semaphore, #tpu.memory_space<semaphore_mem>>) src(%dma_wait3A_583 : memref<128x64xf32, #tpu.memory_space<hbm>>) dst(%arg10 : memref<128x64xf32, #tpu.memory_space<vmem>>)
          tpu.yield
        }) : () -> ()
      } else {
      }
      "tpu.region"() ({
        %run_scoped3A = tpu.sem_alloc : memref<!tpu.dma_semaphore, #tpu.memory_space<semaphore_mem>>
        %dma_start3A_577 = arith.constant 0 : i32
        %dma_start3A_578 = tpu.memref_slice %arg12[%mul3A_566, %dma_start3A_577] : memref<10000x64xf32, #tpu.memory_space<vmem_shared>> -> memref<128x64xf32, #tpu.memory_space<vmem_shared>>
        %dma_start3A_579 = arith.constant 0 : i32
        %dma_start3A_580 = tpu.memref_slice %arg12[%mul3A_566, %dma_start3A_579] : memref<10000x64xf32, #tpu.memory_space<vmem_shared>> -> memref<128x64xf32, #tpu.memory_space<vmem_shared>>
        tpu.enqueue_dma source(%arg10 : memref<128x64xf32, #tpu.memory_space<vmem>>) target(%dma_start3A_580 : memref<128x64xf32, #tpu.memory_space<vmem_shared>>) target_semaphore(%run_scoped3A : memref<!tpu.dma_semaphore, #tpu.memory_space<semaphore_mem>>)
        %dma_wait3A = arith.constant 0 : i32
        %dma_wait3A_581 = tpu.memref_slice %arg12[%mul3A_566, %dma_wait3A] : memref<10000x64xf32, #tpu.memory_space<vmem_shared>> -> memref<128x64xf32, #tpu.memory_space<vmem_shared>>
        %dma_wait3A_582 = arith.constant 0 : i32
        %dma_wait3A_583 = tpu.memref_slice %arg12[%mul3A_566, %dma_wait3A_582] : memref<10000x64xf32, #tpu.memory_space<vmem_shared>> -> memref<128x64xf32, #tpu.memory_space<vmem_shared>>
        tpu.wait_dma2 semaphore(%run_scoped3A : memref<!tpu.dma_semaphore, #tpu.memory_space<semaphore_mem>>) src(%arg10 : memref<128x64xf32, #tpu.memory_space<vmem>>) dst(%dma_wait3A_583 : memref<128x64xf32, #tpu.memory_space<vmem_shared>>)
        tpu.yield
      }) : () -> ()
    } else {
    }
    %eq3A_50 = arith.constant 78 : i32
    %eq3A_51 = arith.cmpi eq, %add3A_44, %eq3A_50 : i32
    %convert_element_type3A_52 = arith.extui %eq3A_51 : i1 to i32
    %cond3A_53 = arith.constant 0 : i32
    %cond3A_54 = arith.cmpi ne, %convert_element_type3A_52, %cond3A_53 : i32
    scf.if %cond3A_54 {
      %eq3A_565 = arith.constant 0 : i32
      %eq3A_566 = arith.cmpi eq, %arg0, %eq3A_565 : i32
      %convert_element_type3A_567 = arith.extui %eq3A_566 : i1 to i32
      %cond3A_568 = arith.constant 0 : i32
      %cond3A_569 = arith.cmpi ne, %convert_element_type3A_567, %cond3A_568 : i32
      scf.if %cond3A_569 {
        "tpu.region"() ({
          %run_scoped3A = tpu.sem_alloc : memref<!tpu.dma_semaphore, #tpu.memory_space<semaphore_mem>>
          %dma_start3A_575 = arith.constant 0 : i32
          %dma_start3A_576 = arith.constant 0 : i32
          %dma_start3A_577 = tpu.memref_slice %arg10[%dma_start3A_575, %dma_start3A_576] : memref<128x64xf32, #tpu.memory_space<vmem>> -> memref<16x64xf32, #tpu.memory_space<vmem>>
          %dma_start3A_578 = arith.constant 9984 : i32
          %dma_start3A_579 = arith.constant 0 : i32
          %dma_start3A_580 = tpu.memref_slice %arg2[%dma_start3A_578, %dma_start3A_579] : memref<10000x64xf32, #tpu.memory_space<hbm>> -> memref<16x64xf32, #tpu.memory_space<hbm>>
          %dma_start3A_581 = arith.constant 0 : i32
          %dma_start3A_582 = arith.constant 0 : i32
          %dma_start3A_583 = tpu.memref_slice %arg10[%dma_start3A_581, %dma_start3A_582] : memref<128x64xf32, #tpu.memory_space<vmem>> -> memref<16x64xf32, #tpu.memory_space<vmem>>
          %dma_start3A_584 = arith.constant 9984 : i32
          %dma_start3A_585 = arith.constant 0 : i32
          %dma_start3A_586 = tpu.memref_slice %arg2[%dma_start3A_584, %dma_start3A_585] : memref<10000x64xf32, #tpu.memory_space<hbm>> -> memref<16x64xf32, #tpu.memory_space<hbm>>
          tpu.enqueue_dma source(%dma_start3A_586 : memref<16x64xf32, #tpu.memory_space<hbm>>) target(%dma_start3A_583 : memref<16x64xf32, #tpu.memory_space<vmem>>) target_semaphore(%run_scoped3A : memref<!tpu.dma_semaphore, #tpu.memory_space<semaphore_mem>>)
          %dma_wait3A = arith.constant 0 : i32
          %dma_wait3A_587 = arith.constant 0 : i32
          %dma_wait3A_588 = tpu.memref_slice %arg10[%dma_wait3A, %dma_wait3A_587] : memref<128x64xf32, #tpu.memory_space<vmem>> -> memref<16x64xf32, #tpu.memory_space<vmem>>
          %dma_wait3A_589 = arith.constant 9984 : i32
          %dma_wait3A_590 = arith.constant 0 : i32
          %dma_wait3A_591 = tpu.memref_slice %arg2[%dma_wait3A_589, %dma_wait3A_590] : memref<10000x64xf32, #tpu.memory_space<hbm>> -> memref<16x64xf32, #tpu.memory_space<hbm>>
          %dma_wait3A_592 = arith.constant 0 : i32
          %dma_wait3A_593 = arith.constant 0 : i32
          %dma_wait3A_594 = tpu.memref_slice %arg10[%dma_wait3A_592, %dma_wait3A_593] : memref<128x64xf32, #tpu.memory_space<vmem>> -> memref<16x64xf32, #tpu.memory_space<vmem>>
          %dma_wait3A_595 = arith.constant 9984 : i32
          %dma_wait3A_596 = arith.constant 0 : i32
          %dma_wait3A_597 = tpu.memref_slice %arg2[%dma_wait3A_595, %dma_wait3A_596] : memref<10000x64xf32, #tpu.memory_space<hbm>> -> memref<16x64xf32, #tpu.memory_space<hbm>>
          tpu.wait_dma2 semaphore(%run_scoped3A : memref<!tpu.dma_semaphore, #tpu.memory_space<semaphore_mem>>) src(%dma_wait3A_597 : memref<16x64xf32, #tpu.memory_space<hbm>>) dst(%dma_wait3A_594 : memref<16x64xf32, #tpu.memory_space<vmem>>)
          tpu.yield
        }) : () -> ()
      } else {
      }
      %eq3A_570 = arith.constant 1 : i32
      %eq3A_571 = arith.cmpi eq, %arg0, %eq3A_570 : i32
      %convert_element_type3A_572 = arith.extui %eq3A_571 : i1 to i32
      %cond3A_573 = arith.constant 0 : i32
      %cond3A_574 = arith.cmpi ne, %convert_element_type3A_572, %cond3A_573 : i32
      scf.if %cond3A_574 {
        "tpu.region"() ({
          %run_scoped3A = tpu.sem_alloc : memref<!tpu.dma_semaphore, #tpu.memory_space<semaphore_mem>>
          %dma_start3A_575 = arith.constant 0 : i32
          %dma_start3A_576 = arith.constant 0 : i32
          %dma_start3A_577 = tpu.memref_slice %arg10[%dma_start3A_575, %dma_start3A_576] : memref<128x64xf32, #tpu.memory_space<vmem>> -> memref<16x64xf32, #tpu.memory_space<vmem>>
          %dma_start3A_578 = arith.constant 9984 : i32
          %dma_start3A_579 = arith.constant 0 : i32
          %dma_start3A_580 = tpu.memref_slice %arg3[%dma_start3A_578, %dma_start3A_579] : memref<10000x64xf32, #tpu.memory_space<hbm>> -> memref<16x64xf32, #tpu.memory_space<hbm>>
          %dma_start3A_581 = arith.constant 0 : i32
          %dma_start3A_582 = arith.constant 0 : i32
          %dma_start3A_583 = tpu.memref_slice %arg10[%dma_start3A_581, %dma_start3A_582] : memref<128x64xf32, #tpu.memory_space<vmem>> -> memref<16x64xf32, #tpu.memory_space<vmem>>
          %dma_start3A_584 = arith.constant 9984 : i32
          %dma_start3A_585 = arith.constant 0 : i32
          %dma_start3A_586 = tpu.memref_slice %arg3[%dma_start3A_584, %dma_start3A_585] : memref<10000x64xf32, #tpu.memory_space<hbm>> -> memref<16x64xf32, #tpu.memory_space<hbm>>
          tpu.enqueue_dma source(%dma_start3A_586 : memref<16x64xf32, #tpu.memory_space<hbm>>) target(%dma_start3A_583 : memref<16x64xf32, #tpu.memory_space<vmem>>) target_semaphore(%run_scoped3A : memref<!tpu.dma_semaphore, #tpu.memory_space<semaphore_mem>>)
          %dma_wait3A = arith.constant 0 : i32
          %dma_wait3A_587 = arith.constant 0 : i32
          %dma_wait3A_588 = tpu.memref_slice %arg10[%dma_wait3A, %dma_wait3A_587] : memref<128x64xf32, #tpu.memory_space<vmem>> -> memref<16x64xf32, #tpu.memory_space<vmem>>
          %dma_wait3A_589 = arith.constant 9984 : i32
          %dma_wait3A_590 = arith.constant 0 : i32
          %dma_wait3A_591 = tpu.memref_slice %arg3[%dma_wait3A_589, %dma_wait3A_590] : memref<10000x64xf32, #tpu.memory_space<hbm>> -> memref<16x64xf32, #tpu.memory_space<hbm>>
          %dma_wait3A_592 = arith.constant 0 : i32
          %dma_wait3A_593 = arith.constant 0 : i32
          %dma_wait3A_594 = tpu.memref_slice %arg10[%dma_wait3A_592, %dma_wait3A_593] : memref<128x64xf32, #tpu.memory_space<vmem>> -> memref<16x64xf32, #tpu.memory_space<vmem>>
          %dma_wait3A_595 = arith.constant 9984 : i32
          %dma_wait3A_596 = arith.constant 0 : i32
          %dma_wait3A_597 = tpu.memref_slice %arg3[%dma_wait3A_595, %dma_wait3A_596] : memref<10000x64xf32, #tpu.memory_space<hbm>> -> memref<16x64xf32, #tpu.memory_space<hbm>>
          tpu.wait_dma2 semaphore(%run_scoped3A : memref<!tpu.dma_semaphore, #tpu.memory_space<semaphore_mem>>) src(%dma_wait3A_597 : memref<16x64xf32, #tpu.memory_space<hbm>>) dst(%dma_wait3A_594 : memref<16x64xf32, #tpu.memory_space<vmem>>)
          tpu.yield
        }) : () -> ()
      } else {
      }
      "tpu.region"() ({
        %run_scoped3A = tpu.sem_alloc : memref<!tpu.dma_semaphore, #tpu.memory_space<semaphore_mem>>
        %dma_start3A_575 = arith.constant 0 : i32
        %dma_start3A_576 = arith.constant 0 : i32
        %dma_start3A_577 = tpu.memref_slice %arg10[%dma_start3A_575, %dma_start3A_576] : memref<128x64xf32, #tpu.memory_space<vmem>> -> memref<16x64xf32, #tpu.memory_space<vmem>>
        %dma_start3A_578 = arith.constant 9984 : i32
        %dma_start3A_579 = arith.constant 0 : i32
        %dma_start3A_580 = tpu.memref_slice %arg12[%dma_start3A_578, %dma_start3A_579] : memref<10000x64xf32, #tpu.memory_space<vmem_shared>> -> memref<16x64xf32, #tpu.memory_space<vmem_shared>>
        %dma_start3A_581 = arith.constant 9984 : i32
        %dma_start3A_582 = arith.constant 0 : i32
        %dma_start3A_583 = tpu.memref_slice %arg12[%dma_start3A_581, %dma_start3A_582] : memref<10000x64xf32, #tpu.memory_space<vmem_shared>> -> memref<16x64xf32, #tpu.memory_space<vmem_shared>>
        %dma_start3A_584 = arith.constant 0 : i32
        %dma_start3A_585 = arith.constant 0 : i32
        %dma_start3A_586 = tpu.memref_slice %arg10[%dma_start3A_584, %dma_start3A_585] : memref<128x64xf32, #tpu.memory_space<vmem>> -> memref<16x64xf32, #tpu.memory_space<vmem>>
        tpu.enqueue_dma source(%dma_start3A_586 : memref<16x64xf32, #tpu.memory_space<vmem>>) target(%dma_start3A_583 : memref<16x64xf32, #tpu.memory_space<vmem_shared>>) target_semaphore(%run_scoped3A : memref<!tpu.dma_semaphore, #tpu.memory_space<semaphore_mem>>)
        %dma_wait3A = arith.constant 0 : i32
        %dma_wait3A_587 = arith.constant 0 : i32
        %dma_wait3A_588 = tpu.memref_slice %arg10[%dma_wait3A, %dma_wait3A_587] : memref<128x64xf32, #tpu.memory_space<vmem>> -> memref<16x64xf32, #tpu.memory_space<vmem>>
        %dma_wait3A_589 = arith.constant 9984 : i32
        %dma_wait3A_590 = arith.constant 0 : i32
        %dma_wait3A_591 = tpu.memref_slice %arg12[%dma_wait3A_589, %dma_wait3A_590] : memref<10000x64xf32, #tpu.memory_space<vmem_shared>> -> memref<16x64xf32, #tpu.memory_space<vmem_shared>>
        %dma_wait3A_592 = arith.constant 9984 : i32
        %dma_wait3A_593 = arith.constant 0 : i32
        %dma_wait3A_594 = tpu.memref_slice %arg12[%dma_wait3A_592, %dma_wait3A_593] : memref<10000x64xf32, #tpu.memory_space<vmem_shared>> -> memref<16x64xf32, #tpu.memory_space<vmem_shared>>
        %dma_wait3A_595 = arith.constant 0 : i32
        %dma_wait3A_596 = arith.constant 0 : i32
        %dma_wait3A_597 = tpu.memref_slice %arg10[%dma_wait3A_595, %dma_wait3A_596] : memref<128x64xf32, #tpu.memory_space<vmem>> -> memref<16x64xf32, #tpu.memory_space<vmem>>
        tpu.wait_dma2 semaphore(%run_scoped3A : memref<!tpu.dma_semaphore, #tpu.memory_space<semaphore_mem>>) src(%dma_wait3A_597 : memref<16x64xf32, #tpu.memory_space<vmem>>) dst(%dma_wait3A_594 : memref<16x64xf32, #tpu.memory_space<vmem_shared>>)
        tpu.yield
      }) : () -> ()
    } else {
    }
    %broadcast_in_dim3A = arith.constant 0.000000e+00 : f32
    %broadcast_in_dim3A_55 = vector.broadcast %broadcast_in_dim3A : f32 to vector<16xf32>
    %swap3A = arith.constant 0 : i32
    %swap3A_56 = arith.index_cast %swap3A : i32 to index
    %swap3A_57 = arith.constant 0 : index
    %swap3A_58 = tpu.vector_load %arg10[%swap3A_56, %swap3A_57] {strides = array<i32>} : memref<128x64xf32, #tpu.memory_space<vmem>>, vector<1x16xf32>,
    %swap3A_59 = vector.shape_cast %swap3A_58 : vector<1x16xf32> to vector<16xf32>
    %swap3A_60 = vector.shape_cast %broadcast_in_dim3A_55 : vector<16xf32> to vector<1x16xf32>
    tpu.vector_store %arg10[%swap3A_56, %swap3A_57], %swap3A_60 {strides = array<i32>} : memref<128x64xf32, #tpu.memory_space<vmem>>, vector<1x16xf32>,
    %swap3A_61 = arith.constant 0 : i32
    %swap3A_62 = arith.index_cast %swap3A_61 : i32 to index
    %swap3A_63 = arith.constant 16 : index
    %swap3A_64 = tpu.vector_load %arg10[%swap3A_62, %swap3A_63] {strides = array<i32>} : memref<128x64xf32, #tpu.memory_space<vmem>>, vector<1x16xf32>,
    %swap3A_65 = vector.shape_cast %swap3A_64 : vector<1x16xf32> to vector<16xf32>
    %swap3A_66 = vector.shape_cast %broadcast_in_dim3A_55 : vector<16xf32> to vector<1x16xf32>
    tpu.vector_store %arg10[%swap3A_62, %swap3A_63], %swap3A_66 {strides = array<i32>} : memref<128x64xf32, #tpu.memory_space<vmem>>, vector<1x16xf32>,
    %swap3A_67 = arith.constant 0 : i32
    %swap3A_68 = arith.index_cast %swap3A_67 : i32 to index
    %swap3A_69 = arith.constant 32 : index
    %swap3A_70 = tpu.vector_load %arg10[%swap3A_68, %swap3A_69] {strides = array<i32>} : memref<128x64xf32, #tpu.memory_space<vmem>>, vector<1x16xf32>,
    %swap3A_71 = vector.shape_cast %swap3A_70 : vector<1x16xf32> to vector<16xf32>
    %swap3A_72 = vector.shape_cast %broadcast_in_dim3A_55 : vector<16xf32> to vector<1x16xf32>
    tpu.vector_store %arg10[%swap3A_68, %swap3A_69], %swap3A_72 {strides = array<i32>} : memref<128x64xf32, #tpu.memory_space<vmem>>, vector<1x16xf32>,
    %swap3A_73 = arith.constant 0 : i32
    %swap3A_74 = arith.index_cast %swap3A_73 : i32 to index
    %swap3A_75 = arith.constant 48 : index
    %swap3A_76 = tpu.vector_load %arg10[%swap3A_74, %swap3A_75] {strides = array<i32>} : memref<128x64xf32, #tpu.memory_space<vmem>>, vector<1x16xf32>,
    %swap3A_77 = vector.shape_cast %swap3A_76 : vector<1x16xf32> to vector<16xf32>
    %swap3A_78 = vector.shape_cast %broadcast_in_dim3A_55 : vector<16xf32> to vector<1x16xf32>
    tpu.vector_store %arg10[%swap3A_74, %swap3A_75], %swap3A_78 {strides = array<i32>} : memref<128x64xf32, #tpu.memory_space<vmem>>, vector<1x16xf32>,
    %swap3A_79 = arith.constant 1 : i32
    %swap3A_80 = arith.index_cast %swap3A_79 : i32 to index
    %swap3A_81 = arith.constant 0 : index
    %swap3A_82 = tpu.vector_load %arg10[%swap3A_80, %swap3A_81] {strides = array<i32>} : memref<128x64xf32, #tpu.memory_space<vmem>>, vector<1x16xf32>,
    %swap3A_83 = vector.shape_cast %swap3A_82 : vector<1x16xf32> to vector<16xf32>
    %swap3A_84 = vector.shape_cast %broadcast_in_dim3A_55 : vector<16xf32> to vector<1x16xf32>
    tpu.vector_store %arg10[%swap3A_80, %swap3A_81], %swap3A_84 {strides = array<i32>} : memref<128x64xf32, #tpu.memory_space<vmem>>, vector<1x16xf32>,
    %swap3A_85 = arith.constant 1 : i32
    %swap3A_86 = arith.index_cast %swap3A_85 : i32 to index
    %swap3A_87 = arith.constant 16 : index
    %swap3A_88 = tpu.vector_load %arg10[%swap3A_86, %swap3A_87] {strides = array<i32>} : memref<128x64xf32, #tpu.memory_space<vmem>>, vector<1x16xf32>,
    %swap3A_89 = vector.shape_cast %swap3A_88 : vector<1x16xf32> to vector<16xf32>
    %swap3A_90 = vector.shape_cast %broadcast_in_dim3A_55 : vector<16xf32> to vector<1x16xf32>
    tpu.vector_store %arg10[%swap3A_86, %swap3A_87], %swap3A_90 {strides = array<i32>} : memref<128x64xf32, #tpu.memory_space<vmem>>, vector<1x16xf32>,
    %swap3A_91 = arith.constant 1 : i32
    %swap3A_92 = arith.index_cast %swap3A_91 : i32 to index
    %swap3A_93 = arith.constant 32 : index
    %swap3A_94 = tpu.vector_load %arg10[%swap3A_92, %swap3A_93] {strides = array<i32>} : memref<128x64xf32, #tpu.memory_space<vmem>>, vector<1x16xf32>,
    %swap3A_95 = vector.shape_cast %swap3A_94 : vector<1x16xf32> to vector<16xf32>
    %swap3A_96 = vector.shape_cast %broadcast_in_dim3A_55 : vector<16xf32> to vector<1x16xf32>
    tpu.vector_store %arg10[%swap3A_92, %swap3A_93], %swap3A_96 {strides = array<i32>} : memref<128x64xf32, #tpu.memory_space<vmem>>, vector<1x16xf32>,
    %swap3A_97 = arith.constant 1 : i32
    %swap3A_98 = arith.index_cast %swap3A_97 : i32 to index
    %swap3A_99 = arith.constant 48 : index
    %swap3A_100 = tpu.vector_load %arg10[%swap3A_98, %swap3A_99] {strides = array<i32>} : memref<128x64xf32, #tpu.memory_space<vmem>>, vector<1x16xf32>,
    %swap3A_101 = vector.shape_cast %swap3A_100 : vector<1x16xf32> to vector<16xf32>
    %swap3A_102 = vector.shape_cast %broadcast_in_dim3A_55 : vector<16xf32> to vector<1x16xf32>
    tpu.vector_store %arg10[%swap3A_98, %swap3A_99], %swap3A_102 {strides = array<i32>} : memref<128x64xf32, #tpu.memory_space<vmem>>, vector<1x16xf32>,
    %swap3A_103 = arith.constant 2 : i32
    %swap3A_104 = arith.index_cast %swap3A_103 : i32 to index
    %swap3A_105 = arith.constant 0 : index
    %swap3A_106 = tpu.vector_load %arg10[%swap3A_104, %swap3A_105] {strides = array<i32>} : memref<128x64xf32, #tpu.memory_space<vmem>>, vector<1x16xf32>,
    %swap3A_107 = vector.shape_cast %swap3A_106 : vector<1x16xf32> to vector<16xf32>
    %swap3A_108 = vector.shape_cast %broadcast_in_dim3A_55 : vector<16xf32> to vector<1x16xf32>
    tpu.vector_store %arg10[%swap3A_104, %swap3A_105], %swap3A_108 {strides = array<i32>} : memref<128x64xf32, #tpu.memory_space<vmem>>, vector<1x16xf32>,
    %swap3A_109 = arith.constant 2 : i32
    %swap3A_110 = arith.index_cast %swap3A_109 : i32 to index
    %swap3A_111 = arith.constant 16 : index
    %swap3A_112 = tpu.vector_load %arg10[%swap3A_110, %swap3A_111] {strides = array<i32>} : memref<128x64xf32, #tpu.memory_space<vmem>>, vector<1x16xf32>,
    %swap3A_113 = vector.shape_cast %swap3A_112 : vector<1x16xf32> to vector<16xf32>
    %swap3A_114 = vector.shape_cast %broadcast_in_dim3A_55 : vector<16xf32> to vector<1x16xf32>
    tpu.vector_store %arg10[%swap3A_110, %swap3A_111], %swap3A_114 {strides = array<i32>} : memref<128x64xf32, #tpu.memory_space<vmem>>, vector<1x16xf32>,
    %swap3A_115 = arith.constant 2 : i32
    %swap3A_116 = arith.index_cast %swap3A_115 : i32 to index
    %swap3A_117 = arith.constant 32 : index
    %swap3A_118 = tpu.vector_load %arg10[%swap3A_116, %swap3A_117] {strides = array<i32>} : memref<128x64xf32, #tpu.memory_space<vmem>>, vector<1x16xf32>,
    %swap3A_119 = vector.shape_cast %swap3A_118 : vector<1x16xf32> to vector<16xf32>
    %swap3A_120 = vector.shape_cast %broadcast_in_dim3A_55 : vector<16xf32> to vector<1x16xf32>
    tpu.vector_store %arg10[%swap3A_116, %swap3A_117], %swap3A_120 {strides = array<i32>} : memref<128x64xf32, #tpu.memory_space<vmem>>, vector<1x16xf32>,
    %swap3A_121 = arith.constant 2 : i32
    %swap3A_122 = arith.index_cast %swap3A_121 : i32 to index
    %swap3A_123 = arith.constant 48 : index
    %swap3A_124 = tpu.vector_load %arg10[%swap3A_122, %swap3A_123] {strides = array<i32>} : memref<128x64xf32, #tpu.memory_space<vmem>>, vector<1x16xf32>,
    %swap3A_125 = vector.shape_cast %swap3A_124 : vector<1x16xf32> to vector<16xf32>
    %swap3A_126 = vector.shape_cast %broadcast_in_dim3A_55 : vector<16xf32> to vector<1x16xf32>
    tpu.vector_store %arg10[%swap3A_122, %swap3A_123], %swap3A_126 {strides = array<i32>} : memref<128x64xf32, #tpu.memory_space<vmem>>, vector<1x16xf32>,
    %swap3A_127 = arith.constant 3 : i32
    %swap3A_128 = arith.index_cast %swap3A_127 : i32 to index
    %swap3A_129 = arith.constant 0 : index
    %swap3A_130 = tpu.vector_load %arg10[%swap3A_128, %swap3A_129] {strides = array<i32>} : memref<128x64xf32, #tpu.memory_space<vmem>>, vector<1x16xf32>,
    %swap3A_131 = vector.shape_cast %swap3A_130 : vector<1x16xf32> to vector<16xf32>
    %swap3A_132 = vector.shape_cast %broadcast_in_dim3A_55 : vector<16xf32> to vector<1x16xf32>
    tpu.vector_store %arg10[%swap3A_128, %swap3A_129], %swap3A_132 {strides = array<i32>} : memref<128x64xf32, #tpu.memory_space<vmem>>, vector<1x16xf32>,
    %swap3A_133 = arith.constant 3 : i32
    %swap3A_134 = arith.index_cast %swap3A_133 : i32 to index
    %swap3A_135 = arith.constant 16 : index
    %swap3A_136 = tpu.vector_load %arg10[%swap3A_134, %swap3A_135] {strides = array<i32>} : memref<128x64xf32, #tpu.memory_space<vmem>>, vector<1x16xf32>,
    %swap3A_137 = vector.shape_cast %swap3A_136 : vector<1x16xf32> to vector<16xf32>
    %swap3A_138 = vector.shape_cast %broadcast_in_dim3A_55 : vector<16xf32> to vector<1x16xf32>
    tpu.vector_store %arg10[%swap3A_134, %swap3A_135], %swap3A_138 {strides = array<i32>} : memref<128x64xf32, #tpu.memory_space<vmem>>, vector<1x16xf32>,
    %swap3A_139 = arith.constant 3 : i32
    %swap3A_140 = arith.index_cast %swap3A_139 : i32 to index
    %swap3A_141 = arith.constant 32 : index
    %swap3A_142 = tpu.vector_load %arg10[%swap3A_140, %swap3A_141] {strides = array<i32>} : memref<128x64xf32, #tpu.memory_space<vmem>>, vector<1x16xf32>,
    %swap3A_143 = vector.shape_cast %swap3A_142 : vector<1x16xf32> to vector<16xf32>
    %swap3A_144 = vector.shape_cast %broadcast_in_dim3A_55 : vector<16xf32> to vector<1x16xf32>
    tpu.vector_store %arg10[%swap3A_140, %swap3A_141], %swap3A_144 {strides = array<i32>} : memref<128x64xf32, #tpu.memory_space<vmem>>, vector<1x16xf32>,
    %swap3A_145 = arith.constant 3 : i32
    %swap3A_146 = arith.index_cast %swap3A_145 : i32 to index
    %swap3A_147 = arith.constant 48 : index
    %swap3A_148 = tpu.vector_load %arg10[%swap3A_146, %swap3A_147] {strides = array<i32>} : memref<128x64xf32, #tpu.memory_space<vmem>>, vector<1x16xf32>,
    %swap3A_149 = vector.shape_cast %swap3A_148 : vector<1x16xf32> to vector<16xf32>
    %swap3A_150 = vector.shape_cast %broadcast_in_dim3A_55 : vector<16xf32> to vector<1x16xf32>
    tpu.vector_store %arg10[%swap3A_146, %swap3A_147], %swap3A_150 {strides = array<i32>} : memref<128x64xf32, #tpu.memory_space<vmem>>, vector<1x16xf32>,
    %swap3A_151 = arith.constant 4 : i32
    %swap3A_152 = arith.index_cast %swap3A_151 : i32 to index
    %swap3A_153 = arith.constant 0 : index
    %swap3A_154 = tpu.vector_load %arg10[%swap3A_152, %swap3A_153] {strides = array<i32>} : memref<128x64xf32, #tpu.memory_space<vmem>>, vector<1x16xf32>,
    %swap3A_155 = vector.shape_cast %swap3A_154 : vector<1x16xf32> to vector<16xf32>
    %swap3A_156 = vector.shape_cast %broadcast_in_dim3A_55 : vector<16xf32> to vector<1x16xf32>
    tpu.vector_store %arg10[%swap3A_152, %swap3A_153], %swap3A_156 {strides = array<i32>} : memref<128x64xf32, #tpu.memory_space<vmem>>, vector<1x16xf32>,
    %swap3A_157 = arith.constant 4 : i32
    %swap3A_158 = arith.index_cast %swap3A_157 : i32 to index
    %swap3A_159 = arith.constant 16 : index
    %swap3A_160 = tpu.vector_load %arg10[%swap3A_158, %swap3A_159] {strides = array<i32>} : memref<128x64xf32, #tpu.memory_space<vmem>>, vector<1x16xf32>,
    %swap3A_161 = vector.shape_cast %swap3A_160 : vector<1x16xf32> to vector<16xf32>
    %swap3A_162 = vector.shape_cast %broadcast_in_dim3A_55 : vector<16xf32> to vector<1x16xf32>
    tpu.vector_store %arg10[%swap3A_158, %swap3A_159], %swap3A_162 {strides = array<i32>} : memref<128x64xf32, #tpu.memory_space<vmem>>, vector<1x16xf32>,
    %swap3A_163 = arith.constant 4 : i32
    %swap3A_164 = arith.index_cast %swap3A_163 : i32 to index
    %swap3A_165 = arith.constant 32 : index
    %swap3A_166 = tpu.vector_load %arg10[%swap3A_164, %swap3A_165] {strides = array<i32>} : memref<128x64xf32, #tpu.memory_space<vmem>>, vector<1x16xf32>,
    %swap3A_167 = vector.shape_cast %swap3A_166 : vector<1x16xf32> to vector<16xf32>
    %swap3A_168 = vector.shape_cast %broadcast_in_dim3A_55 : vector<16xf32> to vector<1x16xf32>
    tpu.vector_store %arg10[%swap3A_164, %swap3A_165], %swap3A_168 {strides = array<i32>} : memref<128x64xf32, #tpu.memory_space<vmem>>, vector<1x16xf32>,
    %swap3A_169 = arith.constant 4 : i32
    %swap3A_170 = arith.index_cast %swap3A_169 : i32 to index
    %swap3A_171 = arith.constant 48 : index
    %swap3A_172 = tpu.vector_load %arg10[%swap3A_170, %swap3A_171] {strides = array<i32>} : memref<128x64xf32, #tpu.memory_space<vmem>>, vector<1x16xf32>,
    %swap3A_173 = vector.shape_cast %swap3A_172 : vector<1x16xf32> to vector<16xf32>
    %swap3A_174 = vector.shape_cast %broadcast_in_dim3A_55 : vector<16xf32> to vector<1x16xf32>
    tpu.vector_store %arg10[%swap3A_170, %swap3A_171], %swap3A_174 {strides = array<i32>} : memref<128x64xf32, #tpu.memory_space<vmem>>, vector<1x16xf32>,
    %swap3A_175 = arith.constant 5 : i32
    %swap3A_176 = arith.index_cast %swap3A_175 : i32 to index
    %swap3A_177 = arith.constant 0 : index
    %swap3A_178 = tpu.vector_load %arg10[%swap3A_176, %swap3A_177] {strides = array<i32>} : memref<128x64xf32, #tpu.memory_space<vmem>>, vector<1x16xf32>,
    %swap3A_179 = vector.shape_cast %swap3A_178 : vector<1x16xf32> to vector<16xf32>
    %swap3A_180 = vector.shape_cast %broadcast_in_dim3A_55 : vector<16xf32> to vector<1x16xf32>
    tpu.vector_store %arg10[%swap3A_176, %swap3A_177], %swap3A_180 {strides = array<i32>} : memref<128x64xf32, #tpu.memory_space<vmem>>, vector<1x16xf32>,
    %swap3A_181 = arith.constant 5 : i32
    %swap3A_182 = arith.index_cast %swap3A_181 : i32 to index
    %swap3A_183 = arith.constant 16 : index
    %swap3A_184 = tpu.vector_load %arg10[%swap3A_182, %swap3A_183] {strides = array<i32>} : memref<128x64xf32, #tpu.memory_space<vmem>>, vector<1x16xf32>,
    %swap3A_185 = vector.shape_cast %swap3A_184 : vector<1x16xf32> to vector<16xf32>
    %swap3A_186 = vector.shape_cast %broadcast_in_dim3A_55 : vector<16xf32> to vector<1x16xf32>
    tpu.vector_store %arg10[%swap3A_182, %swap3A_183], %swap3A_186 {strides = array<i32>} : memref<128x64xf32, #tpu.memory_space<vmem>>, vector<1x16xf32>,
    %swap3A_187 = arith.constant 5 : i32
    %swap3A_188 = arith.index_cast %swap3A_187 : i32 to index
    %swap3A_189 = arith.constant 32 : index
    %swap3A_190 = tpu.vector_load %arg10[%swap3A_188, %swap3A_189] {strides = array<i32>} : memref<128x64xf32, #tpu.memory_space<vmem>>, vector<1x16xf32>,
    %swap3A_191 = vector.shape_cast %swap3A_190 : vector<1x16xf32> to vector<16xf32>
    %swap3A_192 = vector.shape_cast %broadcast_in_dim3A_55 : vector<16xf32> to vector<1x16xf32>
    tpu.vector_store %arg10[%swap3A_188, %swap3A_189], %swap3A_192 {strides = array<i32>} : memref<128x64xf32, #tpu.memory_space<vmem>>, vector<1x16xf32>,
    %swap3A_193 = arith.constant 5 : i32
    %swap3A_194 = arith.index_cast %swap3A_193 : i32 to index
    %swap3A_195 = arith.constant 48 : index
    %swap3A_196 = tpu.vector_load %arg10[%swap3A_194, %swap3A_195] {strides = array<i32>} : memref<128x64xf32, #tpu.memory_space<vmem>>, vector<1x16xf32>,
    %swap3A_197 = vector.shape_cast %swap3A_196 : vector<1x16xf32> to vector<16xf32>
    %swap3A_198 = vector.shape_cast %broadcast_in_dim3A_55 : vector<16xf32> to vector<1x16xf32>
    tpu.vector_store %arg10[%swap3A_194, %swap3A_195], %swap3A_198 {strides = array<i32>} : memref<128x64xf32, #tpu.memory_space<vmem>>, vector<1x16xf32>,
    %swap3A_199 = arith.constant 6 : i32
    %swap3A_200 = arith.index_cast %swap3A_199 : i32 to index
    %swap3A_201 = arith.constant 0 : index
    %swap3A_202 = tpu.vector_load %arg10[%swap3A_200, %swap3A_201] {strides = array<i32>} : memref<128x64xf32, #tpu.memory_space<vmem>>, vector<1x16xf32>,
    %swap3A_203 = vector.shape_cast %swap3A_202 : vector<1x16xf32> to vector<16xf32>
    %swap3A_204 = vector.shape_cast %broadcast_in_dim3A_55 : vector<16xf32> to vector<1x16xf32>
    tpu.vector_store %arg10[%swap3A_200, %swap3A_201], %swap3A_204 {strides = array<i32>} : memref<128x64xf32, #tpu.memory_space<vmem>>, vector<1x16xf32>,
    %swap3A_205 = arith.constant 6 : i32
    %swap3A_206 = arith.index_cast %swap3A_205 : i32 to index
    %swap3A_207 = arith.constant 16 : index
    %swap3A_208 = tpu.vector_load %arg10[%swap3A_206, %swap3A_207] {strides = array<i32>} : memref<128x64xf32, #tpu.memory_space<vmem>>, vector<1x16xf32>,
    %swap3A_209 = vector.shape_cast %swap3A_208 : vector<1x16xf32> to vector<16xf32>
    %swap3A_210 = vector.shape_cast %broadcast_in_dim3A_55 : vector<16xf32> to vector<1x16xf32>
    tpu.vector_store %arg10[%swap3A_206, %swap3A_207], %swap3A_210 {strides = array<i32>} : memref<128x64xf32, #tpu.memory_space<vmem>>, vector<1x16xf32>,
    %swap3A_211 = arith.constant 6 : i32
    %swap3A_212 = arith.index_cast %swap3A_211 : i32 to index
    %swap3A_213 = arith.constant 32 : index
    %swap3A_214 = tpu.vector_load %arg10[%swap3A_212, %swap3A_213] {strides = array<i32>} : memref<128x64xf32, #tpu.memory_space<vmem>>, vector<1x16xf32>,
    %swap3A_215 = vector.shape_cast %swap3A_214 : vector<1x16xf32> to vector<16xf32>
    %swap3A_216 = vector.shape_cast %broadcast_in_dim3A_55 : vector<16xf32> to vector<1x16xf32>
    tpu.vector_store %arg10[%swap3A_212, %swap3A_213], %swap3A_216 {strides = array<i32>} : memref<128x64xf32, #tpu.memory_space<vmem>>, vector<1x16xf32>,
    %swap3A_217 = arith.constant 6 : i32
    %swap3A_218 = arith.index_cast %swap3A_217 : i32 to index
    %swap3A_219 = arith.constant 48 : index
    %swap3A_220 = tpu.vector_load %arg10[%swap3A_218, %swap3A_219] {strides = array<i32>} : memref<128x64xf32, #tpu.memory_space<vmem>>, vector<1x16xf32>,
    %swap3A_221 = vector.shape_cast %swap3A_220 : vector<1x16xf32> to vector<16xf32>
    %swap3A_222 = vector.shape_cast %broadcast_in_dim3A_55 : vector<16xf32> to vector<1x16xf32>
    tpu.vector_store %arg10[%swap3A_218, %swap3A_219], %swap3A_222 {strides = array<i32>} : memref<128x64xf32, #tpu.memory_space<vmem>>, vector<1x16xf32>,
    %swap3A_223 = arith.constant 7 : i32
    %swap3A_224 = arith.index_cast %swap3A_223 : i32 to index
    %swap3A_225 = arith.constant 0 : index
    %swap3A_226 = tpu.vector_load %arg10[%swap3A_224, %swap3A_225] {strides = array<i32>} : memref<128x64xf32, #tpu.memory_space<vmem>>, vector<1x16xf32>,
    %swap3A_227 = vector.shape_cast %swap3A_226 : vector<1x16xf32> to vector<16xf32>
    %swap3A_228 = vector.shape_cast %broadcast_in_dim3A_55 : vector<16xf32> to vector<1x16xf32>
    tpu.vector_store %arg10[%swap3A_224, %swap3A_225], %swap3A_228 {strides = array<i32>} : memref<128x64xf32, #tpu.memory_space<vmem>>, vector<1x16xf32>,
    %swap3A_229 = arith.constant 7 : i32
    %swap3A_230 = arith.index_cast %swap3A_229 : i32 to index
    %swap3A_231 = arith.constant 16 : index
    %swap3A_232 = tpu.vector_load %arg10[%swap3A_230, %swap3A_231] {strides = array<i32>} : memref<128x64xf32, #tpu.memory_space<vmem>>, vector<1x16xf32>,
    %swap3A_233 = vector.shape_cast %swap3A_232 : vector<1x16xf32> to vector<16xf32>
    %swap3A_234 = vector.shape_cast %broadcast_in_dim3A_55 : vector<16xf32> to vector<1x16xf32>
    tpu.vector_store %arg10[%swap3A_230, %swap3A_231], %swap3A_234 {strides = array<i32>} : memref<128x64xf32, #tpu.memory_space<vmem>>, vector<1x16xf32>,
    %swap3A_235 = arith.constant 7 : i32
    %swap3A_236 = arith.index_cast %swap3A_235 : i32 to index
    %swap3A_237 = arith.constant 32 : index
    %swap3A_238 = tpu.vector_load %arg10[%swap3A_236, %swap3A_237] {strides = array<i32>} : memref<128x64xf32, #tpu.memory_space<vmem>>, vector<1x16xf32>,
    %swap3A_239 = vector.shape_cast %swap3A_238 : vector<1x16xf32> to vector<16xf32>
    %swap3A_240 = vector.shape_cast %broadcast_in_dim3A_55 : vector<16xf32> to vector<1x16xf32>
    tpu.vector_store %arg10[%swap3A_236, %swap3A_237], %swap3A_240 {strides = array<i32>} : memref<128x64xf32, #tpu.memory_space<vmem>>, vector<1x16xf32>,
    %swap3A_241 = arith.constant 7 : i32
    %swap3A_242 = arith.index_cast %swap3A_241 : i32 to index
    %swap3A_243 = arith.constant 48 : index
    %swap3A_244 = tpu.vector_load %arg10[%swap3A_242, %swap3A_243] {strides = array<i32>} : memref<128x64xf32, #tpu.memory_space<vmem>>, vector<1x16xf32>,
    %swap3A_245 = vector.shape_cast %swap3A_244 : vector<1x16xf32> to vector<16xf32>
    %swap3A_246 = vector.shape_cast %broadcast_in_dim3A_55 : vector<16xf32> to vector<1x16xf32>
    tpu.vector_store %arg10[%swap3A_242, %swap3A_243], %swap3A_246 {strides = array<i32>} : memref<128x64xf32, #tpu.memory_space<vmem>>, vector<1x16xf32>,
    %swap3A_247 = arith.constant 8 : i32
    %swap3A_248 = arith.index_cast %swap3A_247 : i32 to index
    %swap3A_249 = arith.constant 0 : index
    %swap3A_250 = tpu.vector_load %arg10[%swap3A_248, %swap3A_249] {strides = array<i32>} : memref<128x64xf32, #tpu.memory_space<vmem>>, vector<1x16xf32>,
    %swap3A_251 = vector.shape_cast %swap3A_250 : vector<1x16xf32> to vector<16xf32>
    %swap3A_252 = vector.shape_cast %broadcast_in_dim3A_55 : vector<16xf32> to vector<1x16xf32>
    tpu.vector_store %arg10[%swap3A_248, %swap3A_249], %swap3A_252 {strides = array<i32>} : memref<128x64xf32, #tpu.memory_space<vmem>>, vector<1x16xf32>,
    %swap3A_253 = arith.constant 8 : i32
    %swap3A_254 = arith.index_cast %swap3A_253 : i32 to index
    %swap3A_255 = arith.constant 16 : index
    %swap3A_256 = tpu.vector_load %arg10[%swap3A_254, %swap3A_255] {strides = array<i32>} : memref<128x64xf32, #tpu.memory_space<vmem>>, vector<1x16xf32>,
    %swap3A_257 = vector.shape_cast %swap3A_256 : vector<1x16xf32> to vector<16xf32>
    %swap3A_258 = vector.shape_cast %broadcast_in_dim3A_55 : vector<16xf32> to vector<1x16xf32>
    tpu.vector_store %arg10[%swap3A_254, %swap3A_255], %swap3A_258 {strides = array<i32>} : memref<128x64xf32, #tpu.memory_space<vmem>>, vector<1x16xf32>,
    %swap3A_259 = arith.constant 8 : i32
    %swap3A_260 = arith.index_cast %swap3A_259 : i32 to index
    %swap3A_261 = arith.constant 32 : index
    %swap3A_262 = tpu.vector_load %arg10[%swap3A_260, %swap3A_261] {strides = array<i32>} : memref<128x64xf32, #tpu.memory_space<vmem>>, vector<1x16xf32>,
    %swap3A_263 = vector.shape_cast %swap3A_262 : vector<1x16xf32> to vector<16xf32>
    %swap3A_264 = vector.shape_cast %broadcast_in_dim3A_55 : vector<16xf32> to vector<1x16xf32>
    tpu.vector_store %arg10[%swap3A_260, %swap3A_261], %swap3A_264 {strides = array<i32>} : memref<128x64xf32, #tpu.memory_space<vmem>>, vector<1x16xf32>,
    %swap3A_265 = arith.constant 8 : i32
    %swap3A_266 = arith.index_cast %swap3A_265 : i32 to index
    %swap3A_267 = arith.constant 48 : index
    %swap3A_268 = tpu.vector_load %arg10[%swap3A_266, %swap3A_267] {strides = array<i32>} : memref<128x64xf32, #tpu.memory_space<vmem>>, vector<1x16xf32>,
    %swap3A_269 = vector.shape_cast %swap3A_268 : vector<1x16xf32> to vector<16xf32>
    %swap3A_270 = vector.shape_cast %broadcast_in_dim3A_55 : vector<16xf32> to vector<1x16xf32>
    tpu.vector_store %arg10[%swap3A_266, %swap3A_267], %swap3A_270 {strides = array<i32>} : memref<128x64xf32, #tpu.memory_space<vmem>>, vector<1x16xf32>,
    %swap3A_271 = arith.constant 9 : i32
    %swap3A_272 = arith.index_cast %swap3A_271 : i32 to index
    %swap3A_273 = arith.constant 0 : index
    %swap3A_274 = tpu.vector_load %arg10[%swap3A_272, %swap3A_273] {strides = array<i32>} : memref<128x64xf32, #tpu.memory_space<vmem>>, vector<1x16xf32>,
    %swap3A_275 = vector.shape_cast %swap3A_274 : vector<1x16xf32> to vector<16xf32>
    %swap3A_276 = vector.shape_cast %broadcast_in_dim3A_55 : vector<16xf32> to vector<1x16xf32>
    tpu.vector_store %arg10[%swap3A_272, %swap3A_273], %swap3A_276 {strides = array<i32>} : memref<128x64xf32, #tpu.memory_space<vmem>>, vector<1x16xf32>,
    %swap3A_277 = arith.constant 9 : i32
    %swap3A_278 = arith.index_cast %swap3A_277 : i32 to index
    %swap3A_279 = arith.constant 16 : index
    %swap3A_280 = tpu.vector_load %arg10[%swap3A_278, %swap3A_279] {strides = array<i32>} : memref<128x64xf32, #tpu.memory_space<vmem>>, vector<1x16xf32>,
    %swap3A_281 = vector.shape_cast %swap3A_280 : vector<1x16xf32> to vector<16xf32>
    %swap3A_282 = vector.shape_cast %broadcast_in_dim3A_55 : vector<16xf32> to vector<1x16xf32>
    tpu.vector_store %arg10[%swap3A_278, %swap3A_279], %swap3A_282 {strides = array<i32>} : memref<128x64xf32, #tpu.memory_space<vmem>>, vector<1x16xf32>,
    %swap3A_283 = arith.constant 9 : i32
    %swap3A_284 = arith.index_cast %swap3A_283 : i32 to index
    %swap3A_285 = arith.constant 32 : index
    %swap3A_286 = tpu.vector_load %arg10[%swap3A_284, %swap3A_285] {strides = array<i32>} : memref<128x64xf32, #tpu.memory_space<vmem>>, vector<1x16xf32>,
    %swap3A_287 = vector.shape_cast %swap3A_286 : vector<1x16xf32> to vector<16xf32>
    %swap3A_288 = vector.shape_cast %broadcast_in_dim3A_55 : vector<16xf32> to vector<1x16xf32>
    tpu.vector_store %arg10[%swap3A_284, %swap3A_285], %swap3A_288 {strides = array<i32>} : memref<128x64xf32, #tpu.memory_space<vmem>>, vector<1x16xf32>,
    %swap3A_289 = arith.constant 9 : i32
    %swap3A_290 = arith.index_cast %swap3A_289 : i32 to index
    %swap3A_291 = arith.constant 48 : index
    %swap3A_292 = tpu.vector_load %arg10[%swap3A_290, %swap3A_291] {strides = array<i32>} : memref<128x64xf32, #tpu.memory_space<vmem>>, vector<1x16xf32>,
    %swap3A_293 = vector.shape_cast %swap3A_292 : vector<1x16xf32> to vector<16xf32>
    %swap3A_294 = vector.shape_cast %broadcast_in_dim3A_55 : vector<16xf32> to vector<1x16xf32>
    tpu.vector_store %arg10[%swap3A_290, %swap3A_291], %swap3A_294 {strides = array<i32>} : memref<128x64xf32, #tpu.memory_space<vmem>>, vector<1x16xf32>,
    %swap3A_295 = arith.constant 10 : i32
    %swap3A_296 = arith.index_cast %swap3A_295 : i32 to index
    %swap3A_297 = arith.constant 0 : index
    %swap3A_298 = tpu.vector_load %arg10[%swap3A_296, %swap3A_297] {strides = array<i32>} : memref<128x64xf32, #tpu.memory_space<vmem>>, vector<1x16xf32>,
    %swap3A_299 = vector.shape_cast %swap3A_298 : vector<1x16xf32> to vector<16xf32>
    %swap3A_300 = vector.shape_cast %broadcast_in_dim3A_55 : vector<16xf32> to vector<1x16xf32>
    tpu.vector_store %arg10[%swap3A_296, %swap3A_297], %swap3A_300 {strides = array<i32>} : memref<128x64xf32, #tpu.memory_space<vmem>>, vector<1x16xf32>,
    %swap3A_301 = arith.constant 10 : i32
    %swap3A_302 = arith.index_cast %swap3A_301 : i32 to index
    %swap3A_303 = arith.constant 16 : index
    %swap3A_304 = tpu.vector_load %arg10[%swap3A_302, %swap3A_303] {strides = array<i32>} : memref<128x64xf32, #tpu.memory_space<vmem>>, vector<1x16xf32>,
    %swap3A_305 = vector.shape_cast %swap3A_304 : vector<1x16xf32> to vector<16xf32>
    %swap3A_306 = vector.shape_cast %broadcast_in_dim3A_55 : vector<16xf32> to vector<1x16xf32>
    tpu.vector_store %arg10[%swap3A_302, %swap3A_303], %swap3A_306 {strides = array<i32>} : memref<128x64xf32, #tpu.memory_space<vmem>>, vector<1x16xf32>,
    %swap3A_307 = arith.constant 10 : i32
    %swap3A_308 = arith.index_cast %swap3A_307 : i32 to index
    %swap3A_309 = arith.constant 32 : index
    %swap3A_310 = tpu.vector_load %arg10[%swap3A_308, %swap3A_309] {strides = array<i32>} : memref<128x64xf32, #tpu.memory_space<vmem>>, vector<1x16xf32>,
    %swap3A_311 = vector.shape_cast %swap3A_310 : vector<1x16xf32> to vector<16xf32>
    %swap3A_312 = vector.shape_cast %broadcast_in_dim3A_55 : vector<16xf32> to vector<1x16xf32>
    tpu.vector_store %arg10[%swap3A_308, %swap3A_309], %swap3A_312 {strides = array<i32>} : memref<128x64xf32, #tpu.memory_space<vmem>>, vector<1x16xf32>,
    %swap3A_313 = arith.constant 10 : i32
    %swap3A_314 = arith.index_cast %swap3A_313 : i32 to index
    %swap3A_315 = arith.constant 48 : index
    %swap3A_316 = tpu.vector_load %arg10[%swap3A_314, %swap3A_315] {strides = array<i32>} : memref<128x64xf32, #tpu.memory_space<vmem>>, vector<1x16xf32>,
    %swap3A_317 = vector.shape_cast %swap3A_316 : vector<1x16xf32> to vector<16xf32>
    %swap3A_318 = vector.shape_cast %broadcast_in_dim3A_55 : vector<16xf32> to vector<1x16xf32>
    tpu.vector_store %arg10[%swap3A_314, %swap3A_315], %swap3A_318 {strides = array<i32>} : memref<128x64xf32, #tpu.memory_space<vmem>>, vector<1x16xf32>,
    %swap3A_319 = arith.constant 11 : i32
    %swap3A_320 = arith.index_cast %swap3A_319 : i32 to index
    %swap3A_321 = arith.constant 0 : index
    %swap3A_322 = tpu.vector_load %arg10[%swap3A_320, %swap3A_321] {strides = array<i32>} : memref<128x64xf32, #tpu.memory_space<vmem>>, vector<1x16xf32>,
    %swap3A_323 = vector.shape_cast %swap3A_322 : vector<1x16xf32> to vector<16xf32>
    %swap3A_324 = vector.shape_cast %broadcast_in_dim3A_55 : vector<16xf32> to vector<1x16xf32>
    tpu.vector_store %arg10[%swap3A_320, %swap3A_321], %swap3A_324 {strides = array<i32>} : memref<128x64xf32, #tpu.memory_space<vmem>>, vector<1x16xf32>,
    %swap3A_325 = arith.constant 11 : i32
    %swap3A_326 = arith.index_cast %swap3A_325 : i32 to index
    %swap3A_327 = arith.constant 16 : index
    %swap3A_328 = tpu.vector_load %arg10[%swap3A_326, %swap3A_327] {strides = array<i32>} : memref<128x64xf32, #tpu.memory_space<vmem>>, vector<1x16xf32>,
    %swap3A_329 = vector.shape_cast %swap3A_328 : vector<1x16xf32> to vector<16xf32>
    %swap3A_330 = vector.shape_cast %broadcast_in_dim3A_55 : vector<16xf32> to vector<1x16xf32>
    tpu.vector_store %arg10[%swap3A_326, %swap3A_327], %swap3A_330 {strides = array<i32>} : memref<128x64xf32, #tpu.memory_space<vmem>>, vector<1x16xf32>,
    %swap3A_331 = arith.constant 11 : i32
    %swap3A_332 = arith.index_cast %swap3A_331 : i32 to index
    %swap3A_333 = arith.constant 32 : index
    %swap3A_334 = tpu.vector_load %arg10[%swap3A_332, %swap3A_333] {strides = array<i32>} : memref<128x64xf32, #tpu.memory_space<vmem>>, vector<1x16xf32>,
    %swap3A_335 = vector.shape_cast %swap3A_334 : vector<1x16xf32> to vector<16xf32>
    %swap3A_336 = vector.shape_cast %broadcast_in_dim3A_55 : vector<16xf32> to vector<1x16xf32>
    tpu.vector_store %arg10[%swap3A_332, %swap3A_333], %swap3A_336 {strides = array<i32>} : memref<128x64xf32, #tpu.memory_space<vmem>>, vector<1x16xf32>,
    %swap3A_337 = arith.constant 11 : i32
    %swap3A_338 = arith.index_cast %swap3A_337 : i32 to index
    %swap3A_339 = arith.constant 48 : index
    %swap3A_340 = tpu.vector_load %arg10[%swap3A_338, %swap3A_339] {strides = array<i32>} : memref<128x64xf32, #tpu.memory_space<vmem>>, vector<1x16xf32>,
    %swap3A_341 = vector.shape_cast %swap3A_340 : vector<1x16xf32> to vector<16xf32>
    %swap3A_342 = vector.shape_cast %broadcast_in_dim3A_55 : vector<16xf32> to vector<1x16xf32>
    tpu.vector_store %arg10[%swap3A_338, %swap3A_339], %swap3A_342 {strides = array<i32>} : memref<128x64xf32, #tpu.memory_space<vmem>>, vector<1x16xf32>,
    %swap3A_343 = arith.constant 12 : i32
    %swap3A_344 = arith.index_cast %swap3A_343 : i32 to index
    %swap3A_345 = arith.constant 0 : index
    %swap3A_346 = tpu.vector_load %arg10[%swap3A_344, %swap3A_345] {strides = array<i32>} : memref<128x64xf32, #tpu.memory_space<vmem>>, vector<1x16xf32>,
    %swap3A_347 = vector.shape_cast %swap3A_346 : vector<1x16xf32> to vector<16xf32>
    %swap3A_348 = vector.shape_cast %broadcast_in_dim3A_55 : vector<16xf32> to vector<1x16xf32>
    tpu.vector_store %arg10[%swap3A_344, %swap3A_345], %swap3A_348 {strides = array<i32>} : memref<128x64xf32, #tpu.memory_space<vmem>>, vector<1x16xf32>,
    %swap3A_349 = arith.constant 12 : i32
    %swap3A_350 = arith.index_cast %swap3A_349 : i32 to index
    %swap3A_351 = arith.constant 16 : index
    %swap3A_352 = tpu.vector_load %arg10[%swap3A_350, %swap3A_351] {strides = array<i32>} : memref<128x64xf32, #tpu.memory_space<vmem>>, vector<1x16xf32>,
    %swap3A_353 = vector.shape_cast %swap3A_352 : vector<1x16xf32> to vector<16xf32>
    %swap3A_354 = vector.shape_cast %broadcast_in_dim3A_55 : vector<16xf32> to vector<1x16xf32>
    tpu.vector_store %arg10[%swap3A_350, %swap3A_351], %swap3A_354 {strides = array<i32>} : memref<128x64xf32, #tpu.memory_space<vmem>>, vector<1x16xf32>,
    %swap3A_355 = arith.constant 12 : i32
    %swap3A_356 = arith.index_cast %swap3A_355 : i32 to index
    %swap3A_357 = arith.constant 32 : index
    %swap3A_358 = tpu.vector_load %arg10[%swap3A_356, %swap3A_357] {strides = array<i32>} : memref<128x64xf32, #tpu.memory_space<vmem>>, vector<1x16xf32>,
    %swap3A_359 = vector.shape_cast %swap3A_358 : vector<1x16xf32> to vector<16xf32>
    %swap3A_360 = vector.shape_cast %broadcast_in_dim3A_55 : vector<16xf32> to vector<1x16xf32>
    tpu.vector_store %arg10[%swap3A_356, %swap3A_357], %swap3A_360 {strides = array<i32>} : memref<128x64xf32, #tpu.memory_space<vmem>>, vector<1x16xf32>,
    %swap3A_361 = arith.constant 12 : i32
    %swap3A_362 = arith.index_cast %swap3A_361 : i32 to index
    %swap3A_363 = arith.constant 48 : index
    %swap3A_364 = tpu.vector_load %arg10[%swap3A_362, %swap3A_363] {strides = array<i32>} : memref<128x64xf32, #tpu.memory_space<vmem>>, vector<1x16xf32>,
    %swap3A_365 = vector.shape_cast %swap3A_364 : vector<1x16xf32> to vector<16xf32>
    %swap3A_366 = vector.shape_cast %broadcast_in_dim3A_55 : vector<16xf32> to vector<1x16xf32>
    tpu.vector_store %arg10[%swap3A_362, %swap3A_363], %swap3A_366 {strides = array<i32>} : memref<128x64xf32, #tpu.memory_space<vmem>>, vector<1x16xf32>,
    %swap3A_367 = arith.constant 13 : i32
    %swap3A_368 = arith.index_cast %swap3A_367 : i32 to index
    %swap3A_369 = arith.constant 0 : index
    %swap3A_370 = tpu.vector_load %arg10[%swap3A_368, %swap3A_369] {strides = array<i32>} : memref<128x64xf32, #tpu.memory_space<vmem>>, vector<1x16xf32>,
    %swap3A_371 = vector.shape_cast %swap3A_370 : vector<1x16xf32> to vector<16xf32>
    %swap3A_372 = vector.shape_cast %broadcast_in_dim3A_55 : vector<16xf32> to vector<1x16xf32>
    tpu.vector_store %arg10[%swap3A_368, %swap3A_369], %swap3A_372 {strides = array<i32>} : memref<128x64xf32, #tpu.memory_space<vmem>>, vector<1x16xf32>,
    %swap3A_373 = arith.constant 13 : i32
    %swap3A_374 = arith.index_cast %swap3A_373 : i32 to index
    %swap3A_375 = arith.constant 16 : index
    %swap3A_376 = tpu.vector_load %arg10[%swap3A_374, %swap3A_375] {strides = array<i32>} : memref<128x64xf32, #tpu.memory_space<vmem>>, vector<1x16xf32>,
    %swap3A_377 = vector.shape_cast %swap3A_376 : vector<1x16xf32> to vector<16xf32>
    %swap3A_378 = vector.shape_cast %broadcast_in_dim3A_55 : vector<16xf32> to vector<1x16xf32>
    tpu.vector_store %arg10[%swap3A_374, %swap3A_375], %swap3A_378 {strides = array<i32>} : memref<128x64xf32, #tpu.memory_space<vmem>>, vector<1x16xf32>,
    %swap3A_379 = arith.constant 13 : i32
    %swap3A_380 = arith.index_cast %swap3A_379 : i32 to index
    %swap3A_381 = arith.constant 32 : index
    %swap3A_382 = tpu.vector_load %arg10[%swap3A_380, %swap3A_381] {strides = array<i32>} : memref<128x64xf32, #tpu.memory_space<vmem>>, vector<1x16xf32>,
    %swap3A_383 = vector.shape_cast %swap3A_382 : vector<1x16xf32> to vector<16xf32>
    %swap3A_384 = vector.shape_cast %broadcast_in_dim3A_55 : vector<16xf32> to vector<1x16xf32>
    tpu.vector_store %arg10[%swap3A_380, %swap3A_381], %swap3A_384 {strides = array<i32>} : memref<128x64xf32, #tpu.memory_space<vmem>>, vector<1x16xf32>,
    %swap3A_385 = arith.constant 13 : i32
    %swap3A_386 = arith.index_cast %swap3A_385 : i32 to index
    %swap3A_387 = arith.constant 48 : index
    %swap3A_388 = tpu.vector_load %arg10[%swap3A_386, %swap3A_387] {strides = array<i32>} : memref<128x64xf32, #tpu.memory_space<vmem>>, vector<1x16xf32>,
    %swap3A_389 = vector.shape_cast %swap3A_388 : vector<1x16xf32> to vector<16xf32>
    %swap3A_390 = vector.shape_cast %broadcast_in_dim3A_55 : vector<16xf32> to vector<1x16xf32>
    tpu.vector_store %arg10[%swap3A_386, %swap3A_387], %swap3A_390 {strides = array<i32>} : memref<128x64xf32, #tpu.memory_space<vmem>>, vector<1x16xf32>,
    %swap3A_391 = arith.constant 14 : i32
    %swap3A_392 = arith.index_cast %swap3A_391 : i32 to index
    %swap3A_393 = arith.constant 0 : index
    %swap3A_394 = tpu.vector_load %arg10[%swap3A_392, %swap3A_393] {strides = array<i32>} : memref<128x64xf32, #tpu.memory_space<vmem>>, vector<1x16xf32>,
    %swap3A_395 = vector.shape_cast %swap3A_394 : vector<1x16xf32> to vector<16xf32>
    %swap3A_396 = vector.shape_cast %broadcast_in_dim3A_55 : vector<16xf32> to vector<1x16xf32>
    tpu.vector_store %arg10[%swap3A_392, %swap3A_393], %swap3A_396 {strides = array<i32>} : memref<128x64xf32, #tpu.memory_space<vmem>>, vector<1x16xf32>,
    %swap3A_397 = arith.constant 14 : i32
    %swap3A_398 = arith.index_cast %swap3A_397 : i32 to index
    %swap3A_399 = arith.constant 16 : index
    %swap3A_400 = tpu.vector_load %arg10[%swap3A_398, %swap3A_399] {strides = array<i32>} : memref<128x64xf32, #tpu.memory_space<vmem>>, vector<1x16xf32>,
    %swap3A_401 = vector.shape_cast %swap3A_400 : vector<1x16xf32> to vector<16xf32>
    %swap3A_402 = vector.shape_cast %broadcast_in_dim3A_55 : vector<16xf32> to vector<1x16xf32>
    tpu.vector_store %arg10[%swap3A_398, %swap3A_399], %swap3A_402 {strides = array<i32>} : memref<128x64xf32, #tpu.memory_space<vmem>>, vector<1x16xf32>,
    %swap3A_403 = arith.constant 14 : i32
    %swap3A_404 = arith.index_cast %swap3A_403 : i32 to index
    %swap3A_405 = arith.constant 32 : index
    %swap3A_406 = tpu.vector_load %arg10[%swap3A_404, %swap3A_405] {strides = array<i32>} : memref<128x64xf32, #tpu.memory_space<vmem>>, vector<1x16xf32>,
    %swap3A_407 = vector.shape_cast %swap3A_406 : vector<1x16xf32> to vector<16xf32>
    %swap3A_408 = vector.shape_cast %broadcast_in_dim3A_55 : vector<16xf32> to vector<1x16xf32>
    tpu.vector_store %arg10[%swap3A_404, %swap3A_405], %swap3A_408 {strides = array<i32>} : memref<128x64xf32, #tpu.memory_space<vmem>>, vector<1x16xf32>,
    %swap3A_409 = arith.constant 14 : i32
    %swap3A_410 = arith.index_cast %swap3A_409 : i32 to index
    %swap3A_411 = arith.constant 48 : index
    %swap3A_412 = tpu.vector_load %arg10[%swap3A_410, %swap3A_411] {strides = array<i32>} : memref<128x64xf32, #tpu.memory_space<vmem>>, vector<1x16xf32>,
    %swap3A_413 = vector.shape_cast %swap3A_412 : vector<1x16xf32> to vector<16xf32>
    %swap3A_414 = vector.shape_cast %broadcast_in_dim3A_55 : vector<16xf32> to vector<1x16xf32>
    tpu.vector_store %arg10[%swap3A_410, %swap3A_411], %swap3A_414 {strides = array<i32>} : memref<128x64xf32, #tpu.memory_space<vmem>>, vector<1x16xf32>,
    %swap3A_415 = arith.constant 15 : i32
    %swap3A_416 = arith.index_cast %swap3A_415 : i32 to index
    %swap3A_417 = arith.constant 0 : index
    %swap3A_418 = tpu.vector_load %arg10[%swap3A_416, %swap3A_417] {strides = array<i32>} : memref<128x64xf32, #tpu.memory_space<vmem>>, vector<1x16xf32>,
    %swap3A_419 = vector.shape_cast %swap3A_418 : vector<1x16xf32> to vector<16xf32>
    %swap3A_420 = vector.shape_cast %broadcast_in_dim3A_55 : vector<16xf32> to vector<1x16xf32>
    tpu.vector_store %arg10[%swap3A_416, %swap3A_417], %swap3A_420 {strides = array<i32>} : memref<128x64xf32, #tpu.memory_space<vmem>>, vector<1x16xf32>,
    %swap3A_421 = arith.constant 15 : i32
    %swap3A_422 = arith.index_cast %swap3A_421 : i32 to index
    %swap3A_423 = arith.constant 16 : index
    %swap3A_424 = tpu.vector_load %arg10[%swap3A_422, %swap3A_423] {strides = array<i32>} : memref<128x64xf32, #tpu.memory_space<vmem>>, vector<1x16xf32>,
    %swap3A_425 = vector.shape_cast %swap3A_424 : vector<1x16xf32> to vector<16xf32>
    %swap3A_426 = vector.shape_cast %broadcast_in_dim3A_55 : vector<16xf32> to vector<1x16xf32>
    tpu.vector_store %arg10[%swap3A_422, %swap3A_423], %swap3A_426 {strides = array<i32>} : memref<128x64xf32, #tpu.memory_space<vmem>>, vector<1x16xf32>,
    %swap3A_427 = arith.constant 15 : i32
    %swap3A_428 = arith.index_cast %swap3A_427 : i32 to index
    %swap3A_429 = arith.constant 32 : index
    %swap3A_430 = tpu.vector_load %arg10[%swap3A_428, %swap3A_429] {strides = array<i32>} : memref<128x64xf32, #tpu.memory_space<vmem>>, vector<1x16xf32>,
    %swap3A_431 = vector.shape_cast %swap3A_430 : vector<1x16xf32> to vector<16xf32>
    %swap3A_432 = vector.shape_cast %broadcast_in_dim3A_55 : vector<16xf32> to vector<1x16xf32>
    tpu.vector_store %arg10[%swap3A_428, %swap3A_429], %swap3A_432 {strides = array<i32>} : memref<128x64xf32, #tpu.memory_space<vmem>>, vector<1x16xf32>,
    %swap3A_433 = arith.constant 15 : i32
    %swap3A_434 = arith.index_cast %swap3A_433 : i32 to index
    %swap3A_435 = arith.constant 48 : index
    %swap3A_436 = tpu.vector_load %arg10[%swap3A_434, %swap3A_435] {strides = array<i32>} : memref<128x64xf32, #tpu.memory_space<vmem>>, vector<1x16xf32>,
    %swap3A_437 = vector.shape_cast %swap3A_436 : vector<1x16xf32> to vector<16xf32>
    %swap3A_438 = vector.shape_cast %broadcast_in_dim3A_55 : vector<16xf32> to vector<1x16xf32>
    tpu.vector_store %arg10[%swap3A_434, %swap3A_435], %swap3A_438 {strides = array<i32>} : memref<128x64xf32, #tpu.memory_space<vmem>>, vector<1x16xf32>,
    %lt3A_439 = arith.constant 2 : i32
    %lt3A_440 = arith.cmpi slt, %arg1, %lt3A_439 : i32
    %jit3A = arith.constant 40 : i32
    %jit3A_441 = arith.constant 39 : i32
    %select_n3A = arith.select %lt3A_440, %jit3A, %jit3A_441 : i32
    %lt3A_442 = arith.constant 2 : i32
    %lt3A_443 = arith.cmpi slt, %arg1, %lt3A_442 : i32
    %mul3A = arith.constant 40 : i32
    %mul3A_444 = arith.muli %arg1, %mul3A : i32
    %sub3A = arith.constant 2 : i32
    %sub3A_445 = arith.subi %arg1, %sub3A : i32
    %mul3A_446 = arith.constant 39 : i32
    %mul3A_447 = arith.muli %sub3A_445, %mul3A_446 : i32
    %add3A_448 = arith.constant 80 : i32
    %add3A_449 = arith.addi %add3A_448, %mul3A_447 : i32
    %select_n3A_450 = arith.select %lt3A_443, %mul3A_444, %add3A_449 : i32
    %while3A = arith.constant 0 : i32
    %while3A_451 = arith.constant 0 : i32
    %while3A_452 = arith.subi %select_n3A, %while3A_451 : i32
    %while3A_453 = arith.addi %while3A_451, %while3A_452 : i32
    %while3A_454 = arith.constant 1 : i32
    %while3A_455 = arith.divsi %while3A_452, %while3A_454 : i32
    %while3A_456 = arith.muli %while3A_455, %while3A_454 : i32
    %while3A_457 = arith.addi %while3A_451, %while3A_456 : i32
    %while3A_458 = arith.constant 1 : i32
    scf.for %while3A_565 = %while3A_451 to %while3A_457 step %while3A_458  : i32 {
      %add3A_566 = arith.addi %select_n3A_450, %while3A_565 : i32
      %mul3A_567 = arith.constant 16 : i32
      %mul3A_568 = arith.muli %add3A_566, %mul3A_567 : i32
      "tpu.region"() ({
        %run_scoped3A = tpu.sem_alloc : memref<!tpu.dma_semaphore, #tpu.memory_space<semaphore_mem>>
        %dma_start3A_569 = arith.constant 0 : i32
        %dma_start3A_570 = arith.constant 0 : i32
        %dma_start3A_571 = tpu.memref_slice %arg10[%dma_start3A_569, %dma_start3A_570] : memref<128x64xf32, #tpu.memory_space<vmem>> -> memref<16x64xf32, #tpu.memory_space<vmem>>
        %dma_start3A_572 = arith.constant 0 : i32
        %dma_start3A_573 = tpu.memref_slice %arg13[%mul3A_568, %dma_start3A_572] : memref<10016x64xf32, #tpu.memory_space<vmem_shared>> -> memref<16x64xf32, #tpu.memory_space<vmem_shared>>
        %dma_start3A_574 = arith.constant 0 : i32
        %dma_start3A_575 = tpu.memref_slice %arg13[%mul3A_568, %dma_start3A_574] : memref<10016x64xf32, #tpu.memory_space<vmem_shared>> -> memref<16x64xf32, #tpu.memory_space<vmem_shared>>
        %dma_start3A_576 = arith.constant 0 : i32
        %dma_start3A_577 = arith.constant 0 : i32
        %dma_start3A_578 = tpu.memref_slice %arg10[%dma_start3A_576, %dma_start3A_577] : memref<128x64xf32, #tpu.memory_space<vmem>> -> memref<16x64xf32, #tpu.memory_space<vmem>>
        tpu.enqueue_dma source(%dma_start3A_578 : memref<16x64xf32, #tpu.memory_space<vmem>>) target(%dma_start3A_575 : memref<16x64xf32, #tpu.memory_space<vmem_shared>>) target_semaphore(%run_scoped3A : memref<!tpu.dma_semaphore, #tpu.memory_space<semaphore_mem>>)
        %dma_wait3A = arith.constant 0 : i32
        %dma_wait3A_579 = arith.constant 0 : i32
        %dma_wait3A_580 = tpu.memref_slice %arg10[%dma_wait3A, %dma_wait3A_579] : memref<128x64xf32, #tpu.memory_space<vmem>> -> memref<16x64xf32, #tpu.memory_space<vmem>>
        %dma_wait3A_581 = arith.constant 0 : i32
        %dma_wait3A_582 = tpu.memref_slice %arg13[%mul3A_568, %dma_wait3A_581] : memref<10016x64xf32, #tpu.memory_space<vmem_shared>> -> memref<16x64xf32, #tpu.memory_space<vmem_shared>>
        %dma_wait3A_583 = arith.constant 0 : i32
        %dma_wait3A_584 = tpu.memref_slice %arg13[%mul3A_568, %dma_wait3A_583] : memref<10016x64xf32, #tpu.memory_space<vmem_shared>> -> memref<16x64xf32, #tpu.memory_space<vmem_shared>>
        %dma_wait3A_585 = arith.constant 0 : i32
        %dma_wait3A_586 = arith.constant 0 : i32
        %dma_wait3A_587 = tpu.memref_slice %arg10[%dma_wait3A_585, %dma_wait3A_586] : memref<128x64xf32, #tpu.memory_space<vmem>> -> memref<16x64xf32, #tpu.memory_space<vmem>>
        tpu.wait_dma2 semaphore(%run_scoped3A : memref<!tpu.dma_semaphore, #tpu.memory_space<semaphore_mem>>) src(%dma_wait3A_587 : memref<16x64xf32, #tpu.memory_space<vmem>>) dst(%dma_wait3A_584 : memref<16x64xf32, #tpu.memory_space<vmem_shared>>)
        tpu.yield
      }) : () -> ()
    }
    %while3A_459 = arith.constant 1 : i32
    scf.for %while3A_565 = %while3A_457 to %while3A_453 step %while3A_459  : i32 {
      %add3A_566 = arith.addi %select_n3A_450, %while3A_565 : i32
      %mul3A_567 = arith.constant 16 : i32
      %mul3A_568 = arith.muli %add3A_566, %mul3A_567 : i32
      "tpu.region"() ({
        %run_scoped3A = tpu.sem_alloc : memref<!tpu.dma_semaphore, #tpu.memory_space<semaphore_mem>>
        %dma_start3A_569 = arith.constant 0 : i32
        %dma_start3A_570 = arith.constant 0 : i32
        %dma_start3A_571 = tpu.memref_slice %arg10[%dma_start3A_569, %dma_start3A_570] : memref<128x64xf32, #tpu.memory_space<vmem>> -> memref<16x64xf32, #tpu.memory_space<vmem>>
        %dma_start3A_572 = arith.constant 0 : i32
        %dma_start3A_573 = tpu.memref_slice %arg13[%mul3A_568, %dma_start3A_572] : memref<10016x64xf32, #tpu.memory_space<vmem_shared>> -> memref<16x64xf32, #tpu.memory_space<vmem_shared>>
        %dma_start3A_574 = arith.constant 0 : i32
        %dma_start3A_575 = tpu.memref_slice %arg13[%mul3A_568, %dma_start3A_574] : memref<10016x64xf32, #tpu.memory_space<vmem_shared>> -> memref<16x64xf32, #tpu.memory_space<vmem_shared>>
        %dma_start3A_576 = arith.constant 0 : i32
        %dma_start3A_577 = arith.constant 0 : i32
        %dma_start3A_578 = tpu.memref_slice %arg10[%dma_start3A_576, %dma_start3A_577] : memref<128x64xf32, #tpu.memory_space<vmem>> -> memref<16x64xf32, #tpu.memory_space<vmem>>
        tpu.enqueue_dma source(%dma_start3A_578 : memref<16x64xf32, #tpu.memory_space<vmem>>) target(%dma_start3A_575 : memref<16x64xf32, #tpu.memory_space<vmem_shared>>) target_semaphore(%run_scoped3A : memref<!tpu.dma_semaphore, #tpu.memory_space<semaphore_mem>>)
        %dma_wait3A = arith.constant 0 : i32
        %dma_wait3A_579 = arith.constant 0 : i32
        %dma_wait3A_580 = tpu.memref_slice %arg10[%dma_wait3A, %dma_wait3A_579] : memref<128x64xf32, #tpu.memory_space<vmem>> -> memref<16x64xf32, #tpu.memory_space<vmem>>
        %dma_wait3A_581 = arith.constant 0 : i32
        %dma_wait3A_582 = tpu.memref_slice %arg13[%mul3A_568, %dma_wait3A_581] : memref<10016x64xf32, #tpu.memory_space<vmem_shared>> -> memref<16x64xf32, #tpu.memory_space<vmem_shared>>
        %dma_wait3A_583 = arith.constant 0 : i32
        %dma_wait3A_584 = tpu.memref_slice %arg13[%mul3A_568, %dma_wait3A_583] : memref<10016x64xf32, #tpu.memory_space<vmem_shared>> -> memref<16x64xf32, #tpu.memory_space<vmem_shared>>
        %dma_wait3A_585 = arith.constant 0 : i32
        %dma_wait3A_586 = arith.constant 0 : i32
        %dma_wait3A_587 = tpu.memref_slice %arg10[%dma_wait3A_585, %dma_wait3A_586] : memref<128x64xf32, #tpu.memory_space<vmem>> -> memref<16x64xf32, #tpu.memory_space<vmem>>
        tpu.wait_dma2 semaphore(%run_scoped3A : memref<!tpu.dma_semaphore, #tpu.memory_space<semaphore_mem>>) src(%dma_wait3A_587 : memref<16x64xf32, #tpu.memory_space<vmem>>) dst(%dma_wait3A_584 : memref<16x64xf32, #tpu.memory_space<vmem_shared>>)
        tpu.yield
      }) : () -> ()
    }
    %barrier3A = arith.constant 0 : index
    tpu.barrier barrier_id(%barrier3A)
    "tpu.region"() ({
      %run_scoped3A = tpu.sem_alloc : memref<!tpu.dma_semaphore, #tpu.memory_space<semaphore_mem>>
      %dma_start3A_565 = arith.constant 0 : i32
      %dma_start3A_566 = arith.constant 0 : i32
      %dma_start3A_567 = tpu.memref_slice %arg4[%arg1, %dma_start3A_565, %dma_start3A_566] : memref<16x160x128xi32, #tpu.memory_space<hbm>> -> memref<1x40x128xi32, #tpu.memory_space<hbm>>
      %dma_start3A_568 = tpu.memref_squeeze %dma_start3A_567 : memref<1x40x128xi32, #tpu.memory_space<hbm>> -> memref<40x128xi32, #tpu.memory_space<hbm>>
      %dma_start3A_569 = arith.constant 0 : i32
      %dma_start3A_570 = arith.constant 0 : i32
      %dma_start3A_571 = tpu.memref_slice %arg4[%arg1, %dma_start3A_569, %dma_start3A_570] : memref<16x160x128xi32, #tpu.memory_space<hbm>> -> memref<1x40x128xi32, #tpu.memory_space<hbm>>
      %dma_start3A_572 = tpu.memref_squeeze %dma_start3A_571 : memref<1x40x128xi32, #tpu.memory_space<hbm>> -> memref<40x128xi32, #tpu.memory_space<hbm>>
      tpu.enqueue_dma source(%dma_start3A_572 : memref<40x128xi32, #tpu.memory_space<hbm>>) target(%arg8 : memref<40x128xi32, #tpu.memory_space<vmem>>) target_semaphore(%run_scoped3A : memref<!tpu.dma_semaphore, #tpu.memory_space<semaphore_mem>>)
      %dma_wait3A = arith.constant 0 : i32
      %dma_wait3A_573 = arith.constant 0 : i32
      %dma_wait3A_574 = tpu.memref_slice %arg4[%arg1, %dma_wait3A, %dma_wait3A_573] : memref<16x160x128xi32, #tpu.memory_space<hbm>> -> memref<1x40x128xi32, #tpu.memory_space<hbm>>
      %dma_wait3A_575 = tpu.memref_squeeze %dma_wait3A_574 : memref<1x40x128xi32, #tpu.memory_space<hbm>> -> memref<40x128xi32, #tpu.memory_space<hbm>>
      %dma_wait3A_576 = arith.constant 0 : i32
      %dma_wait3A_577 = arith.constant 0 : i32
      %dma_wait3A_578 = tpu.memref_slice %arg4[%arg1, %dma_wait3A_576, %dma_wait3A_577] : memref<16x160x128xi32, #tpu.memory_space<hbm>> -> memref<1x40x128xi32, #tpu.memory_space<hbm>>
      %dma_wait3A_579 = tpu.memref_squeeze %dma_wait3A_578 : memref<1x40x128xi32, #tpu.memory_space<hbm>> -> memref<40x128xi32, #tpu.memory_space<hbm>>
      tpu.wait_dma2 semaphore(%run_scoped3A : memref<!tpu.dma_semaphore, #tpu.memory_space<semaphore_mem>>) src(%dma_wait3A_579 : memref<40x128xi32, #tpu.memory_space<hbm>>) dst(%arg8 : memref<40x128xi32, #tpu.memory_space<vmem>>)
      tpu.yield
    }) : () -> ()
    "tpu.region"() ({
      %run_scoped3A = tpu.sem_alloc : memref<!tpu.dma_semaphore, #tpu.memory_space<semaphore_mem>>
      %dma_start3A_565 = arith.constant 0 : i32
      %dma_start3A_566 = arith.constant 0 : i32
      %dma_start3A_567 = tpu.memref_slice %arg5[%arg1, %dma_start3A_565, %dma_start3A_566] : memref<16x160x128xi32, #tpu.memory_space<hbm>> -> memref<1x40x128xi32, #tpu.memory_space<hbm>>
      %dma_start3A_568 = tpu.memref_squeeze %dma_start3A_567 : memref<1x40x128xi32, #tpu.memory_space<hbm>> -> memref<40x128xi32, #tpu.memory_space<hbm>>
      %dma_start3A_569 = arith.constant 0 : i32
      %dma_start3A_570 = arith.constant 0 : i32
      %dma_start3A_571 = tpu.memref_slice %arg5[%arg1, %dma_start3A_569, %dma_start3A_570] : memref<16x160x128xi32, #tpu.memory_space<hbm>> -> memref<1x40x128xi32, #tpu.memory_space<hbm>>
      %dma_start3A_572 = tpu.memref_squeeze %dma_start3A_571 : memref<1x40x128xi32, #tpu.memory_space<hbm>> -> memref<40x128xi32, #tpu.memory_space<hbm>>
      tpu.enqueue_dma source(%dma_start3A_572 : memref<40x128xi32, #tpu.memory_space<hbm>>) target(%arg9 : memref<40x128xi32, #tpu.memory_space<vmem>>) target_semaphore(%run_scoped3A : memref<!tpu.dma_semaphore, #tpu.memory_space<semaphore_mem>>)
      %dma_wait3A = arith.constant 0 : i32
      %dma_wait3A_573 = arith.constant 0 : i32
      %dma_wait3A_574 = tpu.memref_slice %arg5[%arg1, %dma_wait3A, %dma_wait3A_573] : memref<16x160x128xi32, #tpu.memory_space<hbm>> -> memref<1x40x128xi32, #tpu.memory_space<hbm>>
      %dma_wait3A_575 = tpu.memref_squeeze %dma_wait3A_574 : memref<1x40x128xi32, #tpu.memory_space<hbm>> -> memref<40x128xi32, #tpu.memory_space<hbm>>
      %dma_wait3A_576 = arith.constant 0 : i32
      %dma_wait3A_577 = arith.constant 0 : i32
      %dma_wait3A_578 = tpu.memref_slice %arg5[%arg1, %dma_wait3A_576, %dma_wait3A_577] : memref<16x160x128xi32, #tpu.memory_space<hbm>> -> memref<1x40x128xi32, #tpu.memory_space<hbm>>
      %dma_wait3A_579 = tpu.memref_squeeze %dma_wait3A_578 : memref<1x40x128xi32, #tpu.memory_space<hbm>> -> memref<40x128xi32, #tpu.memory_space<hbm>>
      tpu.wait_dma2 semaphore(%run_scoped3A : memref<!tpu.dma_semaphore, #tpu.memory_space<semaphore_mem>>) src(%dma_wait3A_579 : memref<40x128xi32, #tpu.memory_space<hbm>>) dst(%arg9 : memref<40x128xi32, #tpu.memory_space<vmem>>)
      tpu.yield
    }) : () -> ()
    %dma_start3A = arith.constant 0 : i32
    %dma_start3A_460 = arith.constant 0 : i32
    %dma_start3A_461 = tpu.memref_slice %arg8[%dma_start3A, %dma_start3A_460] : memref<40x128xi32, #tpu.memory_space<vmem>> -> memref<1x128xi32, #tpu.memory_space<vmem>>
    %dma_start3A_462 = tpu.memref_squeeze %dma_start3A_461 : memref<1x128xi32, #tpu.memory_space<vmem>> -> memref<128xi32, #tpu.memory_space<vmem>>
    %dma_start3A_463 = arith.constant 0 : i32
    %dma_start3A_464 = arith.constant 0 : i32
    %dma_start3A_465 = tpu.memref_slice %arg12[%dma_start3A_463, %dma_start3A_464] : memref<10000x64xf32, #tpu.memory_space<vmem_shared>> -> memref<10000x64xf32, #tpu.memory_space<vmem_shared>>
    tpu.enqueue_indirect_dma source(%dma_start3A_465 : memref<10000x64xf32, #tpu.memory_space<vmem_shared>>) target(%arg10 : memref<128x64xf32, #tpu.memory_space<vmem>>) offsets(%dma_start3A_462 : memref<128xi32, #tpu.memory_space<vmem>>) semaphore(%arg14 : memref<!tpu.dma_semaphore, #tpu.memory_space<semaphore_mem>>)
    %dma_start3A_466 = arith.constant 1 : i32
    %dma_start3A_467 = arith.constant 0 : i32
    %dma_start3A_468 = tpu.memref_slice %arg8[%dma_start3A_466, %dma_start3A_467] : memref<40x128xi32, #tpu.memory_space<vmem>> -> memref<1x128xi32, #tpu.memory_space<vmem>>
    %dma_start3A_469 = tpu.memref_squeeze %dma_start3A_468 : memref<1x128xi32, #tpu.memory_space<vmem>> -> memref<128xi32, #tpu.memory_space<vmem>>
    %dma_start3A_470 = arith.constant 0 : i32
    %dma_start3A_471 = arith.constant 0 : i32
    %dma_start3A_472 = tpu.memref_slice %arg12[%dma_start3A_470, %dma_start3A_471] : memref<10000x64xf32, #tpu.memory_space<vmem_shared>> -> memref<10000x64xf32, #tpu.memory_space<vmem_shared>>
    tpu.enqueue_indirect_dma source(%dma_start3A_472 : memref<10000x64xf32, #tpu.memory_space<vmem_shared>>) target(%arg11 : memref<128x64xf32, #tpu.memory_space<vmem>>) offsets(%dma_start3A_469 : memref<128xi32, #tpu.memory_space<vmem>>) semaphore(%arg15 : memref<!tpu.dma_semaphore, #tpu.memory_space<semaphore_mem>>)
    %scan3A = arith.constant 0 : i32
    %scan3A_473 = arith.constant 0 : i32
    %scan3A_474 = arith.constant 20 : i32
    %scan3A_475 = arith.addi %scan3A_473, %scan3A_474 : i32
    %scan3A_476 = arith.constant 1 : i32
    scf.for %scan3A_565 = %scan3A_473 to %scan3A_475 step %scan3A_476  : i32 {
      %mul3A_566 = arith.constant 2 : i32
      %mul3A_567 = arith.muli %mul3A_566, %scan3A_565 : i32
      %add3A_568 = arith.constant 0 : i32
      %add3A_569 = arith.addi %mul3A_567, %add3A_568 : i32
      %dma_wait3A = arith.constant 0 : i32
      %dma_wait3A_570 = tpu.memref_slice %arg8[%add3A_569, %dma_wait3A] : memref<40x128xi32, #tpu.memory_space<vmem>> -> memref<1x128xi32, #tpu.memory_space<vmem>>
      %dma_wait3A_571 = tpu.memref_squeeze %dma_wait3A_570 : memref<1x128xi32, #tpu.memory_space<vmem>> -> memref<128xi32, #tpu.memory_space<vmem>>
      %dma_wait3A_572 = arith.constant 0 : i32
      %dma_wait3A_573 = arith.constant 0 : i32
      %dma_wait3A_574 = tpu.memref_slice %arg12[%dma_wait3A_572, %dma_wait3A_573] : memref<10000x64xf32, #tpu.memory_space<vmem_shared>> -> memref<10000x64xf32, #tpu.memory_space<vmem_shared>>
      tpu.wait_indirect_dma semaphore(%arg14 : memref<!tpu.dma_semaphore, #tpu.memory_space<semaphore_mem>>) src(%dma_wait3A_574 : memref<10000x64xf32, #tpu.memory_space<vmem_shared>>) dst(%arg10 : memref<128x64xf32, #tpu.memory_space<vmem>>)
      "tpu.region"() ({
        %run_scoped3A = tpu.sem_alloc : memref<!tpu.dma_semaphore, #tpu.memory_space<semaphore_mem>>
        %dma_start3A_597 = arith.constant 0 : i32
        %dma_start3A_598 = tpu.memref_slice %arg9[%add3A_569, %dma_start3A_597] : memref<40x128xi32, #tpu.memory_space<vmem>> -> memref<1x128xi32, #tpu.memory_space<vmem>>
        %dma_start3A_599 = tpu.memref_squeeze %dma_start3A_598 : memref<1x128xi32, #tpu.memory_space<vmem>> -> memref<128xi32, #tpu.memory_space<vmem>>
        %dma_start3A_600 = arith.constant 0 : i32
        %dma_start3A_601 = arith.constant 0 : i32
        %dma_start3A_602 = tpu.memref_slice %arg13[%dma_start3A_600, %dma_start3A_601] : memref<10016x64xf32, #tpu.memory_space<vmem_shared>> -> memref<10016x64xf32, #tpu.memory_space<vmem_shared>>
        tpu.enqueue_indirect_dma source(%arg10 : memref<128x64xf32, #tpu.memory_space<vmem>>) target(%dma_start3A_602 : memref<10016x64xf32, #tpu.memory_space<vmem_shared>>) offsets(%dma_start3A_599 : memref<128xi32, #tpu.memory_space<vmem>>) semaphore(%run_scoped3A : memref<!tpu.dma_semaphore, #tpu.memory_space<semaphore_mem>>) {add = true}
        %dma_wait3A_603 = arith.constant 0 : i32
        %dma_wait3A_604 = tpu.memref_slice %arg9[%add3A_569, %dma_wait3A_603] : memref<40x128xi32, #tpu.memory_space<vmem>> -> memref<1x128xi32, #tpu.memory_space<vmem>>
        %dma_wait3A_605 = tpu.memref_squeeze %dma_wait3A_604 : memref<1x128xi32, #tpu.memory_space<vmem>> -> memref<128xi32, #tpu.memory_space<vmem>>
        %dma_wait3A_606 = arith.constant 0 : i32
        %dma_wait3A_607 = arith.constant 0 : i32
        %dma_wait3A_608 = tpu.memref_slice %arg13[%dma_wait3A_606, %dma_wait3A_607] : memref<10016x64xf32, #tpu.memory_space<vmem_shared>> -> memref<10016x64xf32, #tpu.memory_space<vmem_shared>>
        tpu.wait_indirect_dma semaphore(%run_scoped3A : memref<!tpu.dma_semaphore, #tpu.memory_space<semaphore_mem>>) src(%arg10 : memref<128x64xf32, #tpu.memory_space<vmem>>) dst(%dma_wait3A_608 : memref<10016x64xf32, #tpu.memory_space<vmem_shared>>)
        tpu.yield
      }) : () -> ()
      %add3A_575 = arith.constant 2 : i32
      %add3A_576 = arith.addi %add3A_569, %add3A_575 : i32
      %lt3A_577 = arith.constant 40 : i32
      %lt3A_578 = arith.cmpi slt, %add3A_576, %lt3A_577 : i32
      %convert_element_type3A_579 = arith.extui %lt3A_578 : i1 to i32
      %cond3A_580 = arith.constant 0 : i32
      %cond3A_581 = arith.cmpi ne, %convert_element_type3A_579, %cond3A_580 : i32
      scf.if %cond3A_581 {
        %add3A_597 = arith.constant 2 : i32
        %add3A_598 = arith.addi %add3A_569, %add3A_597 : i32
        %dma_start3A_599 = arith.constant 0 : i32
        %dma_start3A_600 = tpu.memref_slice %arg8[%add3A_598, %dma_start3A_599] : memref<40x128xi32, #tpu.memory_space<vmem>> -> memref<1x128xi32, #tpu.memory_space<vmem>>
        %dma_start3A_601 = tpu.memref_squeeze %dma_start3A_600 : memref<1x128xi32, #tpu.memory_space<vmem>> -> memref<128xi32, #tpu.memory_space<vmem>>
        %dma_start3A_602 = arith.constant 0 : i32
        %dma_start3A_603 = arith.constant 0 : i32
        %dma_start3A_604 = tpu.memref_slice %arg12[%dma_start3A_602, %dma_start3A_603] : memref<10000x64xf32, #tpu.memory_space<vmem_shared>> -> memref<10000x64xf32, #tpu.memory_space<vmem_shared>>
        tpu.enqueue_indirect_dma source(%dma_start3A_604 : memref<10000x64xf32, #tpu.memory_space<vmem_shared>>) target(%arg10 : memref<128x64xf32, #tpu.memory_space<vmem>>) offsets(%dma_start3A_601 : memref<128xi32, #tpu.memory_space<vmem>>) semaphore(%arg14 : memref<!tpu.dma_semaphore, #tpu.memory_space<semaphore_mem>>)
      } else {
      }
      %add3A_582 = arith.constant 1 : i32
      %add3A_583 = arith.addi %mul3A_567, %add3A_582 : i32
      %dma_wait3A_584 = arith.constant 0 : i32
      %dma_wait3A_585 = tpu.memref_slice %arg8[%add3A_583, %dma_wait3A_584] : memref<40x128xi32, #tpu.memory_space<vmem>> -> memref<1x128xi32, #tpu.memory_space<vmem>>
      %dma_wait3A_586 = tpu.memref_squeeze %dma_wait3A_585 : memref<1x128xi32, #tpu.memory_space<vmem>> -> memref<128xi32, #tpu.memory_space<vmem>>
      %dma_wait3A_587 = arith.constant 0 : i32
      %dma_wait3A_588 = arith.constant 0 : i32
      %dma_wait3A_589 = tpu.memref_slice %arg12[%dma_wait3A_587, %dma_wait3A_588] : memref<10000x64xf32, #tpu.memory_space<vmem_shared>> -> memref<10000x64xf32, #tpu.memory_space<vmem_shared>>
      tpu.wait_indirect_dma semaphore(%arg15 : memref<!tpu.dma_semaphore, #tpu.memory_space<semaphore_mem>>) src(%dma_wait3A_589 : memref<10000x64xf32, #tpu.memory_space<vmem_shared>>) dst(%arg11 : memref<128x64xf32, #tpu.memory_space<vmem>>)
      "tpu.region"() ({
        %run_scoped3A = tpu.sem_alloc : memref<!tpu.dma_semaphore, #tpu.memory_space<semaphore_mem>>
        %dma_start3A_597 = arith.constant 0 : i32
        %dma_start3A_598 = tpu.memref_slice %arg9[%add3A_583, %dma_start3A_597] : memref<40x128xi32, #tpu.memory_space<vmem>> -> memref<1x128xi32, #tpu.memory_space<vmem>>
        %dma_start3A_599 = tpu.memref_squeeze %dma_start3A_598 : memref<1x128xi32, #tpu.memory_space<vmem>> -> memref<128xi32, #tpu.memory_space<vmem>>
        %dma_start3A_600 = arith.constant 0 : i32
        %dma_start3A_601 = arith.constant 0 : i32
        %dma_start3A_602 = tpu.memref_slice %arg13[%dma_start3A_600, %dma_start3A_601] : memref<10016x64xf32, #tpu.memory_space<vmem_shared>> -> memref<10016x64xf32, #tpu.memory_space<vmem_shared>>
        tpu.enqueue_indirect_dma source(%arg11 : memref<128x64xf32, #tpu.memory_space<vmem>>) target(%dma_start3A_602 : memref<10016x64xf32, #tpu.memory_space<vmem_shared>>) offsets(%dma_start3A_599 : memref<128xi32, #tpu.memory_space<vmem>>) semaphore(%run_scoped3A : memref<!tpu.dma_semaphore, #tpu.memory_space<semaphore_mem>>) {add = true}
        %dma_wait3A_603 = arith.constant 0 : i32
        %dma_wait3A_604 = tpu.memref_slice %arg9[%add3A_583, %dma_wait3A_603] : memref<40x128xi32, #tpu.memory_space<vmem>> -> memref<1x128xi32, #tpu.memory_space<vmem>>
        %dma_wait3A_605 = tpu.memref_squeeze %dma_wait3A_604 : memref<1x128xi32, #tpu.memory_space<vmem>> -> memref<128xi32, #tpu.memory_space<vmem>>
        %dma_wait3A_606 = arith.constant 0 : i32
        %dma_wait3A_607 = arith.constant 0 : i32
        %dma_wait3A_608 = tpu.memref_slice %arg13[%dma_wait3A_606, %dma_wait3A_607] : memref<10016x64xf32, #tpu.memory_space<vmem_shared>> -> memref<10016x64xf32, #tpu.memory_space<vmem_shared>>
        tpu.wait_indirect_dma semaphore(%run_scoped3A : memref<!tpu.dma_semaphore, #tpu.memory_space<semaphore_mem>>) src(%arg11 : memref<128x64xf32, #tpu.memory_space<vmem>>) dst(%dma_wait3A_608 : memref<10016x64xf32, #tpu.memory_space<vmem_shared>>)
        tpu.yield
      }) : () -> ()
      %add3A_590 = arith.constant 2 : i32
      %add3A_591 = arith.addi %add3A_583, %add3A_590 : i32
      %lt3A_592 = arith.constant 40 : i32
      %lt3A_593 = arith.cmpi slt, %add3A_591, %lt3A_592 : i32
      %convert_element_type3A_594 = arith.extui %lt3A_593 : i1 to i32
      %cond3A_595 = arith.constant 0 : i32
      %cond3A_596 = arith.cmpi ne, %convert_element_type3A_594, %cond3A_595 : i32
      scf.if %cond3A_596 {
        %add3A_597 = arith.constant 2 : i32
        %add3A_598 = arith.addi %add3A_583, %add3A_597 : i32
        %dma_start3A_599 = arith.constant 0 : i32
        %dma_start3A_600 = tpu.memref_slice %arg8[%add3A_598, %dma_start3A_599] : memref<40x128xi32, #tpu.memory_space<vmem>> -> memref<1x128xi32, #tpu.memory_space<vmem>>
        %dma_start3A_601 = tpu.memref_squeeze %dma_start3A_600 : memref<1x128xi32, #tpu.memory_space<vmem>> -> memref<128xi32, #tpu.memory_space<vmem>>
        %dma_start3A_602 = arith.constant 0 : i32
        %dma_start3A_603 = arith.constant 0 : i32
        %dma_start3A_604 = tpu.memref_slice %arg12[%dma_start3A_602, %dma_start3A_603] : memref<10000x64xf32, #tpu.memory_space<vmem_shared>> -> memref<10000x64xf32, #tpu.memory_space<vmem_shared>>
        tpu.enqueue_indirect_dma source(%dma_start3A_604 : memref<10000x64xf32, #tpu.memory_space<vmem_shared>>) target(%arg11 : memref<128x64xf32, #tpu.memory_space<vmem>>) offsets(%dma_start3A_601 : memref<128xi32, #tpu.memory_space<vmem>>) semaphore(%arg15 : memref<!tpu.dma_semaphore, #tpu.memory_space<semaphore_mem>>)
      } else {
      }
    }
    %scan3A_477 = arith.constant 20 : i32
    "tpu.region"() ({
      %run_scoped3A = tpu.sem_alloc : memref<!tpu.dma_semaphore, #tpu.memory_space<semaphore_mem>>
      %dma_start3A_565 = arith.constant 40 : i32
      %dma_start3A_566 = arith.constant 0 : i32
      %dma_start3A_567 = tpu.memref_slice %arg4[%arg1, %dma_start3A_565, %dma_start3A_566] : memref<16x160x128xi32, #tpu.memory_space<hbm>> -> memref<1x40x128xi32, #tpu.memory_space<hbm>>
      %dma_start3A_568 = tpu.memref_squeeze %dma_start3A_567 : memref<1x40x128xi32, #tpu.memory_space<hbm>> -> memref<40x128xi32, #tpu.memory_space<hbm>>
      %dma_start3A_569 = arith.constant 40 : i32
      %dma_start3A_570 = arith.constant 0 : i32
      %dma_start3A_571 = tpu.memref_slice %arg4[%arg1, %dma_start3A_569, %dma_start3A_570] : memref<16x160x128xi32, #tpu.memory_space<hbm>> -> memref<1x40x128xi32, #tpu.memory_space<hbm>>
      %dma_start3A_572 = tpu.memref_squeeze %dma_start3A_571 : memref<1x40x128xi32, #tpu.memory_space<hbm>> -> memref<40x128xi32, #tpu.memory_space<hbm>>
      tpu.enqueue_dma source(%dma_start3A_572 : memref<40x128xi32, #tpu.memory_space<hbm>>) target(%arg8 : memref<40x128xi32, #tpu.memory_space<vmem>>) target_semaphore(%run_scoped3A : memref<!tpu.dma_semaphore, #tpu.memory_space<semaphore_mem>>)
      %dma_wait3A = arith.constant 40 : i32
      %dma_wait3A_573 = arith.constant 0 : i32
      %dma_wait3A_574 = tpu.memref_slice %arg4[%arg1, %dma_wait3A, %dma_wait3A_573] : memref<16x160x128xi32, #tpu.memory_space<hbm>> -> memref<1x40x128xi32, #tpu.memory_space<hbm>>
      %dma_wait3A_575 = tpu.memref_squeeze %dma_wait3A_574 : memref<1x40x128xi32, #tpu.memory_space<hbm>> -> memref<40x128xi32, #tpu.memory_space<hbm>>
      %dma_wait3A_576 = arith.constant 40 : i32
      %dma_wait3A_577 = arith.constant 0 : i32
      %dma_wait3A_578 = tpu.memref_slice %arg4[%arg1, %dma_wait3A_576, %dma_wait3A_577] : memref<16x160x128xi32, #tpu.memory_space<hbm>> -> memref<1x40x128xi32, #tpu.memory_space<hbm>>
      %dma_wait3A_579 = tpu.memref_squeeze %dma_wait3A_578 : memref<1x40x128xi32, #tpu.memory_space<hbm>> -> memref<40x128xi32, #tpu.memory_space<hbm>>
      tpu.wait_dma2 semaphore(%run_scoped3A : memref<!tpu.dma_semaphore, #tpu.memory_space<semaphore_mem>>) src(%dma_wait3A_579 : memref<40x128xi32, #tpu.memory_space<hbm>>) dst(%arg8 : memref<40x128xi32, #tpu.memory_space<vmem>>)
      tpu.yield
    }) : () -> ()
    "tpu.region"() ({
      %run_scoped3A = tpu.sem_alloc : memref<!tpu.dma_semaphore, #tpu.memory_space<semaphore_mem>>
      %dma_start3A_565 = arith.constant 40 : i32
      %dma_start3A_566 = arith.constant 0 : i32
      %dma_start3A_567 = tpu.memref_slice %arg5[%arg1, %dma_start3A_565, %dma_start3A_566] : memref<16x160x128xi32, #tpu.memory_space<hbm>> -> memref<1x40x128xi32, #tpu.memory_space<hbm>>
      %dma_start3A_568 = tpu.memref_squeeze %dma_start3A_567 : memref<1x40x128xi32, #tpu.memory_space<hbm>> -> memref<40x128xi32, #tpu.memory_space<hbm>>
      %dma_start3A_569 = arith.constant 40 : i32
      %dma_start3A_570 = arith.constant 0 : i32
      %dma_start3A_571 = tpu.memref_slice %arg5[%arg1, %dma_start3A_569, %dma_start3A_570] : memref<16x160x128xi32, #tpu.memory_space<hbm>> -> memref<1x40x128xi32, #tpu.memory_space<hbm>>
      %dma_start3A_572 = tpu.memref_squeeze %dma_start3A_571 : memref<1x40x128xi32, #tpu.memory_space<hbm>> -> memref<40x128xi32, #tpu.memory_space<hbm>>
      tpu.enqueue_dma source(%dma_start3A_572 : memref<40x128xi32, #tpu.memory_space<hbm>>) target(%arg9 : memref<40x128xi32, #tpu.memory_space<vmem>>) target_semaphore(%run_scoped3A : memref<!tpu.dma_semaphore, #tpu.memory_space<semaphore_mem>>)
      %dma_wait3A = arith.constant 40 : i32
      %dma_wait3A_573 = arith.constant 0 : i32
      %dma_wait3A_574 = tpu.memref_slice %arg5[%arg1, %dma_wait3A, %dma_wait3A_573] : memref<16x160x128xi32, #tpu.memory_space<hbm>> -> memref<1x40x128xi32, #tpu.memory_space<hbm>>
      %dma_wait3A_575 = tpu.memref_squeeze %dma_wait3A_574 : memref<1x40x128xi32, #tpu.memory_space<hbm>> -> memref<40x128xi32, #tpu.memory_space<hbm>>
      %dma_wait3A_576 = arith.constant 40 : i32
      %dma_wait3A_577 = arith.constant 0 : i32
      %dma_wait3A_578 = tpu.memref_slice %arg5[%arg1, %dma_wait3A_576, %dma_wait3A_577] : memref<16x160x128xi32, #tpu.memory_space<hbm>> -> memref<1x40x128xi32, #tpu.memory_space<hbm>>
      %dma_wait3A_579 = tpu.memref_squeeze %dma_wait3A_578 : memref<1x40x128xi32, #tpu.memory_space<hbm>> -> memref<40x128xi32, #tpu.memory_space<hbm>>
      tpu.wait_dma2 semaphore(%run_scoped3A : memref<!tpu.dma_semaphore, #tpu.memory_space<semaphore_mem>>) src(%dma_wait3A_579 : memref<40x128xi32, #tpu.memory_space<hbm>>) dst(%arg9 : memref<40x128xi32, #tpu.memory_space<vmem>>)
      tpu.yield
    }) : () -> ()
    %dma_start3A_478 = arith.constant 0 : i32
    %dma_start3A_479 = arith.constant 0 : i32
    %dma_start3A_480 = tpu.memref_slice %arg8[%dma_start3A_478, %dma_start3A_479] : memref<40x128xi32, #tpu.memory_space<vmem>> -> memref<1x128xi32, #tpu.memory_space<vmem>>
    %dma_start3A_481 = tpu.memref_squeeze %dma_start3A_480 : memref<1x128xi32, #tpu.memory_space<vmem>> -> memref<128xi32, #tpu.memory_space<vmem>>
    %dma_start3A_482 = arith.constant 0 : i32
    %dma_start3A_483 = arith.constant 0 : i32
    %dma_start3A_484 = tpu.memref_slice %arg12[%dma_start3A_482, %dma_start3A_483] : memref<10000x64xf32, #tpu.memory_space<vmem_shared>> -> memref<10000x64xf32, #tpu.memory_space<vmem_shared>>
    tpu.enqueue_indirect_dma source(%dma_start3A_484 : memref<10000x64xf32, #tpu.memory_space<vmem_shared>>) target(%arg10 : memref<128x64xf32, #tpu.memory_space<vmem>>) offsets(%dma_start3A_481 : memref<128xi32, #tpu.memory_space<vmem>>) semaphore(%arg14 : memref<!tpu.dma_semaphore, #tpu.memory_space<semaphore_mem>>)
    %dma_start3A_485 = arith.constant 1 : i32
    %dma_start3A_486 = arith.constant 0 : i32
    %dma_start3A_487 = tpu.memref_slice %arg8[%dma_start3A_485, %dma_start3A_486] : memref<40x128xi32, #tpu.memory_space<vmem>> -> memref<1x128xi32, #tpu.memory_space<vmem>>
    %dma_start3A_488 = tpu.memref_squeeze %dma_start3A_487 : memref<1x128xi32, #tpu.memory_space<vmem>> -> memref<128xi32, #tpu.memory_space<vmem>>
    %dma_start3A_489 = arith.constant 0 : i32
    %dma_start3A_490 = arith.constant 0 : i32
    %dma_start3A_491 = tpu.memref_slice %arg12[%dma_start3A_489, %dma_start3A_490] : memref<10000x64xf32, #tpu.memory_space<vmem_shared>> -> memref<10000x64xf32, #tpu.memory_space<vmem_shared>>
    tpu.enqueue_indirect_dma source(%dma_start3A_491 : memref<10000x64xf32, #tpu.memory_space<vmem_shared>>) target(%arg11 : memref<128x64xf32, #tpu.memory_space<vmem>>) offsets(%dma_start3A_488 : memref<128xi32, #tpu.memory_space<vmem>>) semaphore(%arg15 : memref<!tpu.dma_semaphore, #tpu.memory_space<semaphore_mem>>)
    %scan3A_492 = arith.constant 0 : i32
    %scan3A_493 = arith.constant 0 : i32
    %scan3A_494 = arith.constant 20 : i32
    %scan3A_495 = arith.addi %scan3A_493, %scan3A_494 : i32
    %scan3A_496 = arith.constant 1 : i32
    scf.for %scan3A_565 = %scan3A_493 to %scan3A_495 step %scan3A_496  : i32 {
      %mul3A_566 = arith.constant 2 : i32
      %mul3A_567 = arith.muli %mul3A_566, %scan3A_565 : i32
      %add3A_568 = arith.constant 0 : i32
      %add3A_569 = arith.addi %mul3A_567, %add3A_568 : i32
      %dma_wait3A = arith.constant 0 : i32
      %dma_wait3A_570 = tpu.memref_slice %arg8[%add3A_569, %dma_wait3A] : memref<40x128xi32, #tpu.memory_space<vmem>> -> memref<1x128xi32, #tpu.memory_space<vmem>>
      %dma_wait3A_571 = tpu.memref_squeeze %dma_wait3A_570 : memref<1x128xi32, #tpu.memory_space<vmem>> -> memref<128xi32, #tpu.memory_space<vmem>>
      %dma_wait3A_572 = arith.constant 0 : i32
      %dma_wait3A_573 = arith.constant 0 : i32
      %dma_wait3A_574 = tpu.memref_slice %arg12[%dma_wait3A_572, %dma_wait3A_573] : memref<10000x64xf32, #tpu.memory_space<vmem_shared>> -> memref<10000x64xf32, #tpu.memory_space<vmem_shared>>
      tpu.wait_indirect_dma semaphore(%arg14 : memref<!tpu.dma_semaphore, #tpu.memory_space<semaphore_mem>>) src(%dma_wait3A_574 : memref<10000x64xf32, #tpu.memory_space<vmem_shared>>) dst(%arg10 : memref<128x64xf32, #tpu.memory_space<vmem>>)
      "tpu.region"() ({
        %run_scoped3A = tpu.sem_alloc : memref<!tpu.dma_semaphore, #tpu.memory_space<semaphore_mem>>
        %dma_start3A_597 = arith.constant 0 : i32
        %dma_start3A_598 = tpu.memref_slice %arg9[%add3A_569, %dma_start3A_597] : memref<40x128xi32, #tpu.memory_space<vmem>> -> memref<1x128xi32, #tpu.memory_space<vmem>>
        %dma_start3A_599 = tpu.memref_squeeze %dma_start3A_598 : memref<1x128xi32, #tpu.memory_space<vmem>> -> memref<128xi32, #tpu.memory_space<vmem>>
        %dma_start3A_600 = arith.constant 0 : i32
        %dma_start3A_601 = arith.constant 0 : i32
        %dma_start3A_602 = tpu.memref_slice %arg13[%dma_start3A_600, %dma_start3A_601] : memref<10016x64xf32, #tpu.memory_space<vmem_shared>> -> memref<10016x64xf32, #tpu.memory_space<vmem_shared>>
        tpu.enqueue_indirect_dma source(%arg10 : memref<128x64xf32, #tpu.memory_space<vmem>>) target(%dma_start3A_602 : memref<10016x64xf32, #tpu.memory_space<vmem_shared>>) offsets(%dma_start3A_599 : memref<128xi32, #tpu.memory_space<vmem>>) semaphore(%run_scoped3A : memref<!tpu.dma_semaphore, #tpu.memory_space<semaphore_mem>>) {add = true}
        %dma_wait3A_603 = arith.constant 0 : i32
        %dma_wait3A_604 = tpu.memref_slice %arg9[%add3A_569, %dma_wait3A_603] : memref<40x128xi32, #tpu.memory_space<vmem>> -> memref<1x128xi32, #tpu.memory_space<vmem>>
        %dma_wait3A_605 = tpu.memref_squeeze %dma_wait3A_604 : memref<1x128xi32, #tpu.memory_space<vmem>> -> memref<128xi32, #tpu.memory_space<vmem>>
        %dma_wait3A_606 = arith.constant 0 : i32
        %dma_wait3A_607 = arith.constant 0 : i32
        %dma_wait3A_608 = tpu.memref_slice %arg13[%dma_wait3A_606, %dma_wait3A_607] : memref<10016x64xf32, #tpu.memory_space<vmem_shared>> -> memref<10016x64xf32, #tpu.memory_space<vmem_shared>>
        tpu.wait_indirect_dma semaphore(%run_scoped3A : memref<!tpu.dma_semaphore, #tpu.memory_space<semaphore_mem>>) src(%arg10 : memref<128x64xf32, #tpu.memory_space<vmem>>) dst(%dma_wait3A_608 : memref<10016x64xf32, #tpu.memory_space<vmem_shared>>)
        tpu.yield
      }) : () -> ()
      %add3A_575 = arith.constant 2 : i32
      %add3A_576 = arith.addi %add3A_569, %add3A_575 : i32
      %lt3A_577 = arith.constant 40 : i32
      %lt3A_578 = arith.cmpi slt, %add3A_576, %lt3A_577 : i32
      %convert_element_type3A_579 = arith.extui %lt3A_578 : i1 to i32
      %cond3A_580 = arith.constant 0 : i32
      %cond3A_581 = arith.cmpi ne, %convert_element_type3A_579, %cond3A_580 : i32
      scf.if %cond3A_581 {
        %add3A_597 = arith.constant 2 : i32
        %add3A_598 = arith.addi %add3A_569, %add3A_597 : i32
        %dma_start3A_599 = arith.constant 0 : i32
        %dma_start3A_600 = tpu.memref_slice %arg8[%add3A_598, %dma_start3A_599] : memref<40x128xi32, #tpu.memory_space<vmem>> -> memref<1x128xi32, #tpu.memory_space<vmem>>
        %dma_start3A_601 = tpu.memref_squeeze %dma_start3A_600 : memref<1x128xi32, #tpu.memory_space<vmem>> -> memref<128xi32, #tpu.memory_space<vmem>>
        %dma_start3A_602 = arith.constant 0 : i32
        %dma_start3A_603 = arith.constant 0 : i32
        %dma_start3A_604 = tpu.memref_slice %arg12[%dma_start3A_602, %dma_start3A_603] : memref<10000x64xf32, #tpu.memory_space<vmem_shared>> -> memref<10000x64xf32, #tpu.memory_space<vmem_shared>>
        tpu.enqueue_indirect_dma source(%dma_start3A_604 : memref<10000x64xf32, #tpu.memory_space<vmem_shared>>) target(%arg10 : memref<128x64xf32, #tpu.memory_space<vmem>>) offsets(%dma_start3A_601 : memref<128xi32, #tpu.memory_space<vmem>>) semaphore(%arg14 : memref<!tpu.dma_semaphore, #tpu.memory_space<semaphore_mem>>)
      } else {
      }
      %add3A_582 = arith.constant 1 : i32
      %add3A_583 = arith.addi %mul3A_567, %add3A_582 : i32
      %dma_wait3A_584 = arith.constant 0 : i32
      %dma_wait3A_585 = tpu.memref_slice %arg8[%add3A_583, %dma_wait3A_584] : memref<40x128xi32, #tpu.memory_space<vmem>> -> memref<1x128xi32, #tpu.memory_space<vmem>>
      %dma_wait3A_586 = tpu.memref_squeeze %dma_wait3A_585 : memref<1x128xi32, #tpu.memory_space<vmem>> -> memref<128xi32, #tpu.memory_space<vmem>>
      %dma_wait3A_587 = arith.constant 0 : i32
      %dma_wait3A_588 = arith.constant 0 : i32
      %dma_wait3A_589 = tpu.memref_slice %arg12[%dma_wait3A_587, %dma_wait3A_588] : memref<10000x64xf32, #tpu.memory_space<vmem_shared>> -> memref<10000x64xf32, #tpu.memory_space<vmem_shared>>
      tpu.wait_indirect_dma semaphore(%arg15 : memref<!tpu.dma_semaphore, #tpu.memory_space<semaphore_mem>>) src(%dma_wait3A_589 : memref<10000x64xf32, #tpu.memory_space<vmem_shared>>) dst(%arg11 : memref<128x64xf32, #tpu.memory_space<vmem>>)
      "tpu.region"() ({
        %run_scoped3A = tpu.sem_alloc : memref<!tpu.dma_semaphore, #tpu.memory_space<semaphore_mem>>
        %dma_start3A_597 = arith.constant 0 : i32
        %dma_start3A_598 = tpu.memref_slice %arg9[%add3A_583, %dma_start3A_597] : memref<40x128xi32, #tpu.memory_space<vmem>> -> memref<1x128xi32, #tpu.memory_space<vmem>>
        %dma_start3A_599 = tpu.memref_squeeze %dma_start3A_598 : memref<1x128xi32, #tpu.memory_space<vmem>> -> memref<128xi32, #tpu.memory_space<vmem>>
        %dma_start3A_600 = arith.constant 0 : i32
        %dma_start3A_601 = arith.constant 0 : i32
        %dma_start3A_602 = tpu.memref_slice %arg13[%dma_start3A_600, %dma_start3A_601] : memref<10016x64xf32, #tpu.memory_space<vmem_shared>> -> memref<10016x64xf32, #tpu.memory_space<vmem_shared>>
        tpu.enqueue_indirect_dma source(%arg11 : memref<128x64xf32, #tpu.memory_space<vmem>>) target(%dma_start3A_602 : memref<10016x64xf32, #tpu.memory_space<vmem_shared>>) offsets(%dma_start3A_599 : memref<128xi32, #tpu.memory_space<vmem>>) semaphore(%run_scoped3A : memref<!tpu.dma_semaphore, #tpu.memory_space<semaphore_mem>>) {add = true}
        %dma_wait3A_603 = arith.constant 0 : i32
        %dma_wait3A_604 = tpu.memref_slice %arg9[%add3A_583, %dma_wait3A_603] : memref<40x128xi32, #tpu.memory_space<vmem>> -> memref<1x128xi32, #tpu.memory_space<vmem>>
        %dma_wait3A_605 = tpu.memref_squeeze %dma_wait3A_604 : memref<1x128xi32, #tpu.memory_space<vmem>> -> memref<128xi32, #tpu.memory_space<vmem>>
        %dma_wait3A_606 = arith.constant 0 : i32
        %dma_wait3A_607 = arith.constant 0 : i32
        %dma_wait3A_608 = tpu.memref_slice %arg13[%dma_wait3A_606, %dma_wait3A_607] : memref<10016x64xf32, #tpu.memory_space<vmem_shared>> -> memref<10016x64xf32, #tpu.memory_space<vmem_shared>>
        tpu.wait_indirect_dma semaphore(%run_scoped3A : memref<!tpu.dma_semaphore, #tpu.memory_space<semaphore_mem>>) src(%arg11 : memref<128x64xf32, #tpu.memory_space<vmem>>) dst(%dma_wait3A_608 : memref<10016x64xf32, #tpu.memory_space<vmem_shared>>)
        tpu.yield
      }) : () -> ()
      %add3A_590 = arith.constant 2 : i32
      %add3A_591 = arith.addi %add3A_583, %add3A_590 : i32
      %lt3A_592 = arith.constant 40 : i32
      %lt3A_593 = arith.cmpi slt, %add3A_591, %lt3A_592 : i32
      %convert_element_type3A_594 = arith.extui %lt3A_593 : i1 to i32
      %cond3A_595 = arith.constant 0 : i32
      %cond3A_596 = arith.cmpi ne, %convert_element_type3A_594, %cond3A_595 : i32
      scf.if %cond3A_596 {
        %add3A_597 = arith.constant 2 : i32
        %add3A_598 = arith.addi %add3A_583, %add3A_597 : i32
        %dma_start3A_599 = arith.constant 0 : i32
        %dma_start3A_600 = tpu.memref_slice %arg8[%add3A_598, %dma_start3A_599] : memref<40x128xi32, #tpu.memory_space<vmem>> -> memref<1x128xi32, #tpu.memory_space<vmem>>
        %dma_start3A_601 = tpu.memref_squeeze %dma_start3A_600 : memref<1x128xi32, #tpu.memory_space<vmem>> -> memref<128xi32, #tpu.memory_space<vmem>>
        %dma_start3A_602 = arith.constant 0 : i32
        %dma_start3A_603 = arith.constant 0 : i32
        %dma_start3A_604 = tpu.memref_slice %arg12[%dma_start3A_602, %dma_start3A_603] : memref<10000x64xf32, #tpu.memory_space<vmem_shared>> -> memref<10000x64xf32, #tpu.memory_space<vmem_shared>>
        tpu.enqueue_indirect_dma source(%dma_start3A_604 : memref<10000x64xf32, #tpu.memory_space<vmem_shared>>) target(%arg11 : memref<128x64xf32, #tpu.memory_space<vmem>>) offsets(%dma_start3A_601 : memref<128xi32, #tpu.memory_space<vmem>>) semaphore(%arg15 : memref<!tpu.dma_semaphore, #tpu.memory_space<semaphore_mem>>)
      } else {
      }
    }
    %scan3A_497 = arith.constant 20 : i32
    "tpu.region"() ({
      %run_scoped3A = tpu.sem_alloc : memref<!tpu.dma_semaphore, #tpu.memory_space<semaphore_mem>>
      %dma_start3A_565 = arith.constant 80 : i32
      %dma_start3A_566 = arith.constant 0 : i32
      %dma_start3A_567 = tpu.memref_slice %arg4[%arg1, %dma_start3A_565, %dma_start3A_566] : memref<16x160x128xi32, #tpu.memory_space<hbm>> -> memref<1x40x128xi32, #tpu.memory_space<hbm>>
      %dma_start3A_568 = tpu.memref_squeeze %dma_start3A_567 : memref<1x40x128xi32, #tpu.memory_space<hbm>> -> memref<40x128xi32, #tpu.memory_space<hbm>>
      %dma_start3A_569 = arith.constant 80 : i32
      %dma_start3A_570 = arith.constant 0 : i32
      %dma_start3A_571 = tpu.memref_slice %arg4[%arg1, %dma_start3A_569, %dma_start3A_570] : memref<16x160x128xi32, #tpu.memory_space<hbm>> -> memref<1x40x128xi32, #tpu.memory_space<hbm>>
      %dma_start3A_572 = tpu.memref_squeeze %dma_start3A_571 : memref<1x40x128xi32, #tpu.memory_space<hbm>> -> memref<40x128xi32, #tpu.memory_space<hbm>>
      tpu.enqueue_dma source(%dma_start3A_572 : memref<40x128xi32, #tpu.memory_space<hbm>>) target(%arg8 : memref<40x128xi32, #tpu.memory_space<vmem>>) target_semaphore(%run_scoped3A : memref<!tpu.dma_semaphore, #tpu.memory_space<semaphore_mem>>)
      %dma_wait3A = arith.constant 80 : i32
      %dma_wait3A_573 = arith.constant 0 : i32
      %dma_wait3A_574 = tpu.memref_slice %arg4[%arg1, %dma_wait3A, %dma_wait3A_573] : memref<16x160x128xi32, #tpu.memory_space<hbm>> -> memref<1x40x128xi32, #tpu.memory_space<hbm>>
      %dma_wait3A_575 = tpu.memref_squeeze %dma_wait3A_574 : memref<1x40x128xi32, #tpu.memory_space<hbm>> -> memref<40x128xi32, #tpu.memory_space<hbm>>
      %dma_wait3A_576 = arith.constant 80 : i32
      %dma_wait3A_577 = arith.constant 0 : i32
      %dma_wait3A_578 = tpu.memref_slice %arg4[%arg1, %dma_wait3A_576, %dma_wait3A_577] : memref<16x160x128xi32, #tpu.memory_space<hbm>> -> memref<1x40x128xi32, #tpu.memory_space<hbm>>
      %dma_wait3A_579 = tpu.memref_squeeze %dma_wait3A_578 : memref<1x40x128xi32, #tpu.memory_space<hbm>> -> memref<40x128xi32, #tpu.memory_space<hbm>>
      tpu.wait_dma2 semaphore(%run_scoped3A : memref<!tpu.dma_semaphore, #tpu.memory_space<semaphore_mem>>) src(%dma_wait3A_579 : memref<40x128xi32, #tpu.memory_space<hbm>>) dst(%arg8 : memref<40x128xi32, #tpu.memory_space<vmem>>)
      tpu.yield
    }) : () -> ()
    "tpu.region"() ({
      %run_scoped3A = tpu.sem_alloc : memref<!tpu.dma_semaphore, #tpu.memory_space<semaphore_mem>>
      %dma_start3A_565 = arith.constant 80 : i32
      %dma_start3A_566 = arith.constant 0 : i32
      %dma_start3A_567 = tpu.memref_slice %arg5[%arg1, %dma_start3A_565, %dma_start3A_566] : memref<16x160x128xi32, #tpu.memory_space<hbm>> -> memref<1x40x128xi32, #tpu.memory_space<hbm>>
      %dma_start3A_568 = tpu.memref_squeeze %dma_start3A_567 : memref<1x40x128xi32, #tpu.memory_space<hbm>> -> memref<40x128xi32, #tpu.memory_space<hbm>>
      %dma_start3A_569 = arith.constant 80 : i32
      %dma_start3A_570 = arith.constant 0 : i32
      %dma_start3A_571 = tpu.memref_slice %arg5[%arg1, %dma_start3A_569, %dma_start3A_570] : memref<16x160x128xi32, #tpu.memory_space<hbm>> -> memref<1x40x128xi32, #tpu.memory_space<hbm>>
      %dma_start3A_572 = tpu.memref_squeeze %dma_start3A_571 : memref<1x40x128xi32, #tpu.memory_space<hbm>> -> memref<40x128xi32, #tpu.memory_space<hbm>>
      tpu.enqueue_dma source(%dma_start3A_572 : memref<40x128xi32, #tpu.memory_space<hbm>>) target(%arg9 : memref<40x128xi32, #tpu.memory_space<vmem>>) target_semaphore(%run_scoped3A : memref<!tpu.dma_semaphore, #tpu.memory_space<semaphore_mem>>)
      %dma_wait3A = arith.constant 80 : i32
      %dma_wait3A_573 = arith.constant 0 : i32
      %dma_wait3A_574 = tpu.memref_slice %arg5[%arg1, %dma_wait3A, %dma_wait3A_573] : memref<16x160x128xi32, #tpu.memory_space<hbm>> -> memref<1x40x128xi32, #tpu.memory_space<hbm>>
      %dma_wait3A_575 = tpu.memref_squeeze %dma_wait3A_574 : memref<1x40x128xi32, #tpu.memory_space<hbm>> -> memref<40x128xi32, #tpu.memory_space<hbm>>
      %dma_wait3A_576 = arith.constant 80 : i32
      %dma_wait3A_577 = arith.constant 0 : i32
      %dma_wait3A_578 = tpu.memref_slice %arg5[%arg1, %dma_wait3A_576, %dma_wait3A_577] : memref<16x160x128xi32, #tpu.memory_space<hbm>> -> memref<1x40x128xi32, #tpu.memory_space<hbm>>
      %dma_wait3A_579 = tpu.memref_squeeze %dma_wait3A_578 : memref<1x40x128xi32, #tpu.memory_space<hbm>> -> memref<40x128xi32, #tpu.memory_space<hbm>>
      tpu.wait_dma2 semaphore(%run_scoped3A : memref<!tpu.dma_semaphore, #tpu.memory_space<semaphore_mem>>) src(%dma_wait3A_579 : memref<40x128xi32, #tpu.memory_space<hbm>>) dst(%arg9 : memref<40x128xi32, #tpu.memory_space<vmem>>)
      tpu.yield
    }) : () -> ()
    %dma_start3A_498 = arith.constant 0 : i32
    %dma_start3A_499 = arith.constant 0 : i32
    %dma_start3A_500 = tpu.memref_slice %arg8[%dma_start3A_498, %dma_start3A_499] : memref<40x128xi32, #tpu.memory_space<vmem>> -> memref<1x128xi32, #tpu.memory_space<vmem>>
    %dma_start3A_501 = tpu.memref_squeeze %dma_start3A_500 : memref<1x128xi32, #tpu.memory_space<vmem>> -> memref<128xi32, #tpu.memory_space<vmem>>
    %dma_start3A_502 = arith.constant 0 : i32
    %dma_start3A_503 = arith.constant 0 : i32
    %dma_start3A_504 = tpu.memref_slice %arg12[%dma_start3A_502, %dma_start3A_503] : memref<10000x64xf32, #tpu.memory_space<vmem_shared>> -> memref<10000x64xf32, #tpu.memory_space<vmem_shared>>
    tpu.enqueue_indirect_dma source(%dma_start3A_504 : memref<10000x64xf32, #tpu.memory_space<vmem_shared>>) target(%arg10 : memref<128x64xf32, #tpu.memory_space<vmem>>) offsets(%dma_start3A_501 : memref<128xi32, #tpu.memory_space<vmem>>) semaphore(%arg14 : memref<!tpu.dma_semaphore, #tpu.memory_space<semaphore_mem>>)
    %dma_start3A_505 = arith.constant 1 : i32
    %dma_start3A_506 = arith.constant 0 : i32
    %dma_start3A_507 = tpu.memref_slice %arg8[%dma_start3A_505, %dma_start3A_506] : memref<40x128xi32, #tpu.memory_space<vmem>> -> memref<1x128xi32, #tpu.memory_space<vmem>>
    %dma_start3A_508 = tpu.memref_squeeze %dma_start3A_507 : memref<1x128xi32, #tpu.memory_space<vmem>> -> memref<128xi32, #tpu.memory_space<vmem>>
    %dma_start3A_509 = arith.constant 0 : i32
    %dma_start3A_510 = arith.constant 0 : i32
    %dma_start3A_511 = tpu.memref_slice %arg12[%dma_start3A_509, %dma_start3A_510] : memref<10000x64xf32, #tpu.memory_space<vmem_shared>> -> memref<10000x64xf32, #tpu.memory_space<vmem_shared>>
    tpu.enqueue_indirect_dma source(%dma_start3A_511 : memref<10000x64xf32, #tpu.memory_space<vmem_shared>>) target(%arg11 : memref<128x64xf32, #tpu.memory_space<vmem>>) offsets(%dma_start3A_508 : memref<128xi32, #tpu.memory_space<vmem>>) semaphore(%arg15 : memref<!tpu.dma_semaphore, #tpu.memory_space<semaphore_mem>>)
    %scan3A_512 = arith.constant 0 : i32
    %scan3A_513 = arith.constant 0 : i32
    %scan3A_514 = arith.constant 20 : i32
    %scan3A_515 = arith.addi %scan3A_513, %scan3A_514 : i32
    %scan3A_516 = arith.constant 1 : i32
    scf.for %scan3A_565 = %scan3A_513 to %scan3A_515 step %scan3A_516  : i32 {
      %mul3A_566 = arith.constant 2 : i32
      %mul3A_567 = arith.muli %mul3A_566, %scan3A_565 : i32
      %add3A_568 = arith.constant 0 : i32
      %add3A_569 = arith.addi %mul3A_567, %add3A_568 : i32
      %dma_wait3A = arith.constant 0 : i32
      %dma_wait3A_570 = tpu.memref_slice %arg8[%add3A_569, %dma_wait3A] : memref<40x128xi32, #tpu.memory_space<vmem>> -> memref<1x128xi32, #tpu.memory_space<vmem>>
      %dma_wait3A_571 = tpu.memref_squeeze %dma_wait3A_570 : memref<1x128xi32, #tpu.memory_space<vmem>> -> memref<128xi32, #tpu.memory_space<vmem>>
      %dma_wait3A_572 = arith.constant 0 : i32
      %dma_wait3A_573 = arith.constant 0 : i32
      %dma_wait3A_574 = tpu.memref_slice %arg12[%dma_wait3A_572, %dma_wait3A_573] : memref<10000x64xf32, #tpu.memory_space<vmem_shared>> -> memref<10000x64xf32, #tpu.memory_space<vmem_shared>>
      tpu.wait_indirect_dma semaphore(%arg14 : memref<!tpu.dma_semaphore, #tpu.memory_space<semaphore_mem>>) src(%dma_wait3A_574 : memref<10000x64xf32, #tpu.memory_space<vmem_shared>>) dst(%arg10 : memref<128x64xf32, #tpu.memory_space<vmem>>)
      "tpu.region"() ({
        %run_scoped3A = tpu.sem_alloc : memref<!tpu.dma_semaphore, #tpu.memory_space<semaphore_mem>>
        %dma_start3A_597 = arith.constant 0 : i32
        %dma_start3A_598 = tpu.memref_slice %arg9[%add3A_569, %dma_start3A_597] : memref<40x128xi32, #tpu.memory_space<vmem>> -> memref<1x128xi32, #tpu.memory_space<vmem>>
        %dma_start3A_599 = tpu.memref_squeeze %dma_start3A_598 : memref<1x128xi32, #tpu.memory_space<vmem>> -> memref<128xi32, #tpu.memory_space<vmem>>
        %dma_start3A_600 = arith.constant 0 : i32
        %dma_start3A_601 = arith.constant 0 : i32
        %dma_start3A_602 = tpu.memref_slice %arg13[%dma_start3A_600, %dma_start3A_601] : memref<10016x64xf32, #tpu.memory_space<vmem_shared>> -> memref<10016x64xf32, #tpu.memory_space<vmem_shared>>
        tpu.enqueue_indirect_dma source(%arg10 : memref<128x64xf32, #tpu.memory_space<vmem>>) target(%dma_start3A_602 : memref<10016x64xf32, #tpu.memory_space<vmem_shared>>) offsets(%dma_start3A_599 : memref<128xi32, #tpu.memory_space<vmem>>) semaphore(%run_scoped3A : memref<!tpu.dma_semaphore, #tpu.memory_space<semaphore_mem>>) {add = true}
        %dma_wait3A_603 = arith.constant 0 : i32
        %dma_wait3A_604 = tpu.memref_slice %arg9[%add3A_569, %dma_wait3A_603] : memref<40x128xi32, #tpu.memory_space<vmem>> -> memref<1x128xi32, #tpu.memory_space<vmem>>
        %dma_wait3A_605 = tpu.memref_squeeze %dma_wait3A_604 : memref<1x128xi32, #tpu.memory_space<vmem>> -> memref<128xi32, #tpu.memory_space<vmem>>
        %dma_wait3A_606 = arith.constant 0 : i32
        %dma_wait3A_607 = arith.constant 0 : i32
        %dma_wait3A_608 = tpu.memref_slice %arg13[%dma_wait3A_606, %dma_wait3A_607] : memref<10016x64xf32, #tpu.memory_space<vmem_shared>> -> memref<10016x64xf32, #tpu.memory_space<vmem_shared>>
        tpu.wait_indirect_dma semaphore(%run_scoped3A : memref<!tpu.dma_semaphore, #tpu.memory_space<semaphore_mem>>) src(%arg10 : memref<128x64xf32, #tpu.memory_space<vmem>>) dst(%dma_wait3A_608 : memref<10016x64xf32, #tpu.memory_space<vmem_shared>>)
        tpu.yield
      }) : () -> ()
      %add3A_575 = arith.constant 2 : i32
      %add3A_576 = arith.addi %add3A_569, %add3A_575 : i32
      %lt3A_577 = arith.constant 40 : i32
      %lt3A_578 = arith.cmpi slt, %add3A_576, %lt3A_577 : i32
      %convert_element_type3A_579 = arith.extui %lt3A_578 : i1 to i32
      %cond3A_580 = arith.constant 0 : i32
      %cond3A_581 = arith.cmpi ne, %convert_element_type3A_579, %cond3A_580 : i32
      scf.if %cond3A_581 {
        %add3A_597 = arith.constant 2 : i32
        %add3A_598 = arith.addi %add3A_569, %add3A_597 : i32
        %dma_start3A_599 = arith.constant 0 : i32
        %dma_start3A_600 = tpu.memref_slice %arg8[%add3A_598, %dma_start3A_599] : memref<40x128xi32, #tpu.memory_space<vmem>> -> memref<1x128xi32, #tpu.memory_space<vmem>>
        %dma_start3A_601 = tpu.memref_squeeze %dma_start3A_600 : memref<1x128xi32, #tpu.memory_space<vmem>> -> memref<128xi32, #tpu.memory_space<vmem>>
        %dma_start3A_602 = arith.constant 0 : i32
        %dma_start3A_603 = arith.constant 0 : i32
        %dma_start3A_604 = tpu.memref_slice %arg12[%dma_start3A_602, %dma_start3A_603] : memref<10000x64xf32, #tpu.memory_space<vmem_shared>> -> memref<10000x64xf32, #tpu.memory_space<vmem_shared>>
        tpu.enqueue_indirect_dma source(%dma_start3A_604 : memref<10000x64xf32, #tpu.memory_space<vmem_shared>>) target(%arg10 : memref<128x64xf32, #tpu.memory_space<vmem>>) offsets(%dma_start3A_601 : memref<128xi32, #tpu.memory_space<vmem>>) semaphore(%arg14 : memref<!tpu.dma_semaphore, #tpu.memory_space<semaphore_mem>>)
      } else {
      }
      %add3A_582 = arith.constant 1 : i32
      %add3A_583 = arith.addi %mul3A_567, %add3A_582 : i32
      %dma_wait3A_584 = arith.constant 0 : i32
      %dma_wait3A_585 = tpu.memref_slice %arg8[%add3A_583, %dma_wait3A_584] : memref<40x128xi32, #tpu.memory_space<vmem>> -> memref<1x128xi32, #tpu.memory_space<vmem>>
      %dma_wait3A_586 = tpu.memref_squeeze %dma_wait3A_585 : memref<1x128xi32, #tpu.memory_space<vmem>> -> memref<128xi32, #tpu.memory_space<vmem>>
      %dma_wait3A_587 = arith.constant 0 : i32
      %dma_wait3A_588 = arith.constant 0 : i32
      %dma_wait3A_589 = tpu.memref_slice %arg12[%dma_wait3A_587, %dma_wait3A_588] : memref<10000x64xf32, #tpu.memory_space<vmem_shared>> -> memref<10000x64xf32, #tpu.memory_space<vmem_shared>>
      tpu.wait_indirect_dma semaphore(%arg15 : memref<!tpu.dma_semaphore, #tpu.memory_space<semaphore_mem>>) src(%dma_wait3A_589 : memref<10000x64xf32, #tpu.memory_space<vmem_shared>>) dst(%arg11 : memref<128x64xf32, #tpu.memory_space<vmem>>)
      "tpu.region"() ({
        %run_scoped3A = tpu.sem_alloc : memref<!tpu.dma_semaphore, #tpu.memory_space<semaphore_mem>>
        %dma_start3A_597 = arith.constant 0 : i32
        %dma_start3A_598 = tpu.memref_slice %arg9[%add3A_583, %dma_start3A_597] : memref<40x128xi32, #tpu.memory_space<vmem>> -> memref<1x128xi32, #tpu.memory_space<vmem>>
        %dma_start3A_599 = tpu.memref_squeeze %dma_start3A_598 : memref<1x128xi32, #tpu.memory_space<vmem>> -> memref<128xi32, #tpu.memory_space<vmem>>
        %dma_start3A_600 = arith.constant 0 : i32
        %dma_start3A_601 = arith.constant 0 : i32
        %dma_start3A_602 = tpu.memref_slice %arg13[%dma_start3A_600, %dma_start3A_601] : memref<10016x64xf32, #tpu.memory_space<vmem_shared>> -> memref<10016x64xf32, #tpu.memory_space<vmem_shared>>
        tpu.enqueue_indirect_dma source(%arg11 : memref<128x64xf32, #tpu.memory_space<vmem>>) target(%dma_start3A_602 : memref<10016x64xf32, #tpu.memory_space<vmem_shared>>) offsets(%dma_start3A_599 : memref<128xi32, #tpu.memory_space<vmem>>) semaphore(%run_scoped3A : memref<!tpu.dma_semaphore, #tpu.memory_space<semaphore_mem>>) {add = true}
        %dma_wait3A_603 = arith.constant 0 : i32
        %dma_wait3A_604 = tpu.memref_slice %arg9[%add3A_583, %dma_wait3A_603] : memref<40x128xi32, #tpu.memory_space<vmem>> -> memref<1x128xi32, #tpu.memory_space<vmem>>
        %dma_wait3A_605 = tpu.memref_squeeze %dma_wait3A_604 : memref<1x128xi32, #tpu.memory_space<vmem>> -> memref<128xi32, #tpu.memory_space<vmem>>
        %dma_wait3A_606 = arith.constant 0 : i32
        %dma_wait3A_607 = arith.constant 0 : i32
        %dma_wait3A_608 = tpu.memref_slice %arg13[%dma_wait3A_606, %dma_wait3A_607] : memref<10016x64xf32, #tpu.memory_space<vmem_shared>> -> memref<10016x64xf32, #tpu.memory_space<vmem_shared>>
        tpu.wait_indirect_dma semaphore(%run_scoped3A : memref<!tpu.dma_semaphore, #tpu.memory_space<semaphore_mem>>) src(%arg11 : memref<128x64xf32, #tpu.memory_space<vmem>>) dst(%dma_wait3A_608 : memref<10016x64xf32, #tpu.memory_space<vmem_shared>>)
        tpu.yield
      }) : () -> ()
      %add3A_590 = arith.constant 2 : i32
      %add3A_591 = arith.addi %add3A_583, %add3A_590 : i32
      %lt3A_592 = arith.constant 40 : i32
      %lt3A_593 = arith.cmpi slt, %add3A_591, %lt3A_592 : i32
      %convert_element_type3A_594 = arith.extui %lt3A_593 : i1 to i32
      %cond3A_595 = arith.constant 0 : i32
      %cond3A_596 = arith.cmpi ne, %convert_element_type3A_594, %cond3A_595 : i32
      scf.if %cond3A_596 {
        %add3A_597 = arith.constant 2 : i32
        %add3A_598 = arith.addi %add3A_583, %add3A_597 : i32
        %dma_start3A_599 = arith.constant 0 : i32
        %dma_start3A_600 = tpu.memref_slice %arg8[%add3A_598, %dma_start3A_599] : memref<40x128xi32, #tpu.memory_space<vmem>> -> memref<1x128xi32, #tpu.memory_space<vmem>>
        %dma_start3A_601 = tpu.memref_squeeze %dma_start3A_600 : memref<1x128xi32, #tpu.memory_space<vmem>> -> memref<128xi32, #tpu.memory_space<vmem>>
        %dma_start3A_602 = arith.constant 0 : i32
        %dma_start3A_603 = arith.constant 0 : i32
        %dma_start3A_604 = tpu.memref_slice %arg12[%dma_start3A_602, %dma_start3A_603] : memref<10000x64xf32, #tpu.memory_space<vmem_shared>> -> memref<10000x64xf32, #tpu.memory_space<vmem_shared>>
        tpu.enqueue_indirect_dma source(%dma_start3A_604 : memref<10000x64xf32, #tpu.memory_space<vmem_shared>>) target(%arg11 : memref<128x64xf32, #tpu.memory_space<vmem>>) offsets(%dma_start3A_601 : memref<128xi32, #tpu.memory_space<vmem>>) semaphore(%arg15 : memref<!tpu.dma_semaphore, #tpu.memory_space<semaphore_mem>>)
      } else {
      }
    }
    %scan3A_517 = arith.constant 20 : i32
    "tpu.region"() ({
      %run_scoped3A = tpu.sem_alloc : memref<!tpu.dma_semaphore, #tpu.memory_space<semaphore_mem>>
      %dma_start3A_565 = arith.constant 120 : i32
      %dma_start3A_566 = arith.constant 0 : i32
      %dma_start3A_567 = tpu.memref_slice %arg4[%arg1, %dma_start3A_565, %dma_start3A_566] : memref<16x160x128xi32, #tpu.memory_space<hbm>> -> memref<1x40x128xi32, #tpu.memory_space<hbm>>
      %dma_start3A_568 = tpu.memref_squeeze %dma_start3A_567 : memref<1x40x128xi32, #tpu.memory_space<hbm>> -> memref<40x128xi32, #tpu.memory_space<hbm>>
      %dma_start3A_569 = arith.constant 120 : i32
      %dma_start3A_570 = arith.constant 0 : i32
      %dma_start3A_571 = tpu.memref_slice %arg4[%arg1, %dma_start3A_569, %dma_start3A_570] : memref<16x160x128xi32, #tpu.memory_space<hbm>> -> memref<1x40x128xi32, #tpu.memory_space<hbm>>
      %dma_start3A_572 = tpu.memref_squeeze %dma_start3A_571 : memref<1x40x128xi32, #tpu.memory_space<hbm>> -> memref<40x128xi32, #tpu.memory_space<hbm>>
      tpu.enqueue_dma source(%dma_start3A_572 : memref<40x128xi32, #tpu.memory_space<hbm>>) target(%arg8 : memref<40x128xi32, #tpu.memory_space<vmem>>) target_semaphore(%run_scoped3A : memref<!tpu.dma_semaphore, #tpu.memory_space<semaphore_mem>>)
      %dma_wait3A = arith.constant 120 : i32
      %dma_wait3A_573 = arith.constant 0 : i32
      %dma_wait3A_574 = tpu.memref_slice %arg4[%arg1, %dma_wait3A, %dma_wait3A_573] : memref<16x160x128xi32, #tpu.memory_space<hbm>> -> memref<1x40x128xi32, #tpu.memory_space<hbm>>
      %dma_wait3A_575 = tpu.memref_squeeze %dma_wait3A_574 : memref<1x40x128xi32, #tpu.memory_space<hbm>> -> memref<40x128xi32, #tpu.memory_space<hbm>>
      %dma_wait3A_576 = arith.constant 120 : i32
      %dma_wait3A_577 = arith.constant 0 : i32
      %dma_wait3A_578 = tpu.memref_slice %arg4[%arg1, %dma_wait3A_576, %dma_wait3A_577] : memref<16x160x128xi32, #tpu.memory_space<hbm>> -> memref<1x40x128xi32, #tpu.memory_space<hbm>>
      %dma_wait3A_579 = tpu.memref_squeeze %dma_wait3A_578 : memref<1x40x128xi32, #tpu.memory_space<hbm>> -> memref<40x128xi32, #tpu.memory_space<hbm>>
      tpu.wait_dma2 semaphore(%run_scoped3A : memref<!tpu.dma_semaphore, #tpu.memory_space<semaphore_mem>>) src(%dma_wait3A_579 : memref<40x128xi32, #tpu.memory_space<hbm>>) dst(%arg8 : memref<40x128xi32, #tpu.memory_space<vmem>>)
      tpu.yield
    }) : () -> ()
    "tpu.region"() ({
      %run_scoped3A = tpu.sem_alloc : memref<!tpu.dma_semaphore, #tpu.memory_space<semaphore_mem>>
      %dma_start3A_565 = arith.constant 120 : i32
      %dma_start3A_566 = arith.constant 0 : i32
      %dma_start3A_567 = tpu.memref_slice %arg5[%arg1, %dma_start3A_565, %dma_start3A_566] : memref<16x160x128xi32, #tpu.memory_space<hbm>> -> memref<1x40x128xi32, #tpu.memory_space<hbm>>
      %dma_start3A_568 = tpu.memref_squeeze %dma_start3A_567 : memref<1x40x128xi32, #tpu.memory_space<hbm>> -> memref<40x128xi32, #tpu.memory_space<hbm>>
      %dma_start3A_569 = arith.constant 120 : i32
      %dma_start3A_570 = arith.constant 0 : i32
      %dma_start3A_571 = tpu.memref_slice %arg5[%arg1, %dma_start3A_569, %dma_start3A_570] : memref<16x160x128xi32, #tpu.memory_space<hbm>> -> memref<1x40x128xi32, #tpu.memory_space<hbm>>
      %dma_start3A_572 = tpu.memref_squeeze %dma_start3A_571 : memref<1x40x128xi32, #tpu.memory_space<hbm>> -> memref<40x128xi32, #tpu.memory_space<hbm>>
      tpu.enqueue_dma source(%dma_start3A_572 : memref<40x128xi32, #tpu.memory_space<hbm>>) target(%arg9 : memref<40x128xi32, #tpu.memory_space<vmem>>) target_semaphore(%run_scoped3A : memref<!tpu.dma_semaphore, #tpu.memory_space<semaphore_mem>>)
      %dma_wait3A = arith.constant 120 : i32
      %dma_wait3A_573 = arith.constant 0 : i32
      %dma_wait3A_574 = tpu.memref_slice %arg5[%arg1, %dma_wait3A, %dma_wait3A_573] : memref<16x160x128xi32, #tpu.memory_space<hbm>> -> memref<1x40x128xi32, #tpu.memory_space<hbm>>
      %dma_wait3A_575 = tpu.memref_squeeze %dma_wait3A_574 : memref<1x40x128xi32, #tpu.memory_space<hbm>> -> memref<40x128xi32, #tpu.memory_space<hbm>>
      %dma_wait3A_576 = arith.constant 120 : i32
      %dma_wait3A_577 = arith.constant 0 : i32
      %dma_wait3A_578 = tpu.memref_slice %arg5[%arg1, %dma_wait3A_576, %dma_wait3A_577] : memref<16x160x128xi32, #tpu.memory_space<hbm>> -> memref<1x40x128xi32, #tpu.memory_space<hbm>>
      %dma_wait3A_579 = tpu.memref_squeeze %dma_wait3A_578 : memref<1x40x128xi32, #tpu.memory_space<hbm>> -> memref<40x128xi32, #tpu.memory_space<hbm>>
      tpu.wait_dma2 semaphore(%run_scoped3A : memref<!tpu.dma_semaphore, #tpu.memory_space<semaphore_mem>>) src(%dma_wait3A_579 : memref<40x128xi32, #tpu.memory_space<hbm>>) dst(%arg9 : memref<40x128xi32, #tpu.memory_space<vmem>>)
      tpu.yield
    }) : () -> ()
    %dma_start3A_518 = arith.constant 0 : i32
    %dma_start3A_519 = arith.constant 0 : i32
    %dma_start3A_520 = tpu.memref_slice %arg8[%dma_start3A_518, %dma_start3A_519] : memref<40x128xi32, #tpu.memory_space<vmem>> -> memref<1x128xi32, #tpu.memory_space<vmem>>
    %dma_start3A_521 = tpu.memref_squeeze %dma_start3A_520 : memref<1x128xi32, #tpu.memory_space<vmem>> -> memref<128xi32, #tpu.memory_space<vmem>>
    %dma_start3A_522 = arith.constant 0 : i32
    %dma_start3A_523 = arith.constant 0 : i32
    %dma_start3A_524 = tpu.memref_slice %arg12[%dma_start3A_522, %dma_start3A_523] : memref<10000x64xf32, #tpu.memory_space<vmem_shared>> -> memref<10000x64xf32, #tpu.memory_space<vmem_shared>>
    tpu.enqueue_indirect_dma source(%dma_start3A_524 : memref<10000x64xf32, #tpu.memory_space<vmem_shared>>) target(%arg10 : memref<128x64xf32, #tpu.memory_space<vmem>>) offsets(%dma_start3A_521 : memref<128xi32, #tpu.memory_space<vmem>>) semaphore(%arg14 : memref<!tpu.dma_semaphore, #tpu.memory_space<semaphore_mem>>)
    %dma_start3A_525 = arith.constant 1 : i32
    %dma_start3A_526 = arith.constant 0 : i32
    %dma_start3A_527 = tpu.memref_slice %arg8[%dma_start3A_525, %dma_start3A_526] : memref<40x128xi32, #tpu.memory_space<vmem>> -> memref<1x128xi32, #tpu.memory_space<vmem>>
    %dma_start3A_528 = tpu.memref_squeeze %dma_start3A_527 : memref<1x128xi32, #tpu.memory_space<vmem>> -> memref<128xi32, #tpu.memory_space<vmem>>
    %dma_start3A_529 = arith.constant 0 : i32
    %dma_start3A_530 = arith.constant 0 : i32
    %dma_start3A_531 = tpu.memref_slice %arg12[%dma_start3A_529, %dma_start3A_530] : memref<10000x64xf32, #tpu.memory_space<vmem_shared>> -> memref<10000x64xf32, #tpu.memory_space<vmem_shared>>
    tpu.enqueue_indirect_dma source(%dma_start3A_531 : memref<10000x64xf32, #tpu.memory_space<vmem_shared>>) target(%arg11 : memref<128x64xf32, #tpu.memory_space<vmem>>) offsets(%dma_start3A_528 : memref<128xi32, #tpu.memory_space<vmem>>) semaphore(%arg15 : memref<!tpu.dma_semaphore, #tpu.memory_space<semaphore_mem>>)
    %scan3A_532 = arith.constant 0 : i32
    %scan3A_533 = arith.constant 0 : i32
    %scan3A_534 = arith.constant 20 : i32
    %scan3A_535 = arith.addi %scan3A_533, %scan3A_534 : i32
    %scan3A_536 = arith.constant 1 : i32
    scf.for %scan3A_565 = %scan3A_533 to %scan3A_535 step %scan3A_536  : i32 {
      %mul3A_566 = arith.constant 2 : i32
      %mul3A_567 = arith.muli %mul3A_566, %scan3A_565 : i32
      %add3A_568 = arith.constant 0 : i32
      %add3A_569 = arith.addi %mul3A_567, %add3A_568 : i32
      %dma_wait3A = arith.constant 0 : i32
      %dma_wait3A_570 = tpu.memref_slice %arg8[%add3A_569, %dma_wait3A] : memref<40x128xi32, #tpu.memory_space<vmem>> -> memref<1x128xi32, #tpu.memory_space<vmem>>
      %dma_wait3A_571 = tpu.memref_squeeze %dma_wait3A_570 : memref<1x128xi32, #tpu.memory_space<vmem>> -> memref<128xi32, #tpu.memory_space<vmem>>
      %dma_wait3A_572 = arith.constant 0 : i32
      %dma_wait3A_573 = arith.constant 0 : i32
      %dma_wait3A_574 = tpu.memref_slice %arg12[%dma_wait3A_572, %dma_wait3A_573] : memref<10000x64xf32, #tpu.memory_space<vmem_shared>> -> memref<10000x64xf32, #tpu.memory_space<vmem_shared>>
      tpu.wait_indirect_dma semaphore(%arg14 : memref<!tpu.dma_semaphore, #tpu.memory_space<semaphore_mem>>) src(%dma_wait3A_574 : memref<10000x64xf32, #tpu.memory_space<vmem_shared>>) dst(%arg10 : memref<128x64xf32, #tpu.memory_space<vmem>>)
      "tpu.region"() ({
        %run_scoped3A = tpu.sem_alloc : memref<!tpu.dma_semaphore, #tpu.memory_space<semaphore_mem>>
        %dma_start3A_597 = arith.constant 0 : i32
        %dma_start3A_598 = tpu.memref_slice %arg9[%add3A_569, %dma_start3A_597] : memref<40x128xi32, #tpu.memory_space<vmem>> -> memref<1x128xi32, #tpu.memory_space<vmem>>
        %dma_start3A_599 = tpu.memref_squeeze %dma_start3A_598 : memref<1x128xi32, #tpu.memory_space<vmem>> -> memref<128xi32, #tpu.memory_space<vmem>>
        %dma_start3A_600 = arith.constant 0 : i32
        %dma_start3A_601 = arith.constant 0 : i32
        %dma_start3A_602 = tpu.memref_slice %arg13[%dma_start3A_600, %dma_start3A_601] : memref<10016x64xf32, #tpu.memory_space<vmem_shared>> -> memref<10016x64xf32, #tpu.memory_space<vmem_shared>>
        tpu.enqueue_indirect_dma source(%arg10 : memref<128x64xf32, #tpu.memory_space<vmem>>) target(%dma_start3A_602 : memref<10016x64xf32, #tpu.memory_space<vmem_shared>>) offsets(%dma_start3A_599 : memref<128xi32, #tpu.memory_space<vmem>>) semaphore(%run_scoped3A : memref<!tpu.dma_semaphore, #tpu.memory_space<semaphore_mem>>) {add = true}
        %dma_wait3A_603 = arith.constant 0 : i32
        %dma_wait3A_604 = tpu.memref_slice %arg9[%add3A_569, %dma_wait3A_603] : memref<40x128xi32, #tpu.memory_space<vmem>> -> memref<1x128xi32, #tpu.memory_space<vmem>>
        %dma_wait3A_605 = tpu.memref_squeeze %dma_wait3A_604 : memref<1x128xi32, #tpu.memory_space<vmem>> -> memref<128xi32, #tpu.memory_space<vmem>>
        %dma_wait3A_606 = arith.constant 0 : i32
        %dma_wait3A_607 = arith.constant 0 : i32
        %dma_wait3A_608 = tpu.memref_slice %arg13[%dma_wait3A_606, %dma_wait3A_607] : memref<10016x64xf32, #tpu.memory_space<vmem_shared>> -> memref<10016x64xf32, #tpu.memory_space<vmem_shared>>
        tpu.wait_indirect_dma semaphore(%run_scoped3A : memref<!tpu.dma_semaphore, #tpu.memory_space<semaphore_mem>>) src(%arg10 : memref<128x64xf32, #tpu.memory_space<vmem>>) dst(%dma_wait3A_608 : memref<10016x64xf32, #tpu.memory_space<vmem_shared>>)
        tpu.yield
      }) : () -> ()
      %add3A_575 = arith.constant 2 : i32
      %add3A_576 = arith.addi %add3A_569, %add3A_575 : i32
      %lt3A_577 = arith.constant 40 : i32
      %lt3A_578 = arith.cmpi slt, %add3A_576, %lt3A_577 : i32
      %convert_element_type3A_579 = arith.extui %lt3A_578 : i1 to i32
      %cond3A_580 = arith.constant 0 : i32
      %cond3A_581 = arith.cmpi ne, %convert_element_type3A_579, %cond3A_580 : i32
      scf.if %cond3A_581 {
        %add3A_597 = arith.constant 2 : i32
        %add3A_598 = arith.addi %add3A_569, %add3A_597 : i32
        %dma_start3A_599 = arith.constant 0 : i32
        %dma_start3A_600 = tpu.memref_slice %arg8[%add3A_598, %dma_start3A_599] : memref<40x128xi32, #tpu.memory_space<vmem>> -> memref<1x128xi32, #tpu.memory_space<vmem>>
        %dma_start3A_601 = tpu.memref_squeeze %dma_start3A_600 : memref<1x128xi32, #tpu.memory_space<vmem>> -> memref<128xi32, #tpu.memory_space<vmem>>
        %dma_start3A_602 = arith.constant 0 : i32
        %dma_start3A_603 = arith.constant 0 : i32
        %dma_start3A_604 = tpu.memref_slice %arg12[%dma_start3A_602, %dma_start3A_603] : memref<10000x64xf32, #tpu.memory_space<vmem_shared>> -> memref<10000x64xf32, #tpu.memory_space<vmem_shared>>
        tpu.enqueue_indirect_dma source(%dma_start3A_604 : memref<10000x64xf32, #tpu.memory_space<vmem_shared>>) target(%arg10 : memref<128x64xf32, #tpu.memory_space<vmem>>) offsets(%dma_start3A_601 : memref<128xi32, #tpu.memory_space<vmem>>) semaphore(%arg14 : memref<!tpu.dma_semaphore, #tpu.memory_space<semaphore_mem>>)
      } else {
      }
      %add3A_582 = arith.constant 1 : i32
      %add3A_583 = arith.addi %mul3A_567, %add3A_582 : i32
      %dma_wait3A_584 = arith.constant 0 : i32
      %dma_wait3A_585 = tpu.memref_slice %arg8[%add3A_583, %dma_wait3A_584] : memref<40x128xi32, #tpu.memory_space<vmem>> -> memref<1x128xi32, #tpu.memory_space<vmem>>
      %dma_wait3A_586 = tpu.memref_squeeze %dma_wait3A_585 : memref<1x128xi32, #tpu.memory_space<vmem>> -> memref<128xi32, #tpu.memory_space<vmem>>
      %dma_wait3A_587 = arith.constant 0 : i32
      %dma_wait3A_588 = arith.constant 0 : i32
      %dma_wait3A_589 = tpu.memref_slice %arg12[%dma_wait3A_587, %dma_wait3A_588] : memref<10000x64xf32, #tpu.memory_space<vmem_shared>> -> memref<10000x64xf32, #tpu.memory_space<vmem_shared>>
      tpu.wait_indirect_dma semaphore(%arg15 : memref<!tpu.dma_semaphore, #tpu.memory_space<semaphore_mem>>) src(%dma_wait3A_589 : memref<10000x64xf32, #tpu.memory_space<vmem_shared>>) dst(%arg11 : memref<128x64xf32, #tpu.memory_space<vmem>>)
      "tpu.region"() ({
        %run_scoped3A = tpu.sem_alloc : memref<!tpu.dma_semaphore, #tpu.memory_space<semaphore_mem>>
        %dma_start3A_597 = arith.constant 0 : i32
        %dma_start3A_598 = tpu.memref_slice %arg9[%add3A_583, %dma_start3A_597] : memref<40x128xi32, #tpu.memory_space<vmem>> -> memref<1x128xi32, #tpu.memory_space<vmem>>
        %dma_start3A_599 = tpu.memref_squeeze %dma_start3A_598 : memref<1x128xi32, #tpu.memory_space<vmem>> -> memref<128xi32, #tpu.memory_space<vmem>>
        %dma_start3A_600 = arith.constant 0 : i32
        %dma_start3A_601 = arith.constant 0 : i32
        %dma_start3A_602 = tpu.memref_slice %arg13[%dma_start3A_600, %dma_start3A_601] : memref<10016x64xf32, #tpu.memory_space<vmem_shared>> -> memref<10016x64xf32, #tpu.memory_space<vmem_shared>>
        tpu.enqueue_indirect_dma source(%arg11 : memref<128x64xf32, #tpu.memory_space<vmem>>) target(%dma_start3A_602 : memref<10016x64xf32, #tpu.memory_space<vmem_shared>>) offsets(%dma_start3A_599 : memref<128xi32, #tpu.memory_space<vmem>>) semaphore(%run_scoped3A : memref<!tpu.dma_semaphore, #tpu.memory_space<semaphore_mem>>) {add = true}
        %dma_wait3A_603 = arith.constant 0 : i32
        %dma_wait3A_604 = tpu.memref_slice %arg9[%add3A_583, %dma_wait3A_603] : memref<40x128xi32, #tpu.memory_space<vmem>> -> memref<1x128xi32, #tpu.memory_space<vmem>>
        %dma_wait3A_605 = tpu.memref_squeeze %dma_wait3A_604 : memref<1x128xi32, #tpu.memory_space<vmem>> -> memref<128xi32, #tpu.memory_space<vmem>>
        %dma_wait3A_606 = arith.constant 0 : i32
        %dma_wait3A_607 = arith.constant 0 : i32
        %dma_wait3A_608 = tpu.memref_slice %arg13[%dma_wait3A_606, %dma_wait3A_607] : memref<10016x64xf32, #tpu.memory_space<vmem_shared>> -> memref<10016x64xf32, #tpu.memory_space<vmem_shared>>
        tpu.wait_indirect_dma semaphore(%run_scoped3A : memref<!tpu.dma_semaphore, #tpu.memory_space<semaphore_mem>>) src(%arg11 : memref<128x64xf32, #tpu.memory_space<vmem>>) dst(%dma_wait3A_608 : memref<10016x64xf32, #tpu.memory_space<vmem_shared>>)
        tpu.yield
      }) : () -> ()
      %add3A_590 = arith.constant 2 : i32
      %add3A_591 = arith.addi %add3A_583, %add3A_590 : i32
      %lt3A_592 = arith.constant 40 : i32
      %lt3A_593 = arith.cmpi slt, %add3A_591, %lt3A_592 : i32
      %convert_element_type3A_594 = arith.extui %lt3A_593 : i1 to i32
      %cond3A_595 = arith.constant 0 : i32
      %cond3A_596 = arith.cmpi ne, %convert_element_type3A_594, %cond3A_595 : i32
      scf.if %cond3A_596 {
        %add3A_597 = arith.constant 2 : i32
        %add3A_598 = arith.addi %add3A_583, %add3A_597 : i32
        %dma_start3A_599 = arith.constant 0 : i32
        %dma_start3A_600 = tpu.memref_slice %arg8[%add3A_598, %dma_start3A_599] : memref<40x128xi32, #tpu.memory_space<vmem>> -> memref<1x128xi32, #tpu.memory_space<vmem>>
        %dma_start3A_601 = tpu.memref_squeeze %dma_start3A_600 : memref<1x128xi32, #tpu.memory_space<vmem>> -> memref<128xi32, #tpu.memory_space<vmem>>
        %dma_start3A_602 = arith.constant 0 : i32
        %dma_start3A_603 = arith.constant 0 : i32
        %dma_start3A_604 = tpu.memref_slice %arg12[%dma_start3A_602, %dma_start3A_603] : memref<10000x64xf32, #tpu.memory_space<vmem_shared>> -> memref<10000x64xf32, #tpu.memory_space<vmem_shared>>
        tpu.enqueue_indirect_dma source(%dma_start3A_604 : memref<10000x64xf32, #tpu.memory_space<vmem_shared>>) target(%arg11 : memref<128x64xf32, #tpu.memory_space<vmem>>) offsets(%dma_start3A_601 : memref<128xi32, #tpu.memory_space<vmem>>) semaphore(%arg15 : memref<!tpu.dma_semaphore, #tpu.memory_space<semaphore_mem>>)
      } else {
      }
    }
    %scan3A_537 = arith.constant 20 : i32
    %barrier3A_538 = arith.constant 0 : index
    tpu.barrier barrier_id(%barrier3A_538)
    %lt3A_539 = arith.constant 1 : i32
    %lt3A_540 = arith.cmpi slt, %arg1, %lt3A_539 : i32
    %jit3A_541 = arith.constant 40 : i32
    %jit3A_542 = arith.constant 39 : i32
    %select_n3A_543 = arith.select %lt3A_540, %jit3A_541, %jit3A_542 : i32
    %lt3A_544 = arith.constant 1 : i32
    %lt3A_545 = arith.cmpi slt, %arg1, %lt3A_544 : i32
    %mul3A_546 = arith.constant 40 : i32
    %mul3A_547 = arith.muli %arg1, %mul3A_546 : i32
    %sub3A_548 = arith.constant 1 : i32
    %sub3A_549 = arith.subi %arg1, %sub3A_548 : i32
    %mul3A_550 = arith.constant 39 : i32
    %mul3A_551 = arith.muli %sub3A_549, %mul3A_550 : i32
    %add3A_552 = arith.constant 40 : i32
    %add3A_553 = arith.addi %add3A_552, %mul3A_551 : i32
    %select_n3A_554 = arith.select %lt3A_545, %mul3A_547, %add3A_553 : i32
    %while3A_555 = arith.constant 0 : i32
    %while3A_556 = arith.constant 0 : i32
    %while3A_557 = arith.subi %select_n3A_543, %while3A_556 : i32
    %while3A_558 = arith.addi %while3A_556, %while3A_557 : i32
    %while3A_559 = arith.constant 1 : i32
    %while3A_560 = arith.divsi %while3A_557, %while3A_559 : i32
    %while3A_561 = arith.muli %while3A_560, %while3A_559 : i32
    %while3A_562 = arith.addi %while3A_556, %while3A_561 : i32
    %while3A_563 = arith.constant 1 : i32
    scf.for %while3A_565 = %while3A_556 to %while3A_562 step %while3A_563  : i32 {
      %add3A_566 = arith.addi %select_n3A_554, %while3A_565 : i32
      %mul3A_567 = arith.constant 16 : i32
      %mul3A_568 = arith.muli %add3A_566, %mul3A_567 : i32
      %eq3A_569 = arith.constant 0 : i32
      %eq3A_570 = arith.cmpi eq, %arg0, %eq3A_569 : i32
      %convert_element_type3A_571 = arith.extui %eq3A_570 : i1 to i32
      %cond3A_572 = arith.constant 0 : i32
      %cond3A_573 = arith.cmpi ne, %convert_element_type3A_571, %cond3A_572 : i32
      scf.if %cond3A_573 {
        "tpu.region"() ({
          %run_scoped3A = tpu.sem_alloc : memref<!tpu.dma_semaphore, #tpu.memory_space<semaphore_mem>>
          %dma_start3A_579 = arith.constant 0 : i32
          %dma_start3A_580 = tpu.memref_slice %arg6[%mul3A_568, %dma_start3A_579] : memref<10000x64xf32, #tpu.memory_space<hbm>> -> memref<16x64xf32, #tpu.memory_space<hbm>>
          %dma_start3A_581 = arith.constant 0 : i32
          %dma_start3A_582 = tpu.memref_slice %arg13[%mul3A_568, %dma_start3A_581] : memref<10016x64xf32, #tpu.memory_space<vmem_shared>> -> memref<16x64xf32, #tpu.memory_space<vmem_shared>>
          tpu.enqueue_dma source(%dma_start3A_582 : memref<16x64xf32, #tpu.memory_space<vmem_shared>>) target(%dma_start3A_580 : memref<16x64xf32, #tpu.memory_space<hbm>>) target_semaphore(%run_scoped3A : memref<!tpu.dma_semaphore, #tpu.memory_space<semaphore_mem>>)
          %dma_wait3A = arith.constant 0 : i32
          %dma_wait3A_583 = tpu.memref_slice %arg6[%mul3A_568, %dma_wait3A] : memref<10000x64xf32, #tpu.memory_space<hbm>> -> memref<16x64xf32, #tpu.memory_space<hbm>>
          %dma_wait3A_584 = arith.constant 0 : i32
          %dma_wait3A_585 = tpu.memref_slice %arg13[%mul3A_568, %dma_wait3A_584] : memref<10016x64xf32, #tpu.memory_space<vmem_shared>> -> memref<16x64xf32, #tpu.memory_space<vmem_shared>>
          tpu.wait_dma2 semaphore(%run_scoped3A : memref<!tpu.dma_semaphore, #tpu.memory_space<semaphore_mem>>) src(%dma_wait3A_585 : memref<16x64xf32, #tpu.memory_space<vmem_shared>>) dst(%dma_wait3A_583 : memref<16x64xf32, #tpu.memory_space<hbm>>)
          tpu.yield
        }) : () -> ()
      } else {
      }
      %eq3A_574 = arith.constant 1 : i32
      %eq3A_575 = arith.cmpi eq, %arg0, %eq3A_574 : i32
      %convert_element_type3A_576 = arith.extui %eq3A_575 : i1 to i32
      %cond3A_577 = arith.constant 0 : i32
      %cond3A_578 = arith.cmpi ne, %convert_element_type3A_576, %cond3A_577 : i32
      scf.if %cond3A_578 {
        "tpu.region"() ({
          %run_scoped3A = tpu.sem_alloc : memref<!tpu.dma_semaphore, #tpu.memory_space<semaphore_mem>>
          %dma_start3A_579 = arith.constant 0 : i32
          %dma_start3A_580 = tpu.memref_slice %arg7[%mul3A_568, %dma_start3A_579] : memref<10000x64xf32, #tpu.memory_space<hbm>> -> memref<16x64xf32, #tpu.memory_space<hbm>>
          %dma_start3A_581 = arith.constant 0 : i32
          %dma_start3A_582 = tpu.memref_slice %arg13[%mul3A_568, %dma_start3A_581] : memref<10016x64xf32, #tpu.memory_space<vmem_shared>> -> memref<16x64xf32, #tpu.memory_space<vmem_shared>>
          tpu.enqueue_dma source(%dma_start3A_582 : memref<16x64xf32, #tpu.memory_space<vmem_shared>>) target(%dma_start3A_580 : memref<16x64xf32, #tpu.memory_space<hbm>>) target_semaphore(%run_scoped3A : memref<!tpu.dma_semaphore, #tpu.memory_space<semaphore_mem>>)
          %dma_wait3A = arith.constant 0 : i32
          %dma_wait3A_583 = tpu.memref_slice %arg7[%mul3A_568, %dma_wait3A] : memref<10000x64xf32, #tpu.memory_space<hbm>> -> memref<16x64xf32, #tpu.memory_space<hbm>>
          %dma_wait3A_584 = arith.constant 0 : i32
          %dma_wait3A_585 = tpu.memref_slice %arg13[%mul3A_568, %dma_wait3A_584] : memref<10016x64xf32, #tpu.memory_space<vmem_shared>> -> memref<16x64xf32, #tpu.memory_space<vmem_shared>>
          tpu.wait_dma2 semaphore(%run_scoped3A : memref<!tpu.dma_semaphore, #tpu.memory_space<semaphore_mem>>) src(%dma_wait3A_585 : memref<16x64xf32, #tpu.memory_space<vmem_shared>>) dst(%dma_wait3A_583 : memref<16x64xf32, #tpu.memory_space<hbm>>)
          tpu.yield
        }) : () -> ()
      } else {
      }
    }
    %while3A_564 = arith.constant 1 : i32
    scf.for %while3A_565 = %while3A_562 to %while3A_558 step %while3A_564  : i32 {
      %add3A_566 = arith.addi %select_n3A_554, %while3A_565 : i32
      %mul3A_567 = arith.constant 16 : i32
      %mul3A_568 = arith.muli %add3A_566, %mul3A_567 : i32
      %eq3A_569 = arith.constant 0 : i32
      %eq3A_570 = arith.cmpi eq, %arg0, %eq3A_569 : i32
      %convert_element_type3A_571 = arith.extui %eq3A_570 : i1 to i32
      %cond3A_572 = arith.constant 0 : i32
      %cond3A_573 = arith.cmpi ne, %convert_element_type3A_571, %cond3A_572 : i32
      scf.if %cond3A_573 {
        "tpu.region"() ({
          %run_scoped3A = tpu.sem_alloc : memref<!tpu.dma_semaphore, #tpu.memory_space<semaphore_mem>>
          %dma_start3A_579 = arith.constant 0 : i32
          %dma_start3A_580 = tpu.memref_slice %arg6[%mul3A_568, %dma_start3A_579] : memref<10000x64xf32, #tpu.memory_space<hbm>> -> memref<16x64xf32, #tpu.memory_space<hbm>>
          %dma_start3A_581 = arith.constant 0 : i32
          %dma_start3A_582 = tpu.memref_slice %arg13[%mul3A_568, %dma_start3A_581] : memref<10016x64xf32, #tpu.memory_space<vmem_shared>> -> memref<16x64xf32, #tpu.memory_space<vmem_shared>>
          tpu.enqueue_dma source(%dma_start3A_582 : memref<16x64xf32, #tpu.memory_space<vmem_shared>>) target(%dma_start3A_580 : memref<16x64xf32, #tpu.memory_space<hbm>>) target_semaphore(%run_scoped3A : memref<!tpu.dma_semaphore, #tpu.memory_space<semaphore_mem>>)
          %dma_wait3A = arith.constant 0 : i32
          %dma_wait3A_583 = tpu.memref_slice %arg6[%mul3A_568, %dma_wait3A] : memref<10000x64xf32, #tpu.memory_space<hbm>> -> memref<16x64xf32, #tpu.memory_space<hbm>>
          %dma_wait3A_584 = arith.constant 0 : i32
          %dma_wait3A_585 = tpu.memref_slice %arg13[%mul3A_568, %dma_wait3A_584] : memref<10016x64xf32, #tpu.memory_space<vmem_shared>> -> memref<16x64xf32, #tpu.memory_space<vmem_shared>>
          tpu.wait_dma2 semaphore(%run_scoped3A : memref<!tpu.dma_semaphore, #tpu.memory_space<semaphore_mem>>) src(%dma_wait3A_585 : memref<16x64xf32, #tpu.memory_space<vmem_shared>>) dst(%dma_wait3A_583 : memref<16x64xf32, #tpu.memory_space<hbm>>)
          tpu.yield
        }) : () -> ()
      } else {
      }
      %eq3A_574 = arith.constant 1 : i32
      %eq3A_575 = arith.cmpi eq, %arg0, %eq3A_574 : i32
      %convert_element_type3A_576 = arith.extui %eq3A_575 : i1 to i32
      %cond3A_577 = arith.constant 0 : i32
      %cond3A_578 = arith.cmpi ne, %convert_element_type3A_576, %cond3A_577 : i32
      scf.if %cond3A_578 {
        "tpu.region"() ({
          %run_scoped3A = tpu.sem_alloc : memref<!tpu.dma_semaphore, #tpu.memory_space<semaphore_mem>>
          %dma_start3A_579 = arith.constant 0 : i32
          %dma_start3A_580 = tpu.memref_slice %arg7[%mul3A_568, %dma_start3A_579] : memref<10000x64xf32, #tpu.memory_space<hbm>> -> memref<16x64xf32, #tpu.memory_space<hbm>>
          %dma_start3A_581 = arith.constant 0 : i32
          %dma_start3A_582 = tpu.memref_slice %arg13[%mul3A_568, %dma_start3A_581] : memref<10016x64xf32, #tpu.memory_space<vmem_shared>> -> memref<16x64xf32, #tpu.memory_space<vmem_shared>>
          tpu.enqueue_dma source(%dma_start3A_582 : memref<16x64xf32, #tpu.memory_space<vmem_shared>>) target(%dma_start3A_580 : memref<16x64xf32, #tpu.memory_space<hbm>>) target_semaphore(%run_scoped3A : memref<!tpu.dma_semaphore, #tpu.memory_space<semaphore_mem>>)
          %dma_wait3A = arith.constant 0 : i32
          %dma_wait3A_583 = tpu.memref_slice %arg7[%mul3A_568, %dma_wait3A] : memref<10000x64xf32, #tpu.memory_space<hbm>> -> memref<16x64xf32, #tpu.memory_space<hbm>>
          %dma_wait3A_584 = arith.constant 0 : i32
          %dma_wait3A_585 = tpu.memref_slice %arg13[%mul3A_568, %dma_wait3A_584] : memref<10016x64xf32, #tpu.memory_space<vmem_shared>> -> memref<16x64xf32, #tpu.memory_space<vmem_shared>>
          tpu.wait_dma2 semaphore(%run_scoped3A : memref<!tpu.dma_semaphore, #tpu.memory_space<semaphore_mem>>) src(%dma_wait3A_585 : memref<16x64xf32, #tpu.memory_space<vmem_shared>>) dst(%dma_wait3A_583 : memref<16x64xf32, #tpu.memory_space<hbm>>)
          tpu.yield
        }) : () -> ()
      } else {
      }
    }
    return
  }
}

#map = affine_map<(d0, d1) -> (0, 0)>
#map1 = affine_map<(d0, d1) -> (0, 0, 0)>
module attributes {stable_mosaic.version = 14 : i64} {
  func.func @sc_fn(%arg0: i32, %arg1: i32, %arg2: memref<10000x64xf32, #tpu.memory_space<hbm>>, %arg3: memref<10000x64xf32, #tpu.memory_space<hbm>>, %arg4: memref<16x160x128xi32, #tpu.memory_space<hbm>>, %arg5: memref<16x160x128xi32, #tpu.memory_space<hbm>>, %arg6: memref<10000x64xf32, #tpu.memory_space<hbm>>, %arg7: memref<10000x64xf32, #tpu.memory_space<hbm>>, %arg8: memref<40x128xi32, #tpu.memory_space<vmem>>, %arg9: memref<40x128xi32, #tpu.memory_space<vmem>>, %arg10: memref<128x64xf32, #tpu.memory_space<vmem>>, %arg11: memref<128x64xf32, #tpu.memory_space<vmem>>, %arg12: memref<10000x64xf32, #tpu.memory_space<vmem_shared>>, %arg13: memref<10016x64xf32, #tpu.memory_space<vmem_shared>>, %arg14: memref<!tpu.dma_semaphore, #tpu.memory_space<semaphore_mem>>, %arg15: memref<!tpu.dma_semaphore, #tpu.memory_space<semaphore_mem>>) attributes {dimension_semantics = [#tpu.dimension_semantics<core_parallel>, #tpu.dimension_semantics<subcore_parallel>], iteration_bounds = array<i64: 2, 16>, scalar_prefetch = 0 : i64, scratch_operands = 8 : i64, tpu.core_type = #tpu.core_type<sc_vector_subcore>, window_params = [{transform_indices = #map}, {transform_indices = #map}, {transform_indices = #map1}, {transform_indices = #map1}, {transform_indices = #map}, {transform_indices = #map}]} {
    %add3A = arith.constant 0 : i32
    %add3A_0 = arith.addi %arg1, %add3A : i32
    %lt3A = arith.constant 78 : i32
    %lt3A_1 = arith.cmpi slt, %add3A_0, %lt3A : i32
    %convert_element_type3A = arith.extui %lt3A_1 : i1 to i32
    %cond3A = arith.constant 0 : i32
    %cond3A_2 = arith.cmpi ne, %convert_element_type3A, %cond3A : i32
    scf.if %cond3A_2 {
      %mul3A_565 = arith.constant 128 : i32
      %mul3A_566 = arith.muli %add3A_0, %mul3A_565 : i32
      %eq3A_567 = arith.constant 0 : i32
      %eq3A_568 = arith.cmpi eq, %arg0, %eq3A_567 : i32
      %convert_element_type3A_569 = arith.extui %eq3A_568 : i1 to i32
      %cond3A_570 = arith.constant 0 : i32
      %cond3A_571 = arith.cmpi ne, %convert_element_type3A_569, %cond3A_570 : i32
      scf.if %cond3A_571 {
        "tpu.region"() ({
          %run_scoped3A = tpu.sem_alloc : memref<!tpu.dma_semaphore, #tpu.memory_space<semaphore_mem>>
          %dma_start3A_577 = arith.constant 0 : i32
          %dma_start3A_578 = tpu.memref_slice %arg2[%mul3A_566, %dma_start3A_577] : memref<10000x64xf32, #tpu.memory_space<hbm>> -> memref<128x64xf32, #tpu.memory_space<hbm>>
          %dma_start3A_579 = arith.constant 0 : i32
          %dma_start3A_580 = tpu.memref_slice %arg2[%mul3A_566, %dma_start3A_579] : memref<10000x64xf32, #tpu.memory_space<hbm>> -> memref<128x64xf32, #tpu.memory_space<hbm>>
          tpu.enqueue_dma source(%dma_start3A_580 : memref<128x64xf32, #tpu.memory_space<hbm>>) target(%arg10 : memref<128x64xf32, #tpu.memory_space<vmem>>) target_semaphore(%run_scoped3A : memref<!tpu.dma_semaphore, #tpu.memory_space<semaphore_mem>>)
          %dma_wait3A = arith.constant 0 : i32
          %dma_wait3A_581 = tpu.memref_slice %arg2[%mul3A_566, %dma_wait3A] : memref<10000x64xf32, #tpu.memory_space<hbm>> -> memref<128x64xf32, #tpu.memory_space<hbm>>
          %dma_wait3A_582 = arith.constant 0 : i32
          %dma_wait3A_583 = tpu.memref_slice %arg2[%mul3A_566, %dma_wait3A_582] : memref<10000x64xf32, #tpu.memory_space<hbm>> -> memref<128x64xf32, #tpu.memory_space<hbm>>
          tpu.wait_dma2 semaphore(%run_scoped3A : memref<!tpu.dma_semaphore, #tpu.memory_space<semaphore_mem>>) src(%dma_wait3A_583 : memref<128x64xf32, #tpu.memory_space<hbm>>) dst(%arg10 : memref<128x64xf32, #tpu.memory_space<vmem>>)
          tpu.yield
        }) : () -> ()
      } else {
      }
      %eq3A_572 = arith.constant 1 : i32
      %eq3A_573 = arith.cmpi eq, %arg0, %eq3A_572 : i32
      %convert_element_type3A_574 = arith.extui %eq3A_573 : i1 to i32
      %cond3A_575 = arith.constant 0 : i32
      %cond3A_576 = arith.cmpi ne, %convert_element_type3A_574, %cond3A_575 : i32
      scf.if %cond3A_576 {
        "tpu.region"() ({
          %run_scoped3A = tpu.sem_alloc : memref<!tpu.dma_semaphore, #tpu.memory_space<semaphore_mem>>
          %dma_start3A_577 = arith.constant 0 : i32
          %dma_start3A_578 = tpu.memref_slice %arg3[%mul3A_566, %dma_start3A_577] : memref<10000x64xf32, #tpu.memory_space<hbm>> -> memref<128x64xf32, #tpu.memory_space<hbm>>
          %dma_start3A_579 = arith.constant 0 : i32
          %dma_start3A_580 = tpu.memref_slice %arg3[%mul3A_566, %dma_start3A_579] : memref<10000x64xf32, #tpu.memory_space<hbm>> -> memref<128x64xf32, #tpu.memory_space<hbm>>
          tpu.enqueue_dma source(%dma_start3A_580 : memref<128x64xf32, #tpu.memory_space<hbm>>) target(%arg10 : memref<128x64xf32, #tpu.memory_space<vmem>>) target_semaphore(%run_scoped3A : memref<!tpu.dma_semaphore, #tpu.memory_space<semaphore_mem>>)
          %dma_wait3A = arith.constant 0 : i32
          %dma_wait3A_581 = tpu.memref_slice %arg3[%mul3A_566, %dma_wait3A] : memref<10000x64xf32, #tpu.memory_space<hbm>> -> memref<128x64xf32, #tpu.memory_space<hbm>>
          %dma_wait3A_582 = arith.constant 0 : i32
          %dma_wait3A_583 = tpu.memref_slice %arg3[%mul3A_566, %dma_wait3A_582] : memref<10000x64xf32, #tpu.memory_space<hbm>> -> memref<128x64xf32, #tpu.memory_space<hbm>>
          tpu.wait_dma2 semaphore(%run_scoped3A : memref<!tpu.dma_semaphore, #tpu.memory_space<semaphore_mem>>) src(%dma_wait3A_583 : memref<128x64xf32, #tpu.memory_space<hbm>>) dst(%arg10 : memref<128x64xf32, #tpu.memory_space<vmem>>)
          tpu.yield
        }) : () -> ()
      } else {
      }
      "tpu.region"() ({
        %run_scoped3A = tpu.sem_alloc : memref<!tpu.dma_semaphore, #tpu.memory_space<semaphore_mem>>
        %dma_start3A_577 = arith.constant 0 : i32
        %dma_start3A_578 = tpu.memref_slice %arg12[%mul3A_566, %dma_start3A_577] : memref<10000x64xf32, #tpu.memory_space<vmem_shared>> -> memref<128x64xf32, #tpu.memory_space<vmem_shared>>
        %dma_start3A_579 = arith.constant 0 : i32
        %dma_start3A_580 = tpu.memref_slice %arg12[%mul3A_566, %dma_start3A_579] : memref<10000x64xf32, #tpu.memory_space<vmem_shared>> -> memref<128x64xf32, #tpu.memory_space<vmem_shared>>
        tpu.enqueue_dma source(%arg10 : memref<128x64xf32, #tpu.memory_space<vmem>>) target(%dma_start3A_580 : memref<128x64xf32, #tpu.memory_space<vmem_shared>>) target_semaphore(%run_scoped3A : memref<!tpu.dma_semaphore, #tpu.memory_space<semaphore_mem>>)
        %dma_wait3A = arith.constant 0 : i32
        %dma_wait3A_581 = tpu.memref_slice %arg12[%mul3A_566, %dma_wait3A] : memref<10000x64xf32, #tpu.memory_space<vmem_shared>> -> memref<128x64xf32, #tpu.memory_space<vmem_shared>>
        %dma_wait3A_582 = arith.constant 0 : i32
        %dma_wait3A_583 = tpu.memref_slice %arg12[%mul3A_566, %dma_wait3A_582] : memref<10000x64xf32, #tpu.memory_space<vmem_shared>> -> memref<128x64xf32, #tpu.memory_space<vmem_shared>>
        tpu.wait_dma2 semaphore(%run_scoped3A : memref<!tpu.dma_semaphore, #tpu.memory_space<semaphore_mem>>) src(%arg10 : memref<128x64xf32, #tpu.memory_space<vmem>>) dst(%dma_wait3A_583 : memref<128x64xf32, #tpu.memory_space<vmem_shared>>)
        tpu.yield
      }) : () -> ()
    } else {
    }
    %eq3A = arith.constant 78 : i32
    %eq3A_3 = arith.cmpi eq, %add3A_0, %eq3A : i32
    %convert_element_type3A_4 = arith.extui %eq3A_3 : i1 to i32
    %cond3A_5 = arith.constant 0 : i32
    %cond3A_6 = arith.cmpi ne, %convert_element_type3A_4, %cond3A_5 : i32
    scf.if %cond3A_6 {
      %eq3A_565 = arith.constant 0 : i32
      %eq3A_566 = arith.cmpi eq, %arg0, %eq3A_565 : i32
      %convert_element_type3A_567 = arith.extui %eq3A_566 : i1 to i32
      %cond3A_568 = arith.constant 0 : i32
      %cond3A_569 = arith.cmpi ne, %convert_element_type3A_567, %cond3A_568 : i32
      scf.if %cond3A_569 {
        "tpu.region"() ({
          %run_scoped3A = tpu.sem_alloc : memref<!tpu.dma_semaphore, #tpu.memory_space<semaphore_mem>>
          %dma_start3A_575 = arith.constant 0 : i32
          %dma_start3A_576 = arith.constant 0 : i32
          %dma_start3A_577 = tpu.memref_slice %arg10[%dma_start3A_575, %dma_start3A_576] : memref<128x64xf32, #tpu.memory_space<vmem>> -> memref<16x64xf32, #tpu.memory_space<vmem>>
          %dma_start3A_578 = arith.constant 9984 : i32
          %dma_start3A_579 = arith.constant 0 : i32
          %dma_start3A_580 = tpu.memref_slice %arg2[%dma_start3A_578, %dma_start3A_579] : memref<10000x64xf32, #tpu.memory_space<hbm>> -> memref<16x64xf32, #tpu.memory_space<hbm>>
          %dma_start3A_581 = arith.constant 0 : i32
          %dma_start3A_582 = arith.constant 0 : i32
          %dma_start3A_583 = tpu.memref_slice %arg10[%dma_start3A_581, %dma_start3A_582] : memref<128x64xf32, #tpu.memory_space<vmem>> -> memref<16x64xf32, #tpu.memory_space<vmem>>
          %dma_start3A_584 = arith.constant 9984 : i32
          %dma_start3A_585 = arith.constant 0 : i32
          %dma_start3A_586 = tpu.memref_slice %arg2[%dma_start3A_584, %dma_start3A_585] : memref<10000x64xf32, #tpu.memory_space<hbm>> -> memref<16x64xf32, #tpu.memory_space<hbm>>
          tpu.enqueue_dma source(%dma_start3A_586 : memref<16x64xf32, #tpu.memory_space<hbm>>) target(%dma_start3A_583 : memref<16x64xf32, #tpu.memory_space<vmem>>) target_semaphore(%run_scoped3A : memref<!tpu.dma_semaphore, #tpu.memory_space<semaphore_mem>>)
          %dma_wait3A = arith.constant 0 : i32
          %dma_wait3A_587 = arith.constant 0 : i32
          %dma_wait3A_588 = tpu.memref_slice %arg10[%dma_wait3A, %dma_wait3A_587] : memref<128x64xf32, #tpu.memory_space<vmem>> -> memref<16x64xf32, #tpu.memory_space<vmem>>
          %dma_wait3A_589 = arith.constant 9984 : i32
          %dma_wait3A_590 = arith.constant 0 : i32
          %dma_wait3A_591 = tpu.memref_slice %arg2[%dma_wait3A_589, %dma_wait3A_590] : memref<10000x64xf32, #tpu.memory_space<hbm>> -> memref<16x64xf32, #tpu.memory_space<hbm>>
          %dma_wait3A_592 = arith.constant 0 : i32
          %dma_wait3A_593 = arith.constant 0 : i32
          %dma_wait3A_594 = tpu.memref_slice %arg10[%dma_wait3A_592, %dma_wait3A_593] : memref<128x64xf32, #tpu.memory_space<vmem>> -> memref<16x64xf32, #tpu.memory_space<vmem>>
          %dma_wait3A_595 = arith.constant 9984 : i32
          %dma_wait3A_596 = arith.constant 0 : i32
          %dma_wait3A_597 = tpu.memref_slice %arg2[%dma_wait3A_595, %dma_wait3A_596] : memref<10000x64xf32, #tpu.memory_space<hbm>> -> memref<16x64xf32, #tpu.memory_space<hbm>>
          tpu.wait_dma2 semaphore(%run_scoped3A : memref<!tpu.dma_semaphore, #tpu.memory_space<semaphore_mem>>) src(%dma_wait3A_597 : memref<16x64xf32, #tpu.memory_space<hbm>>) dst(%dma_wait3A_594 : memref<16x64xf32, #tpu.memory_space<vmem>>)
          tpu.yield
        }) : () -> ()
      } else {
      }
      %eq3A_570 = arith.constant 1 : i32
      %eq3A_571 = arith.cmpi eq, %arg0, %eq3A_570 : i32
      %convert_element_type3A_572 = arith.extui %eq3A_571 : i1 to i32
      %cond3A_573 = arith.constant 0 : i32
      %cond3A_574 = arith.cmpi ne, %convert_element_type3A_572, %cond3A_573 : i32
      scf.if %cond3A_574 {
        "tpu.region"() ({
          %run_scoped3A = tpu.sem_alloc : memref<!tpu.dma_semaphore, #tpu.memory_space<semaphore_mem>>
          %dma_start3A_575 = arith.constant 0 : i32
          %dma_start3A_576 = arith.constant 0 : i32
          %dma_start3A_577 = tpu.memref_slice %arg10[%dma_start3A_575, %dma_start3A_576] : memref<128x64xf32, #tpu.memory_space<vmem>> -> memref<16x64xf32, #tpu.memory_space<vmem>>
          %dma_start3A_578 = arith.constant 9984 : i32
          %dma_start3A_579 = arith.constant 0 : i32
          %dma_start3A_580 = tpu.memref_slice %arg3[%dma_start3A_578, %dma_start3A_579] : memref<10000x64xf32, #tpu.memory_space<hbm>> -> memref<16x64xf32, #tpu.memory_space<hbm>>
          %dma_start3A_581 = arith.constant 0 : i32
          %dma_start3A_582 = arith.constant 0 : i32
          %dma_start3A_583 = tpu.memref_slice %arg10[%dma_start3A_581, %dma_start3A_582] : memref<128x64xf32, #tpu.memory_space<vmem>> -> memref<16x64xf32, #tpu.memory_space<vmem>>
          %dma_start3A_584 = arith.constant 9984 : i32
          %dma_start3A_585 = arith.constant 0 : i32
          %dma_start3A_586 = tpu.memref_slice %arg3[%dma_start3A_584, %dma_start3A_585] : memref<10000x64xf32, #tpu.memory_space<hbm>> -> memref<16x64xf32, #tpu.memory_space<hbm>>
          tpu.enqueue_dma source(%dma_start3A_586 : memref<16x64xf32, #tpu.memory_space<hbm>>) target(%dma_start3A_583 : memref<16x64xf32, #tpu.memory_space<vmem>>) target_semaphore(%run_scoped3A : memref<!tpu.dma_semaphore, #tpu.memory_space<semaphore_mem>>)
          %dma_wait3A = arith.constant 0 : i32
          %dma_wait3A_587 = arith.constant 0 : i32
          %dma_wait3A_588 = tpu.memref_slice %arg10[%dma_wait3A, %dma_wait3A_587] : memref<128x64xf32, #tpu.memory_space<vmem>> -> memref<16x64xf32, #tpu.memory_space<vmem>>
          %dma_wait3A_589 = arith.constant 9984 : i32
          %dma_wait3A_590 = arith.constant 0 : i32
          %dma_wait3A_591 = tpu.memref_slice %arg3[%dma_wait3A_589, %dma_wait3A_590] : memref<10000x64xf32, #tpu.memory_space<hbm>> -> memref<16x64xf32, #tpu.memory_space<hbm>>
          %dma_wait3A_592 = arith.constant 0 : i32
          %dma_wait3A_593 = arith.constant 0 : i32
          %dma_wait3A_594 = tpu.memref_slice %arg10[%dma_wait3A_592, %dma_wait3A_593] : memref<128x64xf32, #tpu.memory_space<vmem>> -> memref<16x64xf32, #tpu.memory_space<vmem>>
          %dma_wait3A_595 = arith.constant 9984 : i32
          %dma_wait3A_596 = arith.constant 0 : i32
          %dma_wait3A_597 = tpu.memref_slice %arg3[%dma_wait3A_595, %dma_wait3A_596] : memref<10000x64xf32, #tpu.memory_space<hbm>> -> memref<16x64xf32, #tpu.memory_space<hbm>>
          tpu.wait_dma2 semaphore(%run_scoped3A : memref<!tpu.dma_semaphore, #tpu.memory_space<semaphore_mem>>) src(%dma_wait3A_597 : memref<16x64xf32, #tpu.memory_space<hbm>>) dst(%dma_wait3A_594 : memref<16x64xf32, #tpu.memory_space<vmem>>)
          tpu.yield
        }) : () -> ()
      } else {
      }
      "tpu.region"() ({
        %run_scoped3A = tpu.sem_alloc : memref<!tpu.dma_semaphore, #tpu.memory_space<semaphore_mem>>
        %dma_start3A_575 = arith.constant 0 : i32
        %dma_start3A_576 = arith.constant 0 : i32
        %dma_start3A_577 = tpu.memref_slice %arg10[%dma_start3A_575, %dma_start3A_576] : memref<128x64xf32, #tpu.memory_space<vmem>> -> memref<16x64xf32, #tpu.memory_space<vmem>>
        %dma_start3A_578 = arith.constant 9984 : i32
        %dma_start3A_579 = arith.constant 0 : i32
        %dma_start3A_580 = tpu.memref_slice %arg12[%dma_start3A_578, %dma_start3A_579] : memref<10000x64xf32, #tpu.memory_space<vmem_shared>> -> memref<16x64xf32, #tpu.memory_space<vmem_shared>>
        %dma_start3A_581 = arith.constant 9984 : i32
        %dma_start3A_582 = arith.constant 0 : i32
        %dma_start3A_583 = tpu.memref_slice %arg12[%dma_start3A_581, %dma_start3A_582] : memref<10000x64xf32, #tpu.memory_space<vmem_shared>> -> memref<16x64xf32, #tpu.memory_space<vmem_shared>>
        %dma_start3A_584 = arith.constant 0 : i32
        %dma_start3A_585 = arith.constant 0 : i32
        %dma_start3A_586 = tpu.memref_slice %arg10[%dma_start3A_584, %dma_start3A_585] : memref<128x64xf32, #tpu.memory_space<vmem>> -> memref<16x64xf32, #tpu.memory_space<vmem>>
        tpu.enqueue_dma source(%dma_start3A_586 : memref<16x64xf32, #tpu.memory_space<vmem>>) target(%dma_start3A_583 : memref<16x64xf32, #tpu.memory_space<vmem_shared>>) target_semaphore(%run_scoped3A : memref<!tpu.dma_semaphore, #tpu.memory_space<semaphore_mem>>)
        %dma_wait3A = arith.constant 0 : i32
        %dma_wait3A_587 = arith.constant 0 : i32
        %dma_wait3A_588 = tpu.memref_slice %arg10[%dma_wait3A, %dma_wait3A_587] : memref<128x64xf32, #tpu.memory_space<vmem>> -> memref<16x64xf32, #tpu.memory_space<vmem>>
        %dma_wait3A_589 = arith.constant 9984 : i32
        %dma_wait3A_590 = arith.constant 0 : i32
        %dma_wait3A_591 = tpu.memref_slice %arg12[%dma_wait3A_589, %dma_wait3A_590] : memref<10000x64xf32, #tpu.memory_space<vmem_shared>> -> memref<16x64xf32, #tpu.memory_space<vmem_shared>>
        %dma_wait3A_592 = arith.constant 9984 : i32
        %dma_wait3A_593 = arith.constant 0 : i32
        %dma_wait3A_594 = tpu.memref_slice %arg12[%dma_wait3A_592, %dma_wait3A_593] : memref<10000x64xf32, #tpu.memory_space<vmem_shared>> -> memref<16x64xf32, #tpu.memory_space<vmem_shared>>
        %dma_wait3A_595 = arith.constant 0 : i32
        %dma_wait3A_596 = arith.constant 0 : i32
        %dma_wait3A_597 = tpu.memref_slice %arg10[%dma_wait3A_595, %dma_wait3A_596] : memref<128x64xf32, #tpu.memory_space<vmem>> -> memref<16x64xf32, #tpu.memory_space<vmem>>
        tpu.wait_dma2 semaphore(%run_scoped3A : memref<!tpu.dma_semaphore, #tpu.memory_space<semaphore_mem>>) src(%dma_wait3A_597 : memref<16x64xf32, #tpu.memory_space<vmem>>) dst(%dma_wait3A_594 : memref<16x64xf32, #tpu.memory_space<vmem_shared>>)
        tpu.yield
      }) : () -> ()
    } else {
    }
    %add3A_7 = arith.constant 16 : i32
    %add3A_8 = arith.addi %arg1, %add3A_7 : i32
    %lt3A_9 = arith.constant 78 : i32
    %lt3A_10 = arith.cmpi slt, %add3A_8, %lt3A_9 : i32
    %convert_element_type3A_11 = arith.extui %lt3A_10 : i1 to i32
    %cond3A_12 = arith.constant 0 : i32
    %cond3A_13 = arith.cmpi ne, %convert_element_type3A_11, %cond3A_12 : i32
    scf.if %cond3A_13 {
      %mul3A_565 = arith.constant 128 : i32
      %mul3A_566 = arith.muli %add3A_8, %mul3A_565 : i32
      %eq3A_567 = arith.constant 0 : i32
      %eq3A_568 = arith.cmpi eq, %arg0, %eq3A_567 : i32
      %convert_element_type3A_569 = arith.extui %eq3A_568 : i1 to i32
      %cond3A_570 = arith.constant 0 : i32
      %cond3A_571 = arith.cmpi ne, %convert_element_type3A_569, %cond3A_570 : i32
      scf.if %cond3A_571 {
        "tpu.region"() ({
          %run_scoped3A = tpu.sem_alloc : memref<!tpu.dma_semaphore, #tpu.memory_space<semaphore_mem>>
          %dma_start3A_577 = arith.constant 0 : i32
          %dma_start3A_578 = tpu.memref_slice %arg2[%mul3A_566, %dma_start3A_577] : memref<10000x64xf32, #tpu.memory_space<hbm>> -> memref<128x64xf32, #tpu.memory_space<hbm>>
          %dma_start3A_579 = arith.constant 0 : i32
          %dma_start3A_580 = tpu.memref_slice %arg2[%mul3A_566, %dma_start3A_579] : memref<10000x64xf32, #tpu.memory_space<hbm>> -> memref<128x64xf32, #tpu.memory_space<hbm>>
          tpu.enqueue_dma source(%dma_start3A_580 : memref<128x64xf32, #tpu.memory_space<hbm>>) target(%arg10 : memref<128x64xf32, #tpu.memory_space<vmem>>) target_semaphore(%run_scoped3A : memref<!tpu.dma_semaphore, #tpu.memory_space<semaphore_mem>>)
          %dma_wait3A = arith.constant 0 : i32
          %dma_wait3A_581 = tpu.memref_slice %arg2[%mul3A_566, %dma_wait3A] : memref<10000x64xf32, #tpu.memory_space<hbm>> -> memref<128x64xf32, #tpu.memory_space<hbm>>
          %dma_wait3A_582 = arith.constant 0 : i32
          %dma_wait3A_583 = tpu.memref_slice %arg2[%mul3A_566, %dma_wait3A_582] : memref<10000x64xf32, #tpu.memory_space<hbm>> -> memref<128x64xf32, #tpu.memory_space<hbm>>
          tpu.wait_dma2 semaphore(%run_scoped3A : memref<!tpu.dma_semaphore, #tpu.memory_space<semaphore_mem>>) src(%dma_wait3A_583 : memref<128x64xf32, #tpu.memory_space<hbm>>) dst(%arg10 : memref<128x64xf32, #tpu.memory_space<vmem>>)
          tpu.yield
        }) : () -> ()
      } else {
      }
      %eq3A_572 = arith.constant 1 : i32
      %eq3A_573 = arith.cmpi eq, %arg0, %eq3A_572 : i32
      %convert_element_type3A_574 = arith.extui %eq3A_573 : i1 to i32
      %cond3A_575 = arith.constant 0 : i32
      %cond3A_576 = arith.cmpi ne, %convert_element_type3A_574, %cond3A_575 : i32
      scf.if %cond3A_576 {
        "tpu.region"() ({
          %run_scoped3A = tpu.sem_alloc : memref<!tpu.dma_semaphore, #tpu.memory_space<semaphore_mem>>
          %dma_start3A_577 = arith.constant 0 : i32
          %dma_start3A_578 = tpu.memref_slice %arg3[%mul3A_566, %dma_start3A_577] : memref<10000x64xf32, #tpu.memory_space<hbm>> -> memref<128x64xf32, #tpu.memory_space<hbm>>
          %dma_start3A_579 = arith.constant 0 : i32
          %dma_start3A_580 = tpu.memref_slice %arg3[%mul3A_566, %dma_start3A_579] : memref<10000x64xf32, #tpu.memory_space<hbm>> -> memref<128x64xf32, #tpu.memory_space<hbm>>
          tpu.enqueue_dma source(%dma_start3A_580 : memref<128x64xf32, #tpu.memory_space<hbm>>) target(%arg10 : memref<128x64xf32, #tpu.memory_space<vmem>>) target_semaphore(%run_scoped3A : memref<!tpu.dma_semaphore, #tpu.memory_space<semaphore_mem>>)
          %dma_wait3A = arith.constant 0 : i32
          %dma_wait3A_581 = tpu.memref_slice %arg3[%mul3A_566, %dma_wait3A] : memref<10000x64xf32, #tpu.memory_space<hbm>> -> memref<128x64xf32, #tpu.memory_space<hbm>>
          %dma_wait3A_582 = arith.constant 0 : i32
          %dma_wait3A_583 = tpu.memref_slice %arg3[%mul3A_566, %dma_wait3A_582] : memref<10000x64xf32, #tpu.memory_space<hbm>> -> memref<128x64xf32, #tpu.memory_space<hbm>>
          tpu.wait_dma2 semaphore(%run_scoped3A : memref<!tpu.dma_semaphore, #tpu.memory_space<semaphore_mem>>) src(%dma_wait3A_583 : memref<128x64xf32, #tpu.memory_space<hbm>>) dst(%arg10 : memref<128x64xf32, #tpu.memory_space<vmem>>)
          tpu.yield
        }) : () -> ()
      } else {
      }
      "tpu.region"() ({
        %run_scoped3A = tpu.sem_alloc : memref<!tpu.dma_semaphore, #tpu.memory_space<semaphore_mem>>
        %dma_start3A_577 = arith.constant 0 : i32
        %dma_start3A_578 = tpu.memref_slice %arg12[%mul3A_566, %dma_start3A_577] : memref<10000x64xf32, #tpu.memory_space<vmem_shared>> -> memref<128x64xf32, #tpu.memory_space<vmem_shared>>
        %dma_start3A_579 = arith.constant 0 : i32
        %dma_start3A_580 = tpu.memref_slice %arg12[%mul3A_566, %dma_start3A_579] : memref<10000x64xf32, #tpu.memory_space<vmem_shared>> -> memref<128x64xf32, #tpu.memory_space<vmem_shared>>
        tpu.enqueue_dma source(%arg10 : memref<128x64xf32, #tpu.memory_space<vmem>>) target(%dma_start3A_580 : memref<128x64xf32, #tpu.memory_space<vmem_shared>>) target_semaphore(%run_scoped3A : memref<!tpu.dma_semaphore, #tpu.memory_space<semaphore_mem>>)
        %dma_wait3A = arith.constant 0 : i32
        %dma_wait3A_581 = tpu.memref_slice %arg12[%mul3A_566, %dma_wait3A] : memref<10000x64xf32, #tpu.memory_space<vmem_shared>> -> memref<128x64xf32, #tpu.memory_space<vmem_shared>>
        %dma_wait3A_582 = arith.constant 0 : i32
        %dma_wait3A_583 = tpu.memref_slice %arg12[%mul3A_566, %dma_wait3A_582] : memref<10000x64xf32, #tpu.memory_space<vmem_shared>> -> memref<128x64xf32, #tpu.memory_space<vmem_shared>>
        tpu.wait_dma2 semaphore(%run_scoped3A : memref<!tpu.dma_semaphore, #tpu.memory_space<semaphore_mem>>) src(%arg10 : memref<128x64xf32, #tpu.memory_space<vmem>>) dst(%dma_wait3A_583 : memref<128x64xf32, #tpu.memory_space<vmem_shared>>)
        tpu.yield
      }) : () -> ()
    } else {
    }
    %eq3A_14 = arith.constant 78 : i32
    %eq3A_15 = arith.cmpi eq, %add3A_8, %eq3A_14 : i32
    %convert_element_type3A_16 = arith.extui %eq3A_15 : i1 to i32
    %cond3A_17 = arith.constant 0 : i32
    %cond3A_18 = arith.cmpi ne, %convert_element_type3A_16, %cond3A_17 : i32
    scf.if %cond3A_18 {
      %eq3A_565 = arith.constant 0 : i32
      %eq3A_566 = arith.cmpi eq, %arg0, %eq3A_565 : i32
      %convert_element_type3A_567 = arith.extui %eq3A_566 : i1 to i32
      %cond3A_568 = arith.constant 0 : i32
      %cond3A_569 = arith.cmpi ne, %convert_element_type3A_567, %cond3A_568 : i32
      scf.if %cond3A_569 {
        "tpu.region"() ({
          %run_scoped3A = tpu.sem_alloc : memref<!tpu.dma_semaphore, #tpu.memory_space<semaphore_mem>>
          %dma_start3A_575 = arith.constant 0 : i32
          %dma_start3A_576 = arith.constant 0 : i32
          %dma_start3A_577 = tpu.memref_slice %arg10[%dma_start3A_575, %dma_start3A_576] : memref<128x64xf32, #tpu.memory_space<vmem>> -> memref<16x64xf32, #tpu.memory_space<vmem>>
          %dma_start3A_578 = arith.constant 9984 : i32
          %dma_start3A_579 = arith.constant 0 : i32
          %dma_start3A_580 = tpu.memref_slice %arg2[%dma_start3A_578, %dma_start3A_579] : memref<10000x64xf32, #tpu.memory_space<hbm>> -> memref<16x64xf32, #tpu.memory_space<hbm>>
          %dma_start3A_581 = arith.constant 0 : i32
          %dma_start3A_582 = arith.constant 0 : i32
          %dma_start3A_583 = tpu.memref_slice %arg10[%dma_start3A_581, %dma_start3A_582] : memref<128x64xf32, #tpu.memory_space<vmem>> -> memref<16x64xf32, #tpu.memory_space<vmem>>
          %dma_start3A_584 = arith.constant 9984 : i32
          %dma_start3A_585 = arith.constant 0 : i32
          %dma_start3A_586 = tpu.memref_slice %arg2[%dma_start3A_584, %dma_start3A_585] : memref<10000x64xf32, #tpu.memory_space<hbm>> -> memref<16x64xf32, #tpu.memory_space<hbm>>
          tpu.enqueue_dma source(%dma_start3A_586 : memref<16x64xf32, #tpu.memory_space<hbm>>) target(%dma_start3A_583 : memref<16x64xf32, #tpu.memory_space<vmem>>) target_semaphore(%run_scoped3A : memref<!tpu.dma_semaphore, #tpu.memory_space<semaphore_mem>>)
          %dma_wait3A = arith.constant 0 : i32
          %dma_wait3A_587 = arith.constant 0 : i32
          %dma_wait3A_588 = tpu.memref_slice %arg10[%dma_wait3A, %dma_wait3A_587] : memref<128x64xf32, #tpu.memory_space<vmem>> -> memref<16x64xf32, #tpu.memory_space<vmem>>
          %dma_wait3A_589 = arith.constant 9984 : i32
          %dma_wait3A_590 = arith.constant 0 : i32
          %dma_wait3A_591 = tpu.memref_slice %arg2[%dma_wait3A_589, %dma_wait3A_590] : memref<10000x64xf32, #tpu.memory_space<hbm>> -> memref<16x64xf32, #tpu.memory_space<hbm>>
          %dma_wait3A_592 = arith.constant 0 : i32
          %dma_wait3A_593 = arith.constant 0 : i32
          %dma_wait3A_594 = tpu.memref_slice %arg10[%dma_wait3A_592, %dma_wait3A_593] : memref<128x64xf32, #tpu.memory_space<vmem>> -> memref<16x64xf32, #tpu.memory_space<vmem>>
          %dma_wait3A_595 = arith.constant 9984 : i32
          %dma_wait3A_596 = arith.constant 0 : i32
          %dma_wait3A_597 = tpu.memref_slice %arg2[%dma_wait3A_595, %dma_wait3A_596] : memref<10000x64xf32, #tpu.memory_space<hbm>> -> memref<16x64xf32, #tpu.memory_space<hbm>>
          tpu.wait_dma2 semaphore(%run_scoped3A : memref<!tpu.dma_semaphore, #tpu.memory_space<semaphore_mem>>) src(%dma_wait3A_597 : memref<16x64xf32, #tpu.memory_space<hbm>>) dst(%dma_wait3A_594 : memref<16x64xf32, #tpu.memory_space<vmem>>)
          tpu.yield
        }) : () -> ()
      } else {
      }
      %eq3A_570 = arith.constant 1 : i32
      %eq3A_571 = arith.cmpi eq, %arg0, %eq3A_570 : i32
      %convert_element_type3A_572 = arith.extui %eq3A_571 : i1 to i32
      %cond3A_573 = arith.constant 0 : i32
      %cond3A_574 = arith.cmpi ne, %convert_element_type3A_572, %cond3A_573 : i32
      scf.if %cond3A_574 {
        "tpu.region"() ({
          %run_scoped3A = tpu.sem_alloc : memref<!tpu.dma_semaphore, #tpu.memory_space<semaphore_mem>>
          %dma_start3A_575 = arith.constant 0 : i32
          %dma_start3A_576 = arith.constant 0 : i32
          %dma_start3A_577 = tpu.memref_slice %arg10[%dma_start3A_575, %dma_start3A_576] : memref<128x64xf32, #tpu.memory_space<vmem>> -> memref<16x64xf32, #tpu.memory_space<vmem>>
          %dma_start3A_578 = arith.constant 9984 : i32
          %dma_start3A_579 = arith.constant 0 : i32
          %dma_start3A_580 = tpu.memref_slice %arg3[%dma_start3A_578, %dma_start3A_579] : memref<10000x64xf32, #tpu.memory_space<hbm>> -> memref<16x64xf32, #tpu.memory_space<hbm>>
          %dma_start3A_581 = arith.constant 0 : i32
          %dma_start3A_582 = arith.constant 0 : i32
          %dma_start3A_583 = tpu.memref_slice %arg10[%dma_start3A_581, %dma_start3A_582] : memref<128x64xf32, #tpu.memory_space<vmem>> -> memref<16x64xf32, #tpu.memory_space<vmem>>
          %dma_start3A_584 = arith.constant 9984 : i32
          %dma_start3A_585 = arith.constant 0 : i32
          %dma_start3A_586 = tpu.memref_slice %arg3[%dma_start3A_584, %dma_start3A_585] : memref<10000x64xf32, #tpu.memory_space<hbm>> -> memref<16x64xf32, #tpu.memory_space<hbm>>
          tpu.enqueue_dma source(%dma_start3A_586 : memref<16x64xf32, #tpu.memory_space<hbm>>) target(%dma_start3A_583 : memref<16x64xf32, #tpu.memory_space<vmem>>) target_semaphore(%run_scoped3A : memref<!tpu.dma_semaphore, #tpu.memory_space<semaphore_mem>>)
          %dma_wait3A = arith.constant 0 : i32
          %dma_wait3A_587 = arith.constant 0 : i32
          %dma_wait3A_588 = tpu.memref_slice %arg10[%dma_wait3A, %dma_wait3A_587] : memref<128x64xf32, #tpu.memory_space<vmem>> -> memref<16x64xf32, #tpu.memory_space<vmem>>
          %dma_wait3A_589 = arith.constant 9984 : i32
          %dma_wait3A_590 = arith.constant 0 : i32
          %dma_wait3A_591 = tpu.memref_slice %arg3[%dma_wait3A_589, %dma_wait3A_590] : memref<10000x64xf32, #tpu.memory_space<hbm>> -> memref<16x64xf32, #tpu.memory_space<hbm>>
          %dma_wait3A_592 = arith.constant 0 : i32
          %dma_wait3A_593 = arith.constant 0 : i32
          %dma_wait3A_594 = tpu.memref_slice %arg10[%dma_wait3A_592, %dma_wait3A_593] : memref<128x64xf32, #tpu.memory_space<vmem>> -> memref<16x64xf32, #tpu.memory_space<vmem>>
          %dma_wait3A_595 = arith.constant 9984 : i32
          %dma_wait3A_596 = arith.constant 0 : i32
          %dma_wait3A_597 = tpu.memref_slice %arg3[%dma_wait3A_595, %dma_wait3A_596] : memref<10000x64xf32, #tpu.memory_space<hbm>> -> memref<16x64xf32, #tpu.memory_space<hbm>>
          tpu.wait_dma2 semaphore(%run_scoped3A : memref<!tpu.dma_semaphore, #tpu.memory_space<semaphore_mem>>) src(%dma_wait3A_597 : memref<16x64xf32, #tpu.memory_space<hbm>>) dst(%dma_wait3A_594 : memref<16x64xf32, #tpu.memory_space<vmem>>)
          tpu.yield
        }) : () -> ()
      } else {
      }
      "tpu.region"() ({
        %run_scoped3A = tpu.sem_alloc : memref<!tpu.dma_semaphore, #tpu.memory_space<semaphore_mem>>
        %dma_start3A_575 = arith.constant 0 : i32
        %dma_start3A_576 = arith.constant 0 : i32
        %dma_start3A_577 = tpu.memref_slice %arg10[%dma_start3A_575, %dma_start3A_576] : memref<128x64xf32, #tpu.memory_space<vmem>> -> memref<16x64xf32, #tpu.memory_space<vmem>>
        %dma_start3A_578 = arith.constant 9984 : i32
        %dma_start3A_579 = arith.constant 0 : i32
        %dma_start3A_580 = tpu.memref_slice %arg12[%dma_start3A_578, %dma_start3A_579] : memref<10000x64xf32, #tpu.memory_space<vmem_shared>> -> memref<16x64xf32, #tpu.memory_space<vmem_shared>>
        %dma_start3A_581 = arith.constant 9984 : i32
        %dma_start3A_582 = arith.constant 0 : i32
        %dma_start3A_583 = tpu.memref_slice %arg12[%dma_start3A_581, %dma_start3A_582] : memref<10000x64xf32, #tpu.memory_space<vmem_shared>> -> memref<16x64xf32, #tpu.memory_space<vmem_shared>>
        %dma_start3A_584 = arith.constant 0 : i32
        %dma_start3A_585 = arith.constant 0 : i32
        %dma_start3A_586 = tpu.memref_slice %arg10[%dma_start3A_584, %dma_start3A_585] : memref<128x64xf32, #tpu.memory_space<vmem>> -> memref<16x64xf32, #tpu.memory_space<vmem>>
        tpu.enqueue_dma source(%dma_start3A_586 : memref<16x64xf32, #tpu.memory_space<vmem>>) target(%dma_start3A_583 : memref<16x64xf32, #tpu.memory_space<vmem_shared>>) target_semaphore(%run_scoped3A : memref<!tpu.dma_semaphore, #tpu.memory_space<semaphore_mem>>)
        %dma_wait3A = arith.constant 0 : i32
        %dma_wait3A_587 = arith.constant 0 : i32
        %dma_wait3A_588 = tpu.memref_slice %arg10[%dma_wait3A, %dma_wait3A_587] : memref<128x64xf32, #tpu.memory_space<vmem>> -> memref<16x64xf32, #tpu.memory_space<vmem>>
        %dma_wait3A_589 = arith.constant 9984 : i32
        %dma_wait3A_590 = arith.constant 0 : i32
        %dma_wait3A_591 = tpu.memref_slice %arg12[%dma_wait3A_589, %dma_wait3A_590] : memref<10000x64xf32, #tpu.memory_space<vmem_shared>> -> memref<16x64xf32, #tpu.memory_space<vmem_shared>>
        %dma_wait3A_592 = arith.constant 9984 : i32
        %dma_wait3A_593 = arith.constant 0 : i32
        %dma_wait3A_594 = tpu.memref_slice %arg12[%dma_wait3A_592, %dma_wait3A_593] : memref<10000x64xf32, #tpu.memory_space<vmem_shared>> -> memref<16x64xf32, #tpu.memory_space<vmem_shared>>
        %dma_wait3A_595 = arith.constant 0 : i32
        %dma_wait3A_596 = arith.constant 0 : i32
        %dma_wait3A_597 = tpu.memref_slice %arg10[%dma_wait3A_595, %dma_wait3A_596] : memref<128x64xf32, #tpu.memory_space<vmem>> -> memref<16x64xf32, #tpu.memory_space<vmem>>
        tpu.wait_dma2 semaphore(%run_scoped3A : memref<!tpu.dma_semaphore, #tpu.memory_space<semaphore_mem>>) src(%dma_wait3A_597 : memref<16x64xf32, #tpu.memory_space<vmem>>) dst(%dma_wait3A_594 : memref<16x64xf32, #tpu.memory_space<vmem_shared>>)
        tpu.yield
      }) : () -> ()
    } else {
    }
    %add3A_19 = arith.constant 32 : i32
    %add3A_20 = arith.addi %arg1, %add3A_19 : i32
    %lt3A_21 = arith.constant 78 : i32
    %lt3A_22 = arith.cmpi slt, %add3A_20, %lt3A_21 : i32
    %convert_element_type3A_23 = arith.extui %lt3A_22 : i1 to i32
    %cond3A_24 = arith.constant 0 : i32
    %cond3A_25 = arith.cmpi ne, %convert_element_type3A_23, %cond3A_24 : i32
    scf.if %cond3A_25 {
      %mul3A_565 = arith.constant 128 : i32
      %mul3A_566 = arith.muli %add3A_20, %mul3A_565 : i32
      %eq3A_567 = arith.constant 0 : i32
      %eq3A_568 = arith.cmpi eq, %arg0, %eq3A_567 : i32
      %convert_element_type3A_569 = arith.extui %eq3A_568 : i1 to i32
      %cond3A_570 = arith.constant 0 : i32
      %cond3A_571 = arith.cmpi ne, %convert_element_type3A_569, %cond3A_570 : i32
      scf.if %cond3A_571 {
        "tpu.region"() ({
          %run_scoped3A = tpu.sem_alloc : memref<!tpu.dma_semaphore, #tpu.memory_space<semaphore_mem>>
          %dma_start3A_577 = arith.constant 0 : i32
          %dma_start3A_578 = tpu.memref_slice %arg2[%mul3A_566, %dma_start3A_577] : memref<10000x64xf32, #tpu.memory_space<hbm>> -> memref<128x64xf32, #tpu.memory_space<hbm>>
          %dma_start3A_579 = arith.constant 0 : i32
          %dma_start3A_580 = tpu.memref_slice %arg2[%mul3A_566, %dma_start3A_579] : memref<10000x64xf32, #tpu.memory_space<hbm>> -> memref<128x64xf32, #tpu.memory_space<hbm>>
          tpu.enqueue_dma source(%dma_start3A_580 : memref<128x64xf32, #tpu.memory_space<hbm>>) target(%arg10 : memref<128x64xf32, #tpu.memory_space<vmem>>) target_semaphore(%run_scoped3A : memref<!tpu.dma_semaphore, #tpu.memory_space<semaphore_mem>>)
          %dma_wait3A = arith.constant 0 : i32
          %dma_wait3A_581 = tpu.memref_slice %arg2[%mul3A_566, %dma_wait3A] : memref<10000x64xf32, #tpu.memory_space<hbm>> -> memref<128x64xf32, #tpu.memory_space<hbm>>
          %dma_wait3A_582 = arith.constant 0 : i32
          %dma_wait3A_583 = tpu.memref_slice %arg2[%mul3A_566, %dma_wait3A_582] : memref<10000x64xf32, #tpu.memory_space<hbm>> -> memref<128x64xf32, #tpu.memory_space<hbm>>
          tpu.wait_dma2 semaphore(%run_scoped3A : memref<!tpu.dma_semaphore, #tpu.memory_space<semaphore_mem>>) src(%dma_wait3A_583 : memref<128x64xf32, #tpu.memory_space<hbm>>) dst(%arg10 : memref<128x64xf32, #tpu.memory_space<vmem>>)
          tpu.yield
        }) : () -> ()
      } else {
      }
      %eq3A_572 = arith.constant 1 : i32
      %eq3A_573 = arith.cmpi eq, %arg0, %eq3A_572 : i32
      %convert_element_type3A_574 = arith.extui %eq3A_573 : i1 to i32
      %cond3A_575 = arith.constant 0 : i32
      %cond3A_576 = arith.cmpi ne, %convert_element_type3A_574, %cond3A_575 : i32
      scf.if %cond3A_576 {
        "tpu.region"() ({
          %run_scoped3A = tpu.sem_alloc : memref<!tpu.dma_semaphore, #tpu.memory_space<semaphore_mem>>
          %dma_start3A_577 = arith.constant 0 : i32
          %dma_start3A_578 = tpu.memref_slice %arg3[%mul3A_566, %dma_start3A_577] : memref<10000x64xf32, #tpu.memory_space<hbm>> -> memref<128x64xf32, #tpu.memory_space<hbm>>
          %dma_start3A_579 = arith.constant 0 : i32
          %dma_start3A_580 = tpu.memref_slice %arg3[%mul3A_566, %dma_start3A_579] : memref<10000x64xf32, #tpu.memory_space<hbm>> -> memref<128x64xf32, #tpu.memory_space<hbm>>
          tpu.enqueue_dma source(%dma_start3A_580 : memref<128x64xf32, #tpu.memory_space<hbm>>) target(%arg10 : memref<128x64xf32, #tpu.memory_space<vmem>>) target_semaphore(%run_scoped3A : memref<!tpu.dma_semaphore, #tpu.memory_space<semaphore_mem>>)
          %dma_wait3A = arith.constant 0 : i32
          %dma_wait3A_581 = tpu.memref_slice %arg3[%mul3A_566, %dma_wait3A] : memref<10000x64xf32, #tpu.memory_space<hbm>> -> memref<128x64xf32, #tpu.memory_space<hbm>>
          %dma_wait3A_582 = arith.constant 0 : i32
          %dma_wait3A_583 = tpu.memref_slice %arg3[%mul3A_566, %dma_wait3A_582] : memref<10000x64xf32, #tpu.memory_space<hbm>> -> memref<128x64xf32, #tpu.memory_space<hbm>>
          tpu.wait_dma2 semaphore(%run_scoped3A : memref<!tpu.dma_semaphore, #tpu.memory_space<semaphore_mem>>) src(%dma_wait3A_583 : memref<128x64xf32, #tpu.memory_space<hbm>>) dst(%arg10 : memref<128x64xf32, #tpu.memory_space<vmem>>)
          tpu.yield
        }) : () -> ()
      } else {
      }
      "tpu.region"() ({
        %run_scoped3A = tpu.sem_alloc : memref<!tpu.dma_semaphore, #tpu.memory_space<semaphore_mem>>
        %dma_start3A_577 = arith.constant 0 : i32
        %dma_start3A_578 = tpu.memref_slice %arg12[%mul3A_566, %dma_start3A_577] : memref<10000x64xf32, #tpu.memory_space<vmem_shared>> -> memref<128x64xf32, #tpu.memory_space<vmem_shared>>
        %dma_start3A_579 = arith.constant 0 : i32
        %dma_start3A_580 = tpu.memref_slice %arg12[%mul3A_566, %dma_start3A_579] : memref<10000x64xf32, #tpu.memory_space<vmem_shared>> -> memref<128x64xf32, #tpu.memory_space<vmem_shared>>
        tpu.enqueue_dma source(%arg10 : memref<128x64xf32, #tpu.memory_space<vmem>>) target(%dma_start3A_580 : memref<128x64xf32, #tpu.memory_space<vmem_shared>>) target_semaphore(%run_scoped3A : memref<!tpu.dma_semaphore, #tpu.memory_space<semaphore_mem>>)
        %dma_wait3A = arith.constant 0 : i32
        %dma_wait3A_581 = tpu.memref_slice %arg12[%mul3A_566, %dma_wait3A] : memref<10000x64xf32, #tpu.memory_space<vmem_shared>> -> memref<128x64xf32, #tpu.memory_space<vmem_shared>>
        %dma_wait3A_582 = arith.constant 0 : i32
        %dma_wait3A_583 = tpu.memref_slice %arg12[%mul3A_566, %dma_wait3A_582] : memref<10000x64xf32, #tpu.memory_space<vmem_shared>> -> memref<128x64xf32, #tpu.memory_space<vmem_shared>>
        tpu.wait_dma2 semaphore(%run_scoped3A : memref<!tpu.dma_semaphore, #tpu.memory_space<semaphore_mem>>) src(%arg10 : memref<128x64xf32, #tpu.memory_space<vmem>>) dst(%dma_wait3A_583 : memref<128x64xf32, #tpu.memory_space<vmem_shared>>)
        tpu.yield
      }) : () -> ()
    } else {
    }
    %eq3A_26 = arith.constant 78 : i32
    %eq3A_27 = arith.cmpi eq, %add3A_20, %eq3A_26 : i32
    %convert_element_type3A_28 = arith.extui %eq3A_27 : i1 to i32
    %cond3A_29 = arith.constant 0 : i32
    %cond3A_30 = arith.cmpi ne, %convert_element_type3A_28, %cond3A_29 : i32
    scf.if %cond3A_30 {
      %eq3A_565 = arith.constant 0 : i32
      %eq3A_566 = arith.cmpi eq, %arg0, %eq3A_565 : i32
      %convert_element_type3A_567 = arith.extui %eq3A_566 : i1 to i32
      %cond3A_568 = arith.constant 0 : i32
      %cond3A_569 = arith.cmpi ne, %convert_element_type3A_567, %cond3A_568 : i32
      scf.if %cond3A_569 {
        "tpu.region"() ({
          %run_scoped3A = tpu.sem_alloc : memref<!tpu.dma_semaphore, #tpu.memory_space<semaphore_mem>>
          %dma_start3A_575 = arith.constant 0 : i32
          %dma_start3A_576 = arith.constant 0 : i32
          %dma_start3A_577 = tpu.memref_slice %arg10[%dma_start3A_575, %dma_start3A_576] : memref<128x64xf32, #tpu.memory_space<vmem>> -> memref<16x64xf32, #tpu.memory_space<vmem>>
          %dma_start3A_578 = arith.constant 9984 : i32
          %dma_start3A_579 = arith.constant 0 : i32
          %dma_start3A_580 = tpu.memref_slice %arg2[%dma_start3A_578, %dma_start3A_579] : memref<10000x64xf32, #tpu.memory_space<hbm>> -> memref<16x64xf32, #tpu.memory_space<hbm>>
          %dma_start3A_581 = arith.constant 0 : i32
          %dma_start3A_582 = arith.constant 0 : i32
          %dma_start3A_583 = tpu.memref_slice %arg10[%dma_start3A_581, %dma_start3A_582] : memref<128x64xf32, #tpu.memory_space<vmem>> -> memref<16x64xf32, #tpu.memory_space<vmem>>
          %dma_start3A_584 = arith.constant 9984 : i32
          %dma_start3A_585 = arith.constant 0 : i32
          %dma_start3A_586 = tpu.memref_slice %arg2[%dma_start3A_584, %dma_start3A_585] : memref<10000x64xf32, #tpu.memory_space<hbm>> -> memref<16x64xf32, #tpu.memory_space<hbm>>
          tpu.enqueue_dma source(%dma_start3A_586 : memref<16x64xf32, #tpu.memory_space<hbm>>) target(%dma_start3A_583 : memref<16x64xf32, #tpu.memory_space<vmem>>) target_semaphore(%run_scoped3A : memref<!tpu.dma_semaphore, #tpu.memory_space<semaphore_mem>>)
          %dma_wait3A = arith.constant 0 : i32
          %dma_wait3A_587 = arith.constant 0 : i32
          %dma_wait3A_588 = tpu.memref_slice %arg10[%dma_wait3A, %dma_wait3A_587] : memref<128x64xf32, #tpu.memory_space<vmem>> -> memref<16x64xf32, #tpu.memory_space<vmem>>
          %dma_wait3A_589 = arith.constant 9984 : i32
          %dma_wait3A_590 = arith.constant 0 : i32
          %dma_wait3A_591 = tpu.memref_slice %arg2[%dma_wait3A_589, %dma_wait3A_590] : memref<10000x64xf32, #tpu.memory_space<hbm>> -> memref<16x64xf32, #tpu.memory_space<hbm>>
          %dma_wait3A_592 = arith.constant 0 : i32
          %dma_wait3A_593 = arith.constant 0 : i32
          %dma_wait3A_594 = tpu.memref_slice %arg10[%dma_wait3A_592, %dma_wait3A_593] : memref<128x64xf32, #tpu.memory_space<vmem>> -> memref<16x64xf32, #tpu.memory_space<vmem>>
          %dma_wait3A_595 = arith.constant 9984 : i32
          %dma_wait3A_596 = arith.constant 0 : i32
          %dma_wait3A_597 = tpu.memref_slice %arg2[%dma_wait3A_595, %dma_wait3A_596] : memref<10000x64xf32, #tpu.memory_space<hbm>> -> memref<16x64xf32, #tpu.memory_space<hbm>>
          tpu.wait_dma2 semaphore(%run_scoped3A : memref<!tpu.dma_semaphore, #tpu.memory_space<semaphore_mem>>) src(%dma_wait3A_597 : memref<16x64xf32, #tpu.memory_space<hbm>>) dst(%dma_wait3A_594 : memref<16x64xf32, #tpu.memory_space<vmem>>)
          tpu.yield
        }) : () -> ()
      } else {
      }
      %eq3A_570 = arith.constant 1 : i32
      %eq3A_571 = arith.cmpi eq, %arg0, %eq3A_570 : i32
      %convert_element_type3A_572 = arith.extui %eq3A_571 : i1 to i32
      %cond3A_573 = arith.constant 0 : i32
      %cond3A_574 = arith.cmpi ne, %convert_element_type3A_572, %cond3A_573 : i32
      scf.if %cond3A_574 {
        "tpu.region"() ({
          %run_scoped3A = tpu.sem_alloc : memref<!tpu.dma_semaphore, #tpu.memory_space<semaphore_mem>>
          %dma_start3A_575 = arith.constant 0 : i32
          %dma_start3A_576 = arith.constant 0 : i32
          %dma_start3A_577 = tpu.memref_slice %arg10[%dma_start3A_575, %dma_start3A_576] : memref<128x64xf32, #tpu.memory_space<vmem>> -> memref<16x64xf32, #tpu.memory_space<vmem>>
          %dma_start3A_578 = arith.constant 9984 : i32
          %dma_start3A_579 = arith.constant 0 : i32
          %dma_start3A_580 = tpu.memref_slice %arg3[%dma_start3A_578, %dma_start3A_579] : memref<10000x64xf32, #tpu.memory_space<hbm>> -> memref<16x64xf32, #tpu.memory_space<hbm>>
          %dma_start3A_581 = arith.constant 0 : i32
          %dma_start3A_582 = arith.constant 0 : i32
          %dma_start3A_583 = tpu.memref_slice %arg10[%dma_start3A_581, %dma_start3A_582] : memref<128x64xf32, #tpu.memory_space<vmem>> -> memref<16x64xf32, #tpu.memory_space<vmem>>
          %dma_start3A_584 = arith.constant 9984 : i32
          %dma_start3A_585 = arith.constant 0 : i32
          %dma_start3A_586 = tpu.memref_slice %arg3[%dma_start3A_584, %dma_start3A_585] : memref<10000x64xf32, #tpu.memory_space<hbm>> -> memref<16x64xf32, #tpu.memory_space<hbm>>
          tpu.enqueue_dma source(%dma_start3A_586 : memref<16x64xf32, #tpu.memory_space<hbm>>) target(%dma_start3A_583 : memref<16x64xf32, #tpu.memory_space<vmem>>) target_semaphore(%run_scoped3A : memref<!tpu.dma_semaphore, #tpu.memory_space<semaphore_mem>>)
          %dma_wait3A = arith.constant 0 : i32
          %dma_wait3A_587 = arith.constant 0 : i32
          %dma_wait3A_588 = tpu.memref_slice %arg10[%dma_wait3A, %dma_wait3A_587] : memref<128x64xf32, #tpu.memory_space<vmem>> -> memref<16x64xf32, #tpu.memory_space<vmem>>
          %dma_wait3A_589 = arith.constant 9984 : i32
          %dma_wait3A_590 = arith.constant 0 : i32
          %dma_wait3A_591 = tpu.memref_slice %arg3[%dma_wait3A_589, %dma_wait3A_590] : memref<10000x64xf32, #tpu.memory_space<hbm>> -> memref<16x64xf32, #tpu.memory_space<hbm>>
          %dma_wait3A_592 = arith.constant 0 : i32
          %dma_wait3A_593 = arith.constant 0 : i32
          %dma_wait3A_594 = tpu.memref_slice %arg10[%dma_wait3A_592, %dma_wait3A_593] : memref<128x64xf32, #tpu.memory_space<vmem>> -> memref<16x64xf32, #tpu.memory_space<vmem>>
          %dma_wait3A_595 = arith.constant 9984 : i32
          %dma_wait3A_596 = arith.constant 0 : i32
          %dma_wait3A_597 = tpu.memref_slice %arg3[%dma_wait3A_595, %dma_wait3A_596] : memref<10000x64xf32, #tpu.memory_space<hbm>> -> memref<16x64xf32, #tpu.memory_space<hbm>>
          tpu.wait_dma2 semaphore(%run_scoped3A : memref<!tpu.dma_semaphore, #tpu.memory_space<semaphore_mem>>) src(%dma_wait3A_597 : memref<16x64xf32, #tpu.memory_space<hbm>>) dst(%dma_wait3A_594 : memref<16x64xf32, #tpu.memory_space<vmem>>)
          tpu.yield
        }) : () -> ()
      } else {
      }
      "tpu.region"() ({
        %run_scoped3A = tpu.sem_alloc : memref<!tpu.dma_semaphore, #tpu.memory_space<semaphore_mem>>
        %dma_start3A_575 = arith.constant 0 : i32
        %dma_start3A_576 = arith.constant 0 : i32
        %dma_start3A_577 = tpu.memref_slice %arg10[%dma_start3A_575, %dma_start3A_576] : memref<128x64xf32, #tpu.memory_space<vmem>> -> memref<16x64xf32, #tpu.memory_space<vmem>>
        %dma_start3A_578 = arith.constant 9984 : i32
        %dma_start3A_579 = arith.constant 0 : i32
        %dma_start3A_580 = tpu.memref_slice %arg12[%dma_start3A_578, %dma_start3A_579] : memref<10000x64xf32, #tpu.memory_space<vmem_shared>> -> memref<16x64xf32, #tpu.memory_space<vmem_shared>>
        %dma_start3A_581 = arith.constant 9984 : i32
        %dma_start3A_582 = arith.constant 0 : i32
        %dma_start3A_583 = tpu.memref_slice %arg12[%dma_start3A_581, %dma_start3A_582] : memref<10000x64xf32, #tpu.memory_space<vmem_shared>> -> memref<16x64xf32, #tpu.memory_space<vmem_shared>>
        %dma_start3A_584 = arith.constant 0 : i32
        %dma_start3A_585 = arith.constant 0 : i32
        %dma_start3A_586 = tpu.memref_slice %arg10[%dma_start3A_584, %dma_start3A_585] : memref<128x64xf32, #tpu.memory_space<vmem>> -> memref<16x64xf32, #tpu.memory_space<vmem>>
        tpu.enqueue_dma source(%dma_start3A_586 : memref<16x64xf32, #tpu.memory_space<vmem>>) target(%dma_start3A_583 : memref<16x64xf32, #tpu.memory_space<vmem_shared>>) target_semaphore(%run_scoped3A : memref<!tpu.dma_semaphore, #tpu.memory_space<semaphore_mem>>)
        %dma_wait3A = arith.constant 0 : i32
        %dma_wait3A_587 = arith.constant 0 : i32
        %dma_wait3A_588 = tpu.memref_slice %arg10[%dma_wait3A, %dma_wait3A_587] : memref<128x64xf32, #tpu.memory_space<vmem>> -> memref<16x64xf32, #tpu.memory_space<vmem>>
        %dma_wait3A_589 = arith.constant 9984 : i32
        %dma_wait3A_590 = arith.constant 0 : i32
        %dma_wait3A_591 = tpu.memref_slice %arg12[%dma_wait3A_589, %dma_wait3A_590] : memref<10000x64xf32, #tpu.memory_space<vmem_shared>> -> memref<16x64xf32, #tpu.memory_space<vmem_shared>>
        %dma_wait3A_592 = arith.constant 9984 : i32
        %dma_wait3A_593 = arith.constant 0 : i32
        %dma_wait3A_594 = tpu.memref_slice %arg12[%dma_wait3A_592, %dma_wait3A_593] : memref<10000x64xf32, #tpu.memory_space<vmem_shared>> -> memref<16x64xf32, #tpu.memory_space<vmem_shared>>
        %dma_wait3A_595 = arith.constant 0 : i32
        %dma_wait3A_596 = arith.constant 0 : i32
        %dma_wait3A_597 = tpu.memref_slice %arg10[%dma_wait3A_595, %dma_wait3A_596] : memref<128x64xf32, #tpu.memory_space<vmem>> -> memref<16x64xf32, #tpu.memory_space<vmem>>
        tpu.wait_dma2 semaphore(%run_scoped3A : memref<!tpu.dma_semaphore, #tpu.memory_space<semaphore_mem>>) src(%dma_wait3A_597 : memref<16x64xf32, #tpu.memory_space<vmem>>) dst(%dma_wait3A_594 : memref<16x64xf32, #tpu.memory_space<vmem_shared>>)
        tpu.yield
      }) : () -> ()
    } else {
    }
    %add3A_31 = arith.constant 48 : i32
    %add3A_32 = arith.addi %arg1, %add3A_31 : i32
    %lt3A_33 = arith.constant 78 : i32
    %lt3A_34 = arith.cmpi slt, %add3A_32, %lt3A_33 : i32
    %convert_element_type3A_35 = arith.extui %lt3A_34 : i1 to i32
    %cond3A_36 = arith.constant 0 : i32
    %cond3A_37 = arith.cmpi ne, %convert_element_type3A_35, %cond3A_36 : i32
    scf.if %cond3A_37 {
      %mul3A_565 = arith.constant 128 : i32
      %mul3A_566 = arith.muli %add3A_32, %mul3A_565 : i32
      %eq3A_567 = arith.constant 0 : i32
      %eq3A_568 = arith.cmpi eq, %arg0, %eq3A_567 : i32
      %convert_element_type3A_569 = arith.extui %eq3A_568 : i1 to i32
      %cond3A_570 = arith.constant 0 : i32
      %cond3A_571 = arith.cmpi ne, %convert_element_type3A_569, %cond3A_570 : i32
      scf.if %cond3A_571 {
        "tpu.region"() ({
          %run_scoped3A = tpu.sem_alloc : memref<!tpu.dma_semaphore, #tpu.memory_space<semaphore_mem>>
          %dma_start3A_577 = arith.constant 0 : i32
          %dma_start3A_578 = tpu.memref_slice %arg2[%mul3A_566, %dma_start3A_577] : memref<10000x64xf32, #tpu.memory_space<hbm>> -> memref<128x64xf32, #tpu.memory_space<hbm>>
          %dma_start3A_579 = arith.constant 0 : i32
          %dma_start3A_580 = tpu.memref_slice %arg2[%mul3A_566, %dma_start3A_579] : memref<10000x64xf32, #tpu.memory_space<hbm>> -> memref<128x64xf32, #tpu.memory_space<hbm>>
          tpu.enqueue_dma source(%dma_start3A_580 : memref<128x64xf32, #tpu.memory_space<hbm>>) target(%arg10 : memref<128x64xf32, #tpu.memory_space<vmem>>) target_semaphore(%run_scoped3A : memref<!tpu.dma_semaphore, #tpu.memory_space<semaphore_mem>>)
          %dma_wait3A = arith.constant 0 : i32
          %dma_wait3A_581 = tpu.memref_slice %arg2[%mul3A_566, %dma_wait3A] : memref<10000x64xf32, #tpu.memory_space<hbm>> -> memref<128x64xf32, #tpu.memory_space<hbm>>
          %dma_wait3A_582 = arith.constant 0 : i32
          %dma_wait3A_583 = tpu.memref_slice %arg2[%mul3A_566, %dma_wait3A_582] : memref<10000x64xf32, #tpu.memory_space<hbm>> -> memref<128x64xf32, #tpu.memory_space<hbm>>
          tpu.wait_dma2 semaphore(%run_scoped3A : memref<!tpu.dma_semaphore, #tpu.memory_space<semaphore_mem>>) src(%dma_wait3A_583 : memref<128x64xf32, #tpu.memory_space<hbm>>) dst(%arg10 : memref<128x64xf32, #tpu.memory_space<vmem>>)
          tpu.yield
        }) : () -> ()
      } else {
      }
      %eq3A_572 = arith.constant 1 : i32
      %eq3A_573 = arith.cmpi eq, %arg0, %eq3A_572 : i32
      %convert_element_type3A_574 = arith.extui %eq3A_573 : i1 to i32
      %cond3A_575 = arith.constant 0 : i32
      %cond3A_576 = arith.cmpi ne, %convert_element_type3A_574, %cond3A_575 : i32
      scf.if %cond3A_576 {
        "tpu.region"() ({
          %run_scoped3A = tpu.sem_alloc : memref<!tpu.dma_semaphore, #tpu.memory_space<semaphore_mem>>
          %dma_start3A_577 = arith.constant 0 : i32
          %dma_start3A_578 = tpu.memref_slice %arg3[%mul3A_566, %dma_start3A_577] : memref<10000x64xf32, #tpu.memory_space<hbm>> -> memref<128x64xf32, #tpu.memory_space<hbm>>
          %dma_start3A_579 = arith.constant 0 : i32
          %dma_start3A_580 = tpu.memref_slice %arg3[%mul3A_566, %dma_start3A_579] : memref<10000x64xf32, #tpu.memory_space<hbm>> -> memref<128x64xf32, #tpu.memory_space<hbm>>
          tpu.enqueue_dma source(%dma_start3A_580 : memref<128x64xf32, #tpu.memory_space<hbm>>) target(%arg10 : memref<128x64xf32, #tpu.memory_space<vmem>>) target_semaphore(%run_scoped3A : memref<!tpu.dma_semaphore, #tpu.memory_space<semaphore_mem>>)
          %dma_wait3A = arith.constant 0 : i32
          %dma_wait3A_581 = tpu.memref_slice %arg3[%mul3A_566, %dma_wait3A] : memref<10000x64xf32, #tpu.memory_space<hbm>> -> memref<128x64xf32, #tpu.memory_space<hbm>>
          %dma_wait3A_582 = arith.constant 0 : i32
          %dma_wait3A_583 = tpu.memref_slice %arg3[%mul3A_566, %dma_wait3A_582] : memref<10000x64xf32, #tpu.memory_space<hbm>> -> memref<128x64xf32, #tpu.memory_space<hbm>>
          tpu.wait_dma2 semaphore(%run_scoped3A : memref<!tpu.dma_semaphore, #tpu.memory_space<semaphore_mem>>) src(%dma_wait3A_583 : memref<128x64xf32, #tpu.memory_space<hbm>>) dst(%arg10 : memref<128x64xf32, #tpu.memory_space<vmem>>)
          tpu.yield
        }) : () -> ()
      } else {
      }
      "tpu.region"() ({
        %run_scoped3A = tpu.sem_alloc : memref<!tpu.dma_semaphore, #tpu.memory_space<semaphore_mem>>
        %dma_start3A_577 = arith.constant 0 : i32
        %dma_start3A_578 = tpu.memref_slice %arg12[%mul3A_566, %dma_start3A_577] : memref<10000x64xf32, #tpu.memory_space<vmem_shared>> -> memref<128x64xf32, #tpu.memory_space<vmem_shared>>
        %dma_start3A_579 = arith.constant 0 : i32
        %dma_start3A_580 = tpu.memref_slice %arg12[%mul3A_566, %dma_start3A_579] : memref<10000x64xf32, #tpu.memory_space<vmem_shared>> -> memref<128x64xf32, #tpu.memory_space<vmem_shared>>
        tpu.enqueue_dma source(%arg10 : memref<128x64xf32, #tpu.memory_space<vmem>>) target(%dma_start3A_580 : memref<128x64xf32, #tpu.memory_space<vmem_shared>>) target_semaphore(%run_scoped3A : memref<!tpu.dma_semaphore, #tpu.memory_space<semaphore_mem>>)
        %dma_wait3A = arith.constant 0 : i32
        %dma_wait3A_581 = tpu.memref_slice %arg12[%mul3A_566, %dma_wait3A] : memref<10000x64xf32, #tpu.memory_space<vmem_shared>> -> memref<128x64xf32, #tpu.memory_space<vmem_shared>>
        %dma_wait3A_582 = arith.constant 0 : i32
        %dma_wait3A_583 = tpu.memref_slice %arg12[%mul3A_566, %dma_wait3A_582] : memref<10000x64xf32, #tpu.memory_space<vmem_shared>> -> memref<128x64xf32, #tpu.memory_space<vmem_shared>>
        tpu.wait_dma2 semaphore(%run_scoped3A : memref<!tpu.dma_semaphore, #tpu.memory_space<semaphore_mem>>) src(%arg10 : memref<128x64xf32, #tpu.memory_space<vmem>>) dst(%dma_wait3A_583 : memref<128x64xf32, #tpu.memory_space<vmem_shared>>)
        tpu.yield
      }) : () -> ()
    } else {
    }
    %eq3A_38 = arith.constant 78 : i32
    %eq3A_39 = arith.cmpi eq, %add3A_32, %eq3A_38 : i32
    %convert_element_type3A_40 = arith.extui %eq3A_39 : i1 to i32
    %cond3A_41 = arith.constant 0 : i32
    %cond3A_42 = arith.cmpi ne, %convert_element_type3A_40, %cond3A_41 : i32
    scf.if %cond3A_42 {
      %eq3A_565 = arith.constant 0 : i32
      %eq3A_566 = arith.cmpi eq, %arg0, %eq3A_565 : i32
      %convert_element_type3A_567 = arith.extui %eq3A_566 : i1 to i32
      %cond3A_568 = arith.constant 0 : i32
      %cond3A_569 = arith.cmpi ne, %convert_element_type3A_567, %cond3A_568 : i32
      scf.if %cond3A_569 {
        "tpu.region"() ({
          %run_scoped3A = tpu.sem_alloc : memref<!tpu.dma_semaphore, #tpu.memory_space<semaphore_mem>>
          %dma_start3A_575 = arith.constant 0 : i32
          %dma_start3A_576 = arith.constant 0 : i32
          %dma_start3A_577 = tpu.memref_slice %arg10[%dma_start3A_575, %dma_start3A_576] : memref<128x64xf32, #tpu.memory_space<vmem>> -> memref<16x64xf32, #tpu.memory_space<vmem>>
          %dma_start3A_578 = arith.constant 9984 : i32
          %dma_start3A_579 = arith.constant 0 : i32
          %dma_start3A_580 = tpu.memref_slice %arg2[%dma_start3A_578, %dma_start3A_579] : memref<10000x64xf32, #tpu.memory_space<hbm>> -> memref<16x64xf32, #tpu.memory_space<hbm>>
          %dma_start3A_581 = arith.constant 0 : i32
          %dma_start3A_582 = arith.constant 0 : i32
          %dma_start3A_583 = tpu.memref_slice %arg10[%dma_start3A_581, %dma_start3A_582] : memref<128x64xf32, #tpu.memory_space<vmem>> -> memref<16x64xf32, #tpu.memory_space<vmem>>
          %dma_start3A_584 = arith.constant 9984 : i32
          %dma_start3A_585 = arith.constant 0 : i32
          %dma_start3A_586 = tpu.memref_slice %arg2[%dma_start3A_584, %dma_start3A_585] : memref<10000x64xf32, #tpu.memory_space<hbm>> -> memref<16x64xf32, #tpu.memory_space<hbm>>
          tpu.enqueue_dma source(%dma_start3A_586 : memref<16x64xf32, #tpu.memory_space<hbm>>) target(%dma_start3A_583 : memref<16x64xf32, #tpu.memory_space<vmem>>) target_semaphore(%run_scoped3A : memref<!tpu.dma_semaphore, #tpu.memory_space<semaphore_mem>>)
          %dma_wait3A = arith.constant 0 : i32
          %dma_wait3A_587 = arith.constant 0 : i32
          %dma_wait3A_588 = tpu.memref_slice %arg10[%dma_wait3A, %dma_wait3A_587] : memref<128x64xf32, #tpu.memory_space<vmem>> -> memref<16x64xf32, #tpu.memory_space<vmem>>
          %dma_wait3A_589 = arith.constant 9984 : i32
          %dma_wait3A_590 = arith.constant 0 : i32
          %dma_wait3A_591 = tpu.memref_slice %arg2[%dma_wait3A_589, %dma_wait3A_590] : memref<10000x64xf32, #tpu.memory_space<hbm>> -> memref<16x64xf32, #tpu.memory_space<hbm>>
          %dma_wait3A_592 = arith.constant 0 : i32
          %dma_wait3A_593 = arith.constant 0 : i32
          %dma_wait3A_594 = tpu.memref_slice %arg10[%dma_wait3A_592, %dma_wait3A_593] : memref<128x64xf32, #tpu.memory_space<vmem>> -> memref<16x64xf32, #tpu.memory_space<vmem>>
          %dma_wait3A_595 = arith.constant 9984 : i32
          %dma_wait3A_596 = arith.constant 0 : i32
          %dma_wait3A_597 = tpu.memref_slice %arg2[%dma_wait3A_595, %dma_wait3A_596] : memref<10000x64xf32, #tpu.memory_space<hbm>> -> memref<16x64xf32, #tpu.memory_space<hbm>>
          tpu.wait_dma2 semaphore(%run_scoped3A : memref<!tpu.dma_semaphore, #tpu.memory_space<semaphore_mem>>) src(%dma_wait3A_597 : memref<16x64xf32, #tpu.memory_space<hbm>>) dst(%dma_wait3A_594 : memref<16x64xf32, #tpu.memory_space<vmem>>)
          tpu.yield
        }) : () -> ()
      } else {
      }
      %eq3A_570 = arith.constant 1 : i32
      %eq3A_571 = arith.cmpi eq, %arg0, %eq3A_570 : i32
      %convert_element_type3A_572 = arith.extui %eq3A_571 : i1 to i32
      %cond3A_573 = arith.constant 0 : i32
      %cond3A_574 = arith.cmpi ne, %convert_element_type3A_572, %cond3A_573 : i32
      scf.if %cond3A_574 {
        "tpu.region"() ({
          %run_scoped3A = tpu.sem_alloc : memref<!tpu.dma_semaphore, #tpu.memory_space<semaphore_mem>>
          %dma_start3A_575 = arith.constant 0 : i32
          %dma_start3A_576 = arith.constant 0 : i32
          %dma_start3A_577 = tpu.memref_slice %arg10[%dma_start3A_575, %dma_start3A_576] : memref<128x64xf32, #tpu.memory_space<vmem>> -> memref<16x64xf32, #tpu.memory_space<vmem>>
          %dma_start3A_578 = arith.constant 9984 : i32
          %dma_start3A_579 = arith.constant 0 : i32
          %dma_start3A_580 = tpu.memref_slice %arg3[%dma_start3A_578, %dma_start3A_579] : memref<10000x64xf32, #tpu.memory_space<hbm>> -> memref<16x64xf32, #tpu.memory_space<hbm>>
          %dma_start3A_581 = arith.constant 0 : i32
          %dma_start3A_582 = arith.constant 0 : i32
          %dma_start3A_583 = tpu.memref_slice %arg10[%dma_start3A_581, %dma_start3A_582] : memref<128x64xf32, #tpu.memory_space<vmem>> -> memref<16x64xf32, #tpu.memory_space<vmem>>
          %dma_start3A_584 = arith.constant 9984 : i32
          %dma_start3A_585 = arith.constant 0 : i32
          %dma_start3A_586 = tpu.memref_slice %arg3[%dma_start3A_584, %dma_start3A_585] : memref<10000x64xf32, #tpu.memory_space<hbm>> -> memref<16x64xf32, #tpu.memory_space<hbm>>
          tpu.enqueue_dma source(%dma_start3A_586 : memref<16x64xf32, #tpu.memory_space<hbm>>) target(%dma_start3A_583 : memref<16x64xf32, #tpu.memory_space<vmem>>) target_semaphore(%run_scoped3A : memref<!tpu.dma_semaphore, #tpu.memory_space<semaphore_mem>>)
          %dma_wait3A = arith.constant 0 : i32
          %dma_wait3A_587 = arith.constant 0 : i32
          %dma_wait3A_588 = tpu.memref_slice %arg10[%dma_wait3A, %dma_wait3A_587] : memref<128x64xf32, #tpu.memory_space<vmem>> -> memref<16x64xf32, #tpu.memory_space<vmem>>
          %dma_wait3A_589 = arith.constant 9984 : i32
          %dma_wait3A_590 = arith.constant 0 : i32
          %dma_wait3A_591 = tpu.memref_slice %arg3[%dma_wait3A_589, %dma_wait3A_590] : memref<10000x64xf32, #tpu.memory_space<hbm>> -> memref<16x64xf32, #tpu.memory_space<hbm>>
          %dma_wait3A_592 = arith.constant 0 : i32
          %dma_wait3A_593 = arith.constant 0 : i32
          %dma_wait3A_594 = tpu.memref_slice %arg10[%dma_wait3A_592, %dma_wait3A_593] : memref<128x64xf32, #tpu.memory_space<vmem>> -> memref<16x64xf32, #tpu.memory_space<vmem>>
          %dma_wait3A_595 = arith.constant 9984 : i32
          %dma_wait3A_596 = arith.constant 0 : i32
          %dma_wait3A_597 = tpu.memref_slice %arg3[%dma_wait3A_595, %dma_wait3A_596] : memref<10000x64xf32, #tpu.memory_space<hbm>> -> memref<16x64xf32, #tpu.memory_space<hbm>>
          tpu.wait_dma2 semaphore(%run_scoped3A : memref<!tpu.dma_semaphore, #tpu.memory_space<semaphore_mem>>) src(%dma_wait3A_597 : memref<16x64xf32, #tpu.memory_space<hbm>>) dst(%dma_wait3A_594 : memref<16x64xf32, #tpu.memory_space<vmem>>)
          tpu.yield
        }) : () -> ()
      } else {
      }
      "tpu.region"() ({
        %run_scoped3A = tpu.sem_alloc : memref<!tpu.dma_semaphore, #tpu.memory_space<semaphore_mem>>
        %dma_start3A_575 = arith.constant 0 : i32
        %dma_start3A_576 = arith.constant 0 : i32
        %dma_start3A_577 = tpu.memref_slice %arg10[%dma_start3A_575, %dma_start3A_576] : memref<128x64xf32, #tpu.memory_space<vmem>> -> memref<16x64xf32, #tpu.memory_space<vmem>>
        %dma_start3A_578 = arith.constant 9984 : i32
        %dma_start3A_579 = arith.constant 0 : i32
        %dma_start3A_580 = tpu.memref_slice %arg12[%dma_start3A_578, %dma_start3A_579] : memref<10000x64xf32, #tpu.memory_space<vmem_shared>> -> memref<16x64xf32, #tpu.memory_space<vmem_shared>>
        %dma_start3A_581 = arith.constant 9984 : i32
        %dma_start3A_582 = arith.constant 0 : i32
        %dma_start3A_583 = tpu.memref_slice %arg12[%dma_start3A_581, %dma_start3A_582] : memref<10000x64xf32, #tpu.memory_space<vmem_shared>> -> memref<16x64xf32, #tpu.memory_space<vmem_shared>>
        %dma_start3A_584 = arith.constant 0 : i32
        %dma_start3A_585 = arith.constant 0 : i32
        %dma_start3A_586 = tpu.memref_slice %arg10[%dma_start3A_584, %dma_start3A_585] : memref<128x64xf32, #tpu.memory_space<vmem>> -> memref<16x64xf32, #tpu.memory_space<vmem>>
        tpu.enqueue_dma source(%dma_start3A_586 : memref<16x64xf32, #tpu.memory_space<vmem>>) target(%dma_start3A_583 : memref<16x64xf32, #tpu.memory_space<vmem_shared>>) target_semaphore(%run_scoped3A : memref<!tpu.dma_semaphore, #tpu.memory_space<semaphore_mem>>)
        %dma_wait3A = arith.constant 0 : i32
        %dma_wait3A_587 = arith.constant 0 : i32
        %dma_wait3A_588 = tpu.memref_slice %arg10[%dma_wait3A, %dma_wait3A_587] : memref<128x64xf32, #tpu.memory_space<vmem>> -> memref<16x64xf32, #tpu.memory_space<vmem>>
        %dma_wait3A_589 = arith.constant 9984 : i32
        %dma_wait3A_590 = arith.constant 0 : i32
        %dma_wait3A_591 = tpu.memref_slice %arg12[%dma_wait3A_589, %dma_wait3A_590] : memref<10000x64xf32, #tpu.memory_space<vmem_shared>> -> memref<16x64xf32, #tpu.memory_space<vmem_shared>>
        %dma_wait3A_592 = arith.constant 9984 : i32
        %dma_wait3A_593 = arith.constant 0 : i32
        %dma_wait3A_594 = tpu.memref_slice %arg12[%dma_wait3A_592, %dma_wait3A_593] : memref<10000x64xf32, #tpu.memory_space<vmem_shared>> -> memref<16x64xf32, #tpu.memory_space<vmem_shared>>
        %dma_wait3A_595 = arith.constant 0 : i32
        %dma_wait3A_596 = arith.constant 0 : i32
        %dma_wait3A_597 = tpu.memref_slice %arg10[%dma_wait3A_595, %dma_wait3A_596] : memref<128x64xf32, #tpu.memory_space<vmem>> -> memref<16x64xf32, #tpu.memory_space<vmem>>
        tpu.wait_dma2 semaphore(%run_scoped3A : memref<!tpu.dma_semaphore, #tpu.memory_space<semaphore_mem>>) src(%dma_wait3A_597 : memref<16x64xf32, #tpu.memory_space<vmem>>) dst(%dma_wait3A_594 : memref<16x64xf32, #tpu.memory_space<vmem_shared>>)
        tpu.yield
      }) : () -> ()
    } else {
    }
    %add3A_43 = arith.constant 64 : i32
    %add3A_44 = arith.addi %arg1, %add3A_43 : i32
    %lt3A_45 = arith.constant 78 : i32
    %lt3A_46 = arith.cmpi slt, %add3A_44, %lt3A_45 : i32
    %convert_element_type3A_47 = arith.extui %lt3A_46 : i1 to i32
    %cond3A_48 = arith.constant 0 : i32
    %cond3A_49 = arith.cmpi ne, %convert_element_type3A_47, %cond3A_48 : i32
    scf.if %cond3A_49 {
      %mul3A_565 = arith.constant 128 : i32
      %mul3A_566 = arith.muli %add3A_44, %mul3A_565 : i32
      %eq3A_567 = arith.constant 0 : i32
      %eq3A_568 = arith.cmpi eq, %arg0, %eq3A_567 : i32
      %convert_element_type3A_569 = arith.extui %eq3A_568 : i1 to i32
      %cond3A_570 = arith.constant 0 : i32
      %cond3A_571 = arith.cmpi ne, %convert_element_type3A_569, %cond3A_570 : i32
      scf.if %cond3A_571 {
        "tpu.region"() ({
          %run_scoped3A = tpu.sem_alloc : memref<!tpu.dma_semaphore, #tpu.memory_space<semaphore_mem>>
          %dma_start3A_577 = arith.constant 0 : i32
          %dma_start3A_578 = tpu.memref_slice %arg2[%mul3A_566, %dma_start3A_577] : memref<10000x64xf32, #tpu.memory_space<hbm>> -> memref<128x64xf32, #tpu.memory_space<hbm>>
          %dma_start3A_579 = arith.constant 0 : i32
          %dma_start3A_580 = tpu.memref_slice %arg2[%mul3A_566, %dma_start3A_579] : memref<10000x64xf32, #tpu.memory_space<hbm>> -> memref<128x64xf32, #tpu.memory_space<hbm>>
          tpu.enqueue_dma source(%dma_start3A_580 : memref<128x64xf32, #tpu.memory_space<hbm>>) target(%arg10 : memref<128x64xf32, #tpu.memory_space<vmem>>) target_semaphore(%run_scoped3A : memref<!tpu.dma_semaphore, #tpu.memory_space<semaphore_mem>>)
          %dma_wait3A = arith.constant 0 : i32
          %dma_wait3A_581 = tpu.memref_slice %arg2[%mul3A_566, %dma_wait3A] : memref<10000x64xf32, #tpu.memory_space<hbm>> -> memref<128x64xf32, #tpu.memory_space<hbm>>
          %dma_wait3A_582 = arith.constant 0 : i32
          %dma_wait3A_583 = tpu.memref_slice %arg2[%mul3A_566, %dma_wait3A_582] : memref<10000x64xf32, #tpu.memory_space<hbm>> -> memref<128x64xf32, #tpu.memory_space<hbm>>
          tpu.wait_dma2 semaphore(%run_scoped3A : memref<!tpu.dma_semaphore, #tpu.memory_space<semaphore_mem>>) src(%dma_wait3A_583 : memref<128x64xf32, #tpu.memory_space<hbm>>) dst(%arg10 : memref<128x64xf32, #tpu.memory_space<vmem>>)
          tpu.yield
        }) : () -> ()
      } else {
      }
      %eq3A_572 = arith.constant 1 : i32
      %eq3A_573 = arith.cmpi eq, %arg0, %eq3A_572 : i32
      %convert_element_type3A_574 = arith.extui %eq3A_573 : i1 to i32
      %cond3A_575 = arith.constant 0 : i32
      %cond3A_576 = arith.cmpi ne, %convert_element_type3A_574, %cond3A_575 : i32
      scf.if %cond3A_576 {
        "tpu.region"() ({
          %run_scoped3A = tpu.sem_alloc : memref<!tpu.dma_semaphore, #tpu.memory_space<semaphore_mem>>
          %dma_start3A_577 = arith.constant 0 : i32
          %dma_start3A_578 = tpu.memref_slice %arg3[%mul3A_566, %dma_start3A_577] : memref<10000x64xf32, #tpu.memory_space<hbm>> -> memref<128x64xf32, #tpu.memory_space<hbm>>
          %dma_start3A_579 = arith.constant 0 : i32
          %dma_start3A_580 = tpu.memref_slice %arg3[%mul3A_566, %dma_start3A_579] : memref<10000x64xf32, #tpu.memory_space<hbm>> -> memref<128x64xf32, #tpu.memory_space<hbm>>
          tpu.enqueue_dma source(%dma_start3A_580 : memref<128x64xf32, #tpu.memory_space<hbm>>) target(%arg10 : memref<128x64xf32, #tpu.memory_space<vmem>>) target_semaphore(%run_scoped3A : memref<!tpu.dma_semaphore, #tpu.memory_space<semaphore_mem>>)
          %dma_wait3A = arith.constant 0 : i32
          %dma_wait3A_581 = tpu.memref_slice %arg3[%mul3A_566, %dma_wait3A] : memref<10000x64xf32, #tpu.memory_space<hbm>> -> memref<128x64xf32, #tpu.memory_space<hbm>>
          %dma_wait3A_582 = arith.constant 0 : i32
          %dma_wait3A_583 = tpu.memref_slice %arg3[%mul3A_566, %dma_wait3A_582] : memref<10000x64xf32, #tpu.memory_space<hbm>> -> memref<128x64xf32, #tpu.memory_space<hbm>>
          tpu.wait_dma2 semaphore(%run_scoped3A : memref<!tpu.dma_semaphore, #tpu.memory_space<semaphore_mem>>) src(%dma_wait3A_583 : memref<128x64xf32, #tpu.memory_space<hbm>>) dst(%arg10 : memref<128x64xf32, #tpu.memory_space<vmem>>)
          tpu.yield
        }) : () -> ()
      } else {
      }
      "tpu.region"() ({
        %run_scoped3A = tpu.sem_alloc : memref<!tpu.dma_semaphore, #tpu.memory_space<semaphore_mem>>
        %dma_start3A_577 = arith.constant 0 : i32
        %dma_start3A_578 = tpu.memref_slice %arg12[%mul3A_566, %dma_start3A_577] : memref<10000x64xf32, #tpu.memory_space<vmem_shared>> -> memref<128x64xf32, #tpu.memory_space<vmem_shared>>
        %dma_start3A_579 = arith.constant 0 : i32
        %dma_start3A_580 = tpu.memref_slice %arg12[%mul3A_566, %dma_start3A_579] : memref<10000x64xf32, #tpu.memory_space<vmem_shared>> -> memref<128x64xf32, #tpu.memory_space<vmem_shared>>
        tpu.enqueue_dma source(%arg10 : memref<128x64xf32, #tpu.memory_space<vmem>>) target(%dma_start3A_580 : memref<128x64xf32, #tpu.memory_space<vmem_shared>>) target_semaphore(%run_scoped3A : memref<!tpu.dma_semaphore, #tpu.memory_space<semaphore_mem>>)
        %dma_wait3A = arith.constant 0 : i32
        %dma_wait3A_581 = tpu.memref_slice %arg12[%mul3A_566, %dma_wait3A] : memref<10000x64xf32, #tpu.memory_space<vmem_shared>> -> memref<128x64xf32, #tpu.memory_space<vmem_shared>>
        %dma_wait3A_582 = arith.constant 0 : i32
        %dma_wait3A_583 = tpu.memref_slice %arg12[%mul3A_566, %dma_wait3A_582] : memref<10000x64xf32, #tpu.memory_space<vmem_shared>> -> memref<128x64xf32, #tpu.memory_space<vmem_shared>>
        tpu.wait_dma2 semaphore(%run_scoped3A : memref<!tpu.dma_semaphore, #tpu.memory_space<semaphore_mem>>) src(%arg10 : memref<128x64xf32, #tpu.memory_space<vmem>>) dst(%dma_wait3A_583 : memref<128x64xf32, #tpu.memory_space<vmem_shared>>)
        tpu.yield
      }) : () -> ()
    } else {
    }
    %eq3A_50 = arith.constant 78 : i32
    %eq3A_51 = arith.cmpi eq, %add3A_44, %eq3A_50 : i32
    %convert_element_type3A_52 = arith.extui %eq3A_51 : i1 to i32
    %cond3A_53 = arith.constant 0 : i32
    %cond3A_54 = arith.cmpi ne, %convert_element_type3A_52, %cond3A_53 : i32
    scf.if %cond3A_54 {
      %eq3A_565 = arith.constant 0 : i32
      %eq3A_566 = arith.cmpi eq, %arg0, %eq3A_565 : i32
      %convert_element_type3A_567 = arith.extui %eq3A_566 : i1 to i32
      %cond3A_568 = arith.constant 0 : i32
      %cond3A_569 = arith.cmpi ne, %convert_element_type3A_567, %cond3A_568 : i32
      scf.if %cond3A_569 {
        "tpu.region"() ({
          %run_scoped3A = tpu.sem_alloc : memref<!tpu.dma_semaphore, #tpu.memory_space<semaphore_mem>>
          %dma_start3A_575 = arith.constant 0 : i32
          %dma_start3A_576 = arith.constant 0 : i32
          %dma_start3A_577 = tpu.memref_slice %arg10[%dma_start3A_575, %dma_start3A_576] : memref<128x64xf32, #tpu.memory_space<vmem>> -> memref<16x64xf32, #tpu.memory_space<vmem>>
          %dma_start3A_578 = arith.constant 9984 : i32
          %dma_start3A_579 = arith.constant 0 : i32
          %dma_start3A_580 = tpu.memref_slice %arg2[%dma_start3A_578, %dma_start3A_579] : memref<10000x64xf32, #tpu.memory_space<hbm>> -> memref<16x64xf32, #tpu.memory_space<hbm>>
          %dma_start3A_581 = arith.constant 0 : i32
          %dma_start3A_582 = arith.constant 0 : i32
          %dma_start3A_583 = tpu.memref_slice %arg10[%dma_start3A_581, %dma_start3A_582] : memref<128x64xf32, #tpu.memory_space<vmem>> -> memref<16x64xf32, #tpu.memory_space<vmem>>
          %dma_start3A_584 = arith.constant 9984 : i32
          %dma_start3A_585 = arith.constant 0 : i32
          %dma_start3A_586 = tpu.memref_slice %arg2[%dma_start3A_584, %dma_start3A_585] : memref<10000x64xf32, #tpu.memory_space<hbm>> -> memref<16x64xf32, #tpu.memory_space<hbm>>
          tpu.enqueue_dma source(%dma_start3A_586 : memref<16x64xf32, #tpu.memory_space<hbm>>) target(%dma_start3A_583 : memref<16x64xf32, #tpu.memory_space<vmem>>) target_semaphore(%run_scoped3A : memref<!tpu.dma_semaphore, #tpu.memory_space<semaphore_mem>>)
          %dma_wait3A = arith.constant 0 : i32
          %dma_wait3A_587 = arith.constant 0 : i32
          %dma_wait3A_588 = tpu.memref_slice %arg10[%dma_wait3A, %dma_wait3A_587] : memref<128x64xf32, #tpu.memory_space<vmem>> -> memref<16x64xf32, #tpu.memory_space<vmem>>
          %dma_wait3A_589 = arith.constant 9984 : i32
          %dma_wait3A_590 = arith.constant 0 : i32
          %dma_wait3A_591 = tpu.memref_slice %arg2[%dma_wait3A_589, %dma_wait3A_590] : memref<10000x64xf32, #tpu.memory_space<hbm>> -> memref<16x64xf32, #tpu.memory_space<hbm>>
          %dma_wait3A_592 = arith.constant 0 : i32
          %dma_wait3A_593 = arith.constant 0 : i32
          %dma_wait3A_594 = tpu.memref_slice %arg10[%dma_wait3A_592, %dma_wait3A_593] : memref<128x64xf32, #tpu.memory_space<vmem>> -> memref<16x64xf32, #tpu.memory_space<vmem>>
          %dma_wait3A_595 = arith.constant 9984 : i32
          %dma_wait3A_596 = arith.constant 0 : i32
          %dma_wait3A_597 = tpu.memref_slice %arg2[%dma_wait3A_595, %dma_wait3A_596] : memref<10000x64xf32, #tpu.memory_space<hbm>> -> memref<16x64xf32, #tpu.memory_space<hbm>>
          tpu.wait_dma2 semaphore(%run_scoped3A : memref<!tpu.dma_semaphore, #tpu.memory_space<semaphore_mem>>) src(%dma_wait3A_597 : memref<16x64xf32, #tpu.memory_space<hbm>>) dst(%dma_wait3A_594 : memref<16x64xf32, #tpu.memory_space<vmem>>)
          tpu.yield
        }) : () -> ()
      } else {
      }
      %eq3A_570 = arith.constant 1 : i32
      %eq3A_571 = arith.cmpi eq, %arg0, %eq3A_570 : i32
      %convert_element_type3A_572 = arith.extui %eq3A_571 : i1 to i32
      %cond3A_573 = arith.constant 0 : i32
      %cond3A_574 = arith.cmpi ne, %convert_element_type3A_572, %cond3A_573 : i32
      scf.if %cond3A_574 {
        "tpu.region"() ({
          %run_scoped3A = tpu.sem_alloc : memref<!tpu.dma_semaphore, #tpu.memory_space<semaphore_mem>>
          %dma_start3A_575 = arith.constant 0 : i32
          %dma_start3A_576 = arith.constant 0 : i32
          %dma_start3A_577 = tpu.memref_slice %arg10[%dma_start3A_575, %dma_start3A_576] : memref<128x64xf32, #tpu.memory_space<vmem>> -> memref<16x64xf32, #tpu.memory_space<vmem>>
          %dma_start3A_578 = arith.constant 9984 : i32
          %dma_start3A_579 = arith.constant 0 : i32
          %dma_start3A_580 = tpu.memref_slice %arg3[%dma_start3A_578, %dma_start3A_579] : memref<10000x64xf32, #tpu.memory_space<hbm>> -> memref<16x64xf32, #tpu.memory_space<hbm>>
          %dma_start3A_581 = arith.constant 0 : i32
          %dma_start3A_582 = arith.constant 0 : i32
          %dma_start3A_583 = tpu.memref_slice %arg10[%dma_start3A_581, %dma_start3A_582] : memref<128x64xf32, #tpu.memory_space<vmem>> -> memref<16x64xf32, #tpu.memory_space<vmem>>
          %dma_start3A_584 = arith.constant 9984 : i32
          %dma_start3A_585 = arith.constant 0 : i32
          %dma_start3A_586 = tpu.memref_slice %arg3[%dma_start3A_584, %dma_start3A_585] : memref<10000x64xf32, #tpu.memory_space<hbm>> -> memref<16x64xf32, #tpu.memory_space<hbm>>
          tpu.enqueue_dma source(%dma_start3A_586 : memref<16x64xf32, #tpu.memory_space<hbm>>) target(%dma_start3A_583 : memref<16x64xf32, #tpu.memory_space<vmem>>) target_semaphore(%run_scoped3A : memref<!tpu.dma_semaphore, #tpu.memory_space<semaphore_mem>>)
          %dma_wait3A = arith.constant 0 : i32
          %dma_wait3A_587 = arith.constant 0 : i32
          %dma_wait3A_588 = tpu.memref_slice %arg10[%dma_wait3A, %dma_wait3A_587] : memref<128x64xf32, #tpu.memory_space<vmem>> -> memref<16x64xf32, #tpu.memory_space<vmem>>
          %dma_wait3A_589 = arith.constant 9984 : i32
          %dma_wait3A_590 = arith.constant 0 : i32
          %dma_wait3A_591 = tpu.memref_slice %arg3[%dma_wait3A_589, %dma_wait3A_590] : memref<10000x64xf32, #tpu.memory_space<hbm>> -> memref<16x64xf32, #tpu.memory_space<hbm>>
          %dma_wait3A_592 = arith.constant 0 : i32
          %dma_wait3A_593 = arith.constant 0 : i32
          %dma_wait3A_594 = tpu.memref_slice %arg10[%dma_wait3A_592, %dma_wait3A_593] : memref<128x64xf32, #tpu.memory_space<vmem>> -> memref<16x64xf32, #tpu.memory_space<vmem>>
          %dma_wait3A_595 = arith.constant 9984 : i32
          %dma_wait3A_596 = arith.constant 0 : i32
          %dma_wait3A_597 = tpu.memref_slice %arg3[%dma_wait3A_595, %dma_wait3A_596] : memref<10000x64xf32, #tpu.memory_space<hbm>> -> memref<16x64xf32, #tpu.memory_space<hbm>>
          tpu.wait_dma2 semaphore(%run_scoped3A : memref<!tpu.dma_semaphore, #tpu.memory_space<semaphore_mem>>) src(%dma_wait3A_597 : memref<16x64xf32, #tpu.memory_space<hbm>>) dst(%dma_wait3A_594 : memref<16x64xf32, #tpu.memory_space<vmem>>)
          tpu.yield
        }) : () -> ()
      } else {
      }
      "tpu.region"() ({
        %run_scoped3A = tpu.sem_alloc : memref<!tpu.dma_semaphore, #tpu.memory_space<semaphore_mem>>
        %dma_start3A_575 = arith.constant 0 : i32
        %dma_start3A_576 = arith.constant 0 : i32
        %dma_start3A_577 = tpu.memref_slice %arg10[%dma_start3A_575, %dma_start3A_576] : memref<128x64xf32, #tpu.memory_space<vmem>> -> memref<16x64xf32, #tpu.memory_space<vmem>>
        %dma_start3A_578 = arith.constant 9984 : i32
        %dma_start3A_579 = arith.constant 0 : i32
        %dma_start3A_580 = tpu.memref_slice %arg12[%dma_start3A_578, %dma_start3A_579] : memref<10000x64xf32, #tpu.memory_space<vmem_shared>> -> memref<16x64xf32, #tpu.memory_space<vmem_shared>>
        %dma_start3A_581 = arith.constant 9984 : i32
        %dma_start3A_582 = arith.constant 0 : i32
        %dma_start3A_583 = tpu.memref_slice %arg12[%dma_start3A_581, %dma_start3A_582] : memref<10000x64xf32, #tpu.memory_space<vmem_shared>> -> memref<16x64xf32, #tpu.memory_space<vmem_shared>>
        %dma_start3A_584 = arith.constant 0 : i32
        %dma_start3A_585 = arith.constant 0 : i32
        %dma_start3A_586 = tpu.memref_slice %arg10[%dma_start3A_584, %dma_start3A_585] : memref<128x64xf32, #tpu.memory_space<vmem>> -> memref<16x64xf32, #tpu.memory_space<vmem>>
        tpu.enqueue_dma source(%dma_start3A_586 : memref<16x64xf32, #tpu.memory_space<vmem>>) target(%dma_start3A_583 : memref<16x64xf32, #tpu.memory_space<vmem_shared>>) target_semaphore(%run_scoped3A : memref<!tpu.dma_semaphore, #tpu.memory_space<semaphore_mem>>)
        %dma_wait3A = arith.constant 0 : i32
        %dma_wait3A_587 = arith.constant 0 : i32
        %dma_wait3A_588 = tpu.memref_slice %arg10[%dma_wait3A, %dma_wait3A_587] : memref<128x64xf32, #tpu.memory_space<vmem>> -> memref<16x64xf32, #tpu.memory_space<vmem>>
        %dma_wait3A_589 = arith.constant 9984 : i32
        %dma_wait3A_590 = arith.constant 0 : i32
        %dma_wait3A_591 = tpu.memref_slice %arg12[%dma_wait3A_589, %dma_wait3A_590] : memref<10000x64xf32, #tpu.memory_space<vmem_shared>> -> memref<16x64xf32, #tpu.memory_space<vmem_shared>>
        %dma_wait3A_592 = arith.constant 9984 : i32
        %dma_wait3A_593 = arith.constant 0 : i32
        %dma_wait3A_594 = tpu.memref_slice %arg12[%dma_wait3A_592, %dma_wait3A_593] : memref<10000x64xf32, #tpu.memory_space<vmem_shared>> -> memref<16x64xf32, #tpu.memory_space<vmem_shared>>
        %dma_wait3A_595 = arith.constant 0 : i32
        %dma_wait3A_596 = arith.constant 0 : i32
        %dma_wait3A_597 = tpu.memref_slice %arg10[%dma_wait3A_595, %dma_wait3A_596] : memref<128x64xf32, #tpu.memory_space<vmem>> -> memref<16x64xf32, #tpu.memory_space<vmem>>
        tpu.wait_dma2 semaphore(%run_scoped3A : memref<!tpu.dma_semaphore, #tpu.memory_space<semaphore_mem>>) src(%dma_wait3A_597 : memref<16x64xf32, #tpu.memory_space<vmem>>) dst(%dma_wait3A_594 : memref<16x64xf32, #tpu.memory_space<vmem_shared>>)
        tpu.yield
      }) : () -> ()
    } else {
    }
    %broadcast_in_dim3A = arith.constant 0.000000e+00 : f32
    %broadcast_in_dim3A_55 = vector.broadcast %broadcast_in_dim3A : f32 to vector<16xf32>
    %swap3A = arith.constant 0 : i32
    %swap3A_56 = arith.index_cast %swap3A : i32 to index
    %swap3A_57 = arith.constant 0 : index
    %swap3A_58 = tpu.vector_load %arg10[%swap3A_56, %swap3A_57] {strides = array<i32>} : memref<128x64xf32, #tpu.memory_space<vmem>>, vector<1x16xf32>,
    %swap3A_59 = vector.shape_cast %swap3A_58 : vector<1x16xf32> to vector<16xf32>
    %swap3A_60 = vector.shape_cast %broadcast_in_dim3A_55 : vector<16xf32> to vector<1x16xf32>
    tpu.vector_store %arg10[%swap3A_56, %swap3A_57], %swap3A_60 {strides = array<i32>} : memref<128x64xf32, #tpu.memory_space<vmem>>, vector<1x16xf32>,
    %swap3A_61 = arith.constant 0 : i32
    %swap3A_62 = arith.index_cast %swap3A_61 : i32 to index
    %swap3A_63 = arith.constant 16 : index
    %swap3A_64 = tpu.vector_load %arg10[%swap3A_62, %swap3A_63] {strides = array<i32>} : memref<128x64xf32, #tpu.memory_space<vmem>>, vector<1x16xf32>,
    %swap3A_65 = vector.shape_cast %swap3A_64 : vector<1x16xf32> to vector<16xf32>
    %swap3A_66 = vector.shape_cast %broadcast_in_dim3A_55 : vector<16xf32> to vector<1x16xf32>
    tpu.vector_store %arg10[%swap3A_62, %swap3A_63], %swap3A_66 {strides = array<i32>} : memref<128x64xf32, #tpu.memory_space<vmem>>, vector<1x16xf32>,
    %swap3A_67 = arith.constant 0 : i32
    %swap3A_68 = arith.index_cast %swap3A_67 : i32 to index
    %swap3A_69 = arith.constant 32 : index
    %swap3A_70 = tpu.vector_load %arg10[%swap3A_68, %swap3A_69] {strides = array<i32>} : memref<128x64xf32, #tpu.memory_space<vmem>>, vector<1x16xf32>,
    %swap3A_71 = vector.shape_cast %swap3A_70 : vector<1x16xf32> to vector<16xf32>
    %swap3A_72 = vector.shape_cast %broadcast_in_dim3A_55 : vector<16xf32> to vector<1x16xf32>
    tpu.vector_store %arg10[%swap3A_68, %swap3A_69], %swap3A_72 {strides = array<i32>} : memref<128x64xf32, #tpu.memory_space<vmem>>, vector<1x16xf32>,
    %swap3A_73 = arith.constant 0 : i32
    %swap3A_74 = arith.index_cast %swap3A_73 : i32 to index
    %swap3A_75 = arith.constant 48 : index
    %swap3A_76 = tpu.vector_load %arg10[%swap3A_74, %swap3A_75] {strides = array<i32>} : memref<128x64xf32, #tpu.memory_space<vmem>>, vector<1x16xf32>,
    %swap3A_77 = vector.shape_cast %swap3A_76 : vector<1x16xf32> to vector<16xf32>
    %swap3A_78 = vector.shape_cast %broadcast_in_dim3A_55 : vector<16xf32> to vector<1x16xf32>
    tpu.vector_store %arg10[%swap3A_74, %swap3A_75], %swap3A_78 {strides = array<i32>} : memref<128x64xf32, #tpu.memory_space<vmem>>, vector<1x16xf32>,
    %swap3A_79 = arith.constant 1 : i32
    %swap3A_80 = arith.index_cast %swap3A_79 : i32 to index
    %swap3A_81 = arith.constant 0 : index
    %swap3A_82 = tpu.vector_load %arg10[%swap3A_80, %swap3A_81] {strides = array<i32>} : memref<128x64xf32, #tpu.memory_space<vmem>>, vector<1x16xf32>,
    %swap3A_83 = vector.shape_cast %swap3A_82 : vector<1x16xf32> to vector<16xf32>
    %swap3A_84 = vector.shape_cast %broadcast_in_dim3A_55 : vector<16xf32> to vector<1x16xf32>
    tpu.vector_store %arg10[%swap3A_80, %swap3A_81], %swap3A_84 {strides = array<i32>} : memref<128x64xf32, #tpu.memory_space<vmem>>, vector<1x16xf32>,
    %swap3A_85 = arith.constant 1 : i32
    %swap3A_86 = arith.index_cast %swap3A_85 : i32 to index
    %swap3A_87 = arith.constant 16 : index
    %swap3A_88 = tpu.vector_load %arg10[%swap3A_86, %swap3A_87] {strides = array<i32>} : memref<128x64xf32, #tpu.memory_space<vmem>>, vector<1x16xf32>,
    %swap3A_89 = vector.shape_cast %swap3A_88 : vector<1x16xf32> to vector<16xf32>
    %swap3A_90 = vector.shape_cast %broadcast_in_dim3A_55 : vector<16xf32> to vector<1x16xf32>
    tpu.vector_store %arg10[%swap3A_86, %swap3A_87], %swap3A_90 {strides = array<i32>} : memref<128x64xf32, #tpu.memory_space<vmem>>, vector<1x16xf32>,
    %swap3A_91 = arith.constant 1 : i32
    %swap3A_92 = arith.index_cast %swap3A_91 : i32 to index
    %swap3A_93 = arith.constant 32 : index
    %swap3A_94 = tpu.vector_load %arg10[%swap3A_92, %swap3A_93] {strides = array<i32>} : memref<128x64xf32, #tpu.memory_space<vmem>>, vector<1x16xf32>,
    %swap3A_95 = vector.shape_cast %swap3A_94 : vector<1x16xf32> to vector<16xf32>
    %swap3A_96 = vector.shape_cast %broadcast_in_dim3A_55 : vector<16xf32> to vector<1x16xf32>
    tpu.vector_store %arg10[%swap3A_92, %swap3A_93], %swap3A_96 {strides = array<i32>} : memref<128x64xf32, #tpu.memory_space<vmem>>, vector<1x16xf32>,
    %swap3A_97 = arith.constant 1 : i32
    %swap3A_98 = arith.index_cast %swap3A_97 : i32 to index
    %swap3A_99 = arith.constant 48 : index
    %swap3A_100 = tpu.vector_load %arg10[%swap3A_98, %swap3A_99] {strides = array<i32>} : memref<128x64xf32, #tpu.memory_space<vmem>>, vector<1x16xf32>,
    %swap3A_101 = vector.shape_cast %swap3A_100 : vector<1x16xf32> to vector<16xf32>
    %swap3A_102 = vector.shape_cast %broadcast_in_dim3A_55 : vector<16xf32> to vector<1x16xf32>
    tpu.vector_store %arg10[%swap3A_98, %swap3A_99], %swap3A_102 {strides = array<i32>} : memref<128x64xf32, #tpu.memory_space<vmem>>, vector<1x16xf32>,
    %swap3A_103 = arith.constant 2 : i32
    %swap3A_104 = arith.index_cast %swap3A_103 : i32 to index
    %swap3A_105 = arith.constant 0 : index
    %swap3A_106 = tpu.vector_load %arg10[%swap3A_104, %swap3A_105] {strides = array<i32>} : memref<128x64xf32, #tpu.memory_space<vmem>>, vector<1x16xf32>,
    %swap3A_107 = vector.shape_cast %swap3A_106 : vector<1x16xf32> to vector<16xf32>
    %swap3A_108 = vector.shape_cast %broadcast_in_dim3A_55 : vector<16xf32> to vector<1x16xf32>
    tpu.vector_store %arg10[%swap3A_104, %swap3A_105], %swap3A_108 {strides = array<i32>} : memref<128x64xf32, #tpu.memory_space<vmem>>, vector<1x16xf32>,
    %swap3A_109 = arith.constant 2 : i32
    %swap3A_110 = arith.index_cast %swap3A_109 : i32 to index
    %swap3A_111 = arith.constant 16 : index
    %swap3A_112 = tpu.vector_load %arg10[%swap3A_110, %swap3A_111] {strides = array<i32>} : memref<128x64xf32, #tpu.memory_space<vmem>>, vector<1x16xf32>,
    %swap3A_113 = vector.shape_cast %swap3A_112 : vector<1x16xf32> to vector<16xf32>
    %swap3A_114 = vector.shape_cast %broadcast_in_dim3A_55 : vector<16xf32> to vector<1x16xf32>
    tpu.vector_store %arg10[%swap3A_110, %swap3A_111], %swap3A_114 {strides = array<i32>} : memref<128x64xf32, #tpu.memory_space<vmem>>, vector<1x16xf32>,
    %swap3A_115 = arith.constant 2 : i32
    %swap3A_116 = arith.index_cast %swap3A_115 : i32 to index
    %swap3A_117 = arith.constant 32 : index
    %swap3A_118 = tpu.vector_load %arg10[%swap3A_116, %swap3A_117] {strides = array<i32>} : memref<128x64xf32, #tpu.memory_space<vmem>>, vector<1x16xf32>,
    %swap3A_119 = vector.shape_cast %swap3A_118 : vector<1x16xf32> to vector<16xf32>
    %swap3A_120 = vector.shape_cast %broadcast_in_dim3A_55 : vector<16xf32> to vector<1x16xf32>
    tpu.vector_store %arg10[%swap3A_116, %swap3A_117], %swap3A_120 {strides = array<i32>} : memref<128x64xf32, #tpu.memory_space<vmem>>, vector<1x16xf32>,
    %swap3A_121 = arith.constant 2 : i32
    %swap3A_122 = arith.index_cast %swap3A_121 : i32 to index
    %swap3A_123 = arith.constant 48 : index
    %swap3A_124 = tpu.vector_load %arg10[%swap3A_122, %swap3A_123] {strides = array<i32>} : memref<128x64xf32, #tpu.memory_space<vmem>>, vector<1x16xf32>,
    %swap3A_125 = vector.shape_cast %swap3A_124 : vector<1x16xf32> to vector<16xf32>
    %swap3A_126 = vector.shape_cast %broadcast_in_dim3A_55 : vector<16xf32> to vector<1x16xf32>
    tpu.vector_store %arg10[%swap3A_122, %swap3A_123], %swap3A_126 {strides = array<i32>} : memref<128x64xf32, #tpu.memory_space<vmem>>, vector<1x16xf32>,
    %swap3A_127 = arith.constant 3 : i32
    %swap3A_128 = arith.index_cast %swap3A_127 : i32 to index
    %swap3A_129 = arith.constant 0 : index
    %swap3A_130 = tpu.vector_load %arg10[%swap3A_128, %swap3A_129] {strides = array<i32>} : memref<128x64xf32, #tpu.memory_space<vmem>>, vector<1x16xf32>,
    %swap3A_131 = vector.shape_cast %swap3A_130 : vector<1x16xf32> to vector<16xf32>
    %swap3A_132 = vector.shape_cast %broadcast_in_dim3A_55 : vector<16xf32> to vector<1x16xf32>
    tpu.vector_store %arg10[%swap3A_128, %swap3A_129], %swap3A_132 {strides = array<i32>} : memref<128x64xf32, #tpu.memory_space<vmem>>, vector<1x16xf32>,
    %swap3A_133 = arith.constant 3 : i32
    %swap3A_134 = arith.index_cast %swap3A_133 : i32 to index
    %swap3A_135 = arith.constant 16 : index
    %swap3A_136 = tpu.vector_load %arg10[%swap3A_134, %swap3A_135] {strides = array<i32>} : memref<128x64xf32, #tpu.memory_space<vmem>>, vector<1x16xf32>,
    %swap3A_137 = vector.shape_cast %swap3A_136 : vector<1x16xf32> to vector<16xf32>
    %swap3A_138 = vector.shape_cast %broadcast_in_dim3A_55 : vector<16xf32> to vector<1x16xf32>
    tpu.vector_store %arg10[%swap3A_134, %swap3A_135], %swap3A_138 {strides = array<i32>} : memref<128x64xf32, #tpu.memory_space<vmem>>, vector<1x16xf32>,
    %swap3A_139 = arith.constant 3 : i32
    %swap3A_140 = arith.index_cast %swap3A_139 : i32 to index
    %swap3A_141 = arith.constant 32 : index
    %swap3A_142 = tpu.vector_load %arg10[%swap3A_140, %swap3A_141] {strides = array<i32>} : memref<128x64xf32, #tpu.memory_space<vmem>>, vector<1x16xf32>,
    %swap3A_143 = vector.shape_cast %swap3A_142 : vector<1x16xf32> to vector<16xf32>
    %swap3A_144 = vector.shape_cast %broadcast_in_dim3A_55 : vector<16xf32> to vector<1x16xf32>
    tpu.vector_store %arg10[%swap3A_140, %swap3A_141], %swap3A_144 {strides = array<i32>} : memref<128x64xf32, #tpu.memory_space<vmem>>, vector<1x16xf32>,
    %swap3A_145 = arith.constant 3 : i32
    %swap3A_146 = arith.index_cast %swap3A_145 : i32 to index
    %swap3A_147 = arith.constant 48 : index
    %swap3A_148 = tpu.vector_load %arg10[%swap3A_146, %swap3A_147] {strides = array<i32>} : memref<128x64xf32, #tpu.memory_space<vmem>>, vector<1x16xf32>,
    %swap3A_149 = vector.shape_cast %swap3A_148 : vector<1x16xf32> to vector<16xf32>
    %swap3A_150 = vector.shape_cast %broadcast_in_dim3A_55 : vector<16xf32> to vector<1x16xf32>
    tpu.vector_store %arg10[%swap3A_146, %swap3A_147], %swap3A_150 {strides = array<i32>} : memref<128x64xf32, #tpu.memory_space<vmem>>, vector<1x16xf32>,
    %swap3A_151 = arith.constant 4 : i32
    %swap3A_152 = arith.index_cast %swap3A_151 : i32 to index
    %swap3A_153 = arith.constant 0 : index
    %swap3A_154 = tpu.vector_load %arg10[%swap3A_152, %swap3A_153] {strides = array<i32>} : memref<128x64xf32, #tpu.memory_space<vmem>>, vector<1x16xf32>,
    %swap3A_155 = vector.shape_cast %swap3A_154 : vector<1x16xf32> to vector<16xf32>
    %swap3A_156 = vector.shape_cast %broadcast_in_dim3A_55 : vector<16xf32> to vector<1x16xf32>
    tpu.vector_store %arg10[%swap3A_152, %swap3A_153], %swap3A_156 {strides = array<i32>} : memref<128x64xf32, #tpu.memory_space<vmem>>, vector<1x16xf32>,
    %swap3A_157 = arith.constant 4 : i32
    %swap3A_158 = arith.index_cast %swap3A_157 : i32 to index
    %swap3A_159 = arith.constant 16 : index
    %swap3A_160 = tpu.vector_load %arg10[%swap3A_158, %swap3A_159] {strides = array<i32>} : memref<128x64xf32, #tpu.memory_space<vmem>>, vector<1x16xf32>,
    %swap3A_161 = vector.shape_cast %swap3A_160 : vector<1x16xf32> to vector<16xf32>
    %swap3A_162 = vector.shape_cast %broadcast_in_dim3A_55 : vector<16xf32> to vector<1x16xf32>
    tpu.vector_store %arg10[%swap3A_158, %swap3A_159], %swap3A_162 {strides = array<i32>} : memref<128x64xf32, #tpu.memory_space<vmem>>, vector<1x16xf32>,
    %swap3A_163 = arith.constant 4 : i32
    %swap3A_164 = arith.index_cast %swap3A_163 : i32 to index
    %swap3A_165 = arith.constant 32 : index
    %swap3A_166 = tpu.vector_load %arg10[%swap3A_164, %swap3A_165] {strides = array<i32>} : memref<128x64xf32, #tpu.memory_space<vmem>>, vector<1x16xf32>,
    %swap3A_167 = vector.shape_cast %swap3A_166 : vector<1x16xf32> to vector<16xf32>
    %swap3A_168 = vector.shape_cast %broadcast_in_dim3A_55 : vector<16xf32> to vector<1x16xf32>
    tpu.vector_store %arg10[%swap3A_164, %swap3A_165], %swap3A_168 {strides = array<i32>} : memref<128x64xf32, #tpu.memory_space<vmem>>, vector<1x16xf32>,
    %swap3A_169 = arith.constant 4 : i32
    %swap3A_170 = arith.index_cast %swap3A_169 : i32 to index
    %swap3A_171 = arith.constant 48 : index
    %swap3A_172 = tpu.vector_load %arg10[%swap3A_170, %swap3A_171] {strides = array<i32>} : memref<128x64xf32, #tpu.memory_space<vmem>>, vector<1x16xf32>,
    %swap3A_173 = vector.shape_cast %swap3A_172 : vector<1x16xf32> to vector<16xf32>
    %swap3A_174 = vector.shape_cast %broadcast_in_dim3A_55 : vector<16xf32> to vector<1x16xf32>
    tpu.vector_store %arg10[%swap3A_170, %swap3A_171], %swap3A_174 {strides = array<i32>} : memref<128x64xf32, #tpu.memory_space<vmem>>, vector<1x16xf32>,
    %swap3A_175 = arith.constant 5 : i32
    %swap3A_176 = arith.index_cast %swap3A_175 : i32 to index
    %swap3A_177 = arith.constant 0 : index
    %swap3A_178 = tpu.vector_load %arg10[%swap3A_176, %swap3A_177] {strides = array<i32>} : memref<128x64xf32, #tpu.memory_space<vmem>>, vector<1x16xf32>,
    %swap3A_179 = vector.shape_cast %swap3A_178 : vector<1x16xf32> to vector<16xf32>
    %swap3A_180 = vector.shape_cast %broadcast_in_dim3A_55 : vector<16xf32> to vector<1x16xf32>
    tpu.vector_store %arg10[%swap3A_176, %swap3A_177], %swap3A_180 {strides = array<i32>} : memref<128x64xf32, #tpu.memory_space<vmem>>, vector<1x16xf32>,
    %swap3A_181 = arith.constant 5 : i32
    %swap3A_182 = arith.index_cast %swap3A_181 : i32 to index
    %swap3A_183 = arith.constant 16 : index
    %swap3A_184 = tpu.vector_load %arg10[%swap3A_182, %swap3A_183] {strides = array<i32>} : memref<128x64xf32, #tpu.memory_space<vmem>>, vector<1x16xf32>,
    %swap3A_185 = vector.shape_cast %swap3A_184 : vector<1x16xf32> to vector<16xf32>
    %swap3A_186 = vector.shape_cast %broadcast_in_dim3A_55 : vector<16xf32> to vector<1x16xf32>
    tpu.vector_store %arg10[%swap3A_182, %swap3A_183], %swap3A_186 {strides = array<i32>} : memref<128x64xf32, #tpu.memory_space<vmem>>, vector<1x16xf32>,
    %swap3A_187 = arith.constant 5 : i32
    %swap3A_188 = arith.index_cast %swap3A_187 : i32 to index
    %swap3A_189 = arith.constant 32 : index
    %swap3A_190 = tpu.vector_load %arg10[%swap3A_188, %swap3A_189] {strides = array<i32>} : memref<128x64xf32, #tpu.memory_space<vmem>>, vector<1x16xf32>,
    %swap3A_191 = vector.shape_cast %swap3A_190 : vector<1x16xf32> to vector<16xf32>
    %swap3A_192 = vector.shape_cast %broadcast_in_dim3A_55 : vector<16xf32> to vector<1x16xf32>
    tpu.vector_store %arg10[%swap3A_188, %swap3A_189], %swap3A_192 {strides = array<i32>} : memref<128x64xf32, #tpu.memory_space<vmem>>, vector<1x16xf32>,
    %swap3A_193 = arith.constant 5 : i32
    %swap3A_194 = arith.index_cast %swap3A_193 : i32 to index
    %swap3A_195 = arith.constant 48 : index
    %swap3A_196 = tpu.vector_load %arg10[%swap3A_194, %swap3A_195] {strides = array<i32>} : memref<128x64xf32, #tpu.memory_space<vmem>>, vector<1x16xf32>,
    %swap3A_197 = vector.shape_cast %swap3A_196 : vector<1x16xf32> to vector<16xf32>
    %swap3A_198 = vector.shape_cast %broadcast_in_dim3A_55 : vector<16xf32> to vector<1x16xf32>
    tpu.vector_store %arg10[%swap3A_194, %swap3A_195], %swap3A_198 {strides = array<i32>} : memref<128x64xf32, #tpu.memory_space<vmem>>, vector<1x16xf32>,
    %swap3A_199 = arith.constant 6 : i32
    %swap3A_200 = arith.index_cast %swap3A_199 : i32 to index
    %swap3A_201 = arith.constant 0 : index
    %swap3A_202 = tpu.vector_load %arg10[%swap3A_200, %swap3A_201] {strides = array<i32>} : memref<128x64xf32, #tpu.memory_space<vmem>>, vector<1x16xf32>,
    %swap3A_203 = vector.shape_cast %swap3A_202 : vector<1x16xf32> to vector<16xf32>
    %swap3A_204 = vector.shape_cast %broadcast_in_dim3A_55 : vector<16xf32> to vector<1x16xf32>
    tpu.vector_store %arg10[%swap3A_200, %swap3A_201], %swap3A_204 {strides = array<i32>} : memref<128x64xf32, #tpu.memory_space<vmem>>, vector<1x16xf32>,
    %swap3A_205 = arith.constant 6 : i32
    %swap3A_206 = arith.index_cast %swap3A_205 : i32 to index
    %swap3A_207 = arith.constant 16 : index
    %swap3A_208 = tpu.vector_load %arg10[%swap3A_206, %swap3A_207] {strides = array<i32>} : memref<128x64xf32, #tpu.memory_space<vmem>>, vector<1x16xf32>,
    %swap3A_209 = vector.shape_cast %swap3A_208 : vector<1x16xf32> to vector<16xf32>
    %swap3A_210 = vector.shape_cast %broadcast_in_dim3A_55 : vector<16xf32> to vector<1x16xf32>
    tpu.vector_store %arg10[%swap3A_206, %swap3A_207], %swap3A_210 {strides = array<i32>} : memref<128x64xf32, #tpu.memory_space<vmem>>, vector<1x16xf32>,
    %swap3A_211 = arith.constant 6 : i32
    %swap3A_212 = arith.index_cast %swap3A_211 : i32 to index
    %swap3A_213 = arith.constant 32 : index
    %swap3A_214 = tpu.vector_load %arg10[%swap3A_212, %swap3A_213] {strides = array<i32>} : memref<128x64xf32, #tpu.memory_space<vmem>>, vector<1x16xf32>,
    %swap3A_215 = vector.shape_cast %swap3A_214 : vector<1x16xf32> to vector<16xf32>
    %swap3A_216 = vector.shape_cast %broadcast_in_dim3A_55 : vector<16xf32> to vector<1x16xf32>
    tpu.vector_store %arg10[%swap3A_212, %swap3A_213], %swap3A_216 {strides = array<i32>} : memref<128x64xf32, #tpu.memory_space<vmem>>, vector<1x16xf32>,
    %swap3A_217 = arith.constant 6 : i32
    %swap3A_218 = arith.index_cast %swap3A_217 : i32 to index
    %swap3A_219 = arith.constant 48 : index
    %swap3A_220 = tpu.vector_load %arg10[%swap3A_218, %swap3A_219] {strides = array<i32>} : memref<128x64xf32, #tpu.memory_space<vmem>>, vector<1x16xf32>,
    %swap3A_221 = vector.shape_cast %swap3A_220 : vector<1x16xf32> to vector<16xf32>
    %swap3A_222 = vector.shape_cast %broadcast_in_dim3A_55 : vector<16xf32> to vector<1x16xf32>
    tpu.vector_store %arg10[%swap3A_218, %swap3A_219], %swap3A_222 {strides = array<i32>} : memref<128x64xf32, #tpu.memory_space<vmem>>, vector<1x16xf32>,
    %swap3A_223 = arith.constant 7 : i32
    %swap3A_224 = arith.index_cast %swap3A_223 : i32 to index
    %swap3A_225 = arith.constant 0 : index
    %swap3A_226 = tpu.vector_load %arg10[%swap3A_224, %swap3A_225] {strides = array<i32>} : memref<128x64xf32, #tpu.memory_space<vmem>>, vector<1x16xf32>,
    %swap3A_227 = vector.shape_cast %swap3A_226 : vector<1x16xf32> to vector<16xf32>
    %swap3A_228 = vector.shape_cast %broadcast_in_dim3A_55 : vector<16xf32> to vector<1x16xf32>
    tpu.vector_store %arg10[%swap3A_224, %swap3A_225], %swap3A_228 {strides = array<i32>} : memref<128x64xf32, #tpu.memory_space<vmem>>, vector<1x16xf32>,
    %swap3A_229 = arith.constant 7 : i32
    %swap3A_230 = arith.index_cast %swap3A_229 : i32 to index
    %swap3A_231 = arith.constant 16 : index
    %swap3A_232 = tpu.vector_load %arg10[%swap3A_230, %swap3A_231] {strides = array<i32>} : memref<128x64xf32, #tpu.memory_space<vmem>>, vector<1x16xf32>,
    %swap3A_233 = vector.shape_cast %swap3A_232 : vector<1x16xf32> to vector<16xf32>
    %swap3A_234 = vector.shape_cast %broadcast_in_dim3A_55 : vector<16xf32> to vector<1x16xf32>
    tpu.vector_store %arg10[%swap3A_230, %swap3A_231], %swap3A_234 {strides = array<i32>} : memref<128x64xf32, #tpu.memory_space<vmem>>, vector<1x16xf32>,
    %swap3A_235 = arith.constant 7 : i32
    %swap3A_236 = arith.index_cast %swap3A_235 : i32 to index
    %swap3A_237 = arith.constant 32 : index
    %swap3A_238 = tpu.vector_load %arg10[%swap3A_236, %swap3A_237] {strides = array<i32>} : memref<128x64xf32, #tpu.memory_space<vmem>>, vector<1x16xf32>,
    %swap3A_239 = vector.shape_cast %swap3A_238 : vector<1x16xf32> to vector<16xf32>
    %swap3A_240 = vector.shape_cast %broadcast_in_dim3A_55 : vector<16xf32> to vector<1x16xf32>
    tpu.vector_store %arg10[%swap3A_236, %swap3A_237], %swap3A_240 {strides = array<i32>} : memref<128x64xf32, #tpu.memory_space<vmem>>, vector<1x16xf32>,
    %swap3A_241 = arith.constant 7 : i32
    %swap3A_242 = arith.index_cast %swap3A_241 : i32 to index
    %swap3A_243 = arith.constant 48 : index
    %swap3A_244 = tpu.vector_load %arg10[%swap3A_242, %swap3A_243] {strides = array<i32>} : memref<128x64xf32, #tpu.memory_space<vmem>>, vector<1x16xf32>,
    %swap3A_245 = vector.shape_cast %swap3A_244 : vector<1x16xf32> to vector<16xf32>
    %swap3A_246 = vector.shape_cast %broadcast_in_dim3A_55 : vector<16xf32> to vector<1x16xf32>
    tpu.vector_store %arg10[%swap3A_242, %swap3A_243], %swap3A_246 {strides = array<i32>} : memref<128x64xf32, #tpu.memory_space<vmem>>, vector<1x16xf32>,
    %swap3A_247 = arith.constant 8 : i32
    %swap3A_248 = arith.index_cast %swap3A_247 : i32 to index
    %swap3A_249 = arith.constant 0 : index
    %swap3A_250 = tpu.vector_load %arg10[%swap3A_248, %swap3A_249] {strides = array<i32>} : memref<128x64xf32, #tpu.memory_space<vmem>>, vector<1x16xf32>,
    %swap3A_251 = vector.shape_cast %swap3A_250 : vector<1x16xf32> to vector<16xf32>
    %swap3A_252 = vector.shape_cast %broadcast_in_dim3A_55 : vector<16xf32> to vector<1x16xf32>
    tpu.vector_store %arg10[%swap3A_248, %swap3A_249], %swap3A_252 {strides = array<i32>} : memref<128x64xf32, #tpu.memory_space<vmem>>, vector<1x16xf32>,
    %swap3A_253 = arith.constant 8 : i32
    %swap3A_254 = arith.index_cast %swap3A_253 : i32 to index
    %swap3A_255 = arith.constant 16 : index
    %swap3A_256 = tpu.vector_load %arg10[%swap3A_254, %swap3A_255] {strides = array<i32>} : memref<128x64xf32, #tpu.memory_space<vmem>>, vector<1x16xf32>,
    %swap3A_257 = vector.shape_cast %swap3A_256 : vector<1x16xf32> to vector<16xf32>
    %swap3A_258 = vector.shape_cast %broadcast_in_dim3A_55 : vector<16xf32> to vector<1x16xf32>
    tpu.vector_store %arg10[%swap3A_254, %swap3A_255], %swap3A_258 {strides = array<i32>} : memref<128x64xf32, #tpu.memory_space<vmem>>, vector<1x16xf32>,
    %swap3A_259 = arith.constant 8 : i32
    %swap3A_260 = arith.index_cast %swap3A_259 : i32 to index
    %swap3A_261 = arith.constant 32 : index
    %swap3A_262 = tpu.vector_load %arg10[%swap3A_260, %swap3A_261] {strides = array<i32>} : memref<128x64xf32, #tpu.memory_space<vmem>>, vector<1x16xf32>,
    %swap3A_263 = vector.shape_cast %swap3A_262 : vector<1x16xf32> to vector<16xf32>
    %swap3A_264 = vector.shape_cast %broadcast_in_dim3A_55 : vector<16xf32> to vector<1x16xf32>
    tpu.vector_store %arg10[%swap3A_260, %swap3A_261], %swap3A_264 {strides = array<i32>} : memref<128x64xf32, #tpu.memory_space<vmem>>, vector<1x16xf32>,
    %swap3A_265 = arith.constant 8 : i32
    %swap3A_266 = arith.index_cast %swap3A_265 : i32 to index
    %swap3A_267 = arith.constant 48 : index
    %swap3A_268 = tpu.vector_load %arg10[%swap3A_266, %swap3A_267] {strides = array<i32>} : memref<128x64xf32, #tpu.memory_space<vmem>>, vector<1x16xf32>,
    %swap3A_269 = vector.shape_cast %swap3A_268 : vector<1x16xf32> to vector<16xf32>
    %swap3A_270 = vector.shape_cast %broadcast_in_dim3A_55 : vector<16xf32> to vector<1x16xf32>
    tpu.vector_store %arg10[%swap3A_266, %swap3A_267], %swap3A_270 {strides = array<i32>} : memref<128x64xf32, #tpu.memory_space<vmem>>, vector<1x16xf32>,
    %swap3A_271 = arith.constant 9 : i32
    %swap3A_272 = arith.index_cast %swap3A_271 : i32 to index
    %swap3A_273 = arith.constant 0 : index
    %swap3A_274 = tpu.vector_load %arg10[%swap3A_272, %swap3A_273] {strides = array<i32>} : memref<128x64xf32, #tpu.memory_space<vmem>>, vector<1x16xf32>,
    %swap3A_275 = vector.shape_cast %swap3A_274 : vector<1x16xf32> to vector<16xf32>
    %swap3A_276 = vector.shape_cast %broadcast_in_dim3A_55 : vector<16xf32> to vector<1x16xf32>
    tpu.vector_store %arg10[%swap3A_272, %swap3A_273], %swap3A_276 {strides = array<i32>} : memref<128x64xf32, #tpu.memory_space<vmem>>, vector<1x16xf32>,
    %swap3A_277 = arith.constant 9 : i32
    %swap3A_278 = arith.index_cast %swap3A_277 : i32 to index
    %swap3A_279 = arith.constant 16 : index
    %swap3A_280 = tpu.vector_load %arg10[%swap3A_278, %swap3A_279] {strides = array<i32>} : memref<128x64xf32, #tpu.memory_space<vmem>>, vector<1x16xf32>,
    %swap3A_281 = vector.shape_cast %swap3A_280 : vector<1x16xf32> to vector<16xf32>
    %swap3A_282 = vector.shape_cast %broadcast_in_dim3A_55 : vector<16xf32> to vector<1x16xf32>
    tpu.vector_store %arg10[%swap3A_278, %swap3A_279], %swap3A_282 {strides = array<i32>} : memref<128x64xf32, #tpu.memory_space<vmem>>, vector<1x16xf32>,
    %swap3A_283 = arith.constant 9 : i32
    %swap3A_284 = arith.index_cast %swap3A_283 : i32 to index
    %swap3A_285 = arith.constant 32 : index
    %swap3A_286 = tpu.vector_load %arg10[%swap3A_284, %swap3A_285] {strides = array<i32>} : memref<128x64xf32, #tpu.memory_space<vmem>>, vector<1x16xf32>,
    %swap3A_287 = vector.shape_cast %swap3A_286 : vector<1x16xf32> to vector<16xf32>
    %swap3A_288 = vector.shape_cast %broadcast_in_dim3A_55 : vector<16xf32> to vector<1x16xf32>
    tpu.vector_store %arg10[%swap3A_284, %swap3A_285], %swap3A_288 {strides = array<i32>} : memref<128x64xf32, #tpu.memory_space<vmem>>, vector<1x16xf32>,
    %swap3A_289 = arith.constant 9 : i32
    %swap3A_290 = arith.index_cast %swap3A_289 : i32 to index
    %swap3A_291 = arith.constant 48 : index
    %swap3A_292 = tpu.vector_load %arg10[%swap3A_290, %swap3A_291] {strides = array<i32>} : memref<128x64xf32, #tpu.memory_space<vmem>>, vector<1x16xf32>,
    %swap3A_293 = vector.shape_cast %swap3A_292 : vector<1x16xf32> to vector<16xf32>
    %swap3A_294 = vector.shape_cast %broadcast_in_dim3A_55 : vector<16xf32> to vector<1x16xf32>
    tpu.vector_store %arg10[%swap3A_290, %swap3A_291], %swap3A_294 {strides = array<i32>} : memref<128x64xf32, #tpu.memory_space<vmem>>, vector<1x16xf32>,
    %swap3A_295 = arith.constant 10 : i32
    %swap3A_296 = arith.index_cast %swap3A_295 : i32 to index
    %swap3A_297 = arith.constant 0 : index
    %swap3A_298 = tpu.vector_load %arg10[%swap3A_296, %swap3A_297] {strides = array<i32>} : memref<128x64xf32, #tpu.memory_space<vmem>>, vector<1x16xf32>,
    %swap3A_299 = vector.shape_cast %swap3A_298 : vector<1x16xf32> to vector<16xf32>
    %swap3A_300 = vector.shape_cast %broadcast_in_dim3A_55 : vector<16xf32> to vector<1x16xf32>
    tpu.vector_store %arg10[%swap3A_296, %swap3A_297], %swap3A_300 {strides = array<i32>} : memref<128x64xf32, #tpu.memory_space<vmem>>, vector<1x16xf32>,
    %swap3A_301 = arith.constant 10 : i32
    %swap3A_302 = arith.index_cast %swap3A_301 : i32 to index
    %swap3A_303 = arith.constant 16 : index
    %swap3A_304 = tpu.vector_load %arg10[%swap3A_302, %swap3A_303] {strides = array<i32>} : memref<128x64xf32, #tpu.memory_space<vmem>>, vector<1x16xf32>,
    %swap3A_305 = vector.shape_cast %swap3A_304 : vector<1x16xf32> to vector<16xf32>
    %swap3A_306 = vector.shape_cast %broadcast_in_dim3A_55 : vector<16xf32> to vector<1x16xf32>
    tpu.vector_store %arg10[%swap3A_302, %swap3A_303], %swap3A_306 {strides = array<i32>} : memref<128x64xf32, #tpu.memory_space<vmem>>, vector<1x16xf32>,
    %swap3A_307 = arith.constant 10 : i32
    %swap3A_308 = arith.index_cast %swap3A_307 : i32 to index
    %swap3A_309 = arith.constant 32 : index
    %swap3A_310 = tpu.vector_load %arg10[%swap3A_308, %swap3A_309] {strides = array<i32>} : memref<128x64xf32, #tpu.memory_space<vmem>>, vector<1x16xf32>,
    %swap3A_311 = vector.shape_cast %swap3A_310 : vector<1x16xf32> to vector<16xf32>
    %swap3A_312 = vector.shape_cast %broadcast_in_dim3A_55 : vector<16xf32> to vector<1x16xf32>
    tpu.vector_store %arg10[%swap3A_308, %swap3A_309], %swap3A_312 {strides = array<i32>} : memref<128x64xf32, #tpu.memory_space<vmem>>, vector<1x16xf32>,
    %swap3A_313 = arith.constant 10 : i32
    %swap3A_314 = arith.index_cast %swap3A_313 : i32 to index
    %swap3A_315 = arith.constant 48 : index
    %swap3A_316 = tpu.vector_load %arg10[%swap3A_314, %swap3A_315] {strides = array<i32>} : memref<128x64xf32, #tpu.memory_space<vmem>>, vector<1x16xf32>,
    %swap3A_317 = vector.shape_cast %swap3A_316 : vector<1x16xf32> to vector<16xf32>
    %swap3A_318 = vector.shape_cast %broadcast_in_dim3A_55 : vector<16xf32> to vector<1x16xf32>
    tpu.vector_store %arg10[%swap3A_314, %swap3A_315], %swap3A_318 {strides = array<i32>} : memref<128x64xf32, #tpu.memory_space<vmem>>, vector<1x16xf32>,
    %swap3A_319 = arith.constant 11 : i32
    %swap3A_320 = arith.index_cast %swap3A_319 : i32 to index
    %swap3A_321 = arith.constant 0 : index
    %swap3A_322 = tpu.vector_load %arg10[%swap3A_320, %swap3A_321] {strides = array<i32>} : memref<128x64xf32, #tpu.memory_space<vmem>>, vector<1x16xf32>,
    %swap3A_323 = vector.shape_cast %swap3A_322 : vector<1x16xf32> to vector<16xf32>
    %swap3A_324 = vector.shape_cast %broadcast_in_dim3A_55 : vector<16xf32> to vector<1x16xf32>
    tpu.vector_store %arg10[%swap3A_320, %swap3A_321], %swap3A_324 {strides = array<i32>} : memref<128x64xf32, #tpu.memory_space<vmem>>, vector<1x16xf32>,
    %swap3A_325 = arith.constant 11 : i32
    %swap3A_326 = arith.index_cast %swap3A_325 : i32 to index
    %swap3A_327 = arith.constant 16 : index
    %swap3A_328 = tpu.vector_load %arg10[%swap3A_326, %swap3A_327] {strides = array<i32>} : memref<128x64xf32, #tpu.memory_space<vmem>>, vector<1x16xf32>,
    %swap3A_329 = vector.shape_cast %swap3A_328 : vector<1x16xf32> to vector<16xf32>
    %swap3A_330 = vector.shape_cast %broadcast_in_dim3A_55 : vector<16xf32> to vector<1x16xf32>
    tpu.vector_store %arg10[%swap3A_326, %swap3A_327], %swap3A_330 {strides = array<i32>} : memref<128x64xf32, #tpu.memory_space<vmem>>, vector<1x16xf32>,
    %swap3A_331 = arith.constant 11 : i32
    %swap3A_332 = arith.index_cast %swap3A_331 : i32 to index
    %swap3A_333 = arith.constant 32 : index
    %swap3A_334 = tpu.vector_load %arg10[%swap3A_332, %swap3A_333] {strides = array<i32>} : memref<128x64xf32, #tpu.memory_space<vmem>>, vector<1x16xf32>,
    %swap3A_335 = vector.shape_cast %swap3A_334 : vector<1x16xf32> to vector<16xf32>
    %swap3A_336 = vector.shape_cast %broadcast_in_dim3A_55 : vector<16xf32> to vector<1x16xf32>
    tpu.vector_store %arg10[%swap3A_332, %swap3A_333], %swap3A_336 {strides = array<i32>} : memref<128x64xf32, #tpu.memory_space<vmem>>, vector<1x16xf32>,
    %swap3A_337 = arith.constant 11 : i32
    %swap3A_338 = arith.index_cast %swap3A_337 : i32 to index
    %swap3A_339 = arith.constant 48 : index
    %swap3A_340 = tpu.vector_load %arg10[%swap3A_338, %swap3A_339] {strides = array<i32>} : memref<128x64xf32, #tpu.memory_space<vmem>>, vector<1x16xf32>,
    %swap3A_341 = vector.shape_cast %swap3A_340 : vector<1x16xf32> to vector<16xf32>
    %swap3A_342 = vector.shape_cast %broadcast_in_dim3A_55 : vector<16xf32> to vector<1x16xf32>
    tpu.vector_store %arg10[%swap3A_338, %swap3A_339], %swap3A_342 {strides = array<i32>} : memref<128x64xf32, #tpu.memory_space<vmem>>, vector<1x16xf32>,
    %swap3A_343 = arith.constant 12 : i32
    %swap3A_344 = arith.index_cast %swap3A_343 : i32 to index
    %swap3A_345 = arith.constant 0 : index
    %swap3A_346 = tpu.vector_load %arg10[%swap3A_344, %swap3A_345] {strides = array<i32>} : memref<128x64xf32, #tpu.memory_space<vmem>>, vector<1x16xf32>,
    %swap3A_347 = vector.shape_cast %swap3A_346 : vector<1x16xf32> to vector<16xf32>
    %swap3A_348 = vector.shape_cast %broadcast_in_dim3A_55 : vector<16xf32> to vector<1x16xf32>
    tpu.vector_store %arg10[%swap3A_344, %swap3A_345], %swap3A_348 {strides = array<i32>} : memref<128x64xf32, #tpu.memory_space<vmem>>, vector<1x16xf32>,
    %swap3A_349 = arith.constant 12 : i32
    %swap3A_350 = arith.index_cast %swap3A_349 : i32 to index
    %swap3A_351 = arith.constant 16 : index
    %swap3A_352 = tpu.vector_load %arg10[%swap3A_350, %swap3A_351] {strides = array<i32>} : memref<128x64xf32, #tpu.memory_space<vmem>>, vector<1x16xf32>,
    %swap3A_353 = vector.shape_cast %swap3A_352 : vector<1x16xf32> to vector<16xf32>
    %swap3A_354 = vector.shape_cast %broadcast_in_dim3A_55 : vector<16xf32> to vector<1x16xf32>
    tpu.vector_store %arg10[%swap3A_350, %swap3A_351], %swap3A_354 {strides = array<i32>} : memref<128x64xf32, #tpu.memory_space<vmem>>, vector<1x16xf32>,
    %swap3A_355 = arith.constant 12 : i32
    %swap3A_356 = arith.index_cast %swap3A_355 : i32 to index
    %swap3A_357 = arith.constant 32 : index
    %swap3A_358 = tpu.vector_load %arg10[%swap3A_356, %swap3A_357] {strides = array<i32>} : memref<128x64xf32, #tpu.memory_space<vmem>>, vector<1x16xf32>,
    %swap3A_359 = vector.shape_cast %swap3A_358 : vector<1x16xf32> to vector<16xf32>
    %swap3A_360 = vector.shape_cast %broadcast_in_dim3A_55 : vector<16xf32> to vector<1x16xf32>
    tpu.vector_store %arg10[%swap3A_356, %swap3A_357], %swap3A_360 {strides = array<i32>} : memref<128x64xf32, #tpu.memory_space<vmem>>, vector<1x16xf32>,
    %swap3A_361 = arith.constant 12 : i32
    %swap3A_362 = arith.index_cast %swap3A_361 : i32 to index
    %swap3A_363 = arith.constant 48 : index
    %swap3A_364 = tpu.vector_load %arg10[%swap3A_362, %swap3A_363] {strides = array<i32>} : memref<128x64xf32, #tpu.memory_space<vmem>>, vector<1x16xf32>,
    %swap3A_365 = vector.shape_cast %swap3A_364 : vector<1x16xf32> to vector<16xf32>
    %swap3A_366 = vector.shape_cast %broadcast_in_dim3A_55 : vector<16xf32> to vector<1x16xf32>
    tpu.vector_store %arg10[%swap3A_362, %swap3A_363], %swap3A_366 {strides = array<i32>} : memref<128x64xf32, #tpu.memory_space<vmem>>, vector<1x16xf32>,
    %swap3A_367 = arith.constant 13 : i32
    %swap3A_368 = arith.index_cast %swap3A_367 : i32 to index
    %swap3A_369 = arith.constant 0 : index
    %swap3A_370 = tpu.vector_load %arg10[%swap3A_368, %swap3A_369] {strides = array<i32>} : memref<128x64xf32, #tpu.memory_space<vmem>>, vector<1x16xf32>,
    %swap3A_371 = vector.shape_cast %swap3A_370 : vector<1x16xf32> to vector<16xf32>
    %swap3A_372 = vector.shape_cast %broadcast_in_dim3A_55 : vector<16xf32> to vector<1x16xf32>
    tpu.vector_store %arg10[%swap3A_368, %swap3A_369], %swap3A_372 {strides = array<i32>} : memref<128x64xf32, #tpu.memory_space<vmem>>, vector<1x16xf32>,
    %swap3A_373 = arith.constant 13 : i32
    %swap3A_374 = arith.index_cast %swap3A_373 : i32 to index
    %swap3A_375 = arith.constant 16 : index
    %swap3A_376 = tpu.vector_load %arg10[%swap3A_374, %swap3A_375] {strides = array<i32>} : memref<128x64xf32, #tpu.memory_space<vmem>>, vector<1x16xf32>,
    %swap3A_377 = vector.shape_cast %swap3A_376 : vector<1x16xf32> to vector<16xf32>
    %swap3A_378 = vector.shape_cast %broadcast_in_dim3A_55 : vector<16xf32> to vector<1x16xf32>
    tpu.vector_store %arg10[%swap3A_374, %swap3A_375], %swap3A_378 {strides = array<i32>} : memref<128x64xf32, #tpu.memory_space<vmem>>, vector<1x16xf32>,
    %swap3A_379 = arith.constant 13 : i32
    %swap3A_380 = arith.index_cast %swap3A_379 : i32 to index
    %swap3A_381 = arith.constant 32 : index
    %swap3A_382 = tpu.vector_load %arg10[%swap3A_380, %swap3A_381] {strides = array<i32>} : memref<128x64xf32, #tpu.memory_space<vmem>>, vector<1x16xf32>,
    %swap3A_383 = vector.shape_cast %swap3A_382 : vector<1x16xf32> to vector<16xf32>
    %swap3A_384 = vector.shape_cast %broadcast_in_dim3A_55 : vector<16xf32> to vector<1x16xf32>
    tpu.vector_store %arg10[%swap3A_380, %swap3A_381], %swap3A_384 {strides = array<i32>} : memref<128x64xf32, #tpu.memory_space<vmem>>, vector<1x16xf32>,
    %swap3A_385 = arith.constant 13 : i32
    %swap3A_386 = arith.index_cast %swap3A_385 : i32 to index
    %swap3A_387 = arith.constant 48 : index
    %swap3A_388 = tpu.vector_load %arg10[%swap3A_386, %swap3A_387] {strides = array<i32>} : memref<128x64xf32, #tpu.memory_space<vmem>>, vector<1x16xf32>,
    %swap3A_389 = vector.shape_cast %swap3A_388 : vector<1x16xf32> to vector<16xf32>
    %swap3A_390 = vector.shape_cast %broadcast_in_dim3A_55 : vector<16xf32> to vector<1x16xf32>
    tpu.vector_store %arg10[%swap3A_386, %swap3A_387], %swap3A_390 {strides = array<i32>} : memref<128x64xf32, #tpu.memory_space<vmem>>, vector<1x16xf32>,
    %swap3A_391 = arith.constant 14 : i32
    %swap3A_392 = arith.index_cast %swap3A_391 : i32 to index
    %swap3A_393 = arith.constant 0 : index
    %swap3A_394 = tpu.vector_load %arg10[%swap3A_392, %swap3A_393] {strides = array<i32>} : memref<128x64xf32, #tpu.memory_space<vmem>>, vector<1x16xf32>,
    %swap3A_395 = vector.shape_cast %swap3A_394 : vector<1x16xf32> to vector<16xf32>
    %swap3A_396 = vector.shape_cast %broadcast_in_dim3A_55 : vector<16xf32> to vector<1x16xf32>
    tpu.vector_store %arg10[%swap3A_392, %swap3A_393], %swap3A_396 {strides = array<i32>} : memref<128x64xf32, #tpu.memory_space<vmem>>, vector<1x16xf32>,
    %swap3A_397 = arith.constant 14 : i32
    %swap3A_398 = arith.index_cast %swap3A_397 : i32 to index
    %swap3A_399 = arith.constant 16 : index
    %swap3A_400 = tpu.vector_load %arg10[%swap3A_398, %swap3A_399] {strides = array<i32>} : memref<128x64xf32, #tpu.memory_space<vmem>>, vector<1x16xf32>,
    %swap3A_401 = vector.shape_cast %swap3A_400 : vector<1x16xf32> to vector<16xf32>
    %swap3A_402 = vector.shape_cast %broadcast_in_dim3A_55 : vector<16xf32> to vector<1x16xf32>
    tpu.vector_store %arg10[%swap3A_398, %swap3A_399], %swap3A_402 {strides = array<i32>} : memref<128x64xf32, #tpu.memory_space<vmem>>, vector<1x16xf32>,
    %swap3A_403 = arith.constant 14 : i32
    %swap3A_404 = arith.index_cast %swap3A_403 : i32 to index
    %swap3A_405 = arith.constant 32 : index
    %swap3A_406 = tpu.vector_load %arg10[%swap3A_404, %swap3A_405] {strides = array<i32>} : memref<128x64xf32, #tpu.memory_space<vmem>>, vector<1x16xf32>,
    %swap3A_407 = vector.shape_cast %swap3A_406 : vector<1x16xf32> to vector<16xf32>
    %swap3A_408 = vector.shape_cast %broadcast_in_dim3A_55 : vector<16xf32> to vector<1x16xf32>
    tpu.vector_store %arg10[%swap3A_404, %swap3A_405], %swap3A_408 {strides = array<i32>} : memref<128x64xf32, #tpu.memory_space<vmem>>, vector<1x16xf32>,
    %swap3A_409 = arith.constant 14 : i32
    %swap3A_410 = arith.index_cast %swap3A_409 : i32 to index
    %swap3A_411 = arith.constant 48 : index
    %swap3A_412 = tpu.vector_load %arg10[%swap3A_410, %swap3A_411] {strides = array<i32>} : memref<128x64xf32, #tpu.memory_space<vmem>>, vector<1x16xf32>,
    %swap3A_413 = vector.shape_cast %swap3A_412 : vector<1x16xf32> to vector<16xf32>
    %swap3A_414 = vector.shape_cast %broadcast_in_dim3A_55 : vector<16xf32> to vector<1x16xf32>
    tpu.vector_store %arg10[%swap3A_410, %swap3A_411], %swap3A_414 {strides = array<i32>} : memref<128x64xf32, #tpu.memory_space<vmem>>, vector<1x16xf32>,
    %swap3A_415 = arith.constant 15 : i32
    %swap3A_416 = arith.index_cast %swap3A_415 : i32 to index
    %swap3A_417 = arith.constant 0 : index
    %swap3A_418 = tpu.vector_load %arg10[%swap3A_416, %swap3A_417] {strides = array<i32>} : memref<128x64xf32, #tpu.memory_space<vmem>>, vector<1x16xf32>,
    %swap3A_419 = vector.shape_cast %swap3A_418 : vector<1x16xf32> to vector<16xf32>
    %swap3A_420 = vector.shape_cast %broadcast_in_dim3A_55 : vector<16xf32> to vector<1x16xf32>
    tpu.vector_store %arg10[%swap3A_416, %swap3A_417], %swap3A_420 {strides = array<i32>} : memref<128x64xf32, #tpu.memory_space<vmem>>, vector<1x16xf32>,
    %swap3A_421 = arith.constant 15 : i32
    %swap3A_422 = arith.index_cast %swap3A_421 : i32 to index
    %swap3A_423 = arith.constant 16 : index
    %swap3A_424 = tpu.vector_load %arg10[%swap3A_422, %swap3A_423] {strides = array<i32>} : memref<128x64xf32, #tpu.memory_space<vmem>>, vector<1x16xf32>,
    %swap3A_425 = vector.shape_cast %swap3A_424 : vector<1x16xf32> to vector<16xf32>
    %swap3A_426 = vector.shape_cast %broadcast_in_dim3A_55 : vector<16xf32> to vector<1x16xf32>
    tpu.vector_store %arg10[%swap3A_422, %swap3A_423], %swap3A_426 {strides = array<i32>} : memref<128x64xf32, #tpu.memory_space<vmem>>, vector<1x16xf32>,
    %swap3A_427 = arith.constant 15 : i32
    %swap3A_428 = arith.index_cast %swap3A_427 : i32 to index
    %swap3A_429 = arith.constant 32 : index
    %swap3A_430 = tpu.vector_load %arg10[%swap3A_428, %swap3A_429] {strides = array<i32>} : memref<128x64xf32, #tpu.memory_space<vmem>>, vector<1x16xf32>,
    %swap3A_431 = vector.shape_cast %swap3A_430 : vector<1x16xf32> to vector<16xf32>
    %swap3A_432 = vector.shape_cast %broadcast_in_dim3A_55 : vector<16xf32> to vector<1x16xf32>
    tpu.vector_store %arg10[%swap3A_428, %swap3A_429], %swap3A_432 {strides = array<i32>} : memref<128x64xf32, #tpu.memory_space<vmem>>, vector<1x16xf32>,
    %swap3A_433 = arith.constant 15 : i32
    %swap3A_434 = arith.index_cast %swap3A_433 : i32 to index
    %swap3A_435 = arith.constant 48 : index
    %swap3A_436 = tpu.vector_load %arg10[%swap3A_434, %swap3A_435] {strides = array<i32>} : memref<128x64xf32, #tpu.memory_space<vmem>>, vector<1x16xf32>,
    %swap3A_437 = vector.shape_cast %swap3A_436 : vector<1x16xf32> to vector<16xf32>
    %swap3A_438 = vector.shape_cast %broadcast_in_dim3A_55 : vector<16xf32> to vector<1x16xf32>
    tpu.vector_store %arg10[%swap3A_434, %swap3A_435], %swap3A_438 {strides = array<i32>} : memref<128x64xf32, #tpu.memory_space<vmem>>, vector<1x16xf32>,
    %lt3A_439 = arith.constant 2 : i32
    %lt3A_440 = arith.cmpi slt, %arg1, %lt3A_439 : i32
    %jit3A = arith.constant 40 : i32
    %jit3A_441 = arith.constant 39 : i32
    %select_n3A = arith.select %lt3A_440, %jit3A, %jit3A_441 : i32
    %lt3A_442 = arith.constant 2 : i32
    %lt3A_443 = arith.cmpi slt, %arg1, %lt3A_442 : i32
    %mul3A = arith.constant 40 : i32
    %mul3A_444 = arith.muli %arg1, %mul3A : i32
    %sub3A = arith.constant 2 : i32
    %sub3A_445 = arith.subi %arg1, %sub3A : i32
    %mul3A_446 = arith.constant 39 : i32
    %mul3A_447 = arith.muli %sub3A_445, %mul3A_446 : i32
    %add3A_448 = arith.constant 80 : i32
    %add3A_449 = arith.addi %add3A_448, %mul3A_447 : i32
    %select_n3A_450 = arith.select %lt3A_443, %mul3A_444, %add3A_449 : i32
    %while3A = arith.constant 0 : i32
    %while3A_451 = arith.constant 0 : i32
    %while3A_452 = arith.subi %select_n3A, %while3A_451 : i32
    %while3A_453 = arith.addi %while3A_451, %while3A_452 : i32
    %while3A_454 = arith.constant 1 : i32
    %while3A_455 = arith.divsi %while3A_452, %while3A_454 : i32
    %while3A_456 = arith.muli %while3A_455, %while3A_454 : i32
    %while3A_457 = arith.addi %while3A_451, %while3A_456 : i32
    %while3A_458 = arith.constant 1 : i32
    scf.for %while3A_565 = %while3A_451 to %while3A_457 step %while3A_458  : i32 {
      %add3A_566 = arith.addi %select_n3A_450, %while3A_565 : i32
      %mul3A_567 = arith.constant 16 : i32
      %mul3A_568 = arith.muli %add3A_566, %mul3A_567 : i32
      "tpu.region"() ({
        %run_scoped3A = tpu.sem_alloc : memref<!tpu.dma_semaphore, #tpu.memory_space<semaphore_mem>>
        %dma_start3A_569 = arith.constant 0 : i32
        %dma_start3A_570 = arith.constant 0 : i32
        %dma_start3A_571 = tpu.memref_slice %arg10[%dma_start3A_569, %dma_start3A_570] : memref<128x64xf32, #tpu.memory_space<vmem>> -> memref<16x64xf32, #tpu.memory_space<vmem>>
        %dma_start3A_572 = arith.constant 0 : i32
        %dma_start3A_573 = tpu.memref_slice %arg13[%mul3A_568, %dma_start3A_572] : memref<10016x64xf32, #tpu.memory_space<vmem_shared>> -> memref<16x64xf32, #tpu.memory_space<vmem_shared>>
        %dma_start3A_574 = arith.constant 0 : i32
        %dma_start3A_575 = tpu.memref_slice %arg13[%mul3A_568, %dma_start3A_574] : memref<10016x64xf32, #tpu.memory_space<vmem_shared>> -> memref<16x64xf32, #tpu.memory_space<vmem_shared>>
        %dma_start3A_576 = arith.constant 0 : i32
        %dma_start3A_577 = arith.constant 0 : i32
        %dma_start3A_578 = tpu.memref_slice %arg10[%dma_start3A_576, %dma_start3A_577] : memref<128x64xf32, #tpu.memory_space<vmem>> -> memref<16x64xf32, #tpu.memory_space<vmem>>
        tpu.enqueue_dma source(%dma_start3A_578 : memref<16x64xf32, #tpu.memory_space<vmem>>) target(%dma_start3A_575 : memref<16x64xf32, #tpu.memory_space<vmem_shared>>) target_semaphore(%run_scoped3A : memref<!tpu.dma_semaphore, #tpu.memory_space<semaphore_mem>>)
        %dma_wait3A = arith.constant 0 : i32
        %dma_wait3A_579 = arith.constant 0 : i32
        %dma_wait3A_580 = tpu.memref_slice %arg10[%dma_wait3A, %dma_wait3A_579] : memref<128x64xf32, #tpu.memory_space<vmem>> -> memref<16x64xf32, #tpu.memory_space<vmem>>
        %dma_wait3A_581 = arith.constant 0 : i32
        %dma_wait3A_582 = tpu.memref_slice %arg13[%mul3A_568, %dma_wait3A_581] : memref<10016x64xf32, #tpu.memory_space<vmem_shared>> -> memref<16x64xf32, #tpu.memory_space<vmem_shared>>
        %dma_wait3A_583 = arith.constant 0 : i32
        %dma_wait3A_584 = tpu.memref_slice %arg13[%mul3A_568, %dma_wait3A_583] : memref<10016x64xf32, #tpu.memory_space<vmem_shared>> -> memref<16x64xf32, #tpu.memory_space<vmem_shared>>
        %dma_wait3A_585 = arith.constant 0 : i32
        %dma_wait3A_586 = arith.constant 0 : i32
        %dma_wait3A_587 = tpu.memref_slice %arg10[%dma_wait3A_585, %dma_wait3A_586] : memref<128x64xf32, #tpu.memory_space<vmem>> -> memref<16x64xf32, #tpu.memory_space<vmem>>
        tpu.wait_dma2 semaphore(%run_scoped3A : memref<!tpu.dma_semaphore, #tpu.memory_space<semaphore_mem>>) src(%dma_wait3A_587 : memref<16x64xf32, #tpu.memory_space<vmem>>) dst(%dma_wait3A_584 : memref<16x64xf32, #tpu.memory_space<vmem_shared>>)
        tpu.yield
      }) : () -> ()
    }
    %while3A_459 = arith.constant 1 : i32
    scf.for %while3A_565 = %while3A_457 to %while3A_453 step %while3A_459  : i32 {
      %add3A_566 = arith.addi %select_n3A_450, %while3A_565 : i32
      %mul3A_567 = arith.constant 16 : i32
      %mul3A_568 = arith.muli %add3A_566, %mul3A_567 : i32
      "tpu.region"() ({
        %run_scoped3A = tpu.sem_alloc : memref<!tpu.dma_semaphore, #tpu.memory_space<semaphore_mem>>
        %dma_start3A_569 = arith.constant 0 : i32
        %dma_start3A_570 = arith.constant 0 : i32
        %dma_start3A_571 = tpu.memref_slice %arg10[%dma_start3A_569, %dma_start3A_570] : memref<128x64xf32, #tpu.memory_space<vmem>> -> memref<16x64xf32, #tpu.memory_space<vmem>>
        %dma_start3A_572 = arith.constant 0 : i32
        %dma_start3A_573 = tpu.memref_slice %arg13[%mul3A_568, %dma_start3A_572] : memref<10016x64xf32, #tpu.memory_space<vmem_shared>> -> memref<16x64xf32, #tpu.memory_space<vmem_shared>>
        %dma_start3A_574 = arith.constant 0 : i32
        %dma_start3A_575 = tpu.memref_slice %arg13[%mul3A_568, %dma_start3A_574] : memref<10016x64xf32, #tpu.memory_space<vmem_shared>> -> memref<16x64xf32, #tpu.memory_space<vmem_shared>>
        %dma_start3A_576 = arith.constant 0 : i32
        %dma_start3A_577 = arith.constant 0 : i32
        %dma_start3A_578 = tpu.memref_slice %arg10[%dma_start3A_576, %dma_start3A_577] : memref<128x64xf32, #tpu.memory_space<vmem>> -> memref<16x64xf32, #tpu.memory_space<vmem>>
        tpu.enqueue_dma source(%dma_start3A_578 : memref<16x64xf32, #tpu.memory_space<vmem>>) target(%dma_start3A_575 : memref<16x64xf32, #tpu.memory_space<vmem_shared>>) target_semaphore(%run_scoped3A : memref<!tpu.dma_semaphore, #tpu.memory_space<semaphore_mem>>)
        %dma_wait3A = arith.constant 0 : i32
        %dma_wait3A_579 = arith.constant 0 : i32
        %dma_wait3A_580 = tpu.memref_slice %arg10[%dma_wait3A, %dma_wait3A_579] : memref<128x64xf32, #tpu.memory_space<vmem>> -> memref<16x64xf32, #tpu.memory_space<vmem>>
        %dma_wait3A_581 = arith.constant 0 : i32
        %dma_wait3A_582 = tpu.memref_slice %arg13[%mul3A_568, %dma_wait3A_581] : memref<10016x64xf32, #tpu.memory_space<vmem_shared>> -> memref<16x64xf32, #tpu.memory_space<vmem_shared>>
        %dma_wait3A_583 = arith.constant 0 : i32
        %dma_wait3A_584 = tpu.memref_slice %arg13[%mul3A_568, %dma_wait3A_583] : memref<10016x64xf32, #tpu.memory_space<vmem_shared>> -> memref<16x64xf32, #tpu.memory_space<vmem_shared>>
        %dma_wait3A_585 = arith.constant 0 : i32
        %dma_wait3A_586 = arith.constant 0 : i32
        %dma_wait3A_587 = tpu.memref_slice %arg10[%dma_wait3A_585, %dma_wait3A_586] : memref<128x64xf32, #tpu.memory_space<vmem>> -> memref<16x64xf32, #tpu.memory_space<vmem>>
        tpu.wait_dma2 semaphore(%run_scoped3A : memref<!tpu.dma_semaphore, #tpu.memory_space<semaphore_mem>>) src(%dma_wait3A_587 : memref<16x64xf32, #tpu.memory_space<vmem>>) dst(%dma_wait3A_584 : memref<16x64xf32, #tpu.memory_space<vmem_shared>>)
        tpu.yield
      }) : () -> ()
    }
    %barrier3A = arith.constant 0 : index
    tpu.barrier barrier_id(%barrier3A)
    "tpu.region"() ({
      %run_scoped3A = tpu.sem_alloc : memref<!tpu.dma_semaphore, #tpu.memory_space<semaphore_mem>>
      %dma_start3A_565 = arith.constant 0 : i32
      %dma_start3A_566 = arith.constant 0 : i32
      %dma_start3A_567 = tpu.memref_slice %arg4[%arg1, %dma_start3A_565, %dma_start3A_566] : memref<16x160x128xi32, #tpu.memory_space<hbm>> -> memref<1x40x128xi32, #tpu.memory_space<hbm>>
      %dma_start3A_568 = tpu.memref_squeeze %dma_start3A_567 : memref<1x40x128xi32, #tpu.memory_space<hbm>> -> memref<40x128xi32, #tpu.memory_space<hbm>>
      %dma_start3A_569 = arith.constant 0 : i32
      %dma_start3A_570 = arith.constant 0 : i32
      %dma_start3A_571 = tpu.memref_slice %arg4[%arg1, %dma_start3A_569, %dma_start3A_570] : memref<16x160x128xi32, #tpu.memory_space<hbm>> -> memref<1x40x128xi32, #tpu.memory_space<hbm>>
      %dma_start3A_572 = tpu.memref_squeeze %dma_start3A_571 : memref<1x40x128xi32, #tpu.memory_space<hbm>> -> memref<40x128xi32, #tpu.memory_space<hbm>>
      tpu.enqueue_dma source(%dma_start3A_572 : memref<40x128xi32, #tpu.memory_space<hbm>>) target(%arg8 : memref<40x128xi32, #tpu.memory_space<vmem>>) target_semaphore(%run_scoped3A : memref<!tpu.dma_semaphore, #tpu.memory_space<semaphore_mem>>)
      %dma_wait3A = arith.constant 0 : i32
      %dma_wait3A_573 = arith.constant 0 : i32
      %dma_wait3A_574 = tpu.memref_slice %arg4[%arg1, %dma_wait3A, %dma_wait3A_573] : memref<16x160x128xi32, #tpu.memory_space<hbm>> -> memref<1x40x128xi32, #tpu.memory_space<hbm>>
      %dma_wait3A_575 = tpu.memref_squeeze %dma_wait3A_574 : memref<1x40x128xi32, #tpu.memory_space<hbm>> -> memref<40x128xi32, #tpu.memory_space<hbm>>
      %dma_wait3A_576 = arith.constant 0 : i32
      %dma_wait3A_577 = arith.constant 0 : i32
      %dma_wait3A_578 = tpu.memref_slice %arg4[%arg1, %dma_wait3A_576, %dma_wait3A_577] : memref<16x160x128xi32, #tpu.memory_space<hbm>> -> memref<1x40x128xi32, #tpu.memory_space<hbm>>
      %dma_wait3A_579 = tpu.memref_squeeze %dma_wait3A_578 : memref<1x40x128xi32, #tpu.memory_space<hbm>> -> memref<40x128xi32, #tpu.memory_space<hbm>>
      tpu.wait_dma2 semaphore(%run_scoped3A : memref<!tpu.dma_semaphore, #tpu.memory_space<semaphore_mem>>) src(%dma_wait3A_579 : memref<40x128xi32, #tpu.memory_space<hbm>>) dst(%arg8 : memref<40x128xi32, #tpu.memory_space<vmem>>)
      tpu.yield
    }) : () -> ()
    "tpu.region"() ({
      %run_scoped3A = tpu.sem_alloc : memref<!tpu.dma_semaphore, #tpu.memory_space<semaphore_mem>>
      %dma_start3A_565 = arith.constant 0 : i32
      %dma_start3A_566 = arith.constant 0 : i32
      %dma_start3A_567 = tpu.memref_slice %arg5[%arg1, %dma_start3A_565, %dma_start3A_566] : memref<16x160x128xi32, #tpu.memory_space<hbm>> -> memref<1x40x128xi32, #tpu.memory_space<hbm>>
      %dma_start3A_568 = tpu.memref_squeeze %dma_start3A_567 : memref<1x40x128xi32, #tpu.memory_space<hbm>> -> memref<40x128xi32, #tpu.memory_space<hbm>>
      %dma_start3A_569 = arith.constant 0 : i32
      %dma_start3A_570 = arith.constant 0 : i32
      %dma_start3A_571 = tpu.memref_slice %arg5[%arg1, %dma_start3A_569, %dma_start3A_570] : memref<16x160x128xi32, #tpu.memory_space<hbm>> -> memref<1x40x128xi32, #tpu.memory_space<hbm>>
      %dma_start3A_572 = tpu.memref_squeeze %dma_start3A_571 : memref<1x40x128xi32, #tpu.memory_space<hbm>> -> memref<40x128xi32, #tpu.memory_space<hbm>>
      tpu.enqueue_dma source(%dma_start3A_572 : memref<40x128xi32, #tpu.memory_space<hbm>>) target(%arg9 : memref<40x128xi32, #tpu.memory_space<vmem>>) target_semaphore(%run_scoped3A : memref<!tpu.dma_semaphore, #tpu.memory_space<semaphore_mem>>)
      %dma_wait3A = arith.constant 0 : i32
      %dma_wait3A_573 = arith.constant 0 : i32
      %dma_wait3A_574 = tpu.memref_slice %arg5[%arg1, %dma_wait3A, %dma_wait3A_573] : memref<16x160x128xi32, #tpu.memory_space<hbm>> -> memref<1x40x128xi32, #tpu.memory_space<hbm>>
      %dma_wait3A_575 = tpu.memref_squeeze %dma_wait3A_574 : memref<1x40x128xi32, #tpu.memory_space<hbm>> -> memref<40x128xi32, #tpu.memory_space<hbm>>
      %dma_wait3A_576 = arith.constant 0 : i32
      %dma_wait3A_577 = arith.constant 0 : i32
      %dma_wait3A_578 = tpu.memref_slice %arg5[%arg1, %dma_wait3A_576, %dma_wait3A_577] : memref<16x160x128xi32, #tpu.memory_space<hbm>> -> memref<1x40x128xi32, #tpu.memory_space<hbm>>
      %dma_wait3A_579 = tpu.memref_squeeze %dma_wait3A_578 : memref<1x40x128xi32, #tpu.memory_space<hbm>> -> memref<40x128xi32, #tpu.memory_space<hbm>>
      tpu.wait_dma2 semaphore(%run_scoped3A : memref<!tpu.dma_semaphore, #tpu.memory_space<semaphore_mem>>) src(%dma_wait3A_579 : memref<40x128xi32, #tpu.memory_space<hbm>>) dst(%arg9 : memref<40x128xi32, #tpu.memory_space<vmem>>)
      tpu.yield
    }) : () -> ()
    %dma_start3A = arith.constant 0 : i32
    %dma_start3A_460 = arith.constant 0 : i32
    %dma_start3A_461 = tpu.memref_slice %arg8[%dma_start3A, %dma_start3A_460] : memref<40x128xi32, #tpu.memory_space<vmem>> -> memref<1x128xi32, #tpu.memory_space<vmem>>
    %dma_start3A_462 = tpu.memref_squeeze %dma_start3A_461 : memref<1x128xi32, #tpu.memory_space<vmem>> -> memref<128xi32, #tpu.memory_space<vmem>>
    %dma_start3A_463 = arith.constant 0 : i32
    %dma_start3A_464 = arith.constant 0 : i32
    %dma_start3A_465 = tpu.memref_slice %arg12[%dma_start3A_463, %dma_start3A_464] : memref<10000x64xf32, #tpu.memory_space<vmem_shared>> -> memref<10000x64xf32, #tpu.memory_space<vmem_shared>>
    tpu.enqueue_indirect_dma source(%dma_start3A_465 : memref<10000x64xf32, #tpu.memory_space<vmem_shared>>) target(%arg10 : memref<128x64xf32, #tpu.memory_space<vmem>>) offsets(%dma_start3A_462 : memref<128xi32, #tpu.memory_space<vmem>>) semaphore(%arg14 : memref<!tpu.dma_semaphore, #tpu.memory_space<semaphore_mem>>)
    %dma_start3A_466 = arith.constant 1 : i32
    %dma_start3A_467 = arith.constant 0 : i32
    %dma_start3A_468 = tpu.memref_slice %arg8[%dma_start3A_466, %dma_start3A_467] : memref<40x128xi32, #tpu.memory_space<vmem>> -> memref<1x128xi32, #tpu.memory_space<vmem>>
    %dma_start3A_469 = tpu.memref_squeeze %dma_start3A_468 : memref<1x128xi32, #tpu.memory_space<vmem>> -> memref<128xi32, #tpu.memory_space<vmem>>
    %dma_start3A_470 = arith.constant 0 : i32
    %dma_start3A_471 = arith.constant 0 : i32
    %dma_start3A_472 = tpu.memref_slice %arg12[%dma_start3A_470, %dma_start3A_471] : memref<10000x64xf32, #tpu.memory_space<vmem_shared>> -> memref<10000x64xf32, #tpu.memory_space<vmem_shared>>
    tpu.enqueue_indirect_dma source(%dma_start3A_472 : memref<10000x64xf32, #tpu.memory_space<vmem_shared>>) target(%arg11 : memref<128x64xf32, #tpu.memory_space<vmem>>) offsets(%dma_start3A_469 : memref<128xi32, #tpu.memory_space<vmem>>) semaphore(%arg15 : memref<!tpu.dma_semaphore, #tpu.memory_space<semaphore_mem>>)
    %scan3A = arith.constant 0 : i32
    %scan3A_473 = arith.constant 0 : i32
    %scan3A_474 = arith.constant 20 : i32
    %scan3A_475 = arith.addi %scan3A_473, %scan3A_474 : i32
    %scan3A_476 = arith.constant 1 : i32
    scf.for %scan3A_565 = %scan3A_473 to %scan3A_475 step %scan3A_476  : i32 {
      %mul3A_566 = arith.constant 2 : i32
      %mul3A_567 = arith.muli %mul3A_566, %scan3A_565 : i32
      %add3A_568 = arith.constant 0 : i32
      %add3A_569 = arith.addi %mul3A_567, %add3A_568 : i32
      %dma_wait3A = arith.constant 0 : i32
      %dma_wait3A_570 = tpu.memref_slice %arg8[%add3A_569, %dma_wait3A] : memref<40x128xi32, #tpu.memory_space<vmem>> -> memref<1x128xi32, #tpu.memory_space<vmem>>
      %dma_wait3A_571 = tpu.memref_squeeze %dma_wait3A_570 : memref<1x128xi32, #tpu.memory_space<vmem>> -> memref<128xi32, #tpu.memory_space<vmem>>
      %dma_wait3A_572 = arith.constant 0 : i32
      %dma_wait3A_573 = arith.constant 0 : i32
      %dma_wait3A_574 = tpu.memref_slice %arg12[%dma_wait3A_572, %dma_wait3A_573] : memref<10000x64xf32, #tpu.memory_space<vmem_shared>> -> memref<10000x64xf32, #tpu.memory_space<vmem_shared>>
      tpu.wait_indirect_dma semaphore(%arg14 : memref<!tpu.dma_semaphore, #tpu.memory_space<semaphore_mem>>) src(%dma_wait3A_574 : memref<10000x64xf32, #tpu.memory_space<vmem_shared>>) dst(%arg10 : memref<128x64xf32, #tpu.memory_space<vmem>>)
      "tpu.region"() ({
        %run_scoped3A = tpu.sem_alloc : memref<!tpu.dma_semaphore, #tpu.memory_space<semaphore_mem>>
        %dma_start3A_597 = arith.constant 0 : i32
        %dma_start3A_598 = tpu.memref_slice %arg9[%add3A_569, %dma_start3A_597] : memref<40x128xi32, #tpu.memory_space<vmem>> -> memref<1x128xi32, #tpu.memory_space<vmem>>
        %dma_start3A_599 = tpu.memref_squeeze %dma_start3A_598 : memref<1x128xi32, #tpu.memory_space<vmem>> -> memref<128xi32, #tpu.memory_space<vmem>>
        %dma_start3A_600 = arith.constant 0 : i32
        %dma_start3A_601 = arith.constant 0 : i32
        %dma_start3A_602 = tpu.memref_slice %arg13[%dma_start3A_600, %dma_start3A_601] : memref<10016x64xf32, #tpu.memory_space<vmem_shared>> -> memref<10016x64xf32, #tpu.memory_space<vmem_shared>>
        tpu.enqueue_indirect_dma source(%arg10 : memref<128x64xf32, #tpu.memory_space<vmem>>) target(%dma_start3A_602 : memref<10016x64xf32, #tpu.memory_space<vmem_shared>>) offsets(%dma_start3A_599 : memref<128xi32, #tpu.memory_space<vmem>>) semaphore(%run_scoped3A : memref<!tpu.dma_semaphore, #tpu.memory_space<semaphore_mem>>) {add = true}
        %dma_wait3A_603 = arith.constant 0 : i32
        %dma_wait3A_604 = tpu.memref_slice %arg9[%add3A_569, %dma_wait3A_603] : memref<40x128xi32, #tpu.memory_space<vmem>> -> memref<1x128xi32, #tpu.memory_space<vmem>>
        %dma_wait3A_605 = tpu.memref_squeeze %dma_wait3A_604 : memref<1x128xi32, #tpu.memory_space<vmem>> -> memref<128xi32, #tpu.memory_space<vmem>>
        %dma_wait3A_606 = arith.constant 0 : i32
        %dma_wait3A_607 = arith.constant 0 : i32
        %dma_wait3A_608 = tpu.memref_slice %arg13[%dma_wait3A_606, %dma_wait3A_607] : memref<10016x64xf32, #tpu.memory_space<vmem_shared>> -> memref<10016x64xf32, #tpu.memory_space<vmem_shared>>
        tpu.wait_indirect_dma semaphore(%run_scoped3A : memref<!tpu.dma_semaphore, #tpu.memory_space<semaphore_mem>>) src(%arg10 : memref<128x64xf32, #tpu.memory_space<vmem>>) dst(%dma_wait3A_608 : memref<10016x64xf32, #tpu.memory_space<vmem_shared>>)
        tpu.yield
      }) : () -> ()
      %add3A_575 = arith.constant 2 : i32
      %add3A_576 = arith.addi %add3A_569, %add3A_575 : i32
      %lt3A_577 = arith.constant 40 : i32
      %lt3A_578 = arith.cmpi slt, %add3A_576, %lt3A_577 : i32
      %convert_element_type3A_579 = arith.extui %lt3A_578 : i1 to i32
      %cond3A_580 = arith.constant 0 : i32
      %cond3A_581 = arith.cmpi ne, %convert_element_type3A_579, %cond3A_580 : i32
      scf.if %cond3A_581 {
        %add3A_597 = arith.constant 2 : i32
        %add3A_598 = arith.addi %add3A_569, %add3A_597 : i32
        %dma_start3A_599 = arith.constant 0 : i32
        %dma_start3A_600 = tpu.memref_slice %arg8[%add3A_598, %dma_start3A_599] : memref<40x128xi32, #tpu.memory_space<vmem>> -> memref<1x128xi32, #tpu.memory_space<vmem>>
        %dma_start3A_601 = tpu.memref_squeeze %dma_start3A_600 : memref<1x128xi32, #tpu.memory_space<vmem>> -> memref<128xi32, #tpu.memory_space<vmem>>
        %dma_start3A_602 = arith.constant 0 : i32
        %dma_start3A_603 = arith.constant 0 : i32
        %dma_start3A_604 = tpu.memref_slice %arg12[%dma_start3A_602, %dma_start3A_603] : memref<10000x64xf32, #tpu.memory_space<vmem_shared>> -> memref<10000x64xf32, #tpu.memory_space<vmem_shared>>
        tpu.enqueue_indirect_dma source(%dma_start3A_604 : memref<10000x64xf32, #tpu.memory_space<vmem_shared>>) target(%arg10 : memref<128x64xf32, #tpu.memory_space<vmem>>) offsets(%dma_start3A_601 : memref<128xi32, #tpu.memory_space<vmem>>) semaphore(%arg14 : memref<!tpu.dma_semaphore, #tpu.memory_space<semaphore_mem>>)
      } else {
      }
      %add3A_582 = arith.constant 1 : i32
      %add3A_583 = arith.addi %mul3A_567, %add3A_582 : i32
      %dma_wait3A_584 = arith.constant 0 : i32
      %dma_wait3A_585 = tpu.memref_slice %arg8[%add3A_583, %dma_wait3A_584] : memref<40x128xi32, #tpu.memory_space<vmem>> -> memref<1x128xi32, #tpu.memory_space<vmem>>
      %dma_wait3A_586 = tpu.memref_squeeze %dma_wait3A_585 : memref<1x128xi32, #tpu.memory_space<vmem>> -> memref<128xi32, #tpu.memory_space<vmem>>
      %dma_wait3A_587 = arith.constant 0 : i32
      %dma_wait3A_588 = arith.constant 0 : i32
      %dma_wait3A_589 = tpu.memref_slice %arg12[%dma_wait3A_587, %dma_wait3A_588] : memref<10000x64xf32, #tpu.memory_space<vmem_shared>> -> memref<10000x64xf32, #tpu.memory_space<vmem_shared>>
      tpu.wait_indirect_dma semaphore(%arg15 : memref<!tpu.dma_semaphore, #tpu.memory_space<semaphore_mem>>) src(%dma_wait3A_589 : memref<10000x64xf32, #tpu.memory_space<vmem_shared>>) dst(%arg11 : memref<128x64xf32, #tpu.memory_space<vmem>>)
      "tpu.region"() ({
        %run_scoped3A = tpu.sem_alloc : memref<!tpu.dma_semaphore, #tpu.memory_space<semaphore_mem>>
        %dma_start3A_597 = arith.constant 0 : i32
        %dma_start3A_598 = tpu.memref_slice %arg9[%add3A_583, %dma_start3A_597] : memref<40x128xi32, #tpu.memory_space<vmem>> -> memref<1x128xi32, #tpu.memory_space<vmem>>
        %dma_start3A_599 = tpu.memref_squeeze %dma_start3A_598 : memref<1x128xi32, #tpu.memory_space<vmem>> -> memref<128xi32, #tpu.memory_space<vmem>>
        %dma_start3A_600 = arith.constant 0 : i32
        %dma_start3A_601 = arith.constant 0 : i32
        %dma_start3A_602 = tpu.memref_slice %arg13[%dma_start3A_600, %dma_start3A_601] : memref<10016x64xf32, #tpu.memory_space<vmem_shared>> -> memref<10016x64xf32, #tpu.memory_space<vmem_shared>>
        tpu.enqueue_indirect_dma source(%arg11 : memref<128x64xf32, #tpu.memory_space<vmem>>) target(%dma_start3A_602 : memref<10016x64xf32, #tpu.memory_space<vmem_shared>>) offsets(%dma_start3A_599 : memref<128xi32, #tpu.memory_space<vmem>>) semaphore(%run_scoped3A : memref<!tpu.dma_semaphore, #tpu.memory_space<semaphore_mem>>) {add = true}
        %dma_wait3A_603 = arith.constant 0 : i32
        %dma_wait3A_604 = tpu.memref_slice %arg9[%add3A_583, %dma_wait3A_603] : memref<40x128xi32, #tpu.memory_space<vmem>> -> memref<1x128xi32, #tpu.memory_space<vmem>>
        %dma_wait3A_605 = tpu.memref_squeeze %dma_wait3A_604 : memref<1x128xi32, #tpu.memory_space<vmem>> -> memref<128xi32, #tpu.memory_space<vmem>>
        %dma_wait3A_606 = arith.constant 0 : i32
        %dma_wait3A_607 = arith.constant 0 : i32
        %dma_wait3A_608 = tpu.memref_slice %arg13[%dma_wait3A_606, %dma_wait3A_607] : memref<10016x64xf32, #tpu.memory_space<vmem_shared>> -> memref<10016x64xf32, #tpu.memory_space<vmem_shared>>
        tpu.wait_indirect_dma semaphore(%run_scoped3A : memref<!tpu.dma_semaphore, #tpu.memory_space<semaphore_mem>>) src(%arg11 : memref<128x64xf32, #tpu.memory_space<vmem>>) dst(%dma_wait3A_608 : memref<10016x64xf32, #tpu.memory_space<vmem_shared>>)
        tpu.yield
      }) : () -> ()
      %add3A_590 = arith.constant 2 : i32
      %add3A_591 = arith.addi %add3A_583, %add3A_590 : i32
      %lt3A_592 = arith.constant 40 : i32
      %lt3A_593 = arith.cmpi slt, %add3A_591, %lt3A_592 : i32
      %convert_element_type3A_594 = arith.extui %lt3A_593 : i1 to i32
      %cond3A_595 = arith.constant 0 : i32
      %cond3A_596 = arith.cmpi ne, %convert_element_type3A_594, %cond3A_595 : i32
      scf.if %cond3A_596 {
        %add3A_597 = arith.constant 2 : i32
        %add3A_598 = arith.addi %add3A_583, %add3A_597 : i32
        %dma_start3A_599 = arith.constant 0 : i32
        %dma_start3A_600 = tpu.memref_slice %arg8[%add3A_598, %dma_start3A_599] : memref<40x128xi32, #tpu.memory_space<vmem>> -> memref<1x128xi32, #tpu.memory_space<vmem>>
        %dma_start3A_601 = tpu.memref_squeeze %dma_start3A_600 : memref<1x128xi32, #tpu.memory_space<vmem>> -> memref<128xi32, #tpu.memory_space<vmem>>
        %dma_start3A_602 = arith.constant 0 : i32
        %dma_start3A_603 = arith.constant 0 : i32
        %dma_start3A_604 = tpu.memref_slice %arg12[%dma_start3A_602, %dma_start3A_603] : memref<10000x64xf32, #tpu.memory_space<vmem_shared>> -> memref<10000x64xf32, #tpu.memory_space<vmem_shared>>
        tpu.enqueue_indirect_dma source(%dma_start3A_604 : memref<10000x64xf32, #tpu.memory_space<vmem_shared>>) target(%arg11 : memref<128x64xf32, #tpu.memory_space<vmem>>) offsets(%dma_start3A_601 : memref<128xi32, #tpu.memory_space<vmem>>) semaphore(%arg15 : memref<!tpu.dma_semaphore, #tpu.memory_space<semaphore_mem>>)
      } else {
      }
    }
    %scan3A_477 = arith.constant 20 : i32
    "tpu.region"() ({
      %run_scoped3A = tpu.sem_alloc : memref<!tpu.dma_semaphore, #tpu.memory_space<semaphore_mem>>
      %dma_start3A_565 = arith.constant 40 : i32
      %dma_start3A_566 = arith.constant 0 : i32
      %dma_start3A_567 = tpu.memref_slice %arg4[%arg1, %dma_start3A_565, %dma_start3A_566] : memref<16x160x128xi32, #tpu.memory_space<hbm>> -> memref<1x40x128xi32, #tpu.memory_space<hbm>>
      %dma_start3A_568 = tpu.memref_squeeze %dma_start3A_567 : memref<1x40x128xi32, #tpu.memory_space<hbm>> -> memref<40x128xi32, #tpu.memory_space<hbm>>
      %dma_start3A_569 = arith.constant 40 : i32
      %dma_start3A_570 = arith.constant 0 : i32
      %dma_start3A_571 = tpu.memref_slice %arg4[%arg1, %dma_start3A_569, %dma_start3A_570] : memref<16x160x128xi32, #tpu.memory_space<hbm>> -> memref<1x40x128xi32, #tpu.memory_space<hbm>>
      %dma_start3A_572 = tpu.memref_squeeze %dma_start3A_571 : memref<1x40x128xi32, #tpu.memory_space<hbm>> -> memref<40x128xi32, #tpu.memory_space<hbm>>
      tpu.enqueue_dma source(%dma_start3A_572 : memref<40x128xi32, #tpu.memory_space<hbm>>) target(%arg8 : memref<40x128xi32, #tpu.memory_space<vmem>>) target_semaphore(%run_scoped3A : memref<!tpu.dma_semaphore, #tpu.memory_space<semaphore_mem>>)
      %dma_wait3A = arith.constant 40 : i32
      %dma_wait3A_573 = arith.constant 0 : i32
      %dma_wait3A_574 = tpu.memref_slice %arg4[%arg1, %dma_wait3A, %dma_wait3A_573] : memref<16x160x128xi32, #tpu.memory_space<hbm>> -> memref<1x40x128xi32, #tpu.memory_space<hbm>>
      %dma_wait3A_575 = tpu.memref_squeeze %dma_wait3A_574 : memref<1x40x128xi32, #tpu.memory_space<hbm>> -> memref<40x128xi32, #tpu.memory_space<hbm>>
      %dma_wait3A_576 = arith.constant 40 : i32
      %dma_wait3A_577 = arith.constant 0 : i32
      %dma_wait3A_578 = tpu.memref_slice %arg4[%arg1, %dma_wait3A_576, %dma_wait3A_577] : memref<16x160x128xi32, #tpu.memory_space<hbm>> -> memref<1x40x128xi32, #tpu.memory_space<hbm>>
      %dma_wait3A_579 = tpu.memref_squeeze %dma_wait3A_578 : memref<1x40x128xi32, #tpu.memory_space<hbm>> -> memref<40x128xi32, #tpu.memory_space<hbm>>
      tpu.wait_dma2 semaphore(%run_scoped3A : memref<!tpu.dma_semaphore, #tpu.memory_space<semaphore_mem>>) src(%dma_wait3A_579 : memref<40x128xi32, #tpu.memory_space<hbm>>) dst(%arg8 : memref<40x128xi32, #tpu.memory_space<vmem>>)
      tpu.yield
    }) : () -> ()
    "tpu.region"() ({
      %run_scoped3A = tpu.sem_alloc : memref<!tpu.dma_semaphore, #tpu.memory_space<semaphore_mem>>
      %dma_start3A_565 = arith.constant 40 : i32
      %dma_start3A_566 = arith.constant 0 : i32
      %dma_start3A_567 = tpu.memref_slice %arg5[%arg1, %dma_start3A_565, %dma_start3A_566] : memref<16x160x128xi32, #tpu.memory_space<hbm>> -> memref<1x40x128xi32, #tpu.memory_space<hbm>>
      %dma_start3A_568 = tpu.memref_squeeze %dma_start3A_567 : memref<1x40x128xi32, #tpu.memory_space<hbm>> -> memref<40x128xi32, #tpu.memory_space<hbm>>
      %dma_start3A_569 = arith.constant 40 : i32
      %dma_start3A_570 = arith.constant 0 : i32
      %dma_start3A_571 = tpu.memref_slice %arg5[%arg1, %dma_start3A_569, %dma_start3A_570] : memref<16x160x128xi32, #tpu.memory_space<hbm>> -> memref<1x40x128xi32, #tpu.memory_space<hbm>>
      %dma_start3A_572 = tpu.memref_squeeze %dma_start3A_571 : memref<1x40x128xi32, #tpu.memory_space<hbm>> -> memref<40x128xi32, #tpu.memory_space<hbm>>
      tpu.enqueue_dma source(%dma_start3A_572 : memref<40x128xi32, #tpu.memory_space<hbm>>) target(%arg9 : memref<40x128xi32, #tpu.memory_space<vmem>>) target_semaphore(%run_scoped3A : memref<!tpu.dma_semaphore, #tpu.memory_space<semaphore_mem>>)
      %dma_wait3A = arith.constant 40 : i32
      %dma_wait3A_573 = arith.constant 0 : i32
      %dma_wait3A_574 = tpu.memref_slice %arg5[%arg1, %dma_wait3A, %dma_wait3A_573] : memref<16x160x128xi32, #tpu.memory_space<hbm>> -> memref<1x40x128xi32, #tpu.memory_space<hbm>>
      %dma_wait3A_575 = tpu.memref_squeeze %dma_wait3A_574 : memref<1x40x128xi32, #tpu.memory_space<hbm>> -> memref<40x128xi32, #tpu.memory_space<hbm>>
      %dma_wait3A_576 = arith.constant 40 : i32
      %dma_wait3A_577 = arith.constant 0 : i32
      %dma_wait3A_578 = tpu.memref_slice %arg5[%arg1, %dma_wait3A_576, %dma_wait3A_577] : memref<16x160x128xi32, #tpu.memory_space<hbm>> -> memref<1x40x128xi32, #tpu.memory_space<hbm>>
      %dma_wait3A_579 = tpu.memref_squeeze %dma_wait3A_578 : memref<1x40x128xi32, #tpu.memory_space<hbm>> -> memref<40x128xi32, #tpu.memory_space<hbm>>
      tpu.wait_dma2 semaphore(%run_scoped3A : memref<!tpu.dma_semaphore, #tpu.memory_space<semaphore_mem>>) src(%dma_wait3A_579 : memref<40x128xi32, #tpu.memory_space<hbm>>) dst(%arg9 : memref<40x128xi32, #tpu.memory_space<vmem>>)
      tpu.yield
    }) : () -> ()
    %dma_start3A_478 = arith.constant 0 : i32
    %dma_start3A_479 = arith.constant 0 : i32
    %dma_start3A_480 = tpu.memref_slice %arg8[%dma_start3A_478, %dma_start3A_479] : memref<40x128xi32, #tpu.memory_space<vmem>> -> memref<1x128xi32, #tpu.memory_space<vmem>>
    %dma_start3A_481 = tpu.memref_squeeze %dma_start3A_480 : memref<1x128xi32, #tpu.memory_space<vmem>> -> memref<128xi32, #tpu.memory_space<vmem>>
    %dma_start3A_482 = arith.constant 0 : i32
    %dma_start3A_483 = arith.constant 0 : i32
    %dma_start3A_484 = tpu.memref_slice %arg12[%dma_start3A_482, %dma_start3A_483] : memref<10000x64xf32, #tpu.memory_space<vmem_shared>> -> memref<10000x64xf32, #tpu.memory_space<vmem_shared>>
    tpu.enqueue_indirect_dma source(%dma_start3A_484 : memref<10000x64xf32, #tpu.memory_space<vmem_shared>>) target(%arg10 : memref<128x64xf32, #tpu.memory_space<vmem>>) offsets(%dma_start3A_481 : memref<128xi32, #tpu.memory_space<vmem>>) semaphore(%arg14 : memref<!tpu.dma_semaphore, #tpu.memory_space<semaphore_mem>>)
    %dma_start3A_485 = arith.constant 1 : i32
    %dma_start3A_486 = arith.constant 0 : i32
    %dma_start3A_487 = tpu.memref_slice %arg8[%dma_start3A_485, %dma_start3A_486] : memref<40x128xi32, #tpu.memory_space<vmem>> -> memref<1x128xi32, #tpu.memory_space<vmem>>
    %dma_start3A_488 = tpu.memref_squeeze %dma_start3A_487 : memref<1x128xi32, #tpu.memory_space<vmem>> -> memref<128xi32, #tpu.memory_space<vmem>>
    %dma_start3A_489 = arith.constant 0 : i32
    %dma_start3A_490 = arith.constant 0 : i32
    %dma_start3A_491 = tpu.memref_slice %arg12[%dma_start3A_489, %dma_start3A_490] : memref<10000x64xf32, #tpu.memory_space<vmem_shared>> -> memref<10000x64xf32, #tpu.memory_space<vmem_shared>>
    tpu.enqueue_indirect_dma source(%dma_start3A_491 : memref<10000x64xf32, #tpu.memory_space<vmem_shared>>) target(%arg11 : memref<128x64xf32, #tpu.memory_space<vmem>>) offsets(%dma_start3A_488 : memref<128xi32, #tpu.memory_space<vmem>>) semaphore(%arg15 : memref<!tpu.dma_semaphore, #tpu.memory_space<semaphore_mem>>)
    %scan3A_492 = arith.constant 0 : i32
    %scan3A_493 = arith.constant 0 : i32
    %scan3A_494 = arith.constant 20 : i32
    %scan3A_495 = arith.addi %scan3A_493, %scan3A_494 : i32
    %scan3A_496 = arith.constant 1 : i32
    scf.for %scan3A_565 = %scan3A_493 to %scan3A_495 step %scan3A_496  : i32 {
      %mul3A_566 = arith.constant 2 : i32
      %mul3A_567 = arith.muli %mul3A_566, %scan3A_565 : i32
      %add3A_568 = arith.constant 0 : i32
      %add3A_569 = arith.addi %mul3A_567, %add3A_568 : i32
      %dma_wait3A = arith.constant 0 : i32
      %dma_wait3A_570 = tpu.memref_slice %arg8[%add3A_569, %dma_wait3A] : memref<40x128xi32, #tpu.memory_space<vmem>> -> memref<1x128xi32, #tpu.memory_space<vmem>>
      %dma_wait3A_571 = tpu.memref_squeeze %dma_wait3A_570 : memref<1x128xi32, #tpu.memory_space<vmem>> -> memref<128xi32, #tpu.memory_space<vmem>>
      %dma_wait3A_572 = arith.constant 0 : i32
      %dma_wait3A_573 = arith.constant 0 : i32
      %dma_wait3A_574 = tpu.memref_slice %arg12[%dma_wait3A_572, %dma_wait3A_573] : memref<10000x64xf32, #tpu.memory_space<vmem_shared>> -> memref<10000x64xf32, #tpu.memory_space<vmem_shared>>
      tpu.wait_indirect_dma semaphore(%arg14 : memref<!tpu.dma_semaphore, #tpu.memory_space<semaphore_mem>>) src(%dma_wait3A_574 : memref<10000x64xf32, #tpu.memory_space<vmem_shared>>) dst(%arg10 : memref<128x64xf32, #tpu.memory_space<vmem>>)
      "tpu.region"() ({
        %run_scoped3A = tpu.sem_alloc : memref<!tpu.dma_semaphore, #tpu.memory_space<semaphore_mem>>
        %dma_start3A_597 = arith.constant 0 : i32
        %dma_start3A_598 = tpu.memref_slice %arg9[%add3A_569, %dma_start3A_597] : memref<40x128xi32, #tpu.memory_space<vmem>> -> memref<1x128xi32, #tpu.memory_space<vmem>>
        %dma_start3A_599 = tpu.memref_squeeze %dma_start3A_598 : memref<1x128xi32, #tpu.memory_space<vmem>> -> memref<128xi32, #tpu.memory_space<vmem>>
        %dma_start3A_600 = arith.constant 0 : i32
        %dma_start3A_601 = arith.constant 0 : i32
        %dma_start3A_602 = tpu.memref_slice %arg13[%dma_start3A_600, %dma_start3A_601] : memref<10016x64xf32, #tpu.memory_space<vmem_shared>> -> memref<10016x64xf32, #tpu.memory_space<vmem_shared>>
        tpu.enqueue_indirect_dma source(%arg10 : memref<128x64xf32, #tpu.memory_space<vmem>>) target(%dma_start3A_602 : memref<10016x64xf32, #tpu.memory_space<vmem_shared>>) offsets(%dma_start3A_599 : memref<128xi32, #tpu.memory_space<vmem>>) semaphore(%run_scoped3A : memref<!tpu.dma_semaphore, #tpu.memory_space<semaphore_mem>>) {add = true}
        %dma_wait3A_603 = arith.constant 0 : i32
        %dma_wait3A_604 = tpu.memref_slice %arg9[%add3A_569, %dma_wait3A_603] : memref<40x128xi32, #tpu.memory_space<vmem>> -> memref<1x128xi32, #tpu.memory_space<vmem>>
        %dma_wait3A_605 = tpu.memref_squeeze %dma_wait3A_604 : memref<1x128xi32, #tpu.memory_space<vmem>> -> memref<128xi32, #tpu.memory_space<vmem>>
        %dma_wait3A_606 = arith.constant 0 : i32
        %dma_wait3A_607 = arith.constant 0 : i32
        %dma_wait3A_608 = tpu.memref_slice %arg13[%dma_wait3A_606, %dma_wait3A_607] : memref<10016x64xf32, #tpu.memory_space<vmem_shared>> -> memref<10016x64xf32, #tpu.memory_space<vmem_shared>>
        tpu.wait_indirect_dma semaphore(%run_scoped3A : memref<!tpu.dma_semaphore, #tpu.memory_space<semaphore_mem>>) src(%arg10 : memref<128x64xf32, #tpu.memory_space<vmem>>) dst(%dma_wait3A_608 : memref<10016x64xf32, #tpu.memory_space<vmem_shared>>)
        tpu.yield
      }) : () -> ()
      %add3A_575 = arith.constant 2 : i32
      %add3A_576 = arith.addi %add3A_569, %add3A_575 : i32
      %lt3A_577 = arith.constant 40 : i32
      %lt3A_578 = arith.cmpi slt, %add3A_576, %lt3A_577 : i32
      %convert_element_type3A_579 = arith.extui %lt3A_578 : i1 to i32
      %cond3A_580 = arith.constant 0 : i32
      %cond3A_581 = arith.cmpi ne, %convert_element_type3A_579, %cond3A_580 : i32
      scf.if %cond3A_581 {
        %add3A_597 = arith.constant 2 : i32
        %add3A_598 = arith.addi %add3A_569, %add3A_597 : i32
        %dma_start3A_599 = arith.constant 0 : i32
        %dma_start3A_600 = tpu.memref_slice %arg8[%add3A_598, %dma_start3A_599] : memref<40x128xi32, #tpu.memory_space<vmem>> -> memref<1x128xi32, #tpu.memory_space<vmem>>
        %dma_start3A_601 = tpu.memref_squeeze %dma_start3A_600 : memref<1x128xi32, #tpu.memory_space<vmem>> -> memref<128xi32, #tpu.memory_space<vmem>>
        %dma_start3A_602 = arith.constant 0 : i32
        %dma_start3A_603 = arith.constant 0 : i32
        %dma_start3A_604 = tpu.memref_slice %arg12[%dma_start3A_602, %dma_start3A_603] : memref<10000x64xf32, #tpu.memory_space<vmem_shared>> -> memref<10000x64xf32, #tpu.memory_space<vmem_shared>>
        tpu.enqueue_indirect_dma source(%dma_start3A_604 : memref<10000x64xf32, #tpu.memory_space<vmem_shared>>) target(%arg10 : memref<128x64xf32, #tpu.memory_space<vmem>>) offsets(%dma_start3A_601 : memref<128xi32, #tpu.memory_space<vmem>>) semaphore(%arg14 : memref<!tpu.dma_semaphore, #tpu.memory_space<semaphore_mem>>)
      } else {
      }
      %add3A_582 = arith.constant 1 : i32
      %add3A_583 = arith.addi %mul3A_567, %add3A_582 : i32
      %dma_wait3A_584 = arith.constant 0 : i32
      %dma_wait3A_585 = tpu.memref_slice %arg8[%add3A_583, %dma_wait3A_584] : memref<40x128xi32, #tpu.memory_space<vmem>> -> memref<1x128xi32, #tpu.memory_space<vmem>>
      %dma_wait3A_586 = tpu.memref_squeeze %dma_wait3A_585 : memref<1x128xi32, #tpu.memory_space<vmem>> -> memref<128xi32, #tpu.memory_space<vmem>>
      %dma_wait3A_587 = arith.constant 0 : i32
      %dma_wait3A_588 = arith.constant 0 : i32
      %dma_wait3A_589 = tpu.memref_slice %arg12[%dma_wait3A_587, %dma_wait3A_588] : memref<10000x64xf32, #tpu.memory_space<vmem_shared>> -> memref<10000x64xf32, #tpu.memory_space<vmem_shared>>
      tpu.wait_indirect_dma semaphore(%arg15 : memref<!tpu.dma_semaphore, #tpu.memory_space<semaphore_mem>>) src(%dma_wait3A_589 : memref<10000x64xf32, #tpu.memory_space<vmem_shared>>) dst(%arg11 : memref<128x64xf32, #tpu.memory_space<vmem>>)
      "tpu.region"() ({
        %run_scoped3A = tpu.sem_alloc : memref<!tpu.dma_semaphore, #tpu.memory_space<semaphore_mem>>
        %dma_start3A_597 = arith.constant 0 : i32
        %dma_start3A_598 = tpu.memref_slice %arg9[%add3A_583, %dma_start3A_597] : memref<40x128xi32, #tpu.memory_space<vmem>> -> memref<1x128xi32, #tpu.memory_space<vmem>>
        %dma_start3A_599 = tpu.memref_squeeze %dma_start3A_598 : memref<1x128xi32, #tpu.memory_space<vmem>> -> memref<128xi32, #tpu.memory_space<vmem>>
        %dma_start3A_600 = arith.constant 0 : i32
        %dma_start3A_601 = arith.constant 0 : i32
        %dma_start3A_602 = tpu.memref_slice %arg13[%dma_start3A_600, %dma_start3A_601] : memref<10016x64xf32, #tpu.memory_space<vmem_shared>> -> memref<10016x64xf32, #tpu.memory_space<vmem_shared>>
        tpu.enqueue_indirect_dma source(%arg11 : memref<128x64xf32, #tpu.memory_space<vmem>>) target(%dma_start3A_602 : memref<10016x64xf32, #tpu.memory_space<vmem_shared>>) offsets(%dma_start3A_599 : memref<128xi32, #tpu.memory_space<vmem>>) semaphore(%run_scoped3A : memref<!tpu.dma_semaphore, #tpu.memory_space<semaphore_mem>>) {add = true}
        %dma_wait3A_603 = arith.constant 0 : i32
        %dma_wait3A_604 = tpu.memref_slice %arg9[%add3A_583, %dma_wait3A_603] : memref<40x128xi32, #tpu.memory_space<vmem>> -> memref<1x128xi32, #tpu.memory_space<vmem>>
        %dma_wait3A_605 = tpu.memref_squeeze %dma_wait3A_604 : memref<1x128xi32, #tpu.memory_space<vmem>> -> memref<128xi32, #tpu.memory_space<vmem>>
        %dma_wait3A_606 = arith.constant 0 : i32
        %dma_wait3A_607 = arith.constant 0 : i32
        %dma_wait3A_608 = tpu.memref_slice %arg13[%dma_wait3A_606, %dma_wait3A_607] : memref<10016x64xf32, #tpu.memory_space<vmem_shared>> -> memref<10016x64xf32, #tpu.memory_space<vmem_shared>>
        tpu.wait_indirect_dma semaphore(%run_scoped3A : memref<!tpu.dma_semaphore, #tpu.memory_space<semaphore_mem>>) src(%arg11 : memref<128x64xf32, #tpu.memory_space<vmem>>) dst(%dma_wait3A_608 : memref<10016x64xf32, #tpu.memory_space<vmem_shared>>)
        tpu.yield
      }) : () -> ()
      %add3A_590 = arith.constant 2 : i32
      %add3A_591 = arith.addi %add3A_583, %add3A_590 : i32
      %lt3A_592 = arith.constant 40 : i32
      %lt3A_593 = arith.cmpi slt, %add3A_591, %lt3A_592 : i32
      %convert_element_type3A_594 = arith.extui %lt3A_593 : i1 to i32
      %cond3A_595 = arith.constant 0 : i32
      %cond3A_596 = arith.cmpi ne, %convert_element_type3A_594, %cond3A_595 : i32
      scf.if %cond3A_596 {
        %add3A_597 = arith.constant 2 : i32
        %add3A_598 = arith.addi %add3A_583, %add3A_597 : i32
        %dma_start3A_599 = arith.constant 0 : i32
        %dma_start3A_600 = tpu.memref_slice %arg8[%add3A_598, %dma_start3A_599] : memref<40x128xi32, #tpu.memory_space<vmem>> -> memref<1x128xi32, #tpu.memory_space<vmem>>
        %dma_start3A_601 = tpu.memref_squeeze %dma_start3A_600 : memref<1x128xi32, #tpu.memory_space<vmem>> -> memref<128xi32, #tpu.memory_space<vmem>>
        %dma_start3A_602 = arith.constant 0 : i32
        %dma_start3A_603 = arith.constant 0 : i32
        %dma_start3A_604 = tpu.memref_slice %arg12[%dma_start3A_602, %dma_start3A_603] : memref<10000x64xf32, #tpu.memory_space<vmem_shared>> -> memref<10000x64xf32, #tpu.memory_space<vmem_shared>>
        tpu.enqueue_indirect_dma source(%dma_start3A_604 : memref<10000x64xf32, #tpu.memory_space<vmem_shared>>) target(%arg11 : memref<128x64xf32, #tpu.memory_space<vmem>>) offsets(%dma_start3A_601 : memref<128xi32, #tpu.memory_space<vmem>>) semaphore(%arg15 : memref<!tpu.dma_semaphore, #tpu.memory_space<semaphore_mem>>)
      } else {
      }
    }
    %scan3A_497 = arith.constant 20 : i32
    "tpu.region"() ({
      %run_scoped3A = tpu.sem_alloc : memref<!tpu.dma_semaphore, #tpu.memory_space<semaphore_mem>>
      %dma_start3A_565 = arith.constant 80 : i32
      %dma_start3A_566 = arith.constant 0 : i32
      %dma_start3A_567 = tpu.memref_slice %arg4[%arg1, %dma_start3A_565, %dma_start3A_566] : memref<16x160x128xi32, #tpu.memory_space<hbm>> -> memref<1x40x128xi32, #tpu.memory_space<hbm>>
      %dma_start3A_568 = tpu.memref_squeeze %dma_start3A_567 : memref<1x40x128xi32, #tpu.memory_space<hbm>> -> memref<40x128xi32, #tpu.memory_space<hbm>>
      %dma_start3A_569 = arith.constant 80 : i32
      %dma_start3A_570 = arith.constant 0 : i32
      %dma_start3A_571 = tpu.memref_slice %arg4[%arg1, %dma_start3A_569, %dma_start3A_570] : memref<16x160x128xi32, #tpu.memory_space<hbm>> -> memref<1x40x128xi32, #tpu.memory_space<hbm>>
      %dma_start3A_572 = tpu.memref_squeeze %dma_start3A_571 : memref<1x40x128xi32, #tpu.memory_space<hbm>> -> memref<40x128xi32, #tpu.memory_space<hbm>>
      tpu.enqueue_dma source(%dma_start3A_572 : memref<40x128xi32, #tpu.memory_space<hbm>>) target(%arg8 : memref<40x128xi32, #tpu.memory_space<vmem>>) target_semaphore(%run_scoped3A : memref<!tpu.dma_semaphore, #tpu.memory_space<semaphore_mem>>)
      %dma_wait3A = arith.constant 80 : i32
      %dma_wait3A_573 = arith.constant 0 : i32
      %dma_wait3A_574 = tpu.memref_slice %arg4[%arg1, %dma_wait3A, %dma_wait3A_573] : memref<16x160x128xi32, #tpu.memory_space<hbm>> -> memref<1x40x128xi32, #tpu.memory_space<hbm>>
      %dma_wait3A_575 = tpu.memref_squeeze %dma_wait3A_574 : memref<1x40x128xi32, #tpu.memory_space<hbm>> -> memref<40x128xi32, #tpu.memory_space<hbm>>
      %dma_wait3A_576 = arith.constant 80 : i32
      %dma_wait3A_577 = arith.constant 0 : i32
      %dma_wait3A_578 = tpu.memref_slice %arg4[%arg1, %dma_wait3A_576, %dma_wait3A_577] : memref<16x160x128xi32, #tpu.memory_space<hbm>> -> memref<1x40x128xi32, #tpu.memory_space<hbm>>
      %dma_wait3A_579 = tpu.memref_squeeze %dma_wait3A_578 : memref<1x40x128xi32, #tpu.memory_space<hbm>> -> memref<40x128xi32, #tpu.memory_space<hbm>>
      tpu.wait_dma2 semaphore(%run_scoped3A : memref<!tpu.dma_semaphore, #tpu.memory_space<semaphore_mem>>) src(%dma_wait3A_579 : memref<40x128xi32, #tpu.memory_space<hbm>>) dst(%arg8 : memref<40x128xi32, #tpu.memory_space<vmem>>)
      tpu.yield
    }) : () -> ()
    "tpu.region"() ({
      %run_scoped3A = tpu.sem_alloc : memref<!tpu.dma_semaphore, #tpu.memory_space<semaphore_mem>>
      %dma_start3A_565 = arith.constant 80 : i32
      %dma_start3A_566 = arith.constant 0 : i32
      %dma_start3A_567 = tpu.memref_slice %arg5[%arg1, %dma_start3A_565, %dma_start3A_566] : memref<16x160x128xi32, #tpu.memory_space<hbm>> -> memref<1x40x128xi32, #tpu.memory_space<hbm>>
      %dma_start3A_568 = tpu.memref_squeeze %dma_start3A_567 : memref<1x40x128xi32, #tpu.memory_space<hbm>> -> memref<40x128xi32, #tpu.memory_space<hbm>>
      %dma_start3A_569 = arith.constant 80 : i32
      %dma_start3A_570 = arith.constant 0 : i32
      %dma_start3A_571 = tpu.memref_slice %arg5[%arg1, %dma_start3A_569, %dma_start3A_570] : memref<16x160x128xi32, #tpu.memory_space<hbm>> -> memref<1x40x128xi32, #tpu.memory_space<hbm>>
      %dma_start3A_572 = tpu.memref_squeeze %dma_start3A_571 : memref<1x40x128xi32, #tpu.memory_space<hbm>> -> memref<40x128xi32, #tpu.memory_space<hbm>>
      tpu.enqueue_dma source(%dma_start3A_572 : memref<40x128xi32, #tpu.memory_space<hbm>>) target(%arg9 : memref<40x128xi32, #tpu.memory_space<vmem>>) target_semaphore(%run_scoped3A : memref<!tpu.dma_semaphore, #tpu.memory_space<semaphore_mem>>)
      %dma_wait3A = arith.constant 80 : i32
      %dma_wait3A_573 = arith.constant 0 : i32
      %dma_wait3A_574 = tpu.memref_slice %arg5[%arg1, %dma_wait3A, %dma_wait3A_573] : memref<16x160x128xi32, #tpu.memory_space<hbm>> -> memref<1x40x128xi32, #tpu.memory_space<hbm>>
      %dma_wait3A_575 = tpu.memref_squeeze %dma_wait3A_574 : memref<1x40x128xi32, #tpu.memory_space<hbm>> -> memref<40x128xi32, #tpu.memory_space<hbm>>
      %dma_wait3A_576 = arith.constant 80 : i32
      %dma_wait3A_577 = arith.constant 0 : i32
      %dma_wait3A_578 = tpu.memref_slice %arg5[%arg1, %dma_wait3A_576, %dma_wait3A_577] : memref<16x160x128xi32, #tpu.memory_space<hbm>> -> memref<1x40x128xi32, #tpu.memory_space<hbm>>
      %dma_wait3A_579 = tpu.memref_squeeze %dma_wait3A_578 : memref<1x40x128xi32, #tpu.memory_space<hbm>> -> memref<40x128xi32, #tpu.memory_space<hbm>>
      tpu.wait_dma2 semaphore(%run_scoped3A : memref<!tpu.dma_semaphore, #tpu.memory_space<semaphore_mem>>) src(%dma_wait3A_579 : memref<40x128xi32, #tpu.memory_space<hbm>>) dst(%arg9 : memref<40x128xi32, #tpu.memory_space<vmem>>)
      tpu.yield
    }) : () -> ()
    %dma_start3A_498 = arith.constant 0 : i32
    %dma_start3A_499 = arith.constant 0 : i32
    %dma_start3A_500 = tpu.memref_slice %arg8[%dma_start3A_498, %dma_start3A_499] : memref<40x128xi32, #tpu.memory_space<vmem>> -> memref<1x128xi32, #tpu.memory_space<vmem>>
    %dma_start3A_501 = tpu.memref_squeeze %dma_start3A_500 : memref<1x128xi32, #tpu.memory_space<vmem>> -> memref<128xi32, #tpu.memory_space<vmem>>
    %dma_start3A_502 = arith.constant 0 : i32
    %dma_start3A_503 = arith.constant 0 : i32
    %dma_start3A_504 = tpu.memref_slice %arg12[%dma_start3A_502, %dma_start3A_503] : memref<10000x64xf32, #tpu.memory_space<vmem_shared>> -> memref<10000x64xf32, #tpu.memory_space<vmem_shared>>
    tpu.enqueue_indirect_dma source(%dma_start3A_504 : memref<10000x64xf32, #tpu.memory_space<vmem_shared>>) target(%arg10 : memref<128x64xf32, #tpu.memory_space<vmem>>) offsets(%dma_start3A_501 : memref<128xi32, #tpu.memory_space<vmem>>) semaphore(%arg14 : memref<!tpu.dma_semaphore, #tpu.memory_space<semaphore_mem>>)
    %dma_start3A_505 = arith.constant 1 : i32
    %dma_start3A_506 = arith.constant 0 : i32
    %dma_start3A_507 = tpu.memref_slice %arg8[%dma_start3A_505, %dma_start3A_506] : memref<40x128xi32, #tpu.memory_space<vmem>> -> memref<1x128xi32, #tpu.memory_space<vmem>>
    %dma_start3A_508 = tpu.memref_squeeze %dma_start3A_507 : memref<1x128xi32, #tpu.memory_space<vmem>> -> memref<128xi32, #tpu.memory_space<vmem>>
    %dma_start3A_509 = arith.constant 0 : i32
    %dma_start3A_510 = arith.constant 0 : i32
    %dma_start3A_511 = tpu.memref_slice %arg12[%dma_start3A_509, %dma_start3A_510] : memref<10000x64xf32, #tpu.memory_space<vmem_shared>> -> memref<10000x64xf32, #tpu.memory_space<vmem_shared>>
    tpu.enqueue_indirect_dma source(%dma_start3A_511 : memref<10000x64xf32, #tpu.memory_space<vmem_shared>>) target(%arg11 : memref<128x64xf32, #tpu.memory_space<vmem>>) offsets(%dma_start3A_508 : memref<128xi32, #tpu.memory_space<vmem>>) semaphore(%arg15 : memref<!tpu.dma_semaphore, #tpu.memory_space<semaphore_mem>>)
    %scan3A_512 = arith.constant 0 : i32
    %scan3A_513 = arith.constant 0 : i32
    %scan3A_514 = arith.constant 20 : i32
    %scan3A_515 = arith.addi %scan3A_513, %scan3A_514 : i32
    %scan3A_516 = arith.constant 1 : i32
    scf.for %scan3A_565 = %scan3A_513 to %scan3A_515 step %scan3A_516  : i32 {
      %mul3A_566 = arith.constant 2 : i32
      %mul3A_567 = arith.muli %mul3A_566, %scan3A_565 : i32
      %add3A_568 = arith.constant 0 : i32
      %add3A_569 = arith.addi %mul3A_567, %add3A_568 : i32
      %dma_wait3A = arith.constant 0 : i32
      %dma_wait3A_570 = tpu.memref_slice %arg8[%add3A_569, %dma_wait3A] : memref<40x128xi32, #tpu.memory_space<vmem>> -> memref<1x128xi32, #tpu.memory_space<vmem>>
      %dma_wait3A_571 = tpu.memref_squeeze %dma_wait3A_570 : memref<1x128xi32, #tpu.memory_space<vmem>> -> memref<128xi32, #tpu.memory_space<vmem>>
      %dma_wait3A_572 = arith.constant 0 : i32
      %dma_wait3A_573 = arith.constant 0 : i32
      %dma_wait3A_574 = tpu.memref_slice %arg12[%dma_wait3A_572, %dma_wait3A_573] : memref<10000x64xf32, #tpu.memory_space<vmem_shared>> -> memref<10000x64xf32, #tpu.memory_space<vmem_shared>>
      tpu.wait_indirect_dma semaphore(%arg14 : memref<!tpu.dma_semaphore, #tpu.memory_space<semaphore_mem>>) src(%dma_wait3A_574 : memref<10000x64xf32, #tpu.memory_space<vmem_shared>>) dst(%arg10 : memref<128x64xf32, #tpu.memory_space<vmem>>)
      "tpu.region"() ({
        %run_scoped3A = tpu.sem_alloc : memref<!tpu.dma_semaphore, #tpu.memory_space<semaphore_mem>>
        %dma_start3A_597 = arith.constant 0 : i32
        %dma_start3A_598 = tpu.memref_slice %arg9[%add3A_569, %dma_start3A_597] : memref<40x128xi32, #tpu.memory_space<vmem>> -> memref<1x128xi32, #tpu.memory_space<vmem>>
        %dma_start3A_599 = tpu.memref_squeeze %dma_start3A_598 : memref<1x128xi32, #tpu.memory_space<vmem>> -> memref<128xi32, #tpu.memory_space<vmem>>
        %dma_start3A_600 = arith.constant 0 : i32
        %dma_start3A_601 = arith.constant 0 : i32
        %dma_start3A_602 = tpu.memref_slice %arg13[%dma_start3A_600, %dma_start3A_601] : memref<10016x64xf32, #tpu.memory_space<vmem_shared>> -> memref<10016x64xf32, #tpu.memory_space<vmem_shared>>
        tpu.enqueue_indirect_dma source(%arg10 : memref<128x64xf32, #tpu.memory_space<vmem>>) target(%dma_start3A_602 : memref<10016x64xf32, #tpu.memory_space<vmem_shared>>) offsets(%dma_start3A_599 : memref<128xi32, #tpu.memory_space<vmem>>) semaphore(%run_scoped3A : memref<!tpu.dma_semaphore, #tpu.memory_space<semaphore_mem>>) {add = true}
        %dma_wait3A_603 = arith.constant 0 : i32
        %dma_wait3A_604 = tpu.memref_slice %arg9[%add3A_569, %dma_wait3A_603] : memref<40x128xi32, #tpu.memory_space<vmem>> -> memref<1x128xi32, #tpu.memory_space<vmem>>
        %dma_wait3A_605 = tpu.memref_squeeze %dma_wait3A_604 : memref<1x128xi32, #tpu.memory_space<vmem>> -> memref<128xi32, #tpu.memory_space<vmem>>
        %dma_wait3A_606 = arith.constant 0 : i32
        %dma_wait3A_607 = arith.constant 0 : i32
        %dma_wait3A_608 = tpu.memref_slice %arg13[%dma_wait3A_606, %dma_wait3A_607] : memref<10016x64xf32, #tpu.memory_space<vmem_shared>> -> memref<10016x64xf32, #tpu.memory_space<vmem_shared>>
        tpu.wait_indirect_dma semaphore(%run_scoped3A : memref<!tpu.dma_semaphore, #tpu.memory_space<semaphore_mem>>) src(%arg10 : memref<128x64xf32, #tpu.memory_space<vmem>>) dst(%dma_wait3A_608 : memref<10016x64xf32, #tpu.memory_space<vmem_shared>>)
        tpu.yield
      }) : () -> ()
      %add3A_575 = arith.constant 2 : i32
      %add3A_576 = arith.addi %add3A_569, %add3A_575 : i32
      %lt3A_577 = arith.constant 40 : i32
      %lt3A_578 = arith.cmpi slt, %add3A_576, %lt3A_577 : i32
      %convert_element_type3A_579 = arith.extui %lt3A_578 : i1 to i32
      %cond3A_580 = arith.constant 0 : i32
      %cond3A_581 = arith.cmpi ne, %convert_element_type3A_579, %cond3A_580 : i32
      scf.if %cond3A_581 {
        %add3A_597 = arith.constant 2 : i32
        %add3A_598 = arith.addi %add3A_569, %add3A_597 : i32
        %dma_start3A_599 = arith.constant 0 : i32
        %dma_start3A_600 = tpu.memref_slice %arg8[%add3A_598, %dma_start3A_599] : memref<40x128xi32, #tpu.memory_space<vmem>> -> memref<1x128xi32, #tpu.memory_space<vmem>>
        %dma_start3A_601 = tpu.memref_squeeze %dma_start3A_600 : memref<1x128xi32, #tpu.memory_space<vmem>> -> memref<128xi32, #tpu.memory_space<vmem>>
        %dma_start3A_602 = arith.constant 0 : i32
        %dma_start3A_603 = arith.constant 0 : i32
        %dma_start3A_604 = tpu.memref_slice %arg12[%dma_start3A_602, %dma_start3A_603] : memref<10000x64xf32, #tpu.memory_space<vmem_shared>> -> memref<10000x64xf32, #tpu.memory_space<vmem_shared>>
        tpu.enqueue_indirect_dma source(%dma_start3A_604 : memref<10000x64xf32, #tpu.memory_space<vmem_shared>>) target(%arg10 : memref<128x64xf32, #tpu.memory_space<vmem>>) offsets(%dma_start3A_601 : memref<128xi32, #tpu.memory_space<vmem>>) semaphore(%arg14 : memref<!tpu.dma_semaphore, #tpu.memory_space<semaphore_mem>>)
      } else {
      }
      %add3A_582 = arith.constant 1 : i32
      %add3A_583 = arith.addi %mul3A_567, %add3A_582 : i32
      %dma_wait3A_584 = arith.constant 0 : i32
      %dma_wait3A_585 = tpu.memref_slice %arg8[%add3A_583, %dma_wait3A_584] : memref<40x128xi32, #tpu.memory_space<vmem>> -> memref<1x128xi32, #tpu.memory_space<vmem>>
      %dma_wait3A_586 = tpu.memref_squeeze %dma_wait3A_585 : memref<1x128xi32, #tpu.memory_space<vmem>> -> memref<128xi32, #tpu.memory_space<vmem>>
      %dma_wait3A_587 = arith.constant 0 : i32
      %dma_wait3A_588 = arith.constant 0 : i32
      %dma_wait3A_589 = tpu.memref_slice %arg12[%dma_wait3A_587, %dma_wait3A_588] : memref<10000x64xf32, #tpu.memory_space<vmem_shared>> -> memref<10000x64xf32, #tpu.memory_space<vmem_shared>>
      tpu.wait_indirect_dma semaphore(%arg15 : memref<!tpu.dma_semaphore, #tpu.memory_space<semaphore_mem>>) src(%dma_wait3A_589 : memref<10000x64xf32, #tpu.memory_space<vmem_shared>>) dst(%arg11 : memref<128x64xf32, #tpu.memory_space<vmem>>)
      "tpu.region"() ({
        %run_scoped3A = tpu.sem_alloc : memref<!tpu.dma_semaphore, #tpu.memory_space<semaphore_mem>>
        %dma_start3A_597 = arith.constant 0 : i32
        %dma_start3A_598 = tpu.memref_slice %arg9[%add3A_583, %dma_start3A_597] : memref<40x128xi32, #tpu.memory_space<vmem>> -> memref<1x128xi32, #tpu.memory_space<vmem>>
        %dma_start3A_599 = tpu.memref_squeeze %dma_start3A_598 : memref<1x128xi32, #tpu.memory_space<vmem>> -> memref<128xi32, #tpu.memory_space<vmem>>
        %dma_start3A_600 = arith.constant 0 : i32
        %dma_start3A_601 = arith.constant 0 : i32
        %dma_start3A_602 = tpu.memref_slice %arg13[%dma_start3A_600, %dma_start3A_601] : memref<10016x64xf32, #tpu.memory_space<vmem_shared>> -> memref<10016x64xf32, #tpu.memory_space<vmem_shared>>
        tpu.enqueue_indirect_dma source(%arg11 : memref<128x64xf32, #tpu.memory_space<vmem>>) target(%dma_start3A_602 : memref<10016x64xf32, #tpu.memory_space<vmem_shared>>) offsets(%dma_start3A_599 : memref<128xi32, #tpu.memory_space<vmem>>) semaphore(%run_scoped3A : memref<!tpu.dma_semaphore, #tpu.memory_space<semaphore_mem>>) {add = true}
        %dma_wait3A_603 = arith.constant 0 : i32
        %dma_wait3A_604 = tpu.memref_slice %arg9[%add3A_583, %dma_wait3A_603] : memref<40x128xi32, #tpu.memory_space<vmem>> -> memref<1x128xi32, #tpu.memory_space<vmem>>
        %dma_wait3A_605 = tpu.memref_squeeze %dma_wait3A_604 : memref<1x128xi32, #tpu.memory_space<vmem>> -> memref<128xi32, #tpu.memory_space<vmem>>
        %dma_wait3A_606 = arith.constant 0 : i32
        %dma_wait3A_607 = arith.constant 0 : i32
        %dma_wait3A_608 = tpu.memref_slice %arg13[%dma_wait3A_606, %dma_wait3A_607] : memref<10016x64xf32, #tpu.memory_space<vmem_shared>> -> memref<10016x64xf32, #tpu.memory_space<vmem_shared>>
        tpu.wait_indirect_dma semaphore(%run_scoped3A : memref<!tpu.dma_semaphore, #tpu.memory_space<semaphore_mem>>) src(%arg11 : memref<128x64xf32, #tpu.memory_space<vmem>>) dst(%dma_wait3A_608 : memref<10016x64xf32, #tpu.memory_space<vmem_shared>>)
        tpu.yield
      }) : () -> ()
      %add3A_590 = arith.constant 2 : i32
      %add3A_591 = arith.addi %add3A_583, %add3A_590 : i32
      %lt3A_592 = arith.constant 40 : i32
      %lt3A_593 = arith.cmpi slt, %add3A_591, %lt3A_592 : i32
      %convert_element_type3A_594 = arith.extui %lt3A_593 : i1 to i32
      %cond3A_595 = arith.constant 0 : i32
      %cond3A_596 = arith.cmpi ne, %convert_element_type3A_594, %cond3A_595 : i32
      scf.if %cond3A_596 {
        %add3A_597 = arith.constant 2 : i32
        %add3A_598 = arith.addi %add3A_583, %add3A_597 : i32
        %dma_start3A_599 = arith.constant 0 : i32
        %dma_start3A_600 = tpu.memref_slice %arg8[%add3A_598, %dma_start3A_599] : memref<40x128xi32, #tpu.memory_space<vmem>> -> memref<1x128xi32, #tpu.memory_space<vmem>>
        %dma_start3A_601 = tpu.memref_squeeze %dma_start3A_600 : memref<1x128xi32, #tpu.memory_space<vmem>> -> memref<128xi32, #tpu.memory_space<vmem>>
        %dma_start3A_602 = arith.constant 0 : i32
        %dma_start3A_603 = arith.constant 0 : i32
        %dma_start3A_604 = tpu.memref_slice %arg12[%dma_start3A_602, %dma_start3A_603] : memref<10000x64xf32, #tpu.memory_space<vmem_shared>> -> memref<10000x64xf32, #tpu.memory_space<vmem_shared>>
        tpu.enqueue_indirect_dma source(%dma_start3A_604 : memref<10000x64xf32, #tpu.memory_space<vmem_shared>>) target(%arg11 : memref<128x64xf32, #tpu.memory_space<vmem>>) offsets(%dma_start3A_601 : memref<128xi32, #tpu.memory_space<vmem>>) semaphore(%arg15 : memref<!tpu.dma_semaphore, #tpu.memory_space<semaphore_mem>>)
      } else {
      }
    }
    %scan3A_517 = arith.constant 20 : i32
    "tpu.region"() ({
      %run_scoped3A = tpu.sem_alloc : memref<!tpu.dma_semaphore, #tpu.memory_space<semaphore_mem>>
      %dma_start3A_565 = arith.constant 120 : i32
      %dma_start3A_566 = arith.constant 0 : i32
      %dma_start3A_567 = tpu.memref_slice %arg4[%arg1, %dma_start3A_565, %dma_start3A_566] : memref<16x160x128xi32, #tpu.memory_space<hbm>> -> memref<1x40x128xi32, #tpu.memory_space<hbm>>
      %dma_start3A_568 = tpu.memref_squeeze %dma_start3A_567 : memref<1x40x128xi32, #tpu.memory_space<hbm>> -> memref<40x128xi32, #tpu.memory_space<hbm>>
      %dma_start3A_569 = arith.constant 120 : i32
      %dma_start3A_570 = arith.constant 0 : i32
      %dma_start3A_571 = tpu.memref_slice %arg4[%arg1, %dma_start3A_569, %dma_start3A_570] : memref<16x160x128xi32, #tpu.memory_space<hbm>> -> memref<1x40x128xi32, #tpu.memory_space<hbm>>
      %dma_start3A_572 = tpu.memref_squeeze %dma_start3A_571 : memref<1x40x128xi32, #tpu.memory_space<hbm>> -> memref<40x128xi32, #tpu.memory_space<hbm>>
      tpu.enqueue_dma source(%dma_start3A_572 : memref<40x128xi32, #tpu.memory_space<hbm>>) target(%arg8 : memref<40x128xi32, #tpu.memory_space<vmem>>) target_semaphore(%run_scoped3A : memref<!tpu.dma_semaphore, #tpu.memory_space<semaphore_mem>>)
      %dma_wait3A = arith.constant 120 : i32
      %dma_wait3A_573 = arith.constant 0 : i32
      %dma_wait3A_574 = tpu.memref_slice %arg4[%arg1, %dma_wait3A, %dma_wait3A_573] : memref<16x160x128xi32, #tpu.memory_space<hbm>> -> memref<1x40x128xi32, #tpu.memory_space<hbm>>
      %dma_wait3A_575 = tpu.memref_squeeze %dma_wait3A_574 : memref<1x40x128xi32, #tpu.memory_space<hbm>> -> memref<40x128xi32, #tpu.memory_space<hbm>>
      %dma_wait3A_576 = arith.constant 120 : i32
      %dma_wait3A_577 = arith.constant 0 : i32
      %dma_wait3A_578 = tpu.memref_slice %arg4[%arg1, %dma_wait3A_576, %dma_wait3A_577] : memref<16x160x128xi32, #tpu.memory_space<hbm>> -> memref<1x40x128xi32, #tpu.memory_space<hbm>>
      %dma_wait3A_579 = tpu.memref_squeeze %dma_wait3A_578 : memref<1x40x128xi32, #tpu.memory_space<hbm>> -> memref<40x128xi32, #tpu.memory_space<hbm>>
      tpu.wait_dma2 semaphore(%run_scoped3A : memref<!tpu.dma_semaphore, #tpu.memory_space<semaphore_mem>>) src(%dma_wait3A_579 : memref<40x128xi32, #tpu.memory_space<hbm>>) dst(%arg8 : memref<40x128xi32, #tpu.memory_space<vmem>>)
      tpu.yield
    }) : () -> ()
    "tpu.region"() ({
      %run_scoped3A = tpu.sem_alloc : memref<!tpu.dma_semaphore, #tpu.memory_space<semaphore_mem>>
      %dma_start3A_565 = arith.constant 120 : i32
      %dma_start3A_566 = arith.constant 0 : i32
      %dma_start3A_567 = tpu.memref_slice %arg5[%arg1, %dma_start3A_565, %dma_start3A_566] : memref<16x160x128xi32, #tpu.memory_space<hbm>> -> memref<1x40x128xi32, #tpu.memory_space<hbm>>
      %dma_start3A_568 = tpu.memref_squeeze %dma_start3A_567 : memref<1x40x128xi32, #tpu.memory_space<hbm>> -> memref<40x128xi32, #tpu.memory_space<hbm>>
      %dma_start3A_569 = arith.constant 120 : i32
      %dma_start3A_570 = arith.constant 0 : i32
      %dma_start3A_571 = tpu.memref_slice %arg5[%arg1, %dma_start3A_569, %dma_start3A_570] : memref<16x160x128xi32, #tpu.memory_space<hbm>> -> memref<1x40x128xi32, #tpu.memory_space<hbm>>
      %dma_start3A_572 = tpu.memref_squeeze %dma_start3A_571 : memref<1x40x128xi32, #tpu.memory_space<hbm>> -> memref<40x128xi32, #tpu.memory_space<hbm>>
      tpu.enqueue_dma source(%dma_start3A_572 : memref<40x128xi32, #tpu.memory_space<hbm>>) target(%arg9 : memref<40x128xi32, #tpu.memory_space<vmem>>) target_semaphore(%run_scoped3A : memref<!tpu.dma_semaphore, #tpu.memory_space<semaphore_mem>>)
      %dma_wait3A = arith.constant 120 : i32
      %dma_wait3A_573 = arith.constant 0 : i32
      %dma_wait3A_574 = tpu.memref_slice %arg5[%arg1, %dma_wait3A, %dma_wait3A_573] : memref<16x160x128xi32, #tpu.memory_space<hbm>> -> memref<1x40x128xi32, #tpu.memory_space<hbm>>
      %dma_wait3A_575 = tpu.memref_squeeze %dma_wait3A_574 : memref<1x40x128xi32, #tpu.memory_space<hbm>> -> memref<40x128xi32, #tpu.memory_space<hbm>>
      %dma_wait3A_576 = arith.constant 120 : i32
      %dma_wait3A_577 = arith.constant 0 : i32
      %dma_wait3A_578 = tpu.memref_slice %arg5[%arg1, %dma_wait3A_576, %dma_wait3A_577] : memref<16x160x128xi32, #tpu.memory_space<hbm>> -> memref<1x40x128xi32, #tpu.memory_space<hbm>>
      %dma_wait3A_579 = tpu.memref_squeeze %dma_wait3A_578 : memref<1x40x128xi32, #tpu.memory_space<hbm>> -> memref<40x128xi32, #tpu.memory_space<hbm>>
      tpu.wait_dma2 semaphore(%run_scoped3A : memref<!tpu.dma_semaphore, #tpu.memory_space<semaphore_mem>>) src(%dma_wait3A_579 : memref<40x128xi32, #tpu.memory_space<hbm>>) dst(%arg9 : memref<40x128xi32, #tpu.memory_space<vmem>>)
      tpu.yield
    }) : () -> ()
    %dma_start3A_518 = arith.constant 0 : i32
    %dma_start3A_519 = arith.constant 0 : i32
    %dma_start3A_520 = tpu.memref_slice %arg8[%dma_start3A_518, %dma_start3A_519] : memref<40x128xi32, #tpu.memory_space<vmem>> -> memref<1x128xi32, #tpu.memory_space<vmem>>
    %dma_start3A_521 = tpu.memref_squeeze %dma_start3A_520 : memref<1x128xi32, #tpu.memory_space<vmem>> -> memref<128xi32, #tpu.memory_space<vmem>>
    %dma_start3A_522 = arith.constant 0 : i32
    %dma_start3A_523 = arith.constant 0 : i32
    %dma_start3A_524 = tpu.memref_slice %arg12[%dma_start3A_522, %dma_start3A_523] : memref<10000x64xf32, #tpu.memory_space<vmem_shared>> -> memref<10000x64xf32, #tpu.memory_space<vmem_shared>>
    tpu.enqueue_indirect_dma source(%dma_start3A_524 : memref<10000x64xf32, #tpu.memory_space<vmem_shared>>) target(%arg10 : memref<128x64xf32, #tpu.memory_space<vmem>>) offsets(%dma_start3A_521 : memref<128xi32, #tpu.memory_space<vmem>>) semaphore(%arg14 : memref<!tpu.dma_semaphore, #tpu.memory_space<semaphore_mem>>)
    %dma_start3A_525 = arith.constant 1 : i32
    %dma_start3A_526 = arith.constant 0 : i32
    %dma_start3A_527 = tpu.memref_slice %arg8[%dma_start3A_525, %dma_start3A_526] : memref<40x128xi32, #tpu.memory_space<vmem>> -> memref<1x128xi32, #tpu.memory_space<vmem>>
    %dma_start3A_528 = tpu.memref_squeeze %dma_start3A_527 : memref<1x128xi32, #tpu.memory_space<vmem>> -> memref<128xi32, #tpu.memory_space<vmem>>
    %dma_start3A_529 = arith.constant 0 : i32
    %dma_start3A_530 = arith.constant 0 : i32
    %dma_start3A_531 = tpu.memref_slice %arg12[%dma_start3A_529, %dma_start3A_530] : memref<10000x64xf32, #tpu.memory_space<vmem_shared>> -> memref<10000x64xf32, #tpu.memory_space<vmem_shared>>
    tpu.enqueue_indirect_dma source(%dma_start3A_531 : memref<10000x64xf32, #tpu.memory_space<vmem_shared>>) target(%arg11 : memref<128x64xf32, #tpu.memory_space<vmem>>) offsets(%dma_start3A_528 : memref<128xi32, #tpu.memory_space<vmem>>) semaphore(%arg15 : memref<!tpu.dma_semaphore, #tpu.memory_space<semaphore_mem>>)
    %scan3A_532 = arith.constant 0 : i32
    %scan3A_533 = arith.constant 0 : i32
    %scan3A_534 = arith.constant 20 : i32
    %scan3A_535 = arith.addi %scan3A_533, %scan3A_534 : i32
    %scan3A_536 = arith.constant 1 : i32
    scf.for %scan3A_565 = %scan3A_533 to %scan3A_535 step %scan3A_536  : i32 {
      %mul3A_566 = arith.constant 2 : i32
      %mul3A_567 = arith.muli %mul3A_566, %scan3A_565 : i32
      %add3A_568 = arith.constant 0 : i32
      %add3A_569 = arith.addi %mul3A_567, %add3A_568 : i32
      %dma_wait3A = arith.constant 0 : i32
      %dma_wait3A_570 = tpu.memref_slice %arg8[%add3A_569, %dma_wait3A] : memref<40x128xi32, #tpu.memory_space<vmem>> -> memref<1x128xi32, #tpu.memory_space<vmem>>
      %dma_wait3A_571 = tpu.memref_squeeze %dma_wait3A_570 : memref<1x128xi32, #tpu.memory_space<vmem>> -> memref<128xi32, #tpu.memory_space<vmem>>
      %dma_wait3A_572 = arith.constant 0 : i32
      %dma_wait3A_573 = arith.constant 0 : i32
      %dma_wait3A_574 = tpu.memref_slice %arg12[%dma_wait3A_572, %dma_wait3A_573] : memref<10000x64xf32, #tpu.memory_space<vmem_shared>> -> memref<10000x64xf32, #tpu.memory_space<vmem_shared>>
      tpu.wait_indirect_dma semaphore(%arg14 : memref<!tpu.dma_semaphore, #tpu.memory_space<semaphore_mem>>) src(%dma_wait3A_574 : memref<10000x64xf32, #tpu.memory_space<vmem_shared>>) dst(%arg10 : memref<128x64xf32, #tpu.memory_space<vmem>>)
      "tpu.region"() ({
        %run_scoped3A = tpu.sem_alloc : memref<!tpu.dma_semaphore, #tpu.memory_space<semaphore_mem>>
        %dma_start3A_597 = arith.constant 0 : i32
        %dma_start3A_598 = tpu.memref_slice %arg9[%add3A_569, %dma_start3A_597] : memref<40x128xi32, #tpu.memory_space<vmem>> -> memref<1x128xi32, #tpu.memory_space<vmem>>
        %dma_start3A_599 = tpu.memref_squeeze %dma_start3A_598 : memref<1x128xi32, #tpu.memory_space<vmem>> -> memref<128xi32, #tpu.memory_space<vmem>>
        %dma_start3A_600 = arith.constant 0 : i32
        %dma_start3A_601 = arith.constant 0 : i32
        %dma_start3A_602 = tpu.memref_slice %arg13[%dma_start3A_600, %dma_start3A_601] : memref<10016x64xf32, #tpu.memory_space<vmem_shared>> -> memref<10016x64xf32, #tpu.memory_space<vmem_shared>>
        tpu.enqueue_indirect_dma source(%arg10 : memref<128x64xf32, #tpu.memory_space<vmem>>) target(%dma_start3A_602 : memref<10016x64xf32, #tpu.memory_space<vmem_shared>>) offsets(%dma_start3A_599 : memref<128xi32, #tpu.memory_space<vmem>>) semaphore(%run_scoped3A : memref<!tpu.dma_semaphore, #tpu.memory_space<semaphore_mem>>) {add = true}
        %dma_wait3A_603 = arith.constant 0 : i32
        %dma_wait3A_604 = tpu.memref_slice %arg9[%add3A_569, %dma_wait3A_603] : memref<40x128xi32, #tpu.memory_space<vmem>> -> memref<1x128xi32, #tpu.memory_space<vmem>>
        %dma_wait3A_605 = tpu.memref_squeeze %dma_wait3A_604 : memref<1x128xi32, #tpu.memory_space<vmem>> -> memref<128xi32, #tpu.memory_space<vmem>>
        %dma_wait3A_606 = arith.constant 0 : i32
        %dma_wait3A_607 = arith.constant 0 : i32
        %dma_wait3A_608 = tpu.memref_slice %arg13[%dma_wait3A_606, %dma_wait3A_607] : memref<10016x64xf32, #tpu.memory_space<vmem_shared>> -> memref<10016x64xf32, #tpu.memory_space<vmem_shared>>
        tpu.wait_indirect_dma semaphore(%run_scoped3A : memref<!tpu.dma_semaphore, #tpu.memory_space<semaphore_mem>>) src(%arg10 : memref<128x64xf32, #tpu.memory_space<vmem>>) dst(%dma_wait3A_608 : memref<10016x64xf32, #tpu.memory_space<vmem_shared>>)
        tpu.yield
      }) : () -> ()
      %add3A_575 = arith.constant 2 : i32
      %add3A_576 = arith.addi %add3A_569, %add3A_575 : i32
      %lt3A_577 = arith.constant 40 : i32
      %lt3A_578 = arith.cmpi slt, %add3A_576, %lt3A_577 : i32
      %convert_element_type3A_579 = arith.extui %lt3A_578 : i1 to i32
      %cond3A_580 = arith.constant 0 : i32
      %cond3A_581 = arith.cmpi ne, %convert_element_type3A_579, %cond3A_580 : i32
      scf.if %cond3A_581 {
        %add3A_597 = arith.constant 2 : i32
        %add3A_598 = arith.addi %add3A_569, %add3A_597 : i32
        %dma_start3A_599 = arith.constant 0 : i32
        %dma_start3A_600 = tpu.memref_slice %arg8[%add3A_598, %dma_start3A_599] : memref<40x128xi32, #tpu.memory_space<vmem>> -> memref<1x128xi32, #tpu.memory_space<vmem>>
        %dma_start3A_601 = tpu.memref_squeeze %dma_start3A_600 : memref<1x128xi32, #tpu.memory_space<vmem>> -> memref<128xi32, #tpu.memory_space<vmem>>
        %dma_start3A_602 = arith.constant 0 : i32
        %dma_start3A_603 = arith.constant 0 : i32
        %dma_start3A_604 = tpu.memref_slice %arg12[%dma_start3A_602, %dma_start3A_603] : memref<10000x64xf32, #tpu.memory_space<vmem_shared>> -> memref<10000x64xf32, #tpu.memory_space<vmem_shared>>
        tpu.enqueue_indirect_dma source(%dma_start3A_604 : memref<10000x64xf32, #tpu.memory_space<vmem_shared>>) target(%arg10 : memref<128x64xf32, #tpu.memory_space<vmem>>) offsets(%dma_start3A_601 : memref<128xi32, #tpu.memory_space<vmem>>) semaphore(%arg14 : memref<!tpu.dma_semaphore, #tpu.memory_space<semaphore_mem>>)
      } else {
      }
      %add3A_582 = arith.constant 1 : i32
      %add3A_583 = arith.addi %mul3A_567, %add3A_582 : i32
      %dma_wait3A_584 = arith.constant 0 : i32
      %dma_wait3A_585 = tpu.memref_slice %arg8[%add3A_583, %dma_wait3A_584] : memref<40x128xi32, #tpu.memory_space<vmem>> -> memref<1x128xi32, #tpu.memory_space<vmem>>
      %dma_wait3A_586 = tpu.memref_squeeze %dma_wait3A_585 : memref<1x128xi32, #tpu.memory_space<vmem>> -> memref<128xi32, #tpu.memory_space<vmem>>
      %dma_wait3A_587 = arith.constant 0 : i32
      %dma_wait3A_588 = arith.constant 0 : i32
      %dma_wait3A_589 = tpu.memref_slice %arg12[%dma_wait3A_587, %dma_wait3A_588] : memref<10000x64xf32, #tpu.memory_space<vmem_shared>> -> memref<10000x64xf32, #tpu.memory_space<vmem_shared>>
      tpu.wait_indirect_dma semaphore(%arg15 : memref<!tpu.dma_semaphore, #tpu.memory_space<semaphore_mem>>) src(%dma_wait3A_589 : memref<10000x64xf32, #tpu.memory_space<vmem_shared>>) dst(%arg11 : memref<128x64xf32, #tpu.memory_space<vmem>>)
      "tpu.region"() ({
        %run_scoped3A = tpu.sem_alloc : memref<!tpu.dma_semaphore, #tpu.memory_space<semaphore_mem>>
        %dma_start3A_597 = arith.constant 0 : i32
        %dma_start3A_598 = tpu.memref_slice %arg9[%add3A_583, %dma_start3A_597] : memref<40x128xi32, #tpu.memory_space<vmem>> -> memref<1x128xi32, #tpu.memory_space<vmem>>
        %dma_start3A_599 = tpu.memref_squeeze %dma_start3A_598 : memref<1x128xi32, #tpu.memory_space<vmem>> -> memref<128xi32, #tpu.memory_space<vmem>>
        %dma_start3A_600 = arith.constant 0 : i32
        %dma_start3A_601 = arith.constant 0 : i32
        %dma_start3A_602 = tpu.memref_slice %arg13[%dma_start3A_600, %dma_start3A_601] : memref<10016x64xf32, #tpu.memory_space<vmem_shared>> -> memref<10016x64xf32, #tpu.memory_space<vmem_shared>>
        tpu.enqueue_indirect_dma source(%arg11 : memref<128x64xf32, #tpu.memory_space<vmem>>) target(%dma_start3A_602 : memref<10016x64xf32, #tpu.memory_space<vmem_shared>>) offsets(%dma_start3A_599 : memref<128xi32, #tpu.memory_space<vmem>>) semaphore(%run_scoped3A : memref<!tpu.dma_semaphore, #tpu.memory_space<semaphore_mem>>) {add = true}
        %dma_wait3A_603 = arith.constant 0 : i32
        %dma_wait3A_604 = tpu.memref_slice %arg9[%add3A_583, %dma_wait3A_603] : memref<40x128xi32, #tpu.memory_space<vmem>> -> memref<1x128xi32, #tpu.memory_space<vmem>>
        %dma_wait3A_605 = tpu.memref_squeeze %dma_wait3A_604 : memref<1x128xi32, #tpu.memory_space<vmem>> -> memref<128xi32, #tpu.memory_space<vmem>>
        %dma_wait3A_606 = arith.constant 0 : i32
        %dma_wait3A_607 = arith.constant 0 : i32
        %dma_wait3A_608 = tpu.memref_slice %arg13[%dma_wait3A_606, %dma_wait3A_607] : memref<10016x64xf32, #tpu.memory_space<vmem_shared>> -> memref<10016x64xf32, #tpu.memory_space<vmem_shared>>
        tpu.wait_indirect_dma semaphore(%run_scoped3A : memref<!tpu.dma_semaphore, #tpu.memory_space<semaphore_mem>>) src(%arg11 : memref<128x64xf32, #tpu.memory_space<vmem>>) dst(%dma_wait3A_608 : memref<10016x64xf32, #tpu.memory_space<vmem_shared>>)
        tpu.yield
      }) : () -> ()
      %add3A_590 = arith.constant 2 : i32
      %add3A_591 = arith.addi %add3A_583, %add3A_590 : i32
      %lt3A_592 = arith.constant 40 : i32
      %lt3A_593 = arith.cmpi slt, %add3A_591, %lt3A_592 : i32
      %convert_element_type3A_594 = arith.extui %lt3A_593 : i1 to i32
      %cond3A_595 = arith.constant 0 : i32
      %cond3A_596 = arith.cmpi ne, %convert_element_type3A_594, %cond3A_595 : i32
      scf.if %cond3A_596 {
        %add3A_597 = arith.constant 2 : i32
        %add3A_598 = arith.addi %add3A_583, %add3A_597 : i32
        %dma_start3A_599 = arith.constant 0 : i32
        %dma_start3A_600 = tpu.memref_slice %arg8[%add3A_598, %dma_start3A_599] : memref<40x128xi32, #tpu.memory_space<vmem>> -> memref<1x128xi32, #tpu.memory_space<vmem>>
        %dma_start3A_601 = tpu.memref_squeeze %dma_start3A_600 : memref<1x128xi32, #tpu.memory_space<vmem>> -> memref<128xi32, #tpu.memory_space<vmem>>
        %dma_start3A_602 = arith.constant 0 : i32
        %dma_start3A_603 = arith.constant 0 : i32
        %dma_start3A_604 = tpu.memref_slice %arg12[%dma_start3A_602, %dma_start3A_603] : memref<10000x64xf32, #tpu.memory_space<vmem_shared>> -> memref<10000x64xf32, #tpu.memory_space<vmem_shared>>
        tpu.enqueue_indirect_dma source(%dma_start3A_604 : memref<10000x64xf32, #tpu.memory_space<vmem_shared>>) target(%arg11 : memref<128x64xf32, #tpu.memory_space<vmem>>) offsets(%dma_start3A_601 : memref<128xi32, #tpu.memory_space<vmem>>) semaphore(%arg15 : memref<!tpu.dma_semaphore, #tpu.memory_space<semaphore_mem>>)
      } else {
      }
    }
    %scan3A_537 = arith.constant 20 : i32
    %barrier3A_538 = arith.constant 0 : index
    tpu.barrier barrier_id(%barrier3A_538)
    %lt3A_539 = arith.constant 1 : i32
    %lt3A_540 = arith.cmpi slt, %arg1, %lt3A_539 : i32
    %jit3A_541 = arith.constant 40 : i32
    %jit3A_542 = arith.constant 39 : i32
    %select_n3A_543 = arith.select %lt3A_540, %jit3A_541, %jit3A_542 : i32
    %lt3A_544 = arith.constant 1 : i32
    %lt3A_545 = arith.cmpi slt, %arg1, %lt3A_544 : i32
    %mul3A_546 = arith.constant 40 : i32
    %mul3A_547 = arith.muli %arg1, %mul3A_546 : i32
    %sub3A_548 = arith.constant 1 : i32
    %sub3A_549 = arith.subi %arg1, %sub3A_548 : i32
    %mul3A_550 = arith.constant 39 : i32
    %mul3A_551 = arith.muli %sub3A_549, %mul3A_550 : i32
    %add3A_552 = arith.constant 40 : i32
    %add3A_553 = arith.addi %add3A_552, %mul3A_551 : i32
    %select_n3A_554 = arith.select %lt3A_545, %mul3A_547, %add3A_553 : i32
    %while3A_555 = arith.constant 0 : i32
    %while3A_556 = arith.constant 0 : i32
    %while3A_557 = arith.subi %select_n3A_543, %while3A_556 : i32
    %while3A_558 = arith.addi %while3A_556, %while3A_557 : i32
    %while3A_559 = arith.constant 1 : i32
    %while3A_560 = arith.divsi %while3A_557, %while3A_559 : i32
    %while3A_561 = arith.muli %while3A_560, %while3A_559 : i32
    %while3A_562 = arith.addi %while3A_556, %while3A_561 : i32
    %while3A_563 = arith.constant 1 : i32
    scf.for %while3A_565 = %while3A_556 to %while3A_562 step %while3A_563  : i32 {
      %add3A_566 = arith.addi %select_n3A_554, %while3A_565 : i32
      %mul3A_567 = arith.constant 16 : i32
      %mul3A_568 = arith.muli %add3A_566, %mul3A_567 : i32
      %eq3A_569 = arith.constant 0 : i32
      %eq3A_570 = arith.cmpi eq, %arg0, %eq3A_569 : i32
      %convert_element_type3A_571 = arith.extui %eq3A_570 : i1 to i32
      %cond3A_572 = arith.constant 0 : i32
      %cond3A_573 = arith.cmpi ne, %convert_element_type3A_571, %cond3A_572 : i32
      scf.if %cond3A_573 {
        "tpu.region"() ({
          %run_scoped3A = tpu.sem_alloc : memref<!tpu.dma_semaphore, #tpu.memory_space<semaphore_mem>>
          %dma_start3A_579 = arith.constant 0 : i32
          %dma_start3A_580 = tpu.memref_slice %arg6[%mul3A_568, %dma_start3A_579] : memref<10000x64xf32, #tpu.memory_space<hbm>> -> memref<16x64xf32, #tpu.memory_space<hbm>>
          %dma_start3A_581 = arith.constant 0 : i32
          %dma_start3A_582 = tpu.memref_slice %arg13[%mul3A_568, %dma_start3A_581] : memref<10016x64xf32, #tpu.memory_space<vmem_shared>> -> memref<16x64xf32, #tpu.memory_space<vmem_shared>>
          tpu.enqueue_dma source(%dma_start3A_582 : memref<16x64xf32, #tpu.memory_space<vmem_shared>>) target(%dma_start3A_580 : memref<16x64xf32, #tpu.memory_space<hbm>>) target_semaphore(%run_scoped3A : memref<!tpu.dma_semaphore, #tpu.memory_space<semaphore_mem>>)
          %dma_wait3A = arith.constant 0 : i32
          %dma_wait3A_583 = tpu.memref_slice %arg6[%mul3A_568, %dma_wait3A] : memref<10000x64xf32, #tpu.memory_space<hbm>> -> memref<16x64xf32, #tpu.memory_space<hbm>>
          %dma_wait3A_584 = arith.constant 0 : i32
          %dma_wait3A_585 = tpu.memref_slice %arg13[%mul3A_568, %dma_wait3A_584] : memref<10016x64xf32, #tpu.memory_space<vmem_shared>> -> memref<16x64xf32, #tpu.memory_space<vmem_shared>>
          tpu.wait_dma2 semaphore(%run_scoped3A : memref<!tpu.dma_semaphore, #tpu.memory_space<semaphore_mem>>) src(%dma_wait3A_585 : memref<16x64xf32, #tpu.memory_space<vmem_shared>>) dst(%dma_wait3A_583 : memref<16x64xf32, #tpu.memory_space<hbm>>)
          tpu.yield
        }) : () -> ()
      } else {
      }
      %eq3A_574 = arith.constant 1 : i32
      %eq3A_575 = arith.cmpi eq, %arg0, %eq3A_574 : i32
      %convert_element_type3A_576 = arith.extui %eq3A_575 : i1 to i32
      %cond3A_577 = arith.constant 0 : i32
      %cond3A_578 = arith.cmpi ne, %convert_element_type3A_576, %cond3A_577 : i32
      scf.if %cond3A_578 {
        "tpu.region"() ({
          %run_scoped3A = tpu.sem_alloc : memref<!tpu.dma_semaphore, #tpu.memory_space<semaphore_mem>>
          %dma_start3A_579 = arith.constant 0 : i32
          %dma_start3A_580 = tpu.memref_slice %arg7[%mul3A_568, %dma_start3A_579] : memref<10000x64xf32, #tpu.memory_space<hbm>> -> memref<16x64xf32, #tpu.memory_space<hbm>>
          %dma_start3A_581 = arith.constant 0 : i32
          %dma_start3A_582 = tpu.memref_slice %arg13[%mul3A_568, %dma_start3A_581] : memref<10016x64xf32, #tpu.memory_space<vmem_shared>> -> memref<16x64xf32, #tpu.memory_space<vmem_shared>>
          tpu.enqueue_dma source(%dma_start3A_582 : memref<16x64xf32, #tpu.memory_space<vmem_shared>>) target(%dma_start3A_580 : memref<16x64xf32, #tpu.memory_space<hbm>>) target_semaphore(%run_scoped3A : memref<!tpu.dma_semaphore, #tpu.memory_space<semaphore_mem>>)
          %dma_wait3A = arith.constant 0 : i32
          %dma_wait3A_583 = tpu.memref_slice %arg7[%mul3A_568, %dma_wait3A] : memref<10000x64xf32, #tpu.memory_space<hbm>> -> memref<16x64xf32, #tpu.memory_space<hbm>>
          %dma_wait3A_584 = arith.constant 0 : i32
          %dma_wait3A_585 = tpu.memref_slice %arg13[%mul3A_568, %dma_wait3A_584] : memref<10016x64xf32, #tpu.memory_space<vmem_shared>> -> memref<16x64xf32, #tpu.memory_space<vmem_shared>>
          tpu.wait_dma2 semaphore(%run_scoped3A : memref<!tpu.dma_semaphore, #tpu.memory_space<semaphore_mem>>) src(%dma_wait3A_585 : memref<16x64xf32, #tpu.memory_space<vmem_shared>>) dst(%dma_wait3A_583 : memref<16x64xf32, #tpu.memory_space<hbm>>)
          tpu.yield
        }) : () -> ()
      } else {
      }
    }
    %while3A_564 = arith.constant 1 : i32
    scf.for %while3A_565 = %while3A_562 to %while3A_558 step %while3A_564  : i32 {
      %add3A_566 = arith.addi %select_n3A_554, %while3A_565 : i32
      %mul3A_567 = arith.constant 16 : i32
      %mul3A_568 = arith.muli %add3A_566, %mul3A_567 : i32
      %eq3A_569 = arith.constant 0 : i32
      %eq3A_570 = arith.cmpi eq, %arg0, %eq3A_569 : i32
      %convert_element_type3A_571 = arith.extui %eq3A_570 : i1 to i32
      %cond3A_572 = arith.constant 0 : i32
      %cond3A_573 = arith.cmpi ne, %convert_element_type3A_571, %cond3A_572 : i32
      scf.if %cond3A_573 {
        "tpu.region"() ({
          %run_scoped3A = tpu.sem_alloc : memref<!tpu.dma_semaphore, #tpu.memory_space<semaphore_mem>>
          %dma_start3A_579 = arith.constant 0 : i32
          %dma_start3A_580 = tpu.memref_slice %arg6[%mul3A_568, %dma_start3A_579] : memref<10000x64xf32, #tpu.memory_space<hbm>> -> memref<16x64xf32, #tpu.memory_space<hbm>>
          %dma_start3A_581 = arith.constant 0 : i32
          %dma_start3A_582 = tpu.memref_slice %arg13[%mul3A_568, %dma_start3A_581] : memref<10016x64xf32, #tpu.memory_space<vmem_shared>> -> memref<16x64xf32, #tpu.memory_space<vmem_shared>>
          tpu.enqueue_dma source(%dma_start3A_582 : memref<16x64xf32, #tpu.memory_space<vmem_shared>>) target(%dma_start3A_580 : memref<16x64xf32, #tpu.memory_space<hbm>>) target_semaphore(%run_scoped3A : memref<!tpu.dma_semaphore, #tpu.memory_space<semaphore_mem>>)
          %dma_wait3A = arith.constant 0 : i32
          %dma_wait3A_583 = tpu.memref_slice %arg6[%mul3A_568, %dma_wait3A] : memref<10000x64xf32, #tpu.memory_space<hbm>> -> memref<16x64xf32, #tpu.memory_space<hbm>>
          %dma_wait3A_584 = arith.constant 0 : i32
          %dma_wait3A_585 = tpu.memref_slice %arg13[%mul3A_568, %dma_wait3A_584] : memref<10016x64xf32, #tpu.memory_space<vmem_shared>> -> memref<16x64xf32, #tpu.memory_space<vmem_shared>>
          tpu.wait_dma2 semaphore(%run_scoped3A : memref<!tpu.dma_semaphore, #tpu.memory_space<semaphore_mem>>) src(%dma_wait3A_585 : memref<16x64xf32, #tpu.memory_space<vmem_shared>>) dst(%dma_wait3A_583 : memref<16x64xf32, #tpu.memory_space<hbm>>)
          tpu.yield
        }) : () -> ()
      } else {
      }
      %eq3A_574 = arith.constant 1 : i32
      %eq3A_575 = arith.cmpi eq, %arg0, %eq3A_574 : i32
      %convert_element_type3A_576 = arith.extui %eq3A_575 : i1 to i32
      %cond3A_577 = arith.constant 0 : i32
      %cond3A_578 = arith.cmpi ne, %convert_element_type3A_576, %cond3A_577 : i32
      scf.if %cond3A_578 {
        "tpu.region"() ({
          %run_scoped3A = tpu.sem_alloc : memref<!tpu.dma_semaphore, #tpu.memory_space<semaphore_mem>>
          %dma_start3A_579 = arith.constant 0 : i32
          %dma_start3A_580 = tpu.memref_slice %arg7[%mul3A_568, %dma_start3A_579] : memref<10000x64xf32, #tpu.memory_space<hbm>> -> memref<16x64xf32, #tpu.memory_space<hbm>>
          %dma_start3A_581 = arith.constant 0 : i32
          %dma_start3A_582 = tpu.memref_slice %arg13[%mul3A_568, %dma_start3A_581] : memref<10016x64xf32, #tpu.memory_space<vmem_shared>> -> memref<16x64xf32, #tpu.memory_space<vmem_shared>>
          tpu.enqueue_dma source(%dma_start3A_582 : memref<16x64xf32, #tpu.memory_space<vmem_shared>>) target(%dma_start3A_580 : memref<16x64xf32, #tpu.memory_space<hbm>>) target_semaphore(%run_scoped3A : memref<!tpu.dma_semaphore, #tpu.memory_space<semaphore_mem>>)
          %dma_wait3A = arith.constant 0 : i32
          %dma_wait3A_583 = tpu.memref_slice %arg7[%mul3A_568, %dma_wait3A] : memref<10000x64xf32, #tpu.memory_space<hbm>> -> memref<16x64xf32, #tpu.memory_space<hbm>>
          %dma_wait3A_584 = arith.constant 0 : i32
          %dma_wait3A_585 = tpu.memref_slice %arg13[%mul3A_568, %dma_wait3A_584] : memref<10016x64xf32, #tpu.memory_space<vmem_shared>> -> memref<16x64xf32, #tpu.memory_space<vmem_shared>>
          tpu.wait_dma2 semaphore(%run_scoped3A : memref<!tpu.dma_semaphore, #tpu.memory_space<semaphore_mem>>) src(%dma_wait3A_585 : memref<16x64xf32, #tpu.memory_space<vmem_shared>>) dst(%dma_wait3A_583 : memref<16x64xf32, #tpu.memory_space<hbm>>)
          tpu.yield
        }) : () -> ()
      } else {
      }
    }
    return
  }
}

module attributes {stable_mosaic.version = 14 : i64} {
  func.func @body(%arg0: i32, %arg1: memref<1000x128xf32, #tpu.memory_space<vmem>>, %arg2: memref<1000x64xf32, #tpu.memory_space<vmem>>, %arg3: memref<1000x64xf32, #tpu.memory_space<vmem>>, %arg4: memref<128x128xf32, #tpu.memory_space<vmem>>, %arg5: memref<1x128xf32, #tpu.memory_space<vmem>>, %arg6: memref<128x128xf32, #tpu.memory_space<vmem>>, %arg7: memref<1x128xf32, #tpu.memory_space<vmem>>, %arg8: memref<1x128xf32, #tpu.memory_space<vmem>>, %arg9: memref<1x128xf32, #tpu.memory_space<vmem>>, %arg10: memref<1000x64xf32, #tpu.memory_space<vmem>>, %arg11: memref<1000x64xf32, #tpu.memory_space<vmem>>, %arg12: memref<10000x128xf32, #tpu.memory_space<vmem>>, %arg13: memref<8x128xf32, #tpu.memory_space<vmem>>) attributes {dimension_semantics = [#tpu.dimension_semantics<arbitrary>], iteration_bounds = array<i64: 20>, scalar_prefetch = 0 : i64, scratch_operands = 2 : i64, tpu.core_type = #tpu.core_type<tc>, window_params = [{transform_indices = @transform_0, window_bounds = array<i64: 1000, 128>}, {transform_indices = @transform_1, window_bounds = array<i64: 1000, 64>}, {transform_indices = @transform_2, window_bounds = array<i64: 1000, 64>}, {pipeline_mode = #tpu.pipeline_mode<synchronous>, transform_indices = @transform_3, window_bounds = array<i64: 128, 128>}, {pipeline_mode = #tpu.pipeline_mode<synchronous>, transform_indices = @transform_4, window_bounds = array<i64: 1, 128>}, {pipeline_mode = #tpu.pipeline_mode<synchronous>, transform_indices = @transform_5, window_bounds = array<i64: 128, 128>}, {pipeline_mode = #tpu.pipeline_mode<synchronous>, transform_indices = @transform_6, window_bounds = array<i64: 1, 128>}, {pipeline_mode = #tpu.pipeline_mode<synchronous>, transform_indices = @transform_7, window_bounds = array<i64: 1, 128>}, {pipeline_mode = #tpu.pipeline_mode<synchronous>, transform_indices = @transform_8, window_bounds = array<i64: 1, 128>}, {transform_indices = @transform_9, window_bounds = array<i64: 1000, 64>}, {transform_indices = @transform_10, window_bounds = array<i64: 1000, 64>}]} {
    %lt3A = arith.constant 10 : i32
    %lt3A_0 = arith.cmpi slt, %arg0, %lt3A : i32
    %convert_element_type3A = arith.extui %lt3A_0 : i1 to i32
    %cond3A = arith.constant 0 : i32
    %cond3A_1 = arith.cmpi ne, %convert_element_type3A, %cond3A : i32
    scf.if %cond3A_1 {
      %get3A = arith.constant 0 : index
      %get3A_6 = arith.constant 0 : index
      %get3A_7 = vector.load %arg1[%get3A, %get3A_6] : memref<1000x128xf32, #tpu.memory_space<vmem>>, vector<1000x128xf32>
      %get3A_8 = arith.constant 0 : index
      %get3A_9 = arith.constant 0 : index
      %get3A_10 = vector.load %arg2[%get3A_8, %get3A_9] : memref<1000x64xf32, #tpu.memory_space<vmem>>, vector<1000x64xf32>
      %get3A_11 = arith.constant 0 : index
      %get3A_12 = arith.constant 0 : index
      %get3A_13 = vector.load %arg3[%get3A_11, %get3A_12] : memref<1000x64xf32, #tpu.memory_space<vmem>>, vector<1000x64xf32>
      %concatenate3A = tpu.concatenate %get3A_10, %get3A_13 in 1 : vector<1000x64xf32>, vector<1000x64xf32> -> vector<1000x128xf32>
      %add3A = arith.addf %get3A_7, %concatenate3A : vector<1000x128xf32>
      %get3A_14 = arith.constant 0 : index
      %get3A_15 = arith.constant 0 : index
      %get3A_16 = vector.load %arg4[%get3A_14, %get3A_15] : memref<128x128xf32, #tpu.memory_space<vmem>>, vector<128x128xf32>
      %dot_general3A = arith.constant dense<0.000000e+00> : vector<1000x128xf32>
      %dot_general3A_17 = tpu.matmul %add3A, %get3A_16, %dot_general3A {dimension_numbers = #tpu.dot_dimension_numbers<[1], [0], [0], [1], [0, 0, 1, 1], [], []>, transpose_lhs_hint = false} : vector<1000x128xf32>, vector<128x128xf32>, vector<1000x128xf32> -> vector<1000x128xf32>
      %get3A_18 = arith.constant 0 : index
      %get3A_19 = arith.constant 0 : index
      %get3A_20 = vector.load %arg5[%get3A_18, %get3A_19] : memref<1x128xf32, #tpu.memory_space<vmem>>, vector<1x128xf32>
      %add3A_21 = vector.broadcast %get3A_20 : vector<1x128xf32> to vector<1000x128xf32>
      %add3A_22 = arith.addf %dot_general3A_17, %add3A_21 : vector<1000x128xf32>
      %max3A = arith.constant 0.000000e+00 : f32
      %max3A_23 = vector.broadcast %max3A : f32 to vector<1000x128xf32>
      %max3A_24 = arith.maximumf %add3A_22, %max3A_23 : vector<1000x128xf32>
      %get3A_25 = arith.constant 0 : index
      %get3A_26 = arith.constant 0 : index
      %get3A_27 = vector.load %arg6[%get3A_25, %get3A_26] : memref<128x128xf32, #tpu.memory_space<vmem>>, vector<128x128xf32>
      %dot_general3A_28 = arith.constant dense<0.000000e+00> : vector<1000x128xf32>
      %dot_general3A_29 = tpu.matmul %max3A_24, %get3A_27, %dot_general3A_28 {dimension_numbers = #tpu.dot_dimension_numbers<[1], [0], [0], [1], [0, 0, 1, 1], [], []>, transpose_lhs_hint = false} : vector<1000x128xf32>, vector<128x128xf32>, vector<1000x128xf32> -> vector<1000x128xf32>
      %get3A_30 = arith.constant 0 : index
      %get3A_31 = arith.constant 0 : index
      %get3A_32 = vector.load %arg7[%get3A_30, %get3A_31] : memref<1x128xf32, #tpu.memory_space<vmem>>, vector<1x128xf32>
      %add3A_33 = vector.broadcast %get3A_32 : vector<1x128xf32> to vector<1000x128xf32>
      %add3A_34 = arith.addf %dot_general3A_29, %add3A_33 : vector<1000x128xf32>
      %eq3A = arith.constant 0 : i32
      %eq3A_35 = arith.cmpi eq, %arg0, %eq3A : i32
      %convert_element_type3A_36 = arith.extui %eq3A_35 : i1 to i32
      %cond3A_37 = arith.constant 0 : i32
      %cond3A_38 = arith.cmpi ne, %convert_element_type3A_36, %cond3A_37 : i32
      scf.if %cond3A_38 {
        %broadcast_in_dim3A_66 = arith.constant 0.000000e+00 : f32
        %broadcast_in_dim3A_67 = vector.broadcast %broadcast_in_dim3A_66 : f32 to vector<2x128xf32>
        %swap3A_68 = arith.constant 0 : index
        %swap3A_69 = arith.constant 0 : index
        %swap3A_70 = vector.load %arg13[%swap3A_68, %swap3A_69] : memref<8x128xf32, #tpu.memory_space<vmem>>, vector<2x128xf32>
        tpu.vector_store %arg13[%swap3A_68, %swap3A_69], %broadcast_in_dim3A_67 {strides = array<i32>} : memref<8x128xf32, #tpu.memory_space<vmem>>, vector<2x128xf32>,
      } else {
      }
      %mul3A = arith.constant 1000 : i32
      %mul3A_39 = arith.muli %arg0, %mul3A : i32
      %swap3A = arith.index_cast %mul3A_39 : i32 to index
      %swap3A_40 = arith.constant 0 : index
      %swap3A_41 = vector.load %arg12[%swap3A, %swap3A_40] : memref<10000x128xf32, #tpu.memory_space<vmem>>, vector<1000x128xf32>
      tpu.vector_store %arg12[%swap3A, %swap3A_40], %add3A_34 {strides = array<i32>} : memref<10000x128xf32, #tpu.memory_space<vmem>>, vector<1000x128xf32>,
      %get3A_42 = arith.constant 0 : index
      %get3A_43 = arith.constant 0 : index
      %get3A_44 = vector.load %arg13[%get3A_42, %get3A_43] : memref<8x128xf32, #tpu.memory_space<vmem>>, vector<1x128xf32>
      %reduce_sum3A = arith.constant dense<0.000000e+00> : vector<128xf32>
      %reduce_sum3A_45 = vector.multi_reduction <add>, %add3A_34, %reduce_sum3A [0] : vector<1000x128xf32> to vector<128xf32>
      %broadcast_in_dim3A = vector.shape_cast %reduce_sum3A_45 : vector<128xf32> to vector<1x128xf32>
      %add3A_46 = arith.addf %get3A_44, %broadcast_in_dim3A : vector<1x128xf32>
      %swap3A_47 = arith.constant 0 : index
      %swap3A_48 = arith.constant 0 : index
      %swap3A_49 = vector.load %arg13[%swap3A_47, %swap3A_48] : memref<8x128xf32, #tpu.memory_space<vmem>>, vector<1x128xf32>
      tpu.vector_store %arg13[%swap3A_47, %swap3A_48], %add3A_46 {strides = array<i32>} : memref<8x128xf32, #tpu.memory_space<vmem>>, vector<1x128xf32>,
      %get3A_50 = arith.constant 1 : index
      %get3A_51 = arith.constant 0 : index
      %get3A_52 = vector.load %arg13[%get3A_50, %get3A_51] : memref<8x128xf32, #tpu.memory_space<vmem>>, vector<1x128xf32>
      %mul3A_53 = arith.mulf %add3A_34, %add3A_34 : vector<1000x128xf32>
      %reduce_sum3A_54 = arith.constant dense<0.000000e+00> : vector<128xf32>
      %reduce_sum3A_55 = vector.multi_reduction <add>, %mul3A_53, %reduce_sum3A_54 [0] : vector<1000x128xf32> to vector<128xf32>
      %broadcast_in_dim3A_56 = vector.shape_cast %reduce_sum3A_55 : vector<128xf32> to vector<1x128xf32>
      %add3A_57 = arith.addf %get3A_52, %broadcast_in_dim3A_56 : vector<1x128xf32>
      %swap3A_58 = arith.constant 1 : index
      %swap3A_59 = arith.constant 0 : index
      %swap3A_60 = vector.load %arg13[%swap3A_58, %swap3A_59] : memref<8x128xf32, #tpu.memory_space<vmem>>, vector<1x128xf32>
      tpu.vector_store %arg13[%swap3A_58, %swap3A_59], %add3A_57 {strides = array<i32>} : memref<8x128xf32, #tpu.memory_space<vmem>>, vector<1x128xf32>,
      %eq3A_61 = arith.constant 9 : i32
      %eq3A_62 = arith.cmpi eq, %arg0, %eq3A_61 : i32
      %convert_element_type3A_63 = arith.extui %eq3A_62 : i1 to i32
      %cond3A_64 = arith.constant 0 : i32
      %cond3A_65 = arith.cmpi ne, %convert_element_type3A_63, %cond3A_64 : i32
      scf.if %cond3A_65 {
        %get3A_66 = arith.constant 0 : index
        %get3A_67 = arith.constant 0 : index
        %get3A_68 = vector.load %arg13[%get3A_66, %get3A_67] : memref<8x128xf32, #tpu.memory_space<vmem>>, vector<1x128xf32>
        %div3A = arith.constant 1.000000e+04 : f32
        %div3A_69 = vector.broadcast %div3A : f32 to vector<1x128xf32>
        %div3A_70 = arith.divf %get3A_68, %div3A_69 : vector<1x128xf32>
        %get3A_71 = arith.constant 1 : index
        %get3A_72 = arith.constant 0 : index
        %get3A_73 = vector.load %arg13[%get3A_71, %get3A_72] : memref<8x128xf32, #tpu.memory_space<vmem>>, vector<1x128xf32>
        %div3A_74 = arith.constant 1.000000e+04 : f32
        %div3A_75 = vector.broadcast %div3A_74 : f32 to vector<1x128xf32>
        %div3A_76 = arith.divf %get3A_73, %div3A_75 : vector<1x128xf32>
        %mul3A_77 = arith.mulf %div3A_70, %div3A_70 : vector<1x128xf32>
        %sub3A = arith.subf %div3A_76, %mul3A_77 : vector<1x128xf32>
        %get3A_78 = arith.constant 0 : index
        %get3A_79 = arith.constant 0 : index
        %get3A_80 = vector.load %arg8[%get3A_78, %get3A_79] : memref<1x128xf32, #tpu.memory_space<vmem>>, vector<1x128xf32>
        %add3A_81 = arith.constant 9.99999974E-6 : f32
        %add3A_82 = vector.broadcast %add3A_81 : f32 to vector<1x128xf32>
        %add3A_83 = arith.addf %sub3A, %add3A_82 : vector<1x128xf32>
        %rsqrt3A = math.rsqrt %add3A_83 : vector<1x128xf32>
        %mul3A_84 = arith.mulf %get3A_80, %rsqrt3A : vector<1x128xf32>
        %swap3A_85 = arith.constant 2 : index
        %swap3A_86 = arith.constant 0 : index
        %swap3A_87 = vector.load %arg13[%swap3A_85, %swap3A_86] : memref<8x128xf32, #tpu.memory_space<vmem>>, vector<1x128xf32>
        tpu.vector_store %arg13[%swap3A_85, %swap3A_86], %mul3A_84 {strides = array<i32>} : memref<8x128xf32, #tpu.memory_space<vmem>>, vector<1x128xf32>,
        %get3A_88 = arith.constant 0 : index
        %get3A_89 = arith.constant 0 : index
        %get3A_90 = vector.load %arg9[%get3A_88, %get3A_89] : memref<1x128xf32, #tpu.memory_space<vmem>>, vector<1x128xf32>
        %mul3A_91 = arith.mulf %div3A_70, %mul3A_84 : vector<1x128xf32>
        %sub3A_92 = arith.subf %get3A_90, %mul3A_91 : vector<1x128xf32>
        %swap3A_93 = arith.constant 3 : index
        %swap3A_94 = arith.constant 0 : index
        %swap3A_95 = vector.load %arg13[%swap3A_93, %swap3A_94] : memref<8x128xf32, #tpu.memory_space<vmem>>, vector<1x128xf32>
        tpu.vector_store %arg13[%swap3A_93, %swap3A_94], %sub3A_92 {strides = array<i32>} : memref<8x128xf32, #tpu.memory_space<vmem>>, vector<1x128xf32>,
      } else {
      }
    } else {
    }
    %ge3A = arith.constant 10 : i32
    %ge3A_2 = arith.cmpi sge, %arg0, %ge3A : i32
    %convert_element_type3A_3 = arith.extui %ge3A_2 : i1 to i32
    %cond3A_4 = arith.constant 0 : i32
    %cond3A_5 = arith.cmpi ne, %convert_element_type3A_3, %cond3A_4 : i32
    scf.if %cond3A_5 {
      %sub3A = arith.constant 10 : i32
      %sub3A_6 = arith.subi %arg0, %sub3A : i32
      %mul3A = arith.constant 1000 : i32
      %mul3A_7 = arith.muli %sub3A_6, %mul3A : i32
      %get3A = arith.index_cast %mul3A_7 : i32 to index
      %get3A_8 = arith.constant 0 : index
      %get3A_9 = vector.load %arg12[%get3A, %get3A_8] : memref<10000x128xf32, #tpu.memory_space<vmem>>, vector<1000x128xf32>
      %get3A_10 = arith.constant 2 : index
      %get3A_11 = arith.constant 0 : index
      %get3A_12 = vector.load %arg13[%get3A_10, %get3A_11] : memref<8x128xf32, #tpu.memory_space<vmem>>, vector<1x128xf32>
      %mul3A_13 = vector.broadcast %get3A_12 : vector<1x128xf32> to vector<1000x128xf32>
      %mul3A_14 = arith.mulf %get3A_9, %mul3A_13 : vector<1000x128xf32>
      %get3A_15 = arith.constant 3 : index
      %get3A_16 = arith.constant 0 : index
      %get3A_17 = vector.load %arg13[%get3A_15, %get3A_16] : memref<8x128xf32, #tpu.memory_space<vmem>>, vector<1x128xf32>
      %add3A = vector.broadcast %get3A_17 : vector<1x128xf32> to vector<1000x128xf32>
      %add3A_18 = arith.addf %mul3A_14, %add3A : vector<1000x128xf32>
      %max3A = arith.constant 0.000000e+00 : f32
      %max3A_19 = vector.broadcast %max3A : f32 to vector<1000x128xf32>
      %max3A_20 = arith.maximumf %add3A_18, %max3A_19 : vector<1000x128xf32>
      %slice3A = vector.extract_strided_slice %max3A_20 {offsets = [0, 0], sizes = [1000, 64], strides = [1, 1]} : vector<1000x128xf32> to vector<1000x64xf32>
      %swap3A = arith.constant 0 : index
      %swap3A_21 = arith.constant 0 : index
      %swap3A_22 = vector.load %arg10[%swap3A, %swap3A_21] : memref<1000x64xf32, #tpu.memory_space<vmem>>, vector<1000x64xf32>
      tpu.vector_store %arg10[%swap3A, %swap3A_21], %slice3A {strides = array<i32>} : memref<1000x64xf32, #tpu.memory_space<vmem>>, vector<1000x64xf32>,
      %slice3A_23 = vector.extract_strided_slice %max3A_20 {offsets = [0, 64], sizes = [1000, 64], strides = [1, 1]} : vector<1000x128xf32> to vector<1000x64xf32>
      %swap3A_24 = arith.constant 0 : index
      %swap3A_25 = arith.constant 0 : index
      %swap3A_26 = vector.load %arg11[%swap3A_24, %swap3A_25] : memref<1000x64xf32, #tpu.memory_space<vmem>>, vector<1000x64xf32>
      tpu.vector_store %arg11[%swap3A_24, %swap3A_25], %slice3A_23 {strides = array<i32>} : memref<1000x64xf32, #tpu.memory_space<vmem>>, vector<1000x64xf32>,
    } else {
    }
    return
  }
  func.func @transform_0(%arg0: i32) -> (i32, i32) {
    %min3A = arith.constant 9 : i32
    %min3A_0 = arith.minsi %arg0, %min3A : i32
    %c0_i32 = arith.constant 0 : i32
    %c0_i32_1 = arith.constant 0 : i32
    return %min3A_0, %c0_i32 : i32, i32
  }
  func.func @transform_1(%arg0: i32) -> (i32, i32) {
    %min3A = arith.constant 9 : i32
    %min3A_0 = arith.minsi %arg0, %min3A : i32
    %c0_i32 = arith.constant 0 : i32
    %c0_i32_1 = arith.constant 0 : i32
    return %min3A_0, %c0_i32 : i32, i32
  }
  func.func @transform_2(%arg0: i32) -> (i32, i32) {
    %min3A = arith.constant 9 : i32
    %min3A_0 = arith.minsi %arg0, %min3A : i32
    %c0_i32 = arith.constant 0 : i32
    %c0_i32_1 = arith.constant 0 : i32
    return %min3A_0, %c0_i32 : i32, i32
  }
  func.func @transform_3(%arg0: i32) -> (i32, i32) {
    %c0_i32 = arith.constant 0 : i32
    %c0_i32_0 = arith.constant 0 : i32
    %c0_i32_1 = arith.constant 0 : i32
    return %c0_i32, %c0_i32_0 : i32, i32
  }
  func.func @transform_4(%arg0: i32) -> (i32, i32) {
    %c0_i32 = arith.constant 0 : i32
    %c0_i32_0 = arith.constant 0 : i32
    %c0_i32_1 = arith.constant 0 : i32
    return %c0_i32, %c0_i32_0 : i32, i32
  }
  func.func @transform_5(%arg0: i32) -> (i32, i32) {
    %c0_i32 = arith.constant 0 : i32
    %c0_i32_0 = arith.constant 0 : i32
    %c0_i32_1 = arith.constant 0 : i32
    return %c0_i32, %c0_i32_0 : i32, i32
  }
  func.func @transform_6(%arg0: i32) -> (i32, i32) {
    %c0_i32 = arith.constant 0 : i32
    %c0_i32_0 = arith.constant 0 : i32
    %c0_i32_1 = arith.constant 0 : i32
    return %c0_i32, %c0_i32_0 : i32, i32
  }
  func.func @transform_7(%arg0: i32) -> (i32, i32) {
    %c0_i32 = arith.constant 0 : i32
    %c0_i32_0 = arith.constant 0 : i32
    %c0_i32_1 = arith.constant 0 : i32
    return %c0_i32, %c0_i32_0 : i32, i32
  }
  func.func @transform_8(%arg0: i32) -> (i32, i32) {
    %c0_i32 = arith.constant 0 : i32
    %c0_i32_0 = arith.constant 0 : i32
    %c0_i32_1 = arith.constant 0 : i32
    return %c0_i32, %c0_i32_0 : i32, i32
  }
  func.func @transform_9(%arg0: i32) -> (i32, i32) {
    %sub3A = arith.constant 10 : i32
    %sub3A_0 = arith.subi %arg0, %sub3A : i32
    %max3A = arith.constant 0 : i32
    %max3A_1 = arith.maxsi %sub3A_0, %max3A : i32
    %c0_i32 = arith.constant 0 : i32
    %c0_i32_2 = arith.constant 0 : i32
    return %max3A_1, %c0_i32 : i32, i32
  }
  func.func @transform_10(%arg0: i32) -> (i32, i32) {
    %sub3A = arith.constant 10 : i32
    %sub3A_0 = arith.subi %arg0, %sub3A : i32
    %max3A = arith.constant 0 : i32
    %max3A_1 = arith.maxsi %sub3A_0, %max3A : i32
    %c0_i32 = arith.constant 0 : i32
    %c0_i32_2 = arith.constant 0 : i32
    return %max3A_1, %c0_i32 : i32, i32
  }
}

module attributes {stable_mosaic.version = 14 : i64} {
  func.func @body(%arg0: i32, %arg1: memref<1000x64xf32, #tpu.memory_space<vmem>>, %arg2: memref<1000x64xf32, #tpu.memory_space<vmem>>, %arg3: memref<1000x64xf32, #tpu.memory_space<vmem>>, %arg4: memref<1000x64xf32, #tpu.memory_space<vmem>>, %arg5: memref<1x1x1000xi32, #tpu.memory_space<vmem>>, %arg6: memref<128x128xf32, #tpu.memory_space<vmem>>, %arg7: memref<1x128xf32, #tpu.memory_space<vmem>>, %arg8: memref<128x128xf32, #tpu.memory_space<vmem>>, %arg9: memref<1x128xf32, #tpu.memory_space<vmem>>, %arg10: memref<1x128xf32, #tpu.memory_space<vmem>>, %arg11: memref<1x128xf32, #tpu.memory_space<vmem>>, %arg12: memref<128x16xf32, #tpu.memory_space<vmem>>, %arg13: memref<1x16xf32, #tpu.memory_space<vmem>>, %arg14: memref<64x16xf32, #tpu.memory_space<vmem>>, %arg15: memref<10000x128xf32, #tpu.memory_space<vmem>>, %arg16: memref<8x128xf32, #tpu.memory_space<vmem>>, %arg17: memref<64x128xf32, #tpu.memory_space<vmem>>) attributes {dimension_semantics = [#tpu.dimension_semantics<arbitrary>], iteration_bounds = array<i64: 20>, scalar_prefetch = 0 : i64, scratch_operands = 3 : i64, tpu.core_type = #tpu.core_type<tc>, window_params = [{transform_indices = @transform_0, window_bounds = array<i64: 1000, 64>}, {transform_indices = @transform_1, window_bounds = array<i64: 1000, 64>}, {transform_indices = @transform_2, window_bounds = array<i64: 1000, 64>}, {transform_indices = @transform_3, window_bounds = array<i64: 1000, 64>}, {transform_indices = @transform_4, window_bounds = array<i64: 1, 1, 1000>}, {pipeline_mode = #tpu.pipeline_mode<synchronous>, transform_indices = @transform_5, window_bounds = array<i64: 128, 128>}, {pipeline_mode = #tpu.pipeline_mode<synchronous>, transform_indices = @transform_6, window_bounds = array<i64: 1, 128>}, {pipeline_mode = #tpu.pipeline_mode<synchronous>, transform_indices = @transform_7, window_bounds = array<i64: 128, 128>}, {pipeline_mode = #tpu.pipeline_mode<synchronous>, transform_indices = @transform_8, window_bounds = array<i64: 1, 128>}, {pipeline_mode = #tpu.pipeline_mode<synchronous>, transform_indices = @transform_9, window_bounds = array<i64: 1, 128>}, {pipeline_mode = #tpu.pipeline_mode<synchronous>, transform_indices = @transform_10, window_bounds = array<i64: 1, 128>}, {pipeline_mode = #tpu.pipeline_mode<synchronous>, transform_indices = @transform_11, window_bounds = array<i64: 128, 16>}, {pipeline_mode = #tpu.pipeline_mode<synchronous>, transform_indices = @transform_12, window_bounds = array<i64: 1, 16>}, {pipeline_mode = #tpu.pipeline_mode<synchronous>, transform_indices = @transform_13, window_bounds = array<i64: 64, 16>}]} {
    %lt3A = arith.constant 10 : i32
    %lt3A_0 = arith.cmpi slt, %arg0, %lt3A : i32
    %convert_element_type3A = arith.extui %lt3A_0 : i1 to i32
    %cond3A = arith.constant 0 : i32
    %cond3A_1 = arith.cmpi ne, %convert_element_type3A, %cond3A : i32
    scf.if %cond3A_1 {
      %get3A = arith.constant 0 : index
      %get3A_6 = arith.constant 0 : index
      %get3A_7 = vector.load %arg1[%get3A, %get3A_6] : memref<1000x64xf32, #tpu.memory_space<vmem>>, vector<1000x64xf32>
      %get3A_8 = arith.constant 0 : index
      %get3A_9 = arith.constant 0 : index
      %get3A_10 = vector.load %arg3[%get3A_8, %get3A_9] : memref<1000x64xf32, #tpu.memory_space<vmem>>, vector<1000x64xf32>
      %add3A = arith.addf %get3A_7, %get3A_10 : vector<1000x64xf32>
      %get3A_11 = arith.constant 0 : index
      %get3A_12 = arith.constant 0 : index
      %get3A_13 = vector.load %arg2[%get3A_11, %get3A_12] : memref<1000x64xf32, #tpu.memory_space<vmem>>, vector<1000x64xf32>
      %get3A_14 = arith.constant 0 : index
      %get3A_15 = arith.constant 0 : index
      %get3A_16 = vector.load %arg4[%get3A_14, %get3A_15] : memref<1000x64xf32, #tpu.memory_space<vmem>>, vector<1000x64xf32>
      %add3A_17 = arith.addf %get3A_13, %get3A_16 : vector<1000x64xf32>
      %concatenate3A = tpu.concatenate %add3A, %add3A_17 in 1 : vector<1000x64xf32>, vector<1000x64xf32> -> vector<1000x128xf32>
      %get3A_18 = arith.constant 0 : index
      %get3A_19 = arith.constant 0 : index
      %get3A_20 = vector.load %arg6[%get3A_18, %get3A_19] : memref<128x128xf32, #tpu.memory_space<vmem>>, vector<128x128xf32>
      %dot_general3A = arith.constant dense<0.000000e+00> : vector<1000x128xf32>
      %dot_general3A_21 = tpu.matmul %concatenate3A, %get3A_20, %dot_general3A {dimension_numbers = #tpu.dot_dimension_numbers<[1], [0], [0], [1], [0, 0, 1, 1], [], []>, transpose_lhs_hint = false} : vector<1000x128xf32>, vector<128x128xf32>, vector<1000x128xf32> -> vector<1000x128xf32>
      %get3A_22 = arith.constant 0 : index
      %get3A_23 = arith.constant 0 : index
      %get3A_24 = vector.load %arg7[%get3A_22, %get3A_23] : memref<1x128xf32, #tpu.memory_space<vmem>>, vector<1x128xf32>
      %add3A_25 = vector.broadcast %get3A_24 : vector<1x128xf32> to vector<1000x128xf32>
      %add3A_26 = arith.addf %dot_general3A_21, %add3A_25 : vector<1000x128xf32>
      %max3A = arith.constant 0.000000e+00 : f32
      %max3A_27 = vector.broadcast %max3A : f32 to vector<1000x128xf32>
      %max3A_28 = arith.maximumf %add3A_26, %max3A_27 : vector<1000x128xf32>
      %get3A_29 = arith.constant 0 : index
      %get3A_30 = arith.constant 0 : index
      %get3A_31 = vector.load %arg8[%get3A_29, %get3A_30] : memref<128x128xf32, #tpu.memory_space<vmem>>, vector<128x128xf32>
      %dot_general3A_32 = arith.constant dense<0.000000e+00> : vector<1000x128xf32>
      %dot_general3A_33 = tpu.matmul %max3A_28, %get3A_31, %dot_general3A_32 {dimension_numbers = #tpu.dot_dimension_numbers<[1], [0], [0], [1], [0, 0, 1, 1], [], []>, transpose_lhs_hint = false} : vector<1000x128xf32>, vector<128x128xf32>, vector<1000x128xf32> -> vector<1000x128xf32>
      %get3A_34 = arith.constant 0 : index
      %get3A_35 = arith.constant 0 : index
      %get3A_36 = vector.load %arg9[%get3A_34, %get3A_35] : memref<1x128xf32, #tpu.memory_space<vmem>>, vector<1x128xf32>
      %add3A_37 = vector.broadcast %get3A_36 : vector<1x128xf32> to vector<1000x128xf32>
      %add3A_38 = arith.addf %dot_general3A_33, %add3A_37 : vector<1000x128xf32>
      %eq3A = arith.constant 0 : i32
      %eq3A_39 = arith.cmpi eq, %arg0, %eq3A : i32
      %convert_element_type3A_40 = arith.extui %eq3A_39 : i1 to i32
      %cond3A_41 = arith.constant 0 : i32
      %cond3A_42 = arith.cmpi ne, %convert_element_type3A_40, %cond3A_41 : i32
      scf.if %cond3A_42 {
        %broadcast_in_dim3A_70 = arith.constant 0.000000e+00 : f32
        %broadcast_in_dim3A_71 = vector.broadcast %broadcast_in_dim3A_70 : f32 to vector<2x128xf32>
        %swap3A_72 = arith.constant 0 : index
        %swap3A_73 = arith.constant 0 : index
        %swap3A_74 = vector.load %arg16[%swap3A_72, %swap3A_73] : memref<8x128xf32, #tpu.memory_space<vmem>>, vector<2x128xf32>
        tpu.vector_store %arg16[%swap3A_72, %swap3A_73], %broadcast_in_dim3A_71 {strides = array<i32>} : memref<8x128xf32, #tpu.memory_space<vmem>>, vector<2x128xf32>,
      } else {
      }
      %mul3A = arith.constant 1000 : i32
      %mul3A_43 = arith.muli %arg0, %mul3A : i32
      %swap3A = arith.index_cast %mul3A_43 : i32 to index
      %swap3A_44 = arith.constant 0 : index
      %swap3A_45 = vector.load %arg15[%swap3A, %swap3A_44] : memref<10000x128xf32, #tpu.memory_space<vmem>>, vector<1000x128xf32>
      tpu.vector_store %arg15[%swap3A, %swap3A_44], %add3A_38 {strides = array<i32>} : memref<10000x128xf32, #tpu.memory_space<vmem>>, vector<1000x128xf32>,
      %get3A_46 = arith.constant 0 : index
      %get3A_47 = arith.constant 0 : index
      %get3A_48 = vector.load %arg16[%get3A_46, %get3A_47] : memref<8x128xf32, #tpu.memory_space<vmem>>, vector<1x128xf32>
      %reduce_sum3A = arith.constant dense<0.000000e+00> : vector<128xf32>
      %reduce_sum3A_49 = vector.multi_reduction <add>, %add3A_38, %reduce_sum3A [0] : vector<1000x128xf32> to vector<128xf32>
      %broadcast_in_dim3A = vector.shape_cast %reduce_sum3A_49 : vector<128xf32> to vector<1x128xf32>
      %add3A_50 = arith.addf %get3A_48, %broadcast_in_dim3A : vector<1x128xf32>
      %swap3A_51 = arith.constant 0 : index
      %swap3A_52 = arith.constant 0 : index
      %swap3A_53 = vector.load %arg16[%swap3A_51, %swap3A_52] : memref<8x128xf32, #tpu.memory_space<vmem>>, vector<1x128xf32>
      tpu.vector_store %arg16[%swap3A_51, %swap3A_52], %add3A_50 {strides = array<i32>} : memref<8x128xf32, #tpu.memory_space<vmem>>, vector<1x128xf32>,
      %get3A_54 = arith.constant 1 : index
      %get3A_55 = arith.constant 0 : index
      %get3A_56 = vector.load %arg16[%get3A_54, %get3A_55] : memref<8x128xf32, #tpu.memory_space<vmem>>, vector<1x128xf32>
      %mul3A_57 = arith.mulf %add3A_38, %add3A_38 : vector<1000x128xf32>
      %reduce_sum3A_58 = arith.constant dense<0.000000e+00> : vector<128xf32>
      %reduce_sum3A_59 = vector.multi_reduction <add>, %mul3A_57, %reduce_sum3A_58 [0] : vector<1000x128xf32> to vector<128xf32>
      %broadcast_in_dim3A_60 = vector.shape_cast %reduce_sum3A_59 : vector<128xf32> to vector<1x128xf32>
      %add3A_61 = arith.addf %get3A_56, %broadcast_in_dim3A_60 : vector<1x128xf32>
      %swap3A_62 = arith.constant 1 : index
      %swap3A_63 = arith.constant 0 : index
      %swap3A_64 = vector.load %arg16[%swap3A_62, %swap3A_63] : memref<8x128xf32, #tpu.memory_space<vmem>>, vector<1x128xf32>
      tpu.vector_store %arg16[%swap3A_62, %swap3A_63], %add3A_61 {strides = array<i32>} : memref<8x128xf32, #tpu.memory_space<vmem>>, vector<1x128xf32>,
      %eq3A_65 = arith.constant 9 : i32
      %eq3A_66 = arith.cmpi eq, %arg0, %eq3A_65 : i32
      %convert_element_type3A_67 = arith.extui %eq3A_66 : i1 to i32
      %cond3A_68 = arith.constant 0 : i32
      %cond3A_69 = arith.cmpi ne, %convert_element_type3A_67, %cond3A_68 : i32
      scf.if %cond3A_69 {
        %get3A_70 = arith.constant 0 : index
        %get3A_71 = arith.constant 0 : index
        %get3A_72 = vector.load %arg16[%get3A_70, %get3A_71] : memref<8x128xf32, #tpu.memory_space<vmem>>, vector<1x128xf32>
        %div3A = arith.constant 1.000000e+04 : f32
        %div3A_73 = vector.broadcast %div3A : f32 to vector<1x128xf32>
        %div3A_74 = arith.divf %get3A_72, %div3A_73 : vector<1x128xf32>
        %get3A_75 = arith.constant 1 : index
        %get3A_76 = arith.constant 0 : index
        %get3A_77 = vector.load %arg16[%get3A_75, %get3A_76] : memref<8x128xf32, #tpu.memory_space<vmem>>, vector<1x128xf32>
        %div3A_78 = arith.constant 1.000000e+04 : f32
        %div3A_79 = vector.broadcast %div3A_78 : f32 to vector<1x128xf32>
        %div3A_80 = arith.divf %get3A_77, %div3A_79 : vector<1x128xf32>
        %mul3A_81 = arith.mulf %div3A_74, %div3A_74 : vector<1x128xf32>
        %sub3A = arith.subf %div3A_80, %mul3A_81 : vector<1x128xf32>
        %get3A_82 = arith.constant 0 : index
        %get3A_83 = arith.constant 0 : index
        %get3A_84 = vector.load %arg10[%get3A_82, %get3A_83] : memref<1x128xf32, #tpu.memory_space<vmem>>, vector<1x128xf32>
        %add3A_85 = arith.constant 9.99999974E-6 : f32
        %add3A_86 = vector.broadcast %add3A_85 : f32 to vector<1x128xf32>
        %add3A_87 = arith.addf %sub3A, %add3A_86 : vector<1x128xf32>
        %rsqrt3A = math.rsqrt %add3A_87 : vector<1x128xf32>
        %mul3A_88 = arith.mulf %get3A_84, %rsqrt3A : vector<1x128xf32>
        %swap3A_89 = arith.constant 2 : index
        %swap3A_90 = arith.constant 0 : index
        %swap3A_91 = vector.load %arg16[%swap3A_89, %swap3A_90] : memref<8x128xf32, #tpu.memory_space<vmem>>, vector<1x128xf32>
        tpu.vector_store %arg16[%swap3A_89, %swap3A_90], %mul3A_88 {strides = array<i32>} : memref<8x128xf32, #tpu.memory_space<vmem>>, vector<1x128xf32>,
        %get3A_92 = arith.constant 0 : index
        %get3A_93 = arith.constant 0 : index
        %get3A_94 = vector.load %arg11[%get3A_92, %get3A_93] : memref<1x128xf32, #tpu.memory_space<vmem>>, vector<1x128xf32>
        %mul3A_95 = arith.mulf %div3A_74, %mul3A_88 : vector<1x128xf32>
        %sub3A_96 = arith.subf %get3A_94, %mul3A_95 : vector<1x128xf32>
        %swap3A_97 = arith.constant 3 : index
        %swap3A_98 = arith.constant 0 : index
        %swap3A_99 = vector.load %arg16[%swap3A_97, %swap3A_98] : memref<8x128xf32, #tpu.memory_space<vmem>>, vector<1x128xf32>
        tpu.vector_store %arg16[%swap3A_97, %swap3A_98], %sub3A_96 {strides = array<i32>} : memref<8x128xf32, #tpu.memory_space<vmem>>, vector<1x128xf32>,
      } else {
      }
    } else {
    }
    %ge3A = arith.constant 10 : i32
    %ge3A_2 = arith.cmpi sge, %arg0, %ge3A : i32
    %convert_element_type3A_3 = arith.extui %ge3A_2 : i1 to i32
    %cond3A_4 = arith.constant 0 : i32
    %cond3A_5 = arith.cmpi ne, %convert_element_type3A_3, %cond3A_4 : i32
    scf.if %cond3A_5 {
      %sub3A = arith.constant 10 : i32
      %sub3A_6 = arith.subi %arg0, %sub3A : i32
      %mul3A = arith.constant 1000 : i32
      %mul3A_7 = arith.muli %sub3A_6, %mul3A : i32
      %get3A = arith.index_cast %mul3A_7 : i32 to index
      %get3A_8 = arith.constant 0 : index
      %get3A_9 = vector.load %arg15[%get3A, %get3A_8] : memref<10000x128xf32, #tpu.memory_space<vmem>>, vector<1000x128xf32>
      %get3A_10 = arith.constant 2 : index
      %get3A_11 = arith.constant 0 : index
      %get3A_12 = vector.load %arg16[%get3A_10, %get3A_11] : memref<8x128xf32, #tpu.memory_space<vmem>>, vector<1x128xf32>
      %mul3A_13 = vector.broadcast %get3A_12 : vector<1x128xf32> to vector<1000x128xf32>
      %mul3A_14 = arith.mulf %get3A_9, %mul3A_13 : vector<1000x128xf32>
      %get3A_15 = arith.constant 3 : index
      %get3A_16 = arith.constant 0 : index
      %get3A_17 = vector.load %arg16[%get3A_15, %get3A_16] : memref<8x128xf32, #tpu.memory_space<vmem>>, vector<1x128xf32>
      %add3A = vector.broadcast %get3A_17 : vector<1x128xf32> to vector<1000x128xf32>
      %add3A_18 = arith.addf %mul3A_14, %add3A : vector<1000x128xf32>
      %max3A = arith.constant 0.000000e+00 : f32
      %max3A_19 = vector.broadcast %max3A : f32 to vector<1000x128xf32>
      %max3A_20 = arith.maximumf %add3A_18, %max3A_19 : vector<1000x128xf32>
      %get3A_21 = arith.constant 0 : index
      %get3A_22 = arith.constant 0 : index
      %get3A_23 = arith.constant 0 : index
      %get3A_24 = vector.load %arg5[%get3A_21, %get3A_22, %get3A_23] : memref<1x1x1000xi32, #tpu.memory_space<vmem>>, vector<1x1x1000xi32>
      %get3A_25 = vector.shape_cast %get3A_24 : vector<1x1x1000xi32> to vector<1000xi32>
      %broadcast_in_dim3A = vector.shape_cast %get3A_25 : vector<1000xi32> to vector<1000x1xi32>
      %iota3A = tpu.iota {dimensions = array<i32: 1>} : vector<1000x64xi32>
      %eq3A = vector.broadcast %broadcast_in_dim3A : vector<1000x1xi32> to vector<1000x64xi32>
      %eq3A_26 = arith.cmpi eq, %eq3A, %iota3A : vector<1000x64xi32>
      %convert_element_type3A_27 = arith.extui %eq3A_26 : vector<1000x64xi1> to vector<1000x64xi32>
      %convert_element_type3A_28 = arith.sitofp %convert_element_type3A_27 : vector<1000x64xi32> to vector<1000x64xf32>
      %dot_general3A = arith.constant dense<0.000000e+00> : vector<64x128xf32>
      %dot_general3A_29 = tpu.matmul %convert_element_type3A_28, %max3A_20, %dot_general3A {dimension_numbers = #tpu.dot_dimension_numbers<[0], [0], [1], [1], [0, 1, 1, 1], [], []>, transpose_lhs_hint = false} : vector<1000x64xf32>, vector<1000x128xf32>, vector<64x128xf32> -> vector<64x128xf32>
      %eq3A_30 = arith.constant 10 : i32
      %eq3A_31 = arith.cmpi eq, %arg0, %eq3A_30 : i32
      %convert_element_type3A_32 = arith.extui %eq3A_31 : i1 to i32
      %cond3A_33 = arith.constant 0 : i32
      %cond3A_34 = arith.cmpi ne, %convert_element_type3A_32, %cond3A_33 : i32
      scf.if %cond3A_34 {
        %broadcast_in_dim3A_46 = arith.constant 0.000000e+00 : f32
        %broadcast_in_dim3A_47 = vector.broadcast %broadcast_in_dim3A_46 : f32 to vector<64x128xf32>
        %swap3A_48 = arith.constant 0 : index
        %swap3A_49 = arith.constant 0 : index
        %swap3A_50 = vector.load %arg17[%swap3A_48, %swap3A_49] : memref<64x128xf32, #tpu.memory_space<vmem>>, vector<64x128xf32>
        tpu.vector_store %arg17[%swap3A_48, %swap3A_49], %broadcast_in_dim3A_47 {strides = array<i32>} : memref<64x128xf32, #tpu.memory_space<vmem>>, vector<64x128xf32>,
      } else {
      }
      %get3A_35 = arith.constant 0 : index
      %get3A_36 = arith.constant 0 : index
      %get3A_37 = vector.load %arg17[%get3A_35, %get3A_36] : memref<64x128xf32, #tpu.memory_space<vmem>>, vector<64x128xf32>
      %add3A_38 = arith.addf %get3A_37, %dot_general3A_29 : vector<64x128xf32>
      %swap3A = arith.constant 0 : index
      %swap3A_39 = arith.constant 0 : index
      %swap3A_40 = vector.load %arg17[%swap3A, %swap3A_39] : memref<64x128xf32, #tpu.memory_space<vmem>>, vector<64x128xf32>
      tpu.vector_store %arg17[%swap3A, %swap3A_39], %add3A_38 {strides = array<i32>} : memref<64x128xf32, #tpu.memory_space<vmem>>, vector<64x128xf32>,
      %eq3A_41 = arith.constant 19 : i32
      %eq3A_42 = arith.cmpi eq, %arg0, %eq3A_41 : i32
      %convert_element_type3A_43 = arith.extui %eq3A_42 : i1 to i32
      %cond3A_44 = arith.constant 0 : i32
      %cond3A_45 = arith.cmpi ne, %convert_element_type3A_43, %cond3A_44 : i32
      scf.if %cond3A_45 {
        %get3A_46 = arith.constant 0 : index
        %get3A_47 = arith.constant 0 : index
        %get3A_48 = vector.load %arg17[%get3A_46, %get3A_47] : memref<64x128xf32, #tpu.memory_space<vmem>>, vector<64x128xf32>
        %get3A_49 = arith.constant 0 : index
        %get3A_50 = arith.constant 0 : index
        %get3A_51 = vector.load %arg12[%get3A_49, %get3A_50] : memref<128x16xf32, #tpu.memory_space<vmem>>, vector<128x16xf32>
        %dot_general3A_52 = arith.constant dense<0.000000e+00> : vector<64x16xf32>
        %dot_general3A_53 = tpu.matmul %get3A_48, %get3A_51, %dot_general3A_52 {dimension_numbers = #tpu.dot_dimension_numbers<[1], [0], [0], [1], [0, 0, 1, 1], [], []>, transpose_lhs_hint = false} : vector<64x128xf32>, vector<128x16xf32>, vector<64x16xf32> -> vector<64x16xf32>
        %get3A_54 = arith.constant 0 : index
        %get3A_55 = arith.constant 0 : index
        %get3A_56 = vector.load %arg13[%get3A_54, %get3A_55] : memref<1x16xf32, #tpu.memory_space<vmem>>, vector<1x16xf32>
        %add3A_57 = vector.broadcast %get3A_56 : vector<1x16xf32> to vector<64x16xf32>
        %add3A_58 = arith.addf %dot_general3A_53, %add3A_57 : vector<64x16xf32>
        %swap3A_59 = arith.constant 0 : index
        %swap3A_60 = arith.constant 0 : index
        %swap3A_61 = vector.load %arg14[%swap3A_59, %swap3A_60] : memref<64x16xf32, #tpu.memory_space<vmem>>, vector<64x16xf32>
        tpu.vector_store %arg14[%swap3A_59, %swap3A_60], %add3A_58 {strides = array<i32>} : memref<64x16xf32, #tpu.memory_space<vmem>>, vector<64x16xf32>,
      } else {
      }
    } else {
    }
    return
  }
  func.func @transform_0(%arg0: i32) -> (i32, i32) {
    %min3A = arith.constant 9 : i32
    %min3A_0 = arith.minsi %arg0, %min3A : i32
    %c0_i32 = arith.constant 0 : i32
    %c0_i32_1 = arith.constant 0 : i32
    return %min3A_0, %c0_i32 : i32, i32
  }
  func.func @transform_1(%arg0: i32) -> (i32, i32) {
    %min3A = arith.constant 9 : i32
    %min3A_0 = arith.minsi %arg0, %min3A : i32
    %c0_i32 = arith.constant 0 : i32
    %c0_i32_1 = arith.constant 0 : i32
    return %min3A_0, %c0_i32 : i32, i32
  }
  func.func @transform_2(%arg0: i32) -> (i32, i32) {
    %min3A = arith.constant 9 : i32
    %min3A_0 = arith.minsi %arg0, %min3A : i32
    %c0_i32 = arith.constant 0 : i32
    %c0_i32_1 = arith.constant 0 : i32
    return %min3A_0, %c0_i32 : i32, i32
  }
  func.func @transform_3(%arg0: i32) -> (i32, i32) {
    %min3A = arith.constant 9 : i32
    %min3A_0 = arith.minsi %arg0, %min3A : i32
    %c0_i32 = arith.constant 0 : i32
    %c0_i32_1 = arith.constant 0 : i32
    return %min3A_0, %c0_i32 : i32, i32
  }
  func.func @transform_4(%arg0: i32) -> (i32, i32, i32) {
    %sub3A = arith.constant 10 : i32
    %sub3A_0 = arith.subi %arg0, %sub3A : i32
    %max3A = arith.constant 0 : i32
    %max3A_1 = arith.maxsi %sub3A_0, %max3A : i32
    %c0_i32 = arith.constant 0 : i32
    %c0_i32_2 = arith.constant 0 : i32
    %c0_i32_3 = arith.constant 0 : i32
    return %max3A_1, %c0_i32, %c0_i32_2 : i32, i32, i32
  }
  func.func @transform_5(%arg0: i32) -> (i32, i32) {
    %c0_i32 = arith.constant 0 : i32
    %c0_i32_0 = arith.constant 0 : i32
    %c0_i32_1 = arith.constant 0 : i32
    return %c0_i32, %c0_i32_0 : i32, i32
  }
  func.func @transform_6(%arg0: i32) -> (i32, i32) {
    %c0_i32 = arith.constant 0 : i32
    %c0_i32_0 = arith.constant 0 : i32
    %c0_i32_1 = arith.constant 0 : i32
    return %c0_i32, %c0_i32_0 : i32, i32
  }
  func.func @transform_7(%arg0: i32) -> (i32, i32) {
    %c0_i32 = arith.constant 0 : i32
    %c0_i32_0 = arith.constant 0 : i32
    %c0_i32_1 = arith.constant 0 : i32
    return %c0_i32, %c0_i32_0 : i32, i32
  }
  func.func @transform_8(%arg0: i32) -> (i32, i32) {
    %c0_i32 = arith.constant 0 : i32
    %c0_i32_0 = arith.constant 0 : i32
    %c0_i32_1 = arith.constant 0 : i32
    return %c0_i32, %c0_i32_0 : i32, i32
  }
  func.func @transform_9(%arg0: i32) -> (i32, i32) {
    %c0_i32 = arith.constant 0 : i32
    %c0_i32_0 = arith.constant 0 : i32
    %c0_i32_1 = arith.constant 0 : i32
    return %c0_i32, %c0_i32_0 : i32, i32
  }
  func.func @transform_10(%arg0: i32) -> (i32, i32) {
    %c0_i32 = arith.constant 0 : i32
    %c0_i32_0 = arith.constant 0 : i32
    %c0_i32_1 = arith.constant 0 : i32
    return %c0_i32, %c0_i32_0 : i32, i32
  }
  func.func @transform_11(%arg0: i32) -> (i32, i32) {
    %c0_i32 = arith.constant 0 : i32
    %c0_i32_0 = arith.constant 0 : i32
    %c0_i32_1 = arith.constant 0 : i32
    return %c0_i32, %c0_i32_0 : i32, i32
  }
  func.func @transform_12(%arg0: i32) -> (i32, i32) {
    %c0_i32 = arith.constant 0 : i32
    %c0_i32_0 = arith.constant 0 : i32
    %c0_i32_1 = arith.constant 0 : i32
    return %c0_i32, %c0_i32_0 : i32, i32
  }
  func.func @transform_13(%arg0: i32) -> (i32, i32) {
    %c0_i32 = arith.constant 0 : i32
    %c0_i32_0 = arith.constant 0 : i32
    %c0_i32_1 = arith.constant 0 : i32
    return %c0_i32, %c0_i32_0 : i32, i32
  }
}

</mosaic_0001>

<sc_bundles>
// kernel: kernel.6.cloned.1.call-start
scs
__scs_entry_jumppad:
0x0: {  	(pc) =	sbr.rel $0x88, $3  }
0x1: {  	(tag) =	ssettag $0x0;
	lr =	simm.s32 $0x1  }
0x2: {  	[smem:$0x3F90] =	sst lr;
	_ =	strace $0xD0000000  }
0x3: {  	_ = 	snop  }
0x4: {  	_ = 	snop  }
0x5: {  	_ = 	snop  }
0x6: {  	_ = 	snop  }
0x7: {  	_ = 	snop  }
__scs_overlays_trampoline_lowered:
0x8: {  	[smem:$0x3F9F] =	sst s0  }
0x9: {  	[smem:$0x3FA0] =	sst s1  }
0xa: {  	[smem:$0x3FA1] =	sst s2  }
0xb: {  	[smem:$0x3FA2] =	sst s3  }
0xc: {  	[smem:$0x3FA3] =	sst s4  }
0xd: {  	[smem:$0x3FA4] =	sst s5  }
0xe: {  	[smem:$0x3FA5] =	sst s6  }
0xf: {  	[smem:$0x3FA6] =	sst s7  }
0x10: {  	[smem:$0x3FA7] =	sst s8  }
0x11: {  	[smem:$0x3FA8] =	sst s9;
	s0 =	simm.s32 @!p0 $0x0  }
0x12: {  	s1 =	sld [smem:$0x3F8E];
	s0 =	simm.s32 @p0 $0x1  }
0x13: {  	[smem:$0x3FA9] =	sst s0;
	s0 =	simm.s32 @!p1 $0x0  }
0x14: {  	s2 =	sld [smem:$0x3F8D];
	s0 =	simm.s32 @p1 $0x1  }
0x15: {  	[smem:$0x3FAA] =	sst s0;
	s0 =	simm.s32 @!p2 $0x0  }
0x16: {  	s3 =	sld [smem:$0x3FDB];
	s0 =	simm.s32 @p2 $0x1  }
0x17: {  	s4 =	simm.s32 $0x1BF5;
	[smem:$0x3FAC] =	sst s0  }
0x18: {  	s0 =	sld [smem:$0x3F8F];
	_ =	swait.ge [sflag:s4], $0x0  }
0x19: {  	s7 =	sld [smem:$0x3F90]  }
0x1a: {  	s8 =	sadd.s32 $0xFFFFE003, lr  }
0x1b: {  	s9 =	sadd.s32 $0xFFFFFEF7, lr;
	s5 =	simm.s32 $0xFFFFFFFF;
	p2 =	slt.u32 s8, $0xFFFFF086  }
0x1c: {  	p1 =	slt.u32 s9, $0xF7A;
	s5 =	simm.s32 @!p2 $0x0  }
0x1d: {  	s5 =	simm.s32 @p1 $0x1;
	p0 =	seq.s32 s7, s2  }
0x1e: {  	s7 =	smul.u32 @!p0 $0xF7A, s2;
	p2 =	seq.s32 @!p0 s5, $0x0  }
0x1f: {  	s9 =	smul.u32 $0xF7A, s1;
	s8 =	simm.s32 @!p0 $0x1BF5;
	p2 =	por !p2, p0  }
0x20: {  	[sflag:s8] =	ssyncset.s32 @!p0 $0xFFFFF086;
	s6 =	sadd.s32 @!p0 s3, s7;
	s7 =	simm.s32 @!p0 $0x108  }
0x21: {  	s3 =	sadd.s32 s3, s9;
	s6 =	sadd.s32 @!p0 $0x88, s6;
	s7 =	simm.s32 @p2 $0x1082  }
0x22: {  	[simem:s7], [sflag:s8] =	dma.local @!p0 [hbm:s6], $0xF7A  }
0x23: {  	s9 =	sor.u32 $0xD0000000, s2;
	s6 =	simm.s32 $0x108;
	_ =	swait.ge @!p0 [sflag:s8], $0x0  }
0x24: {  	s3 =	sadd.s32 $0x88, s3;
	s6 =	simm.s32 @!p1 $0x1082;
	[sflag:s4] =	ssyncset.s32 $0xFFFFF086  }
0x25: {  	[simem:s6], [sflag:s4] =	dma.local [hbm:s3], $0xF7A  }
0x26: {  	[smem:$0x3F90] =	sst s1;
	(tag) =	ssettag s2;
	_ =	strace s9  }
0x27: {  	s1 =	sld [smem:$0x3FA0]  }
0x28: {  	s2 =	sld [smem:$0x3FA1]  }
0x29: {  	s4 =	sld [smem:$0x3FA3]  }
0x2a: {  	p0 =	seq.s32 s5, $0x0;
	s5 =	sld [smem:$0x3FA4]  }
0x2b: {  	s6 =	sld [smem:$0x3FA5]  }
0x2c: {  	s7 =	sld [smem:$0x3FA6]  }
0x2d: {  	s3 =	simm.s32 $0x108;
	s8 =	sld [smem:$0x3FA7]  }
0x2e: {  	s3 =	simm.s32 @!p0 $0x1082;
	s9 =	sld [smem:$0x3FA8]  }
0x2f: {  	lr =	sadd.s32 s0, s3;
	s0 =	sld [smem:$0x3F9F]  }
0x30: {  	s3 =	sld [smem:$0x3FA2]  }
0x31: {  	[smem:$0x3FAB] =	sst s10  }
0x32: {  	s10 =	sld [smem:$0x3FA9];
	_ =	sdelay $0x3  }
0x33: {  	p0 =	seq.s32 s10, $0x1;
	s10 =	sld [smem:$0x3FAB];
	_ =	sdelay $0x3  }
0x34: {  	[smem:$0x3FAB] =	sst s10  }
0x35: {  	s10 =	sld [smem:$0x3FAA];
	_ =	sdelay $0x3  }
0x36: {  	p1 =	seq.s32 s10, $0x1;
	s10 =	sld [smem:$0x3FAB];
	_ =	sdelay $0x3  }
0x37: {  	[smem:$0x3FAB] =	sst s10  }
0x38: {  	s10 =	sld [smem:$0x3FAC]  }
0x39: {  	_ = 	snop;
	(pc) =	sbr.ind lr, $3  }
0x3a: {  	_ = 	snop  }
0x3b: {  	_ = 	snop  }
0x3c: {  	p2 =	seq.s32 s10, $0x1;
	s10 =	sld [smem:$0x3FAB]  }
0x3d: {  	_ =	shalt  }
0x3e: {  	_ =	shalt  }
0x3f: {  	_ =	shalt  }
0x40: {  	_ =	shalt  }
0x41: {  	_ =	shalt  }
0x42: {  	_ =	shalt  }
0x43: {  	_ =	shalt  }
0x44: {  	_ =	shalt  }
0x45: {  	_ =	shalt  }
0x46: {  	_ =	shalt  }
0x47: {  	_ =	shalt  }
0x48: {  	_ =	shalt  }
0x49: {  	_ =	shalt  }
0x4a: {  	_ =	shalt  }
0x4b: {  	_ =	shalt  }
0x4c: {  	_ =	shalt  }
0x4d: {  	_ =	shalt  }
0x4e: {  	_ =	shalt  }
0x4f: {  	_ =	shalt  }
0x50: {  	_ =	shalt  }
0x51: {  	_ =	shalt  }
0x52: {  	_ =	shalt  }
0x53: {  	_ =	shalt  }
0x54: {  	_ =	shalt  }
0x55: {  	_ =	shalt  }
0x56: {  	_ =	shalt  }
0x57: {  	_ =	shalt  }
0x58: {  	_ =	shalt  }
0x59: {  	_ =	shalt  }
0x5a: {  	_ =	shalt  }
0x5b: {  	_ =	shalt  }
0x5c: {  	_ =	shalt  }
0x5d: {  	_ =	shalt  }
0x5e: {  	_ =	shalt  }
0x5f: {  	_ =	shalt  }
0x60: {  	_ =	shalt  }
0x61: {  	_ =	shalt  }
0x62: {  	_ =	shalt  }
0x63: {  	_ =	shalt  }
0x64: {  	_ =	shalt  }
0x65: {  	_ =	shalt  }
0x66: {  	_ =	shalt  }
0x67: {  	_ =	shalt  }
0x68: {  	_ =	shalt  }
0x69: {  	_ =	shalt  }
0x6a: {  	_ =	shalt  }
0x6b: {  	_ =	shalt  }
0x6c: {  	_ =	shalt  }
0x6d: {  	_ =	shalt  }
0x6e: {  	_ =	shalt  }
0x6f: {  	_ =	shalt  }
0x70: {  	_ =	shalt  }
0x71: {  	_ =	shalt  }
0x72: {  	_ =	shalt  }
0x73: {  	_ =	shalt  }
0x74: {  	_ =	shalt  }
0x75: {  	_ =	shalt  }
0x76: {  	_ =	shalt  }
0x77: {  	_ =	shalt  }
0x78: {  	_ =	shalt  }
0x79: {  	_ =	shalt  }
0x7a: {  	_ =	shalt  }
0x7b: {  	_ =	shalt  }
0x7c: {  	_ =	shalt  }
0x7d: {  	_ =	shalt  }
0x7e: {  	_ =	shalt  }
0x7f: {  	_ =	shalt  }
0x80: {  	_ =	shalt  }
0x81: {  	_ =	shalt  }
0x82: {  	_ =	shalt  }
0x83: {  	_ =	shalt  }
0x84: {  	_ =	shalt  }
0x85: {  	_ =	shalt  }
0x86: {  	_ =	shalt  }
0x87: {  	_ =	shalt  }
.Lfunc_end0:
.L_simem_size_0:
called_computation_lowered:
.L_overlay_start_0:
0x88: {  	s2 =	sld [smem:$0x3FD9]  }
0x89: {  	s3 =	sld [smem:$0x3FFE];
	_ =	sdelay $0x1  }
0x8a: {  	s1 =	srdreg.scid  }
0x8b: {  	s0 =	sand.u32 $0x1, s1  }
0x8c: {  	s16 =	sshll.u32 s0, $0xA;
	s2 =	sadd.s32 s3, s2  }
0x8d: {  	s2 =	sadd.s32 s2, s16  }
0x8e: {  	[smem:$0x3FB7] =	sst s2  }
0x8f: {  	_ = 	snop  }
0x90: {  	(tm) =	ssettm $0x1  }
0x91: {  	s17 =	sld [smem:$0x3FFB];
	_ =	sdelay $0x3  }
0x92: {  	_ =	strace s17  }
0x93: {  	s2 =	sld [smem:$0x3FFC];
	_ =	sdelay $0x3  }
0x94: {  	_ =	strace s2  }
0x95: {  	s2 =	sld [smem:$0x3FFD];
	_ =	sdelay $0x3  }
0x96: {  	_ =	strace s2  }
0x97: {  	_ =	strace $0x8FFFFFFF  }
0x98: {  	s18 =	sld [smem:$0x3FDB];
	_ =	sdelay $0x1  }
0x99: {  	s19 =	simm.s32 $_scs_section_size  }
0x9a: {  	s4 =	simm.s32 $_size__tile_overlayer_lowered;
	s5 =	simm.s32 $_tile_overlayer_lowered  }
0x9b: {  	s22 =	simm.s32 $0x1BFF;
	s21 =	sshll.u32 s5, $0x1;
	s2 =	sadd.s32 s19, s18  }
0x9c: {  	s6 =	simm.s32 $0x0;
	s20 =	sshll.u32 s4, $0x1;
	s4 =	sadd.s32 s21, s2  }
0x9d: {  	[timem:s6], [sflag:s22] =	dma.local [hbm:s4], s20  }
0x9e: {  	_ =	swait.ge [sflag:s22], s20  }
0x9f: {  	s3 =	ssub.s32 $0x0, s20;
	[sflag:s22] =	ssyncset.done $0x0  }
0xa0: {  	[sflag:s22] =	ssyncadd.s32 s3;
	_ =	sdelay $0x1  }
0xa1: {  	s23 =	simm.s32 $0x1B8B  }
0xa2: {  	_ =	swait.ge [sflag:s23], $0x1  }
0xa3: {  	[sflag:s23] =	ssyncset.done $0x0  }
0xa4: {  	s25 =	simm.s32 $0x1B8E;
	s24 =	sld [smem:$0x3FFE];
	[sflag:s23] =	ssyncadd.s32 $0xFFFFFFFF  }
0xa5: {  	s26 =	simm.s32 $execute0_lowered;
	[smem:$0x3FD2] =	sst s25  }
0xa6: {  	s4 =	sshll.u32 s26, $0x1;
	_ =	strace $0x80000046;
	[dreg:$0x1] =	wrdreg $0xFFFFFFFF  }
0xa7: {  	s28 =	simm.s32 $_size_execute0_lowered;
	s2 =	sadd.s32 s2, s4;
	[dreg:$0x0] =	wrdreg $0x0  }
0xa8: {  	s4 =	sshll.u32 s28, $0x1;
	[dreg:$0x2] =	wrdreg s2  }
0xa9: {  	[dreg:$0x3] =	wrdreg s4  }
0xaa: {  	[dreg:$0x4] =	wrdreg $0xC0  }
0xab: {  	_ =	task [dreg:s6], $0x5FFFF  }
0xac: {  	[dreg:$0x1] =	wrdreg $0xFFFFFFFF  }
0xad: {  	[dreg:$0x0] =	wrdreg $0x60  }
0xae: {  	[dreg:$0x2] =	wrdreg s24  }
0xaf: {  	[dreg:$0x3] =	wrdreg $0x68000  }
0xb0: {  	[dreg:$0x4] =	wrdreg $0x104400  }
0xb1: {  	[dreg:$0x5] =	wrdreg $0x9  }
0xb2: {  	_ =	task.clear_ibuf [dreg:s6], $0x6FFFF;
	_ =	strace $0x90000046  }
0xb3: {  	s29 =	simm.s32 $0x9;
	_ =	strace $0x80000048  }
0xb4: {  	_ =	swait.ge [sflag:s29], $0x1  }
0xb5: {  	[sflag:s29] =	ssyncadd.s32 $0xFFFFFFFF  }
0xb6: {  	_ =	strace $0x90000048  }
0xb7: {  	_ =	sfence  }
0xb8: {  	s30 =	sld [smem:$0x0];
	_ =	sdelay $0x2  }
0xb9: {  	s31 =	sshll.u32 s1, $0xD;
	s1 =	sshrl.u32 s1, $0x2  }
0xba: {  	s3 =	sand.u32 $0x4000, s31;
	s1 =	sadd.s32 s1, s30  }
0xbb: {  	s0 =	sor.u32 s3, s0;
	s1 =	sshll.u32 s1, $0x11  }
0xbc: {  	s0 =	sor.u32 s1, s0  }
0xbd: {  	s0 =	sadd.s32 $0x8F2B, s0  }
0xbe: {  	[sflag:s0] =	ssyncadd.remote.s32 $0x1  }
0xbf: {  	_ =	sfence.sel $0xFFFF  }
0xc0: {  	[dreg:$0x0] =	wrdreg $0xFFFFFFFF;
	(pc) =	sbr.abs _section_cstart, $3  }
0xc1: {  	[dreg:$0x1] =	wrdreg $0xFFFFFFFF  }
0xc2: {  	_ =	task.clear_ibuf [dreg:s6], $0x2FFFF;
	_ =	strace $0x9FFFFFFF  }
0xc3: {  	(tm) =	ssettm $0x7FFFFFFF  }
tec
execute0_lowered:
.L_overlay_start_1:
0x0: {  	(tag) =	ssettag $0x1  }
0x1: {  	s0 =	rddreg [dreg:$0x0]  }
0x2: {  	s1 =	rddreg [dreg:$0x1]  }
0x3: {  	s2 =	rddreg [dreg:$0x2]  }
0x4: {  	s3 =	simm.s32 $0x0;
	s4 =	srdreg.scid;
	s16 =	stileid.u32  }
0x5: {  	[smem:$0x7FF] =	sst s3;
	s6 =	sadd.s32 $0x34400, s0;
	s4 =	sand.u32 $0x1, s4  }
0x6: {  	s7 =	sadd.s32 $0x2A400, s0;
	s5 =	sadd.s32 $0x51E00, s0;
	s9 =	sadd.s32 $0x3E400, s0  }
0x7: {  	s20 =	sshll.u32 s16, $0xD;
	s21 =	sor.u32 $0x10, s16;
	s11 =	smul.u32 $0x5000, s16  }
0x8: {  	s13 =	sor.u32 $0x20, s16;
	s31 =	smul.u32 $0x27000, s16;
	s18 =	sor.u32 $0x40, s16  }
0x9: {  	p1 =	slt.u32 s16, $0x2;
	_ =	strace $0x80000047;
	s8 =	ssub.s32 $0x2, s4  }
0xa: {  	p0 =	seq.s32 s4, $0x1;
	s12 =	sshll.u32 s21, $0xA;
	s10 =	sshrl.u32 s8, $0x1  }
0xb: {  	s19 =	sshll.u32 s18, $0xD;
	s11 =	sshrl.u32 s11, $0x3;
	s8 =	ssub.s32 s8, s10  }
0xc: {  	s10 =	sadd.s32 s20, s1;
	s14 =	sadd.s32 s6, s11;
	s22 =	sadd.s32 $0x280, s11  }
0xd: {  	s15 =	sadd.s32 s7, s11;
	s24 =	sadd.s32 $0x500, s11;
	[dreg:$0x4] =	wrdreg s10  }
0xe: {  	s11 =	sadd.s32 $0x780, s11;
	s20 =	sadd.s32 s19, s1;
	[dreg:$0x6] =	wrdreg s14  }
0xf: {  	s19 =	simm.s32 $0x28;
	s10 =	sshll.u32 s21, $0xD;
	[dreg:$0x7] =	wrdreg s15  }
0x10: {  	s23 =	sadd.s32 s6, s22;
	s14 =	sadd.s32 s7, s22;
	[dreg:$0x10] =	wrdreg s20  }
0x11: {  	s25 =	sadd.s32 s6, s24;
	s26 =	sadd.s32 s7, s24;
	[dreg:$0x8] =	wrdreg s23  }
0x12: {  	s6 =	sadd.s32 s6, s11;
	s30 =	sadd.s32 s7, s11;
	[dreg:$0x9] =	wrdreg s14  }
0x13: {  	s15 =	sor.u32 $0x30, s16;
	s21 =	smul.u32 $0x27, s16;
	[dreg:$0xa] =	wrdreg s25  }
0x14: {  	s19 =	simm.s32 @!p1 $0x27;
	p1 =	seq.s32 s16, $0x0;
	[dreg:$0xb] =	wrdreg s26  }
0x15: {  	s20 =	simm.s32 $0x28;
	s22 =	sshll.u32 s16, $0xA;
	[dreg:$0xc] =	wrdreg s6  }
0x16: {  	s8 =	smax.u32 s8, $0x1;
	s10 =	sadd.s32 s10, s1;
	[dreg:$0xd] =	wrdreg s30  }
0x17: {  	s6 =	simm.s32 $0x3000;
	s14 =	smin.u32 s16, $0x2;
	s17 =	sshll.u32 s15, $0xA  }
0x18: {  	s20 =	simm.s32 @!p1 $0x27;
	[dreg:$0x11] =	wrdreg s8;
	s8 =	simm.s32 $0x80  }
0x19: {  	[dreg:$0x5] =	wrdreg s10;
	s10 =	sshll.u32 s13, $0xA;
	s13 =	sshll.u32 s13, $0xD  }
0x1a: {  	s6 =	simm.s32 @!p0 $0x16A00;
	s11 =	sshll.u32 s14, $0xC;
	p0 =	sne.s32 s4, $0x0  }
0x1b: {  	s4 =	sshll.u32 s18, $0xA;
	s14 =	simm.s32 $0x0;
	s13 =	sadd.s32 s13, s1  }
0x1c: {  	s0 =	sadd.s32 s6, s0;
	s7 =	sadd.s32 s11, s31;
	s6 =	sshll.u32 s15, $0xD  }
0x1d: {  	s5 =	smov.u32 @p0 s9;
	s9 =	simm.s32 $0x4800;
	s11 =	simm.s32 $0x2  }
0x1e: {  	[dreg:$0xe] =	wrdreg s13;
	s6 =	sadd.s32 s6, s1;
	s23 =	sadd.s32 s0, s22  }
0x1f: {  	s24 =	sadd.s32 s0, s12;
	s25 =	sadd.s32 s0, s10;
	[dreg:$0xf] =	wrdreg s6  }
0x20: {  	s26 =	sadd.s32 s0, s17;
	s28 =	sadd.s32 $0x13800, s0;
	[dreg:$0x12] =	wrdreg s23  }
0x21: {  	s30 =	sshrl.u32 s7, $0x2;
	s7 =	simm.s32 $0x1400;
	[dreg:$0x13] =	wrdreg s24  }
0x22: {  	s10 =	simm.s32 $0x1;
	s12 =	simm.s32 $0x2700;
	[dreg:$0x14] =	wrdreg s25  }
0x23: {  	s13 =	simm.s32 $0x2780;
	s6 =	sadd.s32 $0x1, s21;
	[dreg:$0x15] =	wrdreg s26  }
0x24: {  	s26 =	sadd.s32 s0, s4;
	s29 =	sadd.s32 s30, s2;
	s0 =	sadd.s32 $0x9C000, s1  }
0x25: {  	s4 =	simm.s32 $0x2800;
	s6 =	simm.s32 @p1 $0x0;
	p1 =	sgt.u32 s16, $0xD  }
0x26: {  	s31 =	sshll.u32 s6, $0xA;
	s18 =	sshll.u32 s6, $0x7;
	p2 =	sne.s32 @p1 s16, $0xE  }
0x27: {  	v0 =	vimm.f32 $0.0e+00;
	s6 =	simm.s32 $0x3;
	s21 =	sadd.s32 s31, s2;
	p2 =	por p2, !p1  }
.LBB2_1:
0x28: {  	s15 =	rddreg [dreg:$0x12]  }
0x29: {  	[tilespmem:s4], [sflag:$0x3] =	stream.linear.gather [hbm4b:s15+s3], $0x2000, $0x38;
	[tilespmem:$0x1A0C0] =	vst v63  }
0x2a: {  	_ =	swait.ge [sflag:s6], $0x2000  }
0x2b: {  	[sflag:s6] =	ssyncset.done $0x0  }
0x2c: {  	s17 =	rddreg [dreg:$0x4];
	[sflag:s6] =	ssyncadd.s32 $0xFFFFE000  }
0x2d: {  	[spmem:s17] =	stream.linear.scatter [tilespmem:s4], [sflag:$0x3], $0x2000, $0x38;
	[tilespmem:$0x1A0C0] =	vst v63  }
0x2e: {  	_ =	swait.ge [sflag:s6], $0x2000  }
0x2f: {  	[sflag:s6] =	ssyncset.done $0x0  }
0x30: {  	s22 =	rddreg [dreg:$0x13];
	[sflag:s6] =	ssyncadd.s32 $0xFFFFE000  }
0x31: {  	[tilespmem:s4], [sflag:$0x3] =	stream.linear.gather [hbm4b:s22+s3], $0x2000, $0x38;
	[tilespmem:$0x1A0C0] =	vst v63  }
0x32: {  	_ =	swait.ge [sflag:s6], $0x2000  }
0x33: {  	[sflag:s6] =	ssyncset.done $0x0  }
0x34: {  	s23 =	rddreg [dreg:$0x5];
	[sflag:s6] =	ssyncadd.s32 $0xFFFFE000  }
0x35: {  	[spmem:s23] =	stream.linear.scatter [tilespmem:s4], [sflag:$0x3], $0x2000, $0x38;
	[tilespmem:$0x1A0C0] =	vst v63  }
0x36: {  	_ =	swait.ge [sflag:s6], $0x2000  }
0x37: {  	[sflag:s6] =	ssyncset.done $0x0  }
0x38: {  	s24 =	rddreg [dreg:$0x14];
	[sflag:s6] =	ssyncadd.s32 $0xFFFFE000  }
0x39: {  	[tilespmem:s4], [sflag:$0x3] =	stream.linear.gather [hbm4b:s24+s3], $0x2000, $0x38;
	[tilespmem:$0x1A0C0] =	vst v63  }
0x3a: {  	_ =	swait.ge [sflag:s6], $0x2000  }
0x3b: {  	[sflag:s6] =	ssyncset.done $0x0  }
0x3c: {  	s25 =	rddreg [dreg:$0xe];
	[sflag:s6] =	ssyncadd.s32 $0xFFFFE000  }
0x3d: {  	[spmem:s25] =	stream.linear.scatter [tilespmem:s4], [sflag:$0x3], $0x2000, $0x38;
	[tilespmem:$0x1A0C0] =	vst v63  }
0x3e: {  	_ =	swait.ge [sflag:s6], $0x2000  }
0x3f: {  	[sflag:s6] =	ssyncset.done $0x0  }
0x40: {  	s30 =	rddreg [dreg:$0x15];
	[sflag:s6] =	ssyncadd.s32 $0xFFFFE000  }
0x41: {  	[tilespmem:s4], [sflag:$0x3] =	stream.linear.gather [hbm4b:s30+s3], $0x2000, $0x38;
	[tilespmem:$0x1A0C0] =	vst v63  }
0x42: {  	_ =	swait.ge [sflag:s6], $0x2000  }
0x43: {  	[sflag:s6] =	ssyncset.done $0x0  }
0x44: {  	s31 =	rddreg [dreg:$0xf];
	[sflag:s6] =	ssyncadd.s32 $0xFFFFE000  }
0x45: {  	[spmem:s31] =	stream.linear.scatter [tilespmem:s4], [sflag:$0x3], $0x2000, $0x38;
	[tilespmem:$0x1A0C0] =	vst v63  }
0x46: {  	_ =	swait.ge [sflag:s6], $0x2000  }
0x47: {  	[sflag:s6] =	ssyncset.done $0x0  }
0x48: {  	s16 =	simm.s32 @!p2 $0x2800;
	s15 =	simm.s32 @!p2 $0x0;
	[sflag:s6] =	ssyncadd.s32 $0xFFFFE000  }
0x49: {  	[tilespmem:s16], [sflag:$0x3] =	stream.linear.gather @!p2 [hbm4b:s28+s15], $0x400, $0x38;
	[tilespmem:$0x1A0C0] =	vst v63  }
0x4a: {  	s15 =	simm.s32 @!p2 $0x3  }
0x4b: {  	_ =	swait.ge @!p2 [sflag:s15], $0x400  }
0x4c: {  	[sflag:s15] =	ssyncset.done @!p2 $0x0  }
0x4d: {  	[sflag:s15] =	ssyncadd.s32 @!p2 $0xFFFFFC00  }
0x4e: {  	[spmem:s0] =	stream.linear.scatter @!p2 [tilespmem:s16], [sflag:$0x3], $0x400, $0x38;
	[tilespmem:$0x1A0C0] =	vst v63  }
0x4f: {  	_ =	swait.ge @!p2 [sflag:s15], $0x400  }
0x50: {  	[sflag:s15] =	ssyncset.done @!p2 $0x0  }
0x51: {  	s16 =	simm.s32 @!p1 $0x2800;
	[sflag:s15] =	ssyncadd.s32 @!p2 $0xFFFFFC00;
	s15 =	simm.s32 @!p1 $0x0  }
0x52: {  	[tilespmem:s16], [sflag:$0x3] =	stream.linear.gather @!p1 [hbm4b:s26+s15], $0x2000, $0x38;
	[tilespmem:$0x1A0C0] =	vst v63  }
0x53: {  	s15 =	simm.s32 @!p1 $0x3  }
0x54: {  	_ =	swait.ge @!p1 [sflag:s15], $0x2000  }
0x55: {  	[sflag:s15] =	ssyncset.done @!p1 $0x0  }
0x56: {  	s17 =	rddreg [dreg:$0x10];
	[sflag:s15] =	ssyncadd.s32 @!p1 $0xFFFFE000  }
0x57: {  	[spmem:s17] =	stream.linear.scatter @!p1 [tilespmem:s16], [sflag:$0x3], $0x2000, $0x38;
	[tilespmem:$0x1A0C0] =	vst v63  }
0x58: {  	_ =	swait.ge @!p1 [sflag:s15], $0x2000  }
0x59: {  	[sflag:s15] =	ssyncset.done @!p1 $0x0  }
0x5a: {  	[sflag:s15] =	ssyncadd.s32 @!p1 $0xFFFFE000  }
0x5b: {  	[tilespmem:$0x2800] =	vst v0  }
0x5c: {  	[tilespmem:$0x2810] =	vst v0  }
0x5d: {  	[tilespmem:$0x2820] =	vst v0  }
0x5e: {  	[tilespmem:$0x2830] =	vst v0  }
0x5f: {  	[tilespmem:$0x2840] =	vst v0  }
0x60: {  	[tilespmem:$0x2850] =	vst v0  }
0x61: {  	[tilespmem:$0x2860] =	vst v0  }
0x62: {  	[tilespmem:$0x2870] =	vst v0  }
0x63: {  	[tilespmem:$0x2880] =	vst v0  }
0x64: {  	[tilespmem:$0x2890] =	vst v0  }
0x65: {  	[tilespmem:$0x28A0] =	vst v0  }
0x66: {  	[tilespmem:$0x28B0] =	vst v0  }
0x67: {  	[tilespmem:$0x28C0] =	vst v0  }
0x68: {  	[tilespmem:$0x28D0] =	vst v0  }
0x69: {  	[tilespmem:$0x28E0] =	vst v0  }
0x6a: {  	[tilespmem:$0x28F0] =	vst v0  }
0x6b: {  	[tilespmem:$0x2900] =	vst v0  }
0x6c: {  	[tilespmem:$0x2910] =	vst v0  }
0x6d: {  	[tilespmem:$0x2920] =	vst v0  }
0x6e: {  	[tilespmem:$0x2930] =	vst v0  }
0x6f: {  	[tilespmem:$0x2940] =	vst v0  }
0x70: {  	[tilespmem:$0x2950] =	vst v0  }
0x71: {  	[tilespmem:$0x2960] =	vst v0  }
0x72: {  	[tilespmem:$0x2970] =	vst v0  }
0x73: {  	[tilespmem:$0x2980] =	vst v0  }
0x74: {  	[tilespmem:$0x2990] =	vst v0  }
0x75: {  	[tilespmem:$0x29A0] =	vst v0  }
0x76: {  	[tilespmem:$0x29B0] =	vst v0  }
0x77: {  	[tilespmem:$0x29C0] =	vst v0  }
0x78: {  	[tilespmem:$0x29D0] =	vst v0  }
0x79: {  	[tilespmem:$0x29E0] =	vst v0  }
0x7a: {  	[tilespmem:$0x29F0] =	vst v0  }
0x7b: {  	[tilespmem:$0x2A00] =	vst v0  }
0x7c: {  	[tilespmem:$0x2A10] =	vst v0  }
0x7d: {  	[tilespmem:$0x2A20] =	vst v0  }
0x7e: {  	[tilespmem:$0x2A30] =	vst v0  }
0x7f: {  	[tilespmem:$0x2A40] =	vst v0  }
0x80: {  	[tilespmem:$0x2A50] =	vst v0  }
0x81: {  	[tilespmem:$0x2A60] =	vst v0  }
0x82: {  	[tilespmem:$0x2A70] =	vst v0  }
0x83: {  	[tilespmem:$0x2A80] =	vst v0  }
0x84: {  	[tilespmem:$0x2A90] =	vst v0  }
0x85: {  	[tilespmem:$0x2AA0] =	vst v0  }
0x86: {  	[tilespmem:$0x2AB0] =	vst v0  }
0x87: {  	[tilespmem:$0x2AC0] =	vst v0  }
0x88: {  	[tilespmem:$0x2AD0] =	vst v0  }
0x89: {  	[tilespmem:$0x2AE0] =	vst v0  }
0x8a: {  	[tilespmem:$0x2AF0] =	vst v0  }
0x8b: {  	[tilespmem:$0x2B00] =	vst v0  }
0x8c: {  	[tilespmem:$0x2B10] =	vst v0  }
0x8d: {  	[tilespmem:$0x2B20] =	vst v0  }
0x8e: {  	[tilespmem:$0x2B30] =	vst v0  }
0x8f: {  	[tilespmem:$0x2B40] =	vst v0  }
0x90: {  	[tilespmem:$0x2B50] =	vst v0  }
0x91: {  	[tilespmem:$0x2B60] =	vst v0  }
0x92: {  	[tilespmem:$0x2B70] =	vst v0  }
0x93: {  	[tilespmem:$0x2B80] =	vst v0  }
0x94: {  	[tilespmem:$0x2B90] =	vst v0  }
0x95: {  	[tilespmem:$0x2BA0] =	vst v0  }
0x96: {  	[tilespmem:$0x2BB0] =	vst v0  }
0x97: {  	[tilespmem:$0x2BC0] =	vst v0  }
0x98: {  	p3 =	sne.s32 s19, $0x1;
	[tilespmem:$0x2BD0] =	vst v0  }
.Ltmp0:
0x99: {  	[tilespmem:$0x2BE0] =	vst v0;
	(pc) =	sbr.rel @!p3 .LBB2_3-.Ltmp0, $4  }
0x9a: {  	[tilespmem:$0x2BF0] =	vst v0  }
0x9b: {  	[spmem:s29] =	stream.linear.scatter [tilespmem:s4], [sflag:$0x3], $0x400, $0x38;
	[tilespmem:$0x1A0C0] =	vst v63  }
0x9c: {  	_ =	swait.ge [sflag:s6], $0x400  }
0x9d: {  	s16 =	smov.u32 s29;
	s15 =	sadd.s32 $0xFFFFFFFF, s19;
	[sflag:s6] =	ssyncset.done $0x0  }
.LBB2_2:
0x9e: {  	p3 =	sne.s32 s15, $0x1;
	[sflag:s6] =	ssyncadd.s32 $0xFFFFFC00;
	s16 =	sadd.s32 $0x400, s16  }
.Ltmp1:
0x9f: {  	s15 =	sadd.s32 $0xFFFFFFFF, s15;
	(pc) =	sbr.rel @p3 .LBB2_2-.Ltmp1, $4  }
0xa0: {  	_ = 	snop  }
0xa1: {  	[spmem:s16] =	stream.linear.scatter [tilespmem:s4], [sflag:$0x3], $0x400, $0x38;
	[tilespmem:$0x1A0C0] =	vst v63  }
0xa2: {  	_ =	swait.ge [sflag:s6], $0x400  }
0xa3: {  	[sflag:s6] =	ssyncset.done $0x0  }
.LBB2_3:
0xa4: {  	[sflag:s6] =	ssyncadd.s32 $0xFFFFFC00  }
0xa5: {  	[bflag:$0x0] =	sbarrier.arrive $0xFFFF  }
0xa6: {  	s15 =	simm.s32 $0x0;
	s16 =	rddreg [dreg:$0x6]  }
0xa7: {  	[tilespmem:s15], [sflag:$0x3] =	stream.linear.gather [hbm4b:s16+s15], $0x1400, $0x38;
	[tilespmem:$0x1A0C0] =	vst v63  }
0xa8: {  	_ =	swait.ge [sflag:s6], $0x1400  }
0xa9: {  	[sflag:s6] =	ssyncset.done $0x0  }
0xaa: {  	s24 =	rddreg [dreg:$0x7];
	[sflag:s6] =	ssyncadd.s32 $0xFFFFEC00  }
0xab: {  	[tilespmem:s7], [sflag:$0x3] =	stream.linear.gather [hbm4b:s24+s15], $0x1400, $0x38;
	[tilespmem:$0x1A0C0] =	vst v63  }
0xac: {  	_ =	swait.ge [sflag:s6], $0x1400  }
0xad: {  	[sflag:s6] =	ssyncset.done $0x0  }
0xae: {  	[sflag:s6] =	ssyncadd.s32 $0xFFFFEC00  }
0xaf: {  	[tilespmem:s4], [sflag:$0x1] =	stream.indirect.gather [spmem:s1], $0x40, s15, s8, $0xb8;
	[tilespmem:$0x1A0C0] =	vst v63  }
0xb0: {  	_ = 	snop  }
0xb1: {  	[tilespmem:s9], [sflag:$0x2] =	stream.indirect.gather [spmem:s1], $0x40, s8, s8, $0xb8;
	[tilespmem:$0x1A0C0] =	vst v63  }
0xb2: {  	_ =	swait.ge [sflag:s10], $0x2000  }
0xb3: {  	[sflag:s10] =	ssyncset.done $0x0  }
0xb4: {  	s25 =	simm.s32 $0x1400;
	[sflag:s10] =	ssyncadd.s32 $0xFFFFE000  }
0xb5: {  	[spmem:s2] =	stream.indirect.scatter.add.f32 [tilespmem:s4], [sflag:$0x3], $0x40, s25, s8, $0xb8;
	[tilespmem:$0x1A0C0] =	vst v63  }
0xb6: {  	_ =	swait.ge [sflag:s6], $0x2000  }
0xb7: {  	[sflag:s6] =	ssyncset.done $0x0  }
0xb8: {  	s30 =	simm.s32 $0x100;
	[sflag:s6] =	ssyncadd.s32 $0xFFFFE000  }
0xb9: {  	[tilespmem:s4], [sflag:$0x1] =	stream.indirect.gather [spmem:s1], $0x40, s30, s8, $0xb8;
	[tilespmem:$0x1A0C0] =	vst v63  }
0xba: {  	_ =	swait.ge [sflag:s11], $0x2000  }
0xbb: {  	[sflag:s11] =	ssyncset.done $0x0  }
0xbc: {  	s31 =	simm.s32 $0x1480;
	[sflag:s11] =	ssyncadd.s32 $0xFFFFE000  }
0xbd: {  	[spmem:s2] =	stream.indirect.scatter.add.f32 [tilespmem:s9], [sflag:$0x3], $0x40, s31, s8, $0xb8;
	[tilespmem:$0x1A0C0] =	vst v63  }
0xbe: {  	_ =	swait.ge [sflag:s6], $0x2000  }
0xbf: {  	[sflag:s6] =	ssyncset.done $0x0  }
0xc0: {  	s16 =	simm.s32 $0x180;
	s15 =	simm.s32 $0x400;
	[sflag:s6] =	ssyncadd.s32 $0xFFFFE000  }
.LBB2_4:
0xc1: {  	[tilespmem:s9], [sflag:$0x2] =	stream.indirect.gather [spmem:s1], $0x40, s16, s8, $0xb8;
	[tilespmem:$0x1A0C0] =	vst v63  }
0xc2: {  	s16 =	smov.u32 s15  }
0xc3: {  	p3 =	sne.s32 s15, $0x4800;
	s15 =	sadd.s32 $0x400, s15;
	_ =	swait.ge [sflag:s10], $0x2000  }
0xc4: {  	s16 =	sshra.s32 s16, $0x2;
	[sflag:s10] =	ssyncset.done $0x0  }
0xc5: {  	s17 =	sadd.s32 $0x1400, s16;
	[sflag:s10] =	ssyncadd.s32 $0xFFFFE000  }
0xc6: {  	[spmem:s2] =	stream.indirect.scatter.add.f32 [tilespmem:s4], [sflag:$0x3], $0x40, s17, s8, $0xb8;
	[tilespmem:$0x1A0C0] =	vst v63  }
0xc7: {  	_ =	swait.ge [sflag:s6], $0x2000  }
0xc8: {  	[sflag:s6] =	ssyncset.done $0x0  }
0xc9: {  	s17 =	sadd.s32 $0x100, s16;
	[sflag:s6] =	ssyncadd.s32 $0xFFFFE000  }
0xca: {  	[tilespmem:s4], [sflag:$0x1] =	stream.indirect.gather [spmem:s1], $0x40, s17, s8, $0xb8;
	[tilespmem:$0x1A0C0] =	vst v63  }
0xcb: {  	_ =	swait.ge [sflag:s11], $0x2000  }
0xcc: {  	[sflag:s11] =	ssyncset.done $0x0  }
.Ltmp2:
0xcd: {  	s17 =	sadd.s32 $0x1480, s16;
	[sflag:s11] =	ssyncadd.s32 $0xFFFFE000;
	(pc) =	sbr.rel @p3 .LBB2_4-.Ltmp2, $4  }
0xce: {  	[spmem:s2] =	stream.indirect.scatter.add.f32 [tilespmem:s9], [sflag:$0x3], $0x40, s17, s8, $0xb8;
	[tilespmem:$0x1A0C0] =	vst v63  }
0xcf: {  	_ =	swait.ge [sflag:s6], $0x2000  }
0xd0: {  	[sflag:s6] =	ssyncset.done $0x0  }
0xd1: {  	s16 =	sadd.s32 $0x180, s16;
	[sflag:s6] =	ssyncadd.s32 $0xFFFFE000  }
0xd2: {  	[tilespmem:s9], [sflag:$0x2] =	stream.indirect.gather [spmem:s1], $0x40, s16, s8, $0xb8;
	[tilespmem:$0x1A0C0] =	vst v63  }
0xd3: {  	_ =	swait.ge [sflag:s10], $0x2000  }
0xd4: {  	[sflag:s10] =	ssyncset.done $0x0  }
0xd5: {  	[sflag:s10] =	ssyncadd.s32 $0xFFFFE000  }
0xd6: {  	[spmem:s2] =	stream.indirect.scatter.add.f32 [tilespmem:s4], [sflag:$0x3], $0x40, s12, s8, $0xb8;
	[tilespmem:$0x1A0C0] =	vst v63  }
0xd7: {  	_ =	swait.ge [sflag:s6], $0x2000  }
0xd8: {  	[sflag:s6] =	ssyncset.done $0x0  }
0xd9: {  	[sflag:s6] =	ssyncadd.s32 $0xFFFFE000  }
0xda: {  	_ =	swait.ge [sflag:s11], $0x2000  }
0xdb: {  	[sflag:s11] =	ssyncset.done $0x0  }
0xdc: {  	[sflag:s11] =	ssyncadd.s32 $0xFFFFE000  }
0xdd: {  	[spmem:s2] =	stream.indirect.scatter.add.f32 [tilespmem:s9], [sflag:$0x3], $0x40, s13, s8, $0xb8;
	[tilespmem:$0x1A0C0] =	vst v63  }
0xde: {  	_ =	swait.ge [sflag:s6], $0x2000  }
0xdf: {  	[sflag:s6] =	ssyncset.done $0x0  }
0xe0: {  	s15 =	simm.s32 $0x0;
	s23 =	rddreg [dreg:$0x8];
	[sflag:s6] =	ssyncadd.s32 $0xFFFFE000  }
0xe1: {  	[tilespmem:s15], [sflag:$0x3] =	stream.linear.gather [hbm4b:s23+s15], $0x1400, $0x38;
	[tilespmem:$0x1A0C0] =	vst v63  }
0xe2: {  	_ =	swait.ge [sflag:s6], $0x1400  }
0xe3: {  	[sflag:s6] =	ssyncset.done $0x0  }
0xe4: {  	s24 =	rddreg [dreg:$0x9];
	[sflag:s6] =	ssyncadd.s32 $0xFFFFEC00  }
0xe5: {  	[tilespmem:s7], [sflag:$0x3] =	stream.linear.gather [hbm4b:s24+s15], $0x1400, $0x38;
	[tilespmem:$0x1A0C0] =	vst v63  }
0xe6: {  	_ =	swait.ge [sflag:s6], $0x1400  }
0xe7: {  	[sflag:s6] =	ssyncset.done $0x0  }
0xe8: {  	[sflag:s6] =	ssyncadd.s32 $0xFFFFEC00  }
0xe9: {  	[tilespmem:s4], [sflag:$0x1] =	stream.indirect.gather [spmem:s1], $0x40, s15, s8, $0xb8;
	[tilespmem:$0x1A0C0] =	vst v63  }
0xea: {  	_ = 	snop  }
0xeb: {  	[tilespmem:s9], [sflag:$0x2] =	stream.indirect.gather [spmem:s1], $0x40, s8, s8, $0xb8;
	[tilespmem:$0x1A0C0] =	vst v63  }
0xec: {  	_ =	swait.ge [sflag:s10], $0x2000  }
0xed: {  	[sflag:s10] =	ssyncset.done $0x0  }
0xee: {  	s25 =	simm.s32 $0x1400;
	[sflag:s10] =	ssyncadd.s32 $0xFFFFE000  }
0xef: {  	[spmem:s2] =	stream.indirect.scatter.add.f32 [tilespmem:s4], [sflag:$0x3], $0x40, s25, s8, $0xb8;
	[tilespmem:$0x1A0C0] =	vst v63  }
0xf0: {  	_ =	swait.ge [sflag:s6], $0x2000  }
0xf1: {  	[sflag:s6] =	ssyncset.done $0x0  }
0xf2: {  	s30 =	simm.s32 $0x100;
	[sflag:s6] =	ssyncadd.s32 $0xFFFFE000  }
0xf3: {  	[tilespmem:s4], [sflag:$0x1] =	stream.indirect.gather [spmem:s1], $0x40, s30, s8, $0xb8;
	[tilespmem:$0x1A0C0] =	vst v63  }
0xf4: {  	_ =	swait.ge [sflag:s11], $0x2000  }
0xf5: {  	[sflag:s11] =	ssyncset.done $0x0  }
0xf6: {  	s31 =	simm.s32 $0x1480;
	[sflag:s11] =	ssyncadd.s32 $0xFFFFE000  }
0xf7: {  	[spmem:s2] =	stream.indirect.scatter.add.f32 [tilespmem:s9], [sflag:$0x3], $0x40, s31, s8, $0xb8;
	[tilespmem:$0x1A0C0] =	vst v63  }
0xf8: {  	_ =	swait.ge [sflag:s6], $0x2000  }
0xf9: {  	[sflag:s6] =	ssyncset.done $0x0  }
0xfa: {  	s16 =	simm.s32 $0x180;
	s15 =	simm.s32 $0x400;
	[sflag:s6] =	ssyncadd.s32 $0xFFFFE000  }
.LBB2_6:
0xfb: {  	[tilespmem:s9], [sflag:$0x2] =	stream.indirect.gather [spmem:s1], $0x40, s16, s8, $0xb8;
	[tilespmem:$0x1A0C0] =	vst v63  }
0xfc: {  	s16 =	smov.u32 s15  }
0xfd: {  	p3 =	sne.s32 s15, $0x4800;
	s15 =	sadd.s32 $0x400, s15;
	_ =	swait.ge [sflag:s10], $0x2000  }
0xfe: {  	s16 =	sshra.s32 s16, $0x2;
	[sflag:s10] =	ssyncset.done $0x0  }
0xff: {  	s17 =	sadd.s32 $0x1400, s16;
	[sflag:s10] =	ssyncadd.s32 $0xFFFFE000  }
0x100: {  	[spmem:s2] =	stream.indirect.scatter.add.f32 [tilespmem:s4], [sflag:$0x3], $0x40, s17, s8, $0xb8;
	[tilespmem:$0x1A0C0] =	vst v63  }
0x101: {  	_ =	swait.ge [sflag:s6], $0x2000  }
0x102: {  	[sflag:s6] =	ssyncset.done $0x0  }
0x103: {  	s17 =	sadd.s32 $0x100, s16;
	[sflag:s6] =	ssyncadd.s32 $0xFFFFE000  }
0x104: {  	[tilespmem:s4], [sflag:$0x1] =	stream.indirect.gather [spmem:s1], $0x40, s17, s8, $0xb8;
	[tilespmem:$0x1A0C0] =	vst v63  }
0x105: {  	_ =	swait.ge [sflag:s11], $0x2000  }
0x106: {  	[sflag:s11] =	ssyncset.done $0x0  }
.Ltmp3:
0x107: {  	s17 =	sadd.s32 $0x1480, s16;
	[sflag:s11] =	ssyncadd.s32 $0xFFFFE000;
	(pc) =	sbr.rel @p3 .LBB2_6-.Ltmp3, $4  }
0x108: {  	[spmem:s2] =	stream.indirect.scatter.add.f32 [tilespmem:s9], [sflag:$0x3], $0x40, s17, s8, $0xb8;
	[tilespmem:$0x1A0C0] =	vst v63  }
0x109: {  	_ =	swait.ge [sflag:s6], $0x2000  }
0x10a: {  	[sflag:s6] =	ssyncset.done $0x0  }
0x10b: {  	s16 =	sadd.s32 $0x180, s16;
	[sflag:s6] =	ssyncadd.s32 $0xFFFFE000  }
0x10c: {  	[tilespmem:s9], [sflag:$0x2] =	stream.indirect.gather [spmem:s1], $0x40, s16, s8, $0xb8;
	[tilespmem:$0x1A0C0] =	vst v63  }
0x10d: {  	_ =	swait.ge [sflag:s10], $0x2000  }
0x10e: {  	[sflag:s10] =	ssyncset.done $0x0  }
0x10f: {  	[sflag:s10] =	ssyncadd.s32 $0xFFFFE000  }
0x110: {  	[spmem:s2] =	stream.indirect.scatter.add.f32 [tilespmem:s4], [sflag:$0x3], $0x40, s12, s8, $0xb8;
	[tilespmem:$0x1A0C0] =	vst v63  }
0x111: {  	_ =	swait.ge [sflag:s6], $0x2000  }
0x112: {  	[sflag:s6] =	ssyncset.done $0x0  }
0x113: {  	[sflag:s6] =	ssyncadd.s32 $0xFFFFE000  }
0x114: {  	_ =	swait.ge [sflag:s11], $0x2000  }
0x115: {  	[sflag:s11] =	ssyncset.done $0x0  }
0x116: {  	[sflag:s11] =	ssyncadd.s32 $0xFFFFE000  }
0x117: {  	[spmem:s2] =	stream.indirect.scatter.add.f32 [tilespmem:s9], [sflag:$0x3], $0x40, s13, s8, $0xb8;
	[tilespmem:$0x1A0C0] =	vst v63  }
0x118: {  	_ =	swait.ge [sflag:s6], $0x2000  }
0x119: {  	[sflag:s6] =	ssyncset.done $0x0  }
0x11a: {  	s15 =	simm.s32 $0x0;
	s23 =	rddreg [dreg:$0xa];
	[sflag:s6] =	ssyncadd.s32 $0xFFFFE000  }
0x11b: {  	[tilespmem:s15], [sflag:$0x3] =	stream.linear.gather [hbm4b:s23+s15], $0x1400, $0x38;
	[tilespmem:$0x1A0C0] =	vst v63  }
0x11c: {  	_ =	swait.ge [sflag:s6], $0x1400  }
0x11d: {  	[sflag:s6] =	ssyncset.done $0x0  }
0x11e: {  	s24 =	rddreg [dreg:$0xb];
	[sflag:s6] =	ssyncadd.s32 $0xFFFFEC00  }
0x11f: {  	[tilespmem:s7], [sflag:$0x3] =	stream.linear.gather [hbm4b:s24+s15], $0x1400, $0x38;
	[tilespmem:$0x1A0C0] =	vst v63  }
0x120: {  	_ =	swait.ge [sflag:s6], $0x1400  }
0x121: {  	[sflag:s6] =	ssyncset.done $0x0  }
0x122: {  	[sflag:s6] =	ssyncadd.s32 $0xFFFFEC00  }
0x123: {  	[tilespmem:s4], [sflag:$0x1] =	stream.indirect.gather [spmem:s1], $0x40, s15, s8, $0xb8;
	[tilespmem:$0x1A0C0] =	vst v63  }
0x124: {  	_ = 	snop  }
0x125: {  	[tilespmem:s9], [sflag:$0x2] =	stream.indirect.gather [spmem:s1], $0x40, s8, s8, $0xb8;
	[tilespmem:$0x1A0C0] =	vst v63  }
0x126: {  	_ =	swait.ge [sflag:s10], $0x2000  }
0x127: {  	[sflag:s10] =	ssyncset.done $0x0  }
0x128: {  	s25 =	simm.s32 $0x1400;
	[sflag:s10] =	ssyncadd.s32 $0xFFFFE000  }
0x129: {  	[spmem:s2] =	stream.indirect.scatter.add.f32 [tilespmem:s4], [sflag:$0x3], $0x40, s25, s8, $0xb8;
	[tilespmem:$0x1A0C0] =	vst v63  }
0x12a: {  	_ =	swait.ge [sflag:s6], $0x2000  }
0x12b: {  	[sflag:s6] =	ssyncset.done $0x0  }
0x12c: {  	s30 =	simm.s32 $0x100;
	[sflag:s6] =	ssyncadd.s32 $0xFFFFE000  }
0x12d: {  	[tilespmem:s4], [sflag:$0x1] =	stream.indirect.gather [spmem:s1], $0x40, s30, s8, $0xb8;
	[tilespmem:$0x1A0C0] =	vst v63  }
0x12e: {  	_ =	swait.ge [sflag:s11], $0x2000  }
0x12f: {  	[sflag:s11] =	ssyncset.done $0x0  }
0x130: {  	s31 =	simm.s32 $0x1480;
	[sflag:s11] =	ssyncadd.s32 $0xFFFFE000  }
0x131: {  	[spmem:s2] =	stream.indirect.scatter.add.f32 [tilespmem:s9], [sflag:$0x3], $0x40, s31, s8, $0xb8;
	[tilespmem:$0x1A0C0] =	vst v63  }
0x132: {  	_ =	swait.ge [sflag:s6], $0x2000  }
0x133: {  	[sflag:s6] =	ssyncset.done $0x0  }
0x134: {  	s16 =	simm.s32 $0x180;
	s15 =	simm.s32 $0x400;
	[sflag:s6] =	ssyncadd.s32 $0xFFFFE000  }
.LBB2_8:
0x135: {  	[tilespmem:s9], [sflag:$0x2] =	stream.indirect.gather [spmem:s1], $0x40, s16, s8, $0xb8;
	[tilespmem:$0x1A0C0] =	vst v63  }
0x136: {  	s16 =	smov.u32 s15  }
0x137: {  	p3 =	sne.s32 s15, $0x4800;
	s15 =	sadd.s32 $0x400, s15;
	_ =	swait.ge [sflag:s10], $0x2000  }
0x138: {  	s16 =	sshra.s32 s16, $0x2;
	[sflag:s10] =	ssyncset.done $0x0  }
0x139: {  	s17 =	sadd.s32 $0x1400, s16;
	[sflag:s10] =	ssyncadd.s32 $0xFFFFE000  }
0x13a: {  	[spmem:s2] =	stream.indirect.scatter.add.f32 [tilespmem:s4], [sflag:$0x3], $0x40, s17, s8, $0xb8;
	[tilespmem:$0x1A0C0] =	vst v63  }
0x13b: {  	_ =	swait.ge [sflag:s6], $0x2000  }
0x13c: {  	[sflag:s6] =	ssyncset.done $0x0  }
0x13d: {  	s17 =	sadd.s32 $0x100, s16;
	[sflag:s6] =	ssyncadd.s32 $0xFFFFE000  }
0x13e: {  	[tilespmem:s4], [sflag:$0x1] =	stream.indirect.gather [spmem:s1], $0x40, s17, s8, $0xb8;
	[tilespmem:$0x1A0C0] =	vst v63  }
0x13f: {  	_ =	swait.ge [sflag:s11], $0x2000  }
0x140: {  	[sflag:s11] =	ssyncset.done $0x0  }
.Ltmp4:
0x141: {  	s17 =	sadd.s32 $0x1480, s16;
	[sflag:s11] =	ssyncadd.s32 $0xFFFFE000;
	(pc) =	sbr.rel @p3 .LBB2_8-.Ltmp4, $4  }
0x142: {  	[spmem:s2] =	stream.indirect.scatter.add.f32 [tilespmem:s9], [sflag:$0x3], $0x40, s17, s8, $0xb8;
	[tilespmem:$0x1A0C0] =	vst v63  }
0x143: {  	_ =	swait.ge [sflag:s6], $0x2000  }
0x144: {  	[sflag:s6] =	ssyncset.done $0x0  }
0x145: {  	s16 =	sadd.s32 $0x180, s16;
	[sflag:s6] =	ssyncadd.s32 $0xFFFFE000  }
0x146: {  	[tilespmem:s9], [sflag:$0x2] =	stream.indirect.gather [spmem:s1], $0x40, s16, s8, $0xb8;
	[tilespmem:$0x1A0C0] =	vst v63  }
0x147: {  	_ =	swait.ge [sflag:s10], $0x2000  }
0x148: {  	[sflag:s10] =	ssyncset.done $0x0  }
0x149: {  	[sflag:s10] =	ssyncadd.s32 $0xFFFFE000  }
0x14a: {  	[spmem:s2] =	stream.indirect.scatter.add.f32 [tilespmem:s4], [sflag:$0x3], $0x40, s12, s8, $0xb8;
	[tilespmem:$0x1A0C0] =	vst v63  }
0x14b: {  	_ =	swait.ge [sflag:s6], $0x2000  }
0x14c: {  	[sflag:s6] =	ssyncset.done $0x0  }
0x14d: {  	[sflag:s6] =	ssyncadd.s32 $0xFFFFE000  }
0x14e: {  	_ =	swait.ge [sflag:s11], $0x2000  }
0x14f: {  	[sflag:s11] =	ssyncset.done $0x0  }
0x150: {  	[sflag:s11] =	ssyncadd.s32 $0xFFFFE000  }
0x151: {  	[spmem:s2] =	stream.indirect.scatter.add.f32 [tilespmem:s9], [sflag:$0x3], $0x40, s13, s8, $0xb8;
	[tilespmem:$0x1A0C0] =	vst v63  }
0x152: {  	_ =	swait.ge [sflag:s6], $0x2000  }
0x153: {  	[sflag:s6] =	ssyncset.done $0x0  }
0x154: {  	s15 =	simm.s32 $0x0;
	s23 =	rddreg [dreg:$0xc];
	[sflag:s6] =	ssyncadd.s32 $0xFFFFE000  }
0x155: {  	[tilespmem:s15], [sflag:$0x3] =	stream.linear.gather [hbm4b:s23+s15], $0x1400, $0x38;
	[tilespmem:$0x1A0C0] =	vst v63  }
0x156: {  	_ =	swait.ge [sflag:s6], $0x1400  }
0x157: {  	[sflag:s6] =	ssyncset.done $0x0  }
0x158: {  	s24 =	rddreg [dreg:$0xd];
	[sflag:s6] =	ssyncadd.s32 $0xFFFFEC00  }
0x159: {  	[tilespmem:s7], [sflag:$0x3] =	stream.linear.gather [hbm4b:s24+s15], $0x1400, $0x38;
	[tilespmem:$0x1A0C0] =	vst v63  }
0x15a: {  	_ =	swait.ge [sflag:s6], $0x1400  }
0x15b: {  	[sflag:s6] =	ssyncset.done $0x0  }
0x15c: {  	[sflag:s6] =	ssyncadd.s32 $0xFFFFEC00  }
0x15d: {  	[tilespmem:s4], [sflag:$0x1] =	stream.indirect.gather [spmem:s1], $0x40, s15, s8, $0xb8;
	[tilespmem:$0x1A0C0] =	vst v63  }
0x15e: {  	_ = 	snop  }
0x15f: {  	[tilespmem:s9], [sflag:$0x2] =	stream.indirect.gather [spmem:s1], $0x40, s8, s8, $0xb8;
	[tilespmem:$0x1A0C0] =	vst v63  }
0x160: {  	_ =	swait.ge [sflag:s10], $0x2000  }
0x161: {  	[sflag:s10] =	ssyncset.done $0x0  }
0x162: {  	s25 =	simm.s32 $0x1400;
	[sflag:s10] =	ssyncadd.s32 $0xFFFFE000  }
0x163: {  	[spmem:s2] =	stream.indirect.scatter.add.f32 [tilespmem:s4], [sflag:$0x3], $0x40, s25, s8, $0xb8;
	[tilespmem:$0x1A0C0] =	vst v63  }
0x164: {  	_ =	swait.ge [sflag:s6], $0x2000  }
0x165: {  	[sflag:s6] =	ssyncset.done $0x0  }
0x166: {  	s30 =	simm.s32 $0x100;
	[sflag:s6] =	ssyncadd.s32 $0xFFFFE000  }
0x167: {  	[tilespmem:s4], [sflag:$0x1] =	stream.indirect.gather [spmem:s1], $0x40, s30, s8, $0xb8;
	[tilespmem:$0x1A0C0] =	vst v63  }
0x168: {  	_ =	swait.ge [sflag:s11], $0x2000  }
0x169: {  	[sflag:s11] =	ssyncset.done $0x0  }
0x16a: {  	s31 =	simm.s32 $0x1480;
	[sflag:s11] =	ssyncadd.s32 $0xFFFFE000  }
0x16b: {  	[spmem:s2] =	stream.indirect.scatter.add.f32 [tilespmem:s9], [sflag:$0x3], $0x40, s31, s8, $0xb8;
	[tilespmem:$0x1A0C0] =	vst v63  }
0x16c: {  	_ =	swait.ge [sflag:s6], $0x2000  }
0x16d: {  	[sflag:s6] =	ssyncset.done $0x0  }
0x16e: {  	s16 =	simm.s32 $0x180;
	s15 =	simm.s32 $0x400;
	[sflag:s6] =	ssyncadd.s32 $0xFFFFE000  }
.LBB2_10:
0x16f: {  	[tilespmem:s9], [sflag:$0x2] =	stream.indirect.gather [spmem:s1], $0x40, s16, s8, $0xb8;
	[tilespmem:$0x1A0C0] =	vst v63  }
0x170: {  	s16 =	smov.u32 s15  }
0x171: {  	p3 =	sne.s32 s15, $0x4800;
	s15 =	sadd.s32 $0x400, s15;
	_ =	swait.ge [sflag:s10], $0x2000  }
0x172: {  	s16 =	sshra.s32 s16, $0x2;
	[sflag:s10] =	ssyncset.done $0x0  }
0x173: {  	s17 =	sadd.s32 $0x1400, s16;
	[sflag:s10] =	ssyncadd.s32 $0xFFFFE000  }
0x174: {  	[spmem:s2] =	stream.indirect.scatter.add.f32 [tilespmem:s4], [sflag:$0x3], $0x40, s17, s8, $0xb8;
	[tilespmem:$0x1A0C0] =	vst v63  }
0x175: {  	_ =	swait.ge [sflag:s6], $0x2000  }
0x176: {  	[sflag:s6] =	ssyncset.done $0x0  }
0x177: {  	s17 =	sadd.s32 $0x100, s16;
	[sflag:s6] =	ssyncadd.s32 $0xFFFFE000  }
0x178: {  	[tilespmem:s4], [sflag:$0x1] =	stream.indirect.gather [spmem:s1], $0x40, s17, s8, $0xb8;
	[tilespmem:$0x1A0C0] =	vst v63  }
0x179: {  	_ =	swait.ge [sflag:s11], $0x2000  }
0x17a: {  	[sflag:s11] =	ssyncset.done $0x0  }
.Ltmp5:
0x17b: {  	s17 =	sadd.s32 $0x1480, s16;
	[sflag:s11] =	ssyncadd.s32 $0xFFFFE000;
	(pc) =	sbr.rel @p3 .LBB2_10-.Ltmp5, $4  }
0x17c: {  	[spmem:s2] =	stream.indirect.scatter.add.f32 [tilespmem:s9], [sflag:$0x3], $0x40, s17, s8, $0xb8;
	[tilespmem:$0x1A0C0] =	vst v63  }
0x17d: {  	_ =	swait.ge [sflag:s6], $0x2000  }
0x17e: {  	[sflag:s6] =	ssyncset.done $0x0  }
0x17f: {  	s16 =	sadd.s32 $0x180, s16;
	[sflag:s6] =	ssyncadd.s32 $0xFFFFE000  }
0x180: {  	[tilespmem:s9], [sflag:$0x2] =	stream.indirect.gather [spmem:s1], $0x40, s16, s8, $0xb8;
	[tilespmem:$0x1A0C0] =	vst v63  }
0x181: {  	_ =	swait.ge [sflag:s10], $0x2000  }
0x182: {  	[sflag:s10] =	ssyncset.done $0x0  }
0x183: {  	[sflag:s10] =	ssyncadd.s32 $0xFFFFE000  }
0x184: {  	[spmem:s2] =	stream.indirect.scatter.add.f32 [tilespmem:s4], [sflag:$0x3], $0x40, s12, s8, $0xb8;
	[tilespmem:$0x1A0C0] =	vst v63  }
0x185: {  	_ =	swait.ge [sflag:s6], $0x2000  }
0x186: {  	[sflag:s6] =	ssyncset.done $0x0  }
0x187: {  	[sflag:s6] =	ssyncadd.s32 $0xFFFFE000  }
0x188: {  	_ =	swait.ge [sflag:s11], $0x2000  }
0x189: {  	s22 =	sadd.s32 $0xFFFFFFFF, s20;
	[sflag:s11] =	ssyncset.done $0x0  }
0x18a: {  	p4 =	sne.s32 s22, $0x0;
	[sflag:s11] =	ssyncadd.s32 $0xFFFFE000  }
0x18b: {  	[spmem:s2] =	stream.indirect.scatter.add.f32 [tilespmem:s9], [sflag:$0x3], $0x40, s13, s8, $0xb8;
	[tilespmem:$0x1A0C0] =	vst v63  }
.Ltmp6:
0x18c: {  	_ =	swait.ge [sflag:s6], $0x2000;
	(pc) =	sbr.rel @!p4 .LBB2_12-.Ltmp6, $4  }
0x18d: {  	[sflag:s6] =	ssyncset.done $0x0  }
0x18e: {  	[sflag:s6] =	ssyncadd.s32 $0xFFFFE000  }
0x18f: {  	s15 =	stileid.u32;
	[bflag:$0x0] =	sbarrier.arrive $0xFFFF  }
0x190: {  	s17 =	simm.s32 @!p0 $0x4;
	p3 =	por $0x0, $0x0;
	s16 =	sshll.u32 s15, $0x6  }
0x191: {  	s15 =	simm.s32 @!p0 $0x4;
	s22 =	sadd.s32 $0xFFFFFFFF, s22  }
0x192: {  	s15 =	simm.s32 @p0 $0x3;
	p4 =	sne.s32 s22, $0x0  }
.Ltmp7:
0x193: {  	s30 =	sadd.s32 s15, s16;
	(pc) =	sbr.rel @!p4 .LBB2_15-.Ltmp7, $4  }
0x194: {  	s31 =	sadd.s32 s18, s5;
	s23 =	sshrl.u32 s21, $0x3;
	s30 =	sadd.s32 $0x1C00, s30  }
0x195: {  	[hbm:s31], [sflag:s30] =	dma.local [spmem:s23], $0x80  }
0x196: {  	p3 =	por $0x1, $0x1;
	_ =	swait.ge [sflag:s15], $0x80  }
0x197: {  	s31 =	sadd.s32 $0x80, s18;
	s30 =	sadd.s32 $0x400, s21;
	[sflag:s15] =	ssyncset.done $0x0  }
.LBB2_14:
0x198: {  	[sflag:s15] =	ssyncadd.s32 $0xFFFFFF80;
	s15 =	smov.u32 s17;
	s22 =	sadd.s32 $0xFFFFFFFF, s22  }
0x199: {  	s23 =	smov.u32 s16;
	s15 =	simm.s32 @p0 $0x3;
	p4 =	sne.s32 s22, $0x0  }
.Ltmp8:
0x19a: {  	s23 =	sadd.s32 s15, s23;
	(pc) =	sbr.rel @p4 .LBB2_14-.Ltmp8, $4  }
0x19b: {  	s24 =	sadd.s32 s31, s5;
	s25 =	sshrl.u32 s30, $0x3;
	s23 =	sadd.s32 $0x1C00, s23  }
0x19c: {  	[hbm:s24], [sflag:s23] =	dma.local [spmem:s25], $0x80  }
0x19d: {  	s31 =	sadd.s32 $0x80, s31;
	_ =	swait.ge [sflag:s15], $0x80  }
0x19e: {  	s30 =	sadd.s32 $0x400, s30;
	[sflag:s15] =	ssyncset.done $0x0  }
.LBB2_15:
0x19f: {  	s17 =	simm.s32 @p0 $0x3  }
0x1a0: {  	[sflag:s15] =	ssyncadd.s32 @p3 $0xFFFFFF80;
	s24 =	sadd.s32 s17, s16  }
0x1a1: {  	s25 =	sadd.s32 s31, s5;
	s22 =	sshrl.u32 s30, $0x3;
	s15 =	sadd.s32 $0x1C00, s24  }
0x1a2: {  	[hbm:s25], [sflag:s15] =	dma.local [spmem:s22], $0x80  }
0x1a3: {  	_ =	swait.ge [sflag:s17], $0x80  }
0x1a4: {  	s14 =	sadd.s32 $0x1, s14;
	s31 =	rddreg [dreg:$0x11]  }
0x1a5: {  	p3 =	sne.s32 s14, s31  }
.Ltmp9:
0x1a6: {  	_ = 	snop;
	(pc) =	sbr.rel @p3 .LBB2_1-.Ltmp9, $4  }
.Ltmp10:
0x1a7: {  	_ = 	snop;
	(pc) =	sbr.rel @!p3 .LBB2_16-.Ltmp10, $4  }
0x1a8: {  	_ = 	snop  }
0x1a9: {  	[sflag:s17] =	ssyncset.done $0x0  }
0x1aa: {  	[sflag:s17] =	ssyncadd.s32 $0xFFFFFF80  }
0x1ab: {  	_ = 	snop  }
.LBB2_12:
.Ltmp11:
0x1ac: {  	(pc) =	sbr.rel .LBB2_15-.Ltmp11, $2  }
0x1ad: {  	_ =	sdelay $0x2  }
0x1ae: {  	s31 =	smov.u32 s18;
	s30 =	smov.u32 s21  }
.LBB2_16:
0x1af: {  	_ =	sfence.sel $0x180000  }
0x1b0: {  	[bflag:$0x0] =	sbarrier.arrive $0xFFFF  }
0x1b1: {  	_ =	strace $0x90000047  }
0x1b2: {  	s0 =	stileid.u32;
	[bflag:$0x2] =	sbarrier.arrive $0xFFFF  }
0x1b3: {  	p0 =	sne.s32 s0, $0x0;
	s0 =	rddreg [dreg:$0x3]  }
0x1b4: {  	s0 =	sadd.s32 @!p0 $0x100000, s0  }
0x1b5: {  	[sflag:s0] =	ssyncadd.tile.s32 @!p0 $0x1;
	_ =	shalt  }
.Lfunc_end2:
_tile_overlayer_lowered:
.L_overlay_start_2:
0x1b6: {  	(tag) =	ssettag $0x2  }
0x1b7: {  	s0 =	rddreg [dreg:$0x0];
	s2 =	stileid.u32  }
0x1b8: {  	s1 =	rddreg [dreg:$0x1];
	p0 =	sne.s32 s2, $0x0  }
0x1b9: {  	s3 =	rddreg [dreg:$0x2];
	[bflag:$0x3] =	sbarrier.arrive $0xFFFF;
	s2 =	simm.s32 @!p0 $0x1C03  }
0x1ba: {  	[timem:s3], [sflag:s2] =	dma.local @!p0 [hbm:s0], s1  }
0x1bb: {  	s0 =	simm.s32 @!p0 $0x3  }
0x1bc: {  	_ =	swait.ge @!p0 [sflag:s0], s1  }
0x1bd: {  	s1 =	ssub.s32 @!p0 $0x0, s1;
	[sflag:s0] =	ssyncset.done @!p0 $0x0  }
0x1be: {  	[sflag:s0] =	ssyncadd.s32 @!p0 s1  }
0x1bf: {  	[bflag:$0x3] =	sbarrier.arrive $0xFFFF  }
0x1c0: {  	_ =	shalt  }

// kernel: kernel.9.cloned.1.call-start
scs
__scs_entry_jumppad:
0x0: {  	(pc) =	sbr.rel $0x88, $3  }
0x1: {  	(tag) =	ssettag $0x0;
	lr =	simm.s32 $0x1  }
0x2: {  	[smem:$0x3F90] =	sst lr;
	_ =	strace $0xD0000000  }
0x3: {  	_ = 	snop  }
0x4: {  	_ = 	snop  }
0x5: {  	_ = 	snop  }
0x6: {  	_ = 	snop  }
0x7: {  	_ = 	snop  }
__scs_overlays_trampoline_lowered:
0x8: {  	[smem:$0x3F9F] =	sst s0  }
0x9: {  	[smem:$0x3FA0] =	sst s1  }
0xa: {  	[smem:$0x3FA1] =	sst s2  }
0xb: {  	[smem:$0x3FA2] =	sst s3  }
0xc: {  	[smem:$0x3FA3] =	sst s4  }
0xd: {  	[smem:$0x3FA4] =	sst s5  }
0xe: {  	[smem:$0x3FA5] =	sst s6  }
0xf: {  	[smem:$0x3FA6] =	sst s7  }
0x10: {  	[smem:$0x3FA7] =	sst s8  }
0x11: {  	[smem:$0x3FA8] =	sst s9;
	s0 =	simm.s32 @!p0 $0x0  }
0x12: {  	s1 =	sld [smem:$0x3F8E];
	s0 =	simm.s32 @p0 $0x1  }
0x13: {  	[smem:$0x3FA9] =	sst s0;
	s0 =	simm.s32 @!p1 $0x0  }
0x14: {  	s2 =	sld [smem:$0x3F8D];
	s0 =	simm.s32 @p1 $0x1  }
0x15: {  	[smem:$0x3FAA] =	sst s0;
	s0 =	simm.s32 @!p2 $0x0  }
0x16: {  	s3 =	sld [smem:$0x3FDB];
	s0 =	simm.s32 @p2 $0x1  }
0x17: {  	s4 =	simm.s32 $0x1BF5;
	[smem:$0x3FAC] =	sst s0  }
0x18: {  	s0 =	sld [smem:$0x3F8F];
	_ =	swait.ge [sflag:s4], $0x0  }
0x19: {  	s7 =	sld [smem:$0x3F90]  }
0x1a: {  	s8 =	sadd.s32 $0xFFFFE003, lr  }
0x1b: {  	s9 =	sadd.s32 $0xFFFFFEF7, lr;
	s5 =	simm.s32 $0xFFFFFFFF;
	p2 =	slt.u32 s8, $0xFFFFF086  }
0x1c: {  	p1 =	slt.u32 s9, $0xF7A;
	s5 =	simm.s32 @!p2 $0x0  }
0x1d: {  	s5 =	simm.s32 @p1 $0x1;
	p0 =	seq.s32 s7, s2  }
0x1e: {  	s7 =	smul.u32 @!p0 $0xF7A, s2;
	p2 =	seq.s32 @!p0 s5, $0x0  }
0x1f: {  	s9 =	smul.u32 $0xF7A, s1;
	s8 =	simm.s32 @!p0 $0x1BF5;
	p2 =	por !p2, p0  }
0x20: {  	[sflag:s8] =	ssyncset.s32 @!p0 $0xFFFFF086;
	s6 =	sadd.s32 @!p0 s3, s7;
	s7 =	simm.s32 @!p0 $0x108  }
0x21: {  	s3 =	sadd.s32 s3, s9;
	s6 =	sadd.s32 @!p0 $0x88, s6;
	s7 =	simm.s32 @p2 $0x1082  }
0x22: {  	[simem:s7], [sflag:s8] =	dma.local @!p0 [hbm:s6], $0xF7A  }
0x23: {  	s9 =	sor.u32 $0xD0000000, s2;
	s6 =	simm.s32 $0x108;
	_ =	swait.ge @!p0 [sflag:s8], $0x0  }
0x24: {  	s3 =	sadd.s32 $0x88, s3;
	s6 =	simm.s32 @!p1 $0x1082;
	[sflag:s4] =	ssyncset.s32 $0xFFFFF086  }
0x25: {  	[simem:s6], [sflag:s4] =	dma.local [hbm:s3], $0xF7A  }
0x26: {  	[smem:$0x3F90] =	sst s1;
	(tag) =	ssettag s2;
	_ =	strace s9  }
0x27: {  	s1 =	sld [smem:$0x3FA0]  }
0x28: {  	s2 =	sld [smem:$0x3FA1]  }
0x29: {  	s4 =	sld [smem:$0x3FA3]  }
0x2a: {  	p0 =	seq.s32 s5, $0x0;
	s5 =	sld [smem:$0x3FA4]  }
0x2b: {  	s6 =	sld [smem:$0x3FA5]  }
0x2c: {  	s7 =	sld [smem:$0x3FA6]  }
0x2d: {  	s3 =	simm.s32 $0x108;
	s8 =	sld [smem:$0x3FA7]  }
0x2e: {  	s3 =	simm.s32 @!p0 $0x1082;
	s9 =	sld [smem:$0x3FA8]  }
0x2f: {  	lr =	sadd.s32 s0, s3;
	s0 =	sld [smem:$0x3F9F]  }
0x30: {  	s3 =	sld [smem:$0x3FA2]  }
0x31: {  	[smem:$0x3FAB] =	sst s10  }
0x32: {  	s10 =	sld [smem:$0x3FA9];
	_ =	sdelay $0x3  }
0x33: {  	p0 =	seq.s32 s10, $0x1;
	s10 =	sld [smem:$0x3FAB];
	_ =	sdelay $0x3  }
0x34: {  	[smem:$0x3FAB] =	sst s10  }
0x35: {  	s10 =	sld [smem:$0x3FAA];
	_ =	sdelay $0x3  }
0x36: {  	p1 =	seq.s32 s10, $0x1;
	s10 =	sld [smem:$0x3FAB];
	_ =	sdelay $0x3  }
0x37: {  	[smem:$0x3FAB] =	sst s10  }
0x38: {  	s10 =	sld [smem:$0x3FAC]  }
0x39: {  	_ = 	snop;
	(pc) =	sbr.ind lr, $3  }
0x3a: {  	_ = 	snop  }
0x3b: {  	_ = 	snop  }
0x3c: {  	p2 =	seq.s32 s10, $0x1;
	s10 =	sld [smem:$0x3FAB]  }
0x3d: {  	_ =	shalt  }
0x3e: {  	_ =	shalt  }
0x3f: {  	_ =	shalt  }
0x40: {  	_ =	shalt  }
0x41: {  	_ =	shalt  }
0x42: {  	_ =	shalt  }
0x43: {  	_ =	shalt  }
0x44: {  	_ =	shalt  }
0x45: {  	_ =	shalt  }
0x46: {  	_ =	shalt  }
0x47: {  	_ =	shalt  }
0x48: {  	_ =	shalt  }
0x49: {  	_ =	shalt  }
0x4a: {  	_ =	shalt  }
0x4b: {  	_ =	shalt  }
0x4c: {  	_ =	shalt  }
0x4d: {  	_ =	shalt  }
0x4e: {  	_ =	shalt  }
0x4f: {  	_ =	shalt  }
0x50: {  	_ =	shalt  }
0x51: {  	_ =	shalt  }
0x52: {  	_ =	shalt  }
0x53: {  	_ =	shalt  }
0x54: {  	_ =	shalt  }
0x55: {  	_ =	shalt  }
0x56: {  	_ =	shalt  }
0x57: {  	_ =	shalt  }
0x58: {  	_ =	shalt  }
0x59: {  	_ =	shalt  }
0x5a: {  	_ =	shalt  }
0x5b: {  	_ =	shalt  }
0x5c: {  	_ =	shalt  }
0x5d: {  	_ =	shalt  }
0x5e: {  	_ =	shalt  }
0x5f: {  	_ =	shalt  }
0x60: {  	_ =	shalt  }
0x61: {  	_ =	shalt  }
0x62: {  	_ =	shalt  }
0x63: {  	_ =	shalt  }
0x64: {  	_ =	shalt  }
0x65: {  	_ =	shalt  }
0x66: {  	_ =	shalt  }
0x67: {  	_ =	shalt  }
0x68: {  	_ =	shalt  }
0x69: {  	_ =	shalt  }
0x6a: {  	_ =	shalt  }
0x6b: {  	_ =	shalt  }
0x6c: {  	_ =	shalt  }
0x6d: {  	_ =	shalt  }
0x6e: {  	_ =	shalt  }
0x6f: {  	_ =	shalt  }
0x70: {  	_ =	shalt  }
0x71: {  	_ =	shalt  }
0x72: {  	_ =	shalt  }
0x73: {  	_ =	shalt  }
0x74: {  	_ =	shalt  }
0x75: {  	_ =	shalt  }
0x76: {  	_ =	shalt  }
0x77: {  	_ =	shalt  }
0x78: {  	_ =	shalt  }
0x79: {  	_ =	shalt  }
0x7a: {  	_ =	shalt  }
0x7b: {  	_ =	shalt  }
0x7c: {  	_ =	shalt  }
0x7d: {  	_ =	shalt  }
0x7e: {  	_ =	shalt  }
0x7f: {  	_ =	shalt  }
0x80: {  	_ =	shalt  }
0x81: {  	_ =	shalt  }
0x82: {  	_ =	shalt  }
0x83: {  	_ =	shalt  }
0x84: {  	_ =	shalt  }
0x85: {  	_ =	shalt  }
0x86: {  	_ =	shalt  }
0x87: {  	_ =	shalt  }
.Lfunc_end0:
.L_simem_size_0:
called_computation.1_lowered:
.L_overlay_start_0:
0x88: {  	s2 =	sld [smem:$0x3FD9]  }
0x89: {  	s3 =	sld [smem:$0x3FFE];
	_ =	sdelay $0x1  }
0x8a: {  	s1 =	srdreg.scid  }
0x8b: {  	s0 =	sand.u32 $0x1, s1  }
0x8c: {  	s16 =	sshll.u32 s0, $0xA;
	s2 =	sadd.s32 s3, s2  }
0x8d: {  	s2 =	sadd.s32 s2, s16  }
0x8e: {  	[smem:$0x3FB7] =	sst s2  }
0x8f: {  	_ = 	snop  }
0x90: {  	(tm) =	ssettm $0x1  }
0x91: {  	s17 =	sld [smem:$0x3FFB];
	_ =	sdelay $0x3  }
0x92: {  	_ =	strace s17  }
0x93: {  	s2 =	sld [smem:$0x3FFC];
	_ =	sdelay $0x3  }
0x94: {  	_ =	strace s2  }
0x95: {  	s2 =	sld [smem:$0x3FFD];
	_ =	sdelay $0x3  }
0x96: {  	_ =	strace s2  }
0x97: {  	_ =	strace $0x8FFFFFFF  }
0x98: {  	s18 =	sld [smem:$0x3FDB];
	_ =	sdelay $0x1  }
0x99: {  	s19 =	simm.s32 $_scs_section_size  }
0x9a: {  	s4 =	simm.s32 $_size__tile_overlayer_lowered;
	s5 =	simm.s32 $_tile_overlayer_lowered  }
0x9b: {  	s22 =	simm.s32 $0x1BFF;
	s21 =	sshll.u32 s5, $0x1;
	s2 =	sadd.s32 s19, s18  }
0x9c: {  	s6 =	simm.s32 $0x0;
	s20 =	sshll.u32 s4, $0x1;
	s4 =	sadd.s32 s21, s2  }
0x9d: {  	[timem:s6], [sflag:s22] =	dma.local [hbm:s4], s20  }
0x9e: {  	_ =	swait.ge [sflag:s22], s20  }
0x9f: {  	s3 =	ssub.s32 $0x0, s20;
	[sflag:s22] =	ssyncset.done $0x0  }
0xa0: {  	[sflag:s22] =	ssyncadd.s32 s3;
	_ =	sdelay $0x1  }
0xa1: {  	s23 =	simm.s32 $0x1B8B  }
0xa2: {  	_ =	swait.ge [sflag:s23], $0x1  }
0xa3: {  	[sflag:s23] =	ssyncset.done $0x0  }
0xa4: {  	s25 =	simm.s32 $0x1B8E;
	s24 =	sld [smem:$0x3FFE];
	[sflag:s23] =	ssyncadd.s32 $0xFFFFFFFF  }
0xa5: {  	s26 =	simm.s32 $execute0_lowered;
	[smem:$0x3FD2] =	sst s25  }
0xa6: {  	s4 =	sshll.u32 s26, $0x1;
	_ =	strace $0x80000049;
	[dreg:$0x1] =	wrdreg $0xFFFFFFFF  }
0xa7: {  	s28 =	simm.s32 $_size_execute0_lowered;
	s2 =	sadd.s32 s2, s4;
	[dreg:$0x0] =	wrdreg $0x0  }
0xa8: {  	s4 =	sshll.u32 s28, $0x1;
	[dreg:$0x2] =	wrdreg s2  }
0xa9: {  	[dreg:$0x3] =	wrdreg s4  }
0xaa: {  	[dreg:$0x4] =	wrdreg $0xC0  }
0xab: {  	_ =	task [dreg:s6], $0x5FFFF  }
0xac: {  	[dreg:$0x1] =	wrdreg $0xFFFFFFFF  }
0xad: {  	[dreg:$0x0] =	wrdreg $0x60  }
0xae: {  	[dreg:$0x2] =	wrdreg s24  }
0xaf: {  	[dreg:$0x3] =	wrdreg $0x68000  }
0xb0: {  	[dreg:$0x4] =	wrdreg $0x104400  }
0xb1: {  	[dreg:$0x5] =	wrdreg $0x9  }
0xb2: {  	_ =	task.clear_ibuf [dreg:s6], $0x6FFFF;
	_ =	strace $0x90000049  }
0xb3: {  	s29 =	simm.s32 $0x9;
	_ =	strace $0x8000004B  }
0xb4: {  	_ =	swait.ge [sflag:s29], $0x1  }
0xb5: {  	[sflag:s29] =	ssyncadd.s32 $0xFFFFFFFF  }
0xb6: {  	_ =	strace $0x9000004B  }
0xb7: {  	_ =	sfence  }
0xb8: {  	s30 =	sld [smem:$0x0];
	_ =	sdelay $0x2  }
0xb9: {  	s31 =	sshll.u32 s1, $0xD;
	s1 =	sshrl.u32 s1, $0x2  }
0xba: {  	s3 =	sand.u32 $0x4000, s31;
	s1 =	sadd.s32 s1, s30  }
0xbb: {  	s0 =	sor.u32 s3, s0;
	s1 =	sshll.u32 s1, $0x11  }
0xbc: {  	s0 =	sor.u32 s1, s0  }
0xbd: {  	s0 =	sadd.s32 $0x8F2B, s0  }
0xbe: {  	[sflag:s0] =	ssyncadd.remote.s32 $0x1  }
0xbf: {  	_ =	sfence.sel $0xFFFF  }
0xc0: {  	[dreg:$0x0] =	wrdreg $0xFFFFFFFF;
	(pc) =	sbr.abs _section_cstart, $3  }
0xc1: {  	[dreg:$0x1] =	wrdreg $0xFFFFFFFF  }
0xc2: {  	_ =	task.clear_ibuf [dreg:s6], $0x2FFFF;
	_ =	strace $0x9FFFFFFF  }
0xc3: {  	(tm) =	ssettm $0x7FFFFFFF  }
tec
execute0_lowered:
.L_overlay_start_1:
0x0: {  	(tag) =	ssettag $0x1  }
0x1: {  	s0 =	rddreg [dreg:$0x0]  }
0x2: {  	s1 =	rddreg [dreg:$0x1]  }
0x3: {  	s2 =	rddreg [dreg:$0x2]  }
0x4: {  	s3 =	simm.s32 $0x0;
	s4 =	srdreg.scid;
	s16 =	stileid.u32  }
0x5: {  	[smem:$0x7FF] =	sst s3;
	s6 =	sadd.s32 $0x34400, s0;
	s4 =	sand.u32 $0x1, s4  }
0x6: {  	s7 =	sadd.s32 $0x2A400, s0;
	s5 =	sadd.s32 $0x51E00, s0;
	s9 =	sadd.s32 $0x3E400, s0  }
0x7: {  	s20 =	sshll.u32 s16, $0xD;
	s21 =	sor.u32 $0x10, s16;
	s11 =	smul.u32 $0x5000, s16  }
0x8: {  	s13 =	sor.u32 $0x20, s16;
	s31 =	smul.u32 $0x27000, s16;
	s18 =	sor.u32 $0x40, s16  }
0x9: {  	p1 =	slt.u32 s16, $0x2;
	_ =	strace $0x8000004A;
	s8 =	ssub.s32 $0x2, s4  }
0xa: {  	p0 =	seq.s32 s4, $0x1;
	s12 =	sshll.u32 s21, $0xA;
	s10 =	sshrl.u32 s8, $0x1  }
0xb: {  	s19 =	sshll.u32 s18, $0xD;
	s11 =	sshrl.u32 s11, $0x3;
	s8 =	ssub.s32 s8, s10  }
0xc: {  	s10 =	sadd.s32 s20, s1;
	s14 =	sadd.s32 s6, s11;
	s22 =	sadd.s32 $0x280, s11  }
0xd: {  	s15 =	sadd.s32 s7, s11;
	s24 =	sadd.s32 $0x500, s11;
	[dreg:$0x4] =	wrdreg s10  }
0xe: {  	s11 =	sadd.s32 $0x780, s11;
	s20 =	sadd.s32 s19, s1;
	[dreg:$0x6] =	wrdreg s14  }
0xf: {  	s19 =	simm.s32 $0x28;
	s10 =	sshll.u32 s21, $0xD;
	[dreg:$0x7] =	wrdreg s15  }
0x10: {  	s23 =	sadd.s32 s6, s22;
	s14 =	sadd.s32 s7, s22;
	[dreg:$0x10] =	wrdreg s20  }
0x11: {  	s25 =	sadd.s32 s6, s24;
	s26 =	sadd.s32 s7, s24;
	[dreg:$0x8] =	wrdreg s23  }
0x12: {  	s6 =	sadd.s32 s6, s11;
	s30 =	sadd.s32 s7, s11;
	[dreg:$0x9] =	wrdreg s14  }
0x13: {  	s15 =	sor.u32 $0x30, s16;
	s21 =	smul.u32 $0x27, s16;
	[dreg:$0xa] =	wrdreg s25  }
0x14: {  	s19 =	simm.s32 @!p1 $0x27;
	p1 =	seq.s32 s16, $0x0;
	[dreg:$0xb] =	wrdreg s26  }
0x15: {  	s20 =	simm.s32 $0x28;
	s22 =	sshll.u32 s16, $0xA;
	[dreg:$0xc] =	wrdreg s6  }
0x16: {  	s8 =	smax.u32 s8, $0x1;
	s10 =	sadd.s32 s10, s1;
	[dreg:$0xd] =	wrdreg s30  }
0x17: {  	s6 =	simm.s32 $0x3000;
	s14 =	smin.u32 s16, $0x2;
	s17 =	sshll.u32 s15, $0xA  }
0x18: {  	s20 =	simm.s32 @!p1 $0x27;
	[dreg:$0x11] =	wrdreg s8;
	s8 =	simm.s32 $0x80  }
0x19: {  	[dreg:$0x5] =	wrdreg s10;
	s10 =	sshll.u32 s13, $0xA;
	s13 =	sshll.u32 s13, $0xD  }
0x1a: {  	s6 =	simm.s32 @!p0 $0x16A00;
	s11 =	sshll.u32 s14, $0xC;
	p0 =	sne.s32 s4, $0x0  }
0x1b: {  	s4 =	sshll.u32 s18, $0xA;
	s14 =	simm.s32 $0x0;
	s13 =	sadd.s32 s13, s1  }
0x1c: {  	s0 =	sadd.s32 s6, s0;
	s7 =	sadd.s32 s11, s31;
	s6 =	sshll.u32 s15, $0xD  }
0x1d: {  	s5 =	smov.u32 @p0 s9;
	s9 =	simm.s32 $0x4800;
	s11 =	simm.s32 $0x2  }
0x1e: {  	[dreg:$0xe] =	wrdreg s13;
	s6 =	sadd.s32 s6, s1;
	s23 =	sadd.s32 s0, s22  }
0x1f: {  	s24 =	sadd.s32 s0, s12;
	s25 =	sadd.s32 s0, s10;
	[dreg:$0xf] =	wrdreg s6  }
0x20: {  	s26 =	sadd.s32 s0, s17;
	s28 =	sadd.s32 $0x13800, s0;
	[dreg:$0x12] =	wrdreg s23  }
0x21: {  	s30 =	sshrl.u32 s7, $0x2;
	s7 =	simm.s32 $0x1400;
	[dreg:$0x13] =	wrdreg s24  }
0x22: {  	s10 =	simm.s32 $0x1;
	s12 =	simm.s32 $0x2700;
	[dreg:$0x14] =	wrdreg s25  }
0x23: {  	s13 =	simm.s32 $0x2780;
	s6 =	sadd.s32 $0x1, s21;
	[dreg:$0x15] =	wrdreg s26  }
0x24: {  	s26 =	sadd.s32 s0, s4;
	s29 =	sadd.s32 s30, s2;
	s0 =	sadd.s32 $0x9C000, s1  }
0x25: {  	s4 =	simm.s32 $0x2800;
	s6 =	simm.s32 @p1 $0x0;
	p1 =	sgt.u32 s16, $0xD  }
0x26: {  	s31 =	sshll.u32 s6, $0xA;
	s18 =	sshll.u32 s6, $0x7;
	p2 =	sne.s32 @p1 s16, $0xE  }
0x27: {  	v0 =	vimm.f32 $0.0e+00;
	s6 =	simm.s32 $0x3;
	s21 =	sadd.s32 s31, s2;
	p2 =	por p2, !p1  }
.LBB2_1:
0x28: {  	s15 =	rddreg [dreg:$0x12]  }
0x29: {  	[tilespmem:s4], [sflag:$0x3] =	stream.linear.gather [hbm4b:s15+s3], $0x2000, $0x38;
	[tilespmem:$0x1A0C0] =	vst v63  }
0x2a: {  	_ =	swait.ge [sflag:s6], $0x2000  }
0x2b: {  	[sflag:s6] =	ssyncset.done $0x0  }
0x2c: {  	s17 =	rddreg [dreg:$0x4];
	[sflag:s6] =	ssyncadd.s32 $0xFFFFE000  }
0x2d: {  	[spmem:s17] =	stream.linear.scatter [tilespmem:s4], [sflag:$0x3], $0x2000, $0x38;
	[tilespmem:$0x1A0C0] =	vst v63  }
0x2e: {  	_ =	swait.ge [sflag:s6], $0x2000  }
0x2f: {  	[sflag:s6] =	ssyncset.done $0x0  }
0x30: {  	s22 =	rddreg [dreg:$0x13];
	[sflag:s6] =	ssyncadd.s32 $0xFFFFE000  }
0x31: {  	[tilespmem:s4], [sflag:$0x3] =	stream.linear.gather [hbm4b:s22+s3], $0x2000, $0x38;
	[tilespmem:$0x1A0C0] =	vst v63  }
0x32: {  	_ =	swait.ge [sflag:s6], $0x2000  }
0x33: {  	[sflag:s6] =	ssyncset.done $0x0  }
0x34: {  	s23 =	rddreg [dreg:$0x5];
	[sflag:s6] =	ssyncadd.s32 $0xFFFFE000  }
0x35: {  	[spmem:s23] =	stream.linear.scatter [tilespmem:s4], [sflag:$0x3], $0x2000, $0x38;
	[tilespmem:$0x1A0C0] =	vst v63  }
0x36: {  	_ =	swait.ge [sflag:s6], $0x2000  }
0x37: {  	[sflag:s6] =	ssyncset.done $0x0  }
0x38: {  	s24 =	rddreg [dreg:$0x14];
	[sflag:s6] =	ssyncadd.s32 $0xFFFFE000  }
0x39: {  	[tilespmem:s4], [sflag:$0x3] =	stream.linear.gather [hbm4b:s24+s3], $0x2000, $0x38;
	[tilespmem:$0x1A0C0] =	vst v63  }
0x3a: {  	_ =	swait.ge [sflag:s6], $0x2000  }
0x3b: {  	[sflag:s6] =	ssyncset.done $0x0  }
0x3c: {  	s25 =	rddreg [dreg:$0xe];
	[sflag:s6] =	ssyncadd.s32 $0xFFFFE000  }
0x3d: {  	[spmem:s25] =	stream.linear.scatter [tilespmem:s4], [sflag:$0x3], $0x2000, $0x38;
	[tilespmem:$0x1A0C0] =	vst v63  }
0x3e: {  	_ =	swait.ge [sflag:s6], $0x2000  }
0x3f: {  	[sflag:s6] =	ssyncset.done $0x0  }
0x40: {  	s30 =	rddreg [dreg:$0x15];
	[sflag:s6] =	ssyncadd.s32 $0xFFFFE000  }
0x41: {  	[tilespmem:s4], [sflag:$0x3] =	stream.linear.gather [hbm4b:s30+s3], $0x2000, $0x38;
	[tilespmem:$0x1A0C0] =	vst v63  }
0x42: {  	_ =	swait.ge [sflag:s6], $0x2000  }
0x43: {  	[sflag:s6] =	ssyncset.done $0x0  }
0x44: {  	s31 =	rddreg [dreg:$0xf];
	[sflag:s6] =	ssyncadd.s32 $0xFFFFE000  }
0x45: {  	[spmem:s31] =	stream.linear.scatter [tilespmem:s4], [sflag:$0x3], $0x2000, $0x38;
	[tilespmem:$0x1A0C0] =	vst v63  }
0x46: {  	_ =	swait.ge [sflag:s6], $0x2000  }
0x47: {  	[sflag:s6] =	ssyncset.done $0x0  }
0x48: {  	s16 =	simm.s32 @!p2 $0x2800;
	s15 =	simm.s32 @!p2 $0x0;
	[sflag:s6] =	ssyncadd.s32 $0xFFFFE000  }
0x49: {  	[tilespmem:s16], [sflag:$0x3] =	stream.linear.gather @!p2 [hbm4b:s28+s15], $0x400, $0x38;
	[tilespmem:$0x1A0C0] =	vst v63  }
0x4a: {  	s15 =	simm.s32 @!p2 $0x3  }
0x4b: {  	_ =	swait.ge @!p2 [sflag:s15], $0x400  }
0x4c: {  	[sflag:s15] =	ssyncset.done @!p2 $0x0  }
0x4d: {  	[sflag:s15] =	ssyncadd.s32 @!p2 $0xFFFFFC00  }
0x4e: {  	[spmem:s0] =	stream.linear.scatter @!p2 [tilespmem:s16], [sflag:$0x3], $0x400, $0x38;
	[tilespmem:$0x1A0C0] =	vst v63  }
0x4f: {  	_ =	swait.ge @!p2 [sflag:s15], $0x400  }
0x50: {  	[sflag:s15] =	ssyncset.done @!p2 $0x0  }
0x51: {  	s16 =	simm.s32 @!p1 $0x2800;
	[sflag:s15] =	ssyncadd.s32 @!p2 $0xFFFFFC00;
	s15 =	simm.s32 @!p1 $0x0  }
0x52: {  	[tilespmem:s16], [sflag:$0x3] =	stream.linear.gather @!p1 [hbm4b:s26+s15], $0x2000, $0x38;
	[tilespmem:$0x1A0C0] =	vst v63  }
0x53: {  	s15 =	simm.s32 @!p1 $0x3  }
0x54: {  	_ =	swait.ge @!p1 [sflag:s15], $0x2000  }
0x55: {  	[sflag:s15] =	ssyncset.done @!p1 $0x0  }
0x56: {  	s17 =	rddreg [dreg:$0x10];
	[sflag:s15] =	ssyncadd.s32 @!p1 $0xFFFFE000  }
0x57: {  	[spmem:s17] =	stream.linear.scatter @!p1 [tilespmem:s16], [sflag:$0x3], $0x2000, $0x38;
	[tilespmem:$0x1A0C0] =	vst v63  }
0x58: {  	_ =	swait.ge @!p1 [sflag:s15], $0x2000  }
0x59: {  	[sflag:s15] =	ssyncset.done @!p1 $0x0  }
0x5a: {  	[sflag:s15] =	ssyncadd.s32 @!p1 $0xFFFFE000  }
0x5b: {  	[tilespmem:$0x2800] =	vst v0  }
0x5c: {  	[tilespmem:$0x2810] =	vst v0  }
0x5d: {  	[tilespmem:$0x2820] =	vst v0  }
0x5e: {  	[tilespmem:$0x2830] =	vst v0  }
0x5f: {  	[tilespmem:$0x2840] =	vst v0  }
0x60: {  	[tilespmem:$0x2850] =	vst v0  }
0x61: {  	[tilespmem:$0x2860] =	vst v0  }
0x62: {  	[tilespmem:$0x2870] =	vst v0  }
0x63: {  	[tilespmem:$0x2880] =	vst v0  }
0x64: {  	[tilespmem:$0x2890] =	vst v0  }
0x65: {  	[tilespmem:$0x28A0] =	vst v0  }
0x66: {  	[tilespmem:$0x28B0] =	vst v0  }
0x67: {  	[tilespmem:$0x28C0] =	vst v0  }
0x68: {  	[tilespmem:$0x28D0] =	vst v0  }
0x69: {  	[tilespmem:$0x28E0] =	vst v0  }
0x6a: {  	[tilespmem:$0x28F0] =	vst v0  }
0x6b: {  	[tilespmem:$0x2900] =	vst v0  }
0x6c: {  	[tilespmem:$0x2910] =	vst v0  }
0x6d: {  	[tilespmem:$0x2920] =	vst v0  }
0x6e: {  	[tilespmem:$0x2930] =	vst v0  }
0x6f: {  	[tilespmem:$0x2940] =	vst v0  }
0x70: {  	[tilespmem:$0x2950] =	vst v0  }
0x71: {  	[tilespmem:$0x2960] =	vst v0  }
0x72: {  	[tilespmem:$0x2970] =	vst v0  }
0x73: {  	[tilespmem:$0x2980] =	vst v0  }
0x74: {  	[tilespmem:$0x2990] =	vst v0  }
0x75: {  	[tilespmem:$0x29A0] =	vst v0  }
0x76: {  	[tilespmem:$0x29B0] =	vst v0  }
0x77: {  	[tilespmem:$0x29C0] =	vst v0  }
0x78: {  	[tilespmem:$0x29D0] =	vst v0  }
0x79: {  	[tilespmem:$0x29E0] =	vst v0  }
0x7a: {  	[tilespmem:$0x29F0] =	vst v0  }
0x7b: {  	[tilespmem:$0x2A00] =	vst v0  }
0x7c: {  	[tilespmem:$0x2A10] =	vst v0  }
0x7d: {  	[tilespmem:$0x2A20] =	vst v0  }
0x7e: {  	[tilespmem:$0x2A30] =	vst v0  }
0x7f: {  	[tilespmem:$0x2A40] =	vst v0  }
0x80: {  	[tilespmem:$0x2A50] =	vst v0  }
0x81: {  	[tilespmem:$0x2A60] =	vst v0  }
0x82: {  	[tilespmem:$0x2A70] =	vst v0  }
0x83: {  	[tilespmem:$0x2A80] =	vst v0  }
0x84: {  	[tilespmem:$0x2A90] =	vst v0  }
0x85: {  	[tilespmem:$0x2AA0] =	vst v0  }
0x86: {  	[tilespmem:$0x2AB0] =	vst v0  }
0x87: {  	[tilespmem:$0x2AC0] =	vst v0  }
0x88: {  	[tilespmem:$0x2AD0] =	vst v0  }
0x89: {  	[tilespmem:$0x2AE0] =	vst v0  }
0x8a: {  	[tilespmem:$0x2AF0] =	vst v0  }
0x8b: {  	[tilespmem:$0x2B00] =	vst v0  }
0x8c: {  	[tilespmem:$0x2B10] =	vst v0  }
0x8d: {  	[tilespmem:$0x2B20] =	vst v0  }
0x8e: {  	[tilespmem:$0x2B30] =	vst v0  }
0x8f: {  	[tilespmem:$0x2B40] =	vst v0  }
0x90: {  	[tilespmem:$0x2B50] =	vst v0  }
0x91: {  	[tilespmem:$0x2B60] =	vst v0  }
0x92: {  	[tilespmem:$0x2B70] =	vst v0  }
0x93: {  	[tilespmem:$0x2B80] =	vst v0  }
0x94: {  	[tilespmem:$0x2B90] =	vst v0  }
0x95: {  	[tilespmem:$0x2BA0] =	vst v0  }
0x96: {  	[tilespmem:$0x2BB0] =	vst v0  }
0x97: {  	[tilespmem:$0x2BC0] =	vst v0  }
0x98: {  	p3 =	sne.s32 s19, $0x1;
	[tilespmem:$0x2BD0] =	vst v0  }
.Ltmp0:
0x99: {  	[tilespmem:$0x2BE0] =	vst v0;
	(pc) =	sbr.rel @!p3 .LBB2_3-.Ltmp0, $4  }
0x9a: {  	[tilespmem:$0x2BF0] =	vst v0  }
0x9b: {  	[spmem:s29] =	stream.linear.scatter [tilespmem:s4], [sflag:$0x3], $0x400, $0x38;
	[tilespmem:$0x1A0C0] =	vst v63  }
0x9c: {  	_ =	swait.ge [sflag:s6], $0x400  }
0x9d: {  	s16 =	smov.u32 s29;
	s15 =	sadd.s32 $0xFFFFFFFF, s19;
	[sflag:s6] =	ssyncset.done $0x0  }
.LBB2_2:
0x9e: {  	p3 =	sne.s32 s15, $0x1;
	[sflag:s6] =	ssyncadd.s32 $0xFFFFFC00;
	s16 =	sadd.s32 $0x400, s16  }
.Ltmp1:
0x9f: {  	s15 =	sadd.s32 $0xFFFFFFFF, s15;
	(pc) =	sbr.rel @p3 .LBB2_2-.Ltmp1, $4  }
0xa0: {  	_ = 	snop  }
0xa1: {  	[spmem:s16] =	stream.linear.scatter [tilespmem:s4], [sflag:$0x3], $0x400, $0x38;
	[tilespmem:$0x1A0C0] =	vst v63  }
0xa2: {  	_ =	swait.ge [sflag:s6], $0x400  }
0xa3: {  	[sflag:s6] =	ssyncset.done $0x0  }
.LBB2_3:
0xa4: {  	[sflag:s6] =	ssyncadd.s32 $0xFFFFFC00  }
0xa5: {  	[bflag:$0x0] =	sbarrier.arrive $0xFFFF  }
0xa6: {  	s15 =	simm.s32 $0x0;
	s16 =	rddreg [dreg:$0x6]  }
0xa7: {  	[tilespmem:s15], [sflag:$0x3] =	stream.linear.gather [hbm4b:s16+s15], $0x1400, $0x38;
	[tilespmem:$0x1A0C0] =	vst v63  }
0xa8: {  	_ =	swait.ge [sflag:s6], $0x1400  }
0xa9: {  	[sflag:s6] =	ssyncset.done $0x0  }
0xaa: {  	s24 =	rddreg [dreg:$0x7];
	[sflag:s6] =	ssyncadd.s32 $0xFFFFEC00  }
0xab: {  	[tilespmem:s7], [sflag:$0x3] =	stream.linear.gather [hbm4b:s24+s15], $0x1400, $0x38;
	[tilespmem:$0x1A0C0] =	vst v63  }
0xac: {  	_ =	swait.ge [sflag:s6], $0x1400  }
0xad: {  	[sflag:s6] =	ssyncset.done $0x0  }
0xae: {  	[sflag:s6] =	ssyncadd.s32 $0xFFFFEC00  }
0xaf: {  	[tilespmem:s4], [sflag:$0x1] =	stream.indirect.gather [spmem:s1], $0x40, s15, s8, $0xb8;
	[tilespmem:$0x1A0C0] =	vst v63  }
0xb0: {  	_ = 	snop  }
0xb1: {  	[tilespmem:s9], [sflag:$0x2] =	stream.indirect.gather [spmem:s1], $0x40, s8, s8, $0xb8;
	[tilespmem:$0x1A0C0] =	vst v63  }
0xb2: {  	_ =	swait.ge [sflag:s10], $0x2000  }
0xb3: {  	[sflag:s10] =	ssyncset.done $0x0  }
0xb4: {  	s25 =	simm.s32 $0x1400;
	[sflag:s10] =	ssyncadd.s32 $0xFFFFE000  }
0xb5: {  	[spmem:s2] =	stream.indirect.scatter.add.f32 [tilespmem:s4], [sflag:$0x3], $0x40, s25, s8, $0xb8;
	[tilespmem:$0x1A0C0] =	vst v63  }
0xb6: {  	_ =	swait.ge [sflag:s6], $0x2000  }
0xb7: {  	[sflag:s6] =	ssyncset.done $0x0  }
0xb8: {  	s30 =	simm.s32 $0x100;
	[sflag:s6] =	ssyncadd.s32 $0xFFFFE000  }
0xb9: {  	[tilespmem:s4], [sflag:$0x1] =	stream.indirect.gather [spmem:s1], $0x40, s30, s8, $0xb8;
	[tilespmem:$0x1A0C0] =	vst v63  }
0xba: {  	_ =	swait.ge [sflag:s11], $0x2000  }
0xbb: {  	[sflag:s11] =	ssyncset.done $0x0  }
0xbc: {  	s31 =	simm.s32 $0x1480;
	[sflag:s11] =	ssyncadd.s32 $0xFFFFE000  }
0xbd: {  	[spmem:s2] =	stream.indirect.scatter.add.f32 [tilespmem:s9], [sflag:$0x3], $0x40, s31, s8, $0xb8;
	[tilespmem:$0x1A0C0] =	vst v63  }
0xbe: {  	_ =	swait.ge [sflag:s6], $0x2000  }
0xbf: {  	[sflag:s6] =	ssyncset.done $0x0  }
0xc0: {  	s16 =	simm.s32 $0x180;
	s15 =	simm.s32 $0x400;
	[sflag:s6] =	ssyncadd.s32 $0xFFFFE000  }
.LBB2_4:
0xc1: {  	[tilespmem:s9], [sflag:$0x2] =	stream.indirect.gather [spmem:s1], $0x40, s16, s8, $0xb8;
	[tilespmem:$0x1A0C0] =	vst v63  }
0xc2: {  	s16 =	smov.u32 s15  }
0xc3: {  	p3 =	sne.s32 s15, $0x4800;
	s15 =	sadd.s32 $0x400, s15;
	_ =	swait.ge [sflag:s10], $0x2000  }
0xc4: {  	s16 =	sshra.s32 s16, $0x2;
	[sflag:s10] =	ssyncset.done $0x0  }
0xc5: {  	s17 =	sadd.s32 $0x1400, s16;
	[sflag:s10] =	ssyncadd.s32 $0xFFFFE000  }
0xc6: {  	[spmem:s2] =	stream.indirect.scatter.add.f32 [tilespmem:s4], [sflag:$0x3], $0x40, s17, s8, $0xb8;
	[tilespmem:$0x1A0C0] =	vst v63  }
0xc7: {  	_ =	swait.ge [sflag:s6], $0x2000  }
0xc8: {  	[sflag:s6] =	ssyncset.done $0x0  }
0xc9: {  	s17 =	sadd.s32 $0x100, s16;
	[sflag:s6] =	ssyncadd.s32 $0xFFFFE000  }
0xca: {  	[tilespmem:s4], [sflag:$0x1] =	stream.indirect.gather [spmem:s1], $0x40, s17, s8, $0xb8;
	[tilespmem:$0x1A0C0] =	vst v63  }
0xcb: {  	_ =	swait.ge [sflag:s11], $0x2000  }
0xcc: {  	[sflag:s11] =	ssyncset.done $0x0  }
.Ltmp2:
0xcd: {  	s17 =	sadd.s32 $0x1480, s16;
	[sflag:s11] =	ssyncadd.s32 $0xFFFFE000;
	(pc) =	sbr.rel @p3 .LBB2_4-.Ltmp2, $4  }
0xce: {  	[spmem:s2] =	stream.indirect.scatter.add.f32 [tilespmem:s9], [sflag:$0x3], $0x40, s17, s8, $0xb8;
	[tilespmem:$0x1A0C0] =	vst v63  }
0xcf: {  	_ =	swait.ge [sflag:s6], $0x2000  }
0xd0: {  	[sflag:s6] =	ssyncset.done $0x0  }
0xd1: {  	s16 =	sadd.s32 $0x180, s16;
	[sflag:s6] =	ssyncadd.s32 $0xFFFFE000  }
0xd2: {  	[tilespmem:s9], [sflag:$0x2] =	stream.indirect.gather [spmem:s1], $0x40, s16, s8, $0xb8;
	[tilespmem:$0x1A0C0] =	vst v63  }
0xd3: {  	_ =	swait.ge [sflag:s10], $0x2000  }
0xd4: {  	[sflag:s10] =	ssyncset.done $0x0  }
0xd5: {  	[sflag:s10] =	ssyncadd.s32 $0xFFFFE000  }
0xd6: {  	[spmem:s2] =	stream.indirect.scatter.add.f32 [tilespmem:s4], [sflag:$0x3], $0x40, s12, s8, $0xb8;
	[tilespmem:$0x1A0C0] =	vst v63  }
0xd7: {  	_ =	swait.ge [sflag:s6], $0x2000  }
0xd8: {  	[sflag:s6] =	ssyncset.done $0x0  }
0xd9: {  	[sflag:s6] =	ssyncadd.s32 $0xFFFFE000  }
0xda: {  	_ =	swait.ge [sflag:s11], $0x2000  }
0xdb: {  	[sflag:s11] =	ssyncset.done $0x0  }
0xdc: {  	[sflag:s11] =	ssyncadd.s32 $0xFFFFE000  }
0xdd: {  	[spmem:s2] =	stream.indirect.scatter.add.f32 [tilespmem:s9], [sflag:$0x3], $0x40, s13, s8, $0xb8;
	[tilespmem:$0x1A0C0] =	vst v63  }
0xde: {  	_ =	swait.ge [sflag:s6], $0x2000  }
0xdf: {  	[sflag:s6] =	ssyncset.done $0x0  }
0xe0: {  	s15 =	simm.s32 $0x0;
	s23 =	rddreg [dreg:$0x8];
	[sflag:s6] =	ssyncadd.s32 $0xFFFFE000  }
0xe1: {  	[tilespmem:s15], [sflag:$0x3] =	stream.linear.gather [hbm4b:s23+s15], $0x1400, $0x38;
	[tilespmem:$0x1A0C0] =	vst v63  }
0xe2: {  	_ =	swait.ge [sflag:s6], $0x1400  }
0xe3: {  	[sflag:s6] =	ssyncset.done $0x0  }
0xe4: {  	s24 =	rddreg [dreg:$0x9];
	[sflag:s6] =	ssyncadd.s32 $0xFFFFEC00  }
0xe5: {  	[tilespmem:s7], [sflag:$0x3] =	stream.linear.gather [hbm4b:s24+s15], $0x1400, $0x38;
	[tilespmem:$0x1A0C0] =	vst v63  }
0xe6: {  	_ =	swait.ge [sflag:s6], $0x1400  }
0xe7: {  	[sflag:s6] =	ssyncset.done $0x0  }
0xe8: {  	[sflag:s6] =	ssyncadd.s32 $0xFFFFEC00  }
0xe9: {  	[tilespmem:s4], [sflag:$0x1] =	stream.indirect.gather [spmem:s1], $0x40, s15, s8, $0xb8;
	[tilespmem:$0x1A0C0] =	vst v63  }
0xea: {  	_ = 	snop  }
0xeb: {  	[tilespmem:s9], [sflag:$0x2] =	stream.indirect.gather [spmem:s1], $0x40, s8, s8, $0xb8;
	[tilespmem:$0x1A0C0] =	vst v63  }
0xec: {  	_ =	swait.ge [sflag:s10], $0x2000  }
0xed: {  	[sflag:s10] =	ssyncset.done $0x0  }
0xee: {  	s25 =	simm.s32 $0x1400;
	[sflag:s10] =	ssyncadd.s32 $0xFFFFE000  }
0xef: {  	[spmem:s2] =	stream.indirect.scatter.add.f32 [tilespmem:s4], [sflag:$0x3], $0x40, s25, s8, $0xb8;
	[tilespmem:$0x1A0C0] =	vst v63  }
0xf0: {  	_ =	swait.ge [sflag:s6], $0x2000  }
0xf1: {  	[sflag:s6] =	ssyncset.done $0x0  }
0xf2: {  	s30 =	simm.s32 $0x100;
	[sflag:s6] =	ssyncadd.s32 $0xFFFFE000  }
0xf3: {  	[tilespmem:s4], [sflag:$0x1] =	stream.indirect.gather [spmem:s1], $0x40, s30, s8, $0xb8;
	[tilespmem:$0x1A0C0] =	vst v63  }
0xf4: {  	_ =	swait.ge [sflag:s11], $0x2000  }
0xf5: {  	[sflag:s11] =	ssyncset.done $0x0  }
0xf6: {  	s31 =	simm.s32 $0x1480;
	[sflag:s11] =	ssyncadd.s32 $0xFFFFE000  }
0xf7: {  	[spmem:s2] =	stream.indirect.scatter.add.f32 [tilespmem:s9], [sflag:$0x3], $0x40, s31, s8, $0xb8;
	[tilespmem:$0x1A0C0] =	vst v63  }
0xf8: {  	_ =	swait.ge [sflag:s6], $0x2000  }
0xf9: {  	[sflag:s6] =	ssyncset.done $0x0  }
0xfa: {  	s16 =	simm.s32 $0x180;
	s15 =	simm.s32 $0x400;
	[sflag:s6] =	ssyncadd.s32 $0xFFFFE000  }
.LBB2_6:
0xfb: {  	[tilespmem:s9], [sflag:$0x2] =	stream.indirect.gather [spmem:s1], $0x40, s16, s8, $0xb8;
	[tilespmem:$0x1A0C0] =	vst v63  }
0xfc: {  	s16 =	smov.u32 s15  }
0xfd: {  	p3 =	sne.s32 s15, $0x4800;
	s15 =	sadd.s32 $0x400, s15;
	_ =	swait.ge [sflag:s10], $0x2000  }
0xfe: {  	s16 =	sshra.s32 s16, $0x2;
	[sflag:s10] =	ssyncset.done $0x0  }
0xff: {  	s17 =	sadd.s32 $0x1400, s16;
	[sflag:s10] =	ssyncadd.s32 $0xFFFFE000  }
0x100: {  	[spmem:s2] =	stream.indirect.scatter.add.f32 [tilespmem:s4], [sflag:$0x3], $0x40, s17, s8, $0xb8;
	[tilespmem:$0x1A0C0] =	vst v63  }
0x101: {  	_ =	swait.ge [sflag:s6], $0x2000  }
0x102: {  	[sflag:s6] =	ssyncset.done $0x0  }
0x103: {  	s17 =	sadd.s32 $0x100, s16;
	[sflag:s6] =	ssyncadd.s32 $0xFFFFE000  }
0x104: {  	[tilespmem:s4], [sflag:$0x1] =	stream.indirect.gather [spmem:s1], $0x40, s17, s8, $0xb8;
	[tilespmem:$0x1A0C0] =	vst v63  }
0x105: {  	_ =	swait.ge [sflag:s11], $0x2000  }
0x106: {  	[sflag:s11] =	ssyncset.done $0x0  }
.Ltmp3:
0x107: {  	s17 =	sadd.s32 $0x1480, s16;
	[sflag:s11] =	ssyncadd.s32 $0xFFFFE000;
	(pc) =	sbr.rel @p3 .LBB2_6-.Ltmp3, $4  }
0x108: {  	[spmem:s2] =	stream.indirect.scatter.add.f32 [tilespmem:s9], [sflag:$0x3], $0x40, s17, s8, $0xb8;
	[tilespmem:$0x1A0C0] =	vst v63  }
0x109: {  	_ =	swait.ge [sflag:s6], $0x2000  }
0x10a: {  	[sflag:s6] =	ssyncset.done $0x0  }
0x10b: {  	s16 =	sadd.s32 $0x180, s16;
	[sflag:s6] =	ssyncadd.s32 $0xFFFFE000  }
0x10c: {  	[tilespmem:s9], [sflag:$0x2] =	stream.indirect.gather [spmem:s1], $0x40, s16, s8, $0xb8;
	[tilespmem:$0x1A0C0] =	vst v63  }
0x10d: {  	_ =	swait.ge [sflag:s10], $0x2000  }
0x10e: {  	[sflag:s10] =	ssyncset.done $0x0  }
0x10f: {  	[sflag:s10] =	ssyncadd.s32 $0xFFFFE000  }
0x110: {  	[spmem:s2] =	stream.indirect.scatter.add.f32 [tilespmem:s4], [sflag:$0x3], $0x40, s12, s8, $0xb8;
	[tilespmem:$0x1A0C0] =	vst v63  }
0x111: {  	_ =	swait.ge [sflag:s6], $0x2000  }
0x112: {  	[sflag:s6] =	ssyncset.done $0x0  }
0x113: {  	[sflag:s6] =	ssyncadd.s32 $0xFFFFE000  }
0x114: {  	_ =	swait.ge [sflag:s11], $0x2000  }
0x115: {  	[sflag:s11] =	ssyncset.done $0x0  }
0x116: {  	[sflag:s11] =	ssyncadd.s32 $0xFFFFE000  }
0x117: {  	[spmem:s2] =	stream.indirect.scatter.add.f32 [tilespmem:s9], [sflag:$0x3], $0x40, s13, s8, $0xb8;
	[tilespmem:$0x1A0C0] =	vst v63  }
0x118: {  	_ =	swait.ge [sflag:s6], $0x2000  }
0x119: {  	[sflag:s6] =	ssyncset.done $0x0  }
0x11a: {  	s15 =	simm.s32 $0x0;
	s23 =	rddreg [dreg:$0xa];
	[sflag:s6] =	ssyncadd.s32 $0xFFFFE000  }
0x11b: {  	[tilespmem:s15], [sflag:$0x3] =	stream.linear.gather [hbm4b:s23+s15], $0x1400, $0x38;
	[tilespmem:$0x1A0C0] =	vst v63  }
0x11c: {  	_ =	swait.ge [sflag:s6], $0x1400  }
0x11d: {  	[sflag:s6] =	ssyncset.done $0x0  }
0x11e: {  	s24 =	rddreg [dreg:$0xb];
	[sflag:s6] =	ssyncadd.s32 $0xFFFFEC00  }
0x11f: {  	[tilespmem:s7], [sflag:$0x3] =	stream.linear.gather [hbm4b:s24+s15], $0x1400, $0x38;
	[tilespmem:$0x1A0C0] =	vst v63  }
0x120: {  	_ =	swait.ge [sflag:s6], $0x1400  }
0x121: {  	[sflag:s6] =	ssyncset.done $0x0  }
0x122: {  	[sflag:s6] =	ssyncadd.s32 $0xFFFFEC00  }
0x123: {  	[tilespmem:s4], [sflag:$0x1] =	stream.indirect.gather [spmem:s1], $0x40, s15, s8, $0xb8;
	[tilespmem:$0x1A0C0] =	vst v63  }
0x124: {  	_ = 	snop  }
0x125: {  	[tilespmem:s9], [sflag:$0x2] =	stream.indirect.gather [spmem:s1], $0x40, s8, s8, $0xb8;
	[tilespmem:$0x1A0C0] =	vst v63  }
0x126: {  	_ =	swait.ge [sflag:s10], $0x2000  }
0x127: {  	[sflag:s10] =	ssyncset.done $0x0  }
0x128: {  	s25 =	simm.s32 $0x1400;
	[sflag:s10] =	ssyncadd.s32 $0xFFFFE000  }
0x129: {  	[spmem:s2] =	stream.indirect.scatter.add.f32 [tilespmem:s4], [sflag:$0x3], $0x40, s25, s8, $0xb8;
	[tilespmem:$0x1A0C0] =	vst v63  }
0x12a: {  	_ =	swait.ge [sflag:s6], $0x2000  }
0x12b: {  	[sflag:s6] =	ssyncset.done $0x0  }
0x12c: {  	s30 =	simm.s32 $0x100;
	[sflag:s6] =	ssyncadd.s32 $0xFFFFE000  }
0x12d: {  	[tilespmem:s4], [sflag:$0x1] =	stream.indirect.gather [spmem:s1], $0x40, s30, s8, $0xb8;
	[tilespmem:$0x1A0C0] =	vst v63  }
0x12e: {  	_ =	swait.ge [sflag:s11], $0x2000  }
0x12f: {  	[sflag:s11] =	ssyncset.done $0x0  }
0x130: {  	s31 =	simm.s32 $0x1480;
	[sflag:s11] =	ssyncadd.s32 $0xFFFFE000  }
0x131: {  	[spmem:s2] =	stream.indirect.scatter.add.f32 [tilespmem:s9], [sflag:$0x3], $0x40, s31, s8, $0xb8;
	[tilespmem:$0x1A0C0] =	vst v63  }
0x132: {  	_ =	swait.ge [sflag:s6], $0x2000  }
0x133: {  	[sflag:s6] =	ssyncset.done $0x0  }
0x134: {  	s16 =	simm.s32 $0x180;
	s15 =	simm.s32 $0x400;
	[sflag:s6] =	ssyncadd.s32 $0xFFFFE000  }
.LBB2_8:
0x135: {  	[tilespmem:s9], [sflag:$0x2] =	stream.indirect.gather [spmem:s1], $0x40, s16, s8, $0xb8;
	[tilespmem:$0x1A0C0] =	vst v63  }
0x136: {  	s16 =	smov.u32 s15  }
0x137: {  	p3 =	sne.s32 s15, $0x4800;
	s15 =	sadd.s32 $0x400, s15;
	_ =	swait.ge [sflag:s10], $0x2000  }
0x138: {  	s16 =	sshra.s32 s16, $0x2;
	[sflag:s10] =	ssyncset.done $0x0  }
0x139: {  	s17 =	sadd.s32 $0x1400, s16;
	[sflag:s10] =	ssyncadd.s32 $0xFFFFE000  }
0x13a: {  	[spmem:s2] =	stream.indirect.scatter.add.f32 [tilespmem:s4], [sflag:$0x3], $0x40, s17, s8, $0xb8;
	[tilespmem:$0x1A0C0] =	vst v63  }
0x13b: {  	_ =	swait.ge [sflag:s6], $0x2000  }
0x13c: {  	[sflag:s6] =	ssyncset.done $0x0  }
0x13d: {  	s17 =	sadd.s32 $0x100, s16;
	[sflag:s6] =	ssyncadd.s32 $0xFFFFE000  }
0x13e: {  	[tilespmem:s4], [sflag:$0x1] =	stream.indirect.gather [spmem:s1], $0x40, s17, s8, $0xb8;
	[tilespmem:$0x1A0C0] =	vst v63  }
0x13f: {  	_ =	swait.ge [sflag:s11], $0x2000  }
0x140: {  	[sflag:s11] =	ssyncset.done $0x0  }
.Ltmp4:
0x141: {  	s17 =	sadd.s32 $0x1480, s16;
	[sflag:s11] =	ssyncadd.s32 $0xFFFFE000;
	(pc) =	sbr.rel @p3 .LBB2_8-.Ltmp4, $4  }
0x142: {  	[spmem:s2] =	stream.indirect.scatter.add.f32 [tilespmem:s9], [sflag:$0x3], $0x40, s17, s8, $0xb8;
	[tilespmem:$0x1A0C0] =	vst v63  }
0x143: {  	_ =	swait.ge [sflag:s6], $0x2000  }
0x144: {  	[sflag:s6] =	ssyncset.done $0x0  }
0x145: {  	s16 =	sadd.s32 $0x180, s16;
	[sflag:s6] =	ssyncadd.s32 $0xFFFFE000  }
0x146: {  	[tilespmem:s9], [sflag:$0x2] =	stream.indirect.gather [spmem:s1], $0x40, s16, s8, $0xb8;
	[tilespmem:$0x1A0C0] =	vst v63  }
0x147: {  	_ =	swait.ge [sflag:s10], $0x2000  }
0x148: {  	[sflag:s10] =	ssyncset.done $0x0  }
0x149: {  	[sflag:s10] =	ssyncadd.s32 $0xFFFFE000  }
0x14a: {  	[spmem:s2] =	stream.indirect.scatter.add.f32 [tilespmem:s4], [sflag:$0x3], $0x40, s12, s8, $0xb8;
	[tilespmem:$0x1A0C0] =	vst v63  }
0x14b: {  	_ =	swait.ge [sflag:s6], $0x2000  }
0x14c: {  	[sflag:s6] =	ssyncset.done $0x0  }
0x14d: {  	[sflag:s6] =	ssyncadd.s32 $0xFFFFE000  }
0x14e: {  	_ =	swait.ge [sflag:s11], $0x2000  }
0x14f: {  	[sflag:s11] =	ssyncset.done $0x0  }
0x150: {  	[sflag:s11] =	ssyncadd.s32 $0xFFFFE000  }
0x151: {  	[spmem:s2] =	stream.indirect.scatter.add.f32 [tilespmem:s9], [sflag:$0x3], $0x40, s13, s8, $0xb8;
	[tilespmem:$0x1A0C0] =	vst v63  }
0x152: {  	_ =	swait.ge [sflag:s6], $0x2000  }
0x153: {  	[sflag:s6] =	ssyncset.done $0x0  }
0x154: {  	s15 =	simm.s32 $0x0;
	s23 =	rddreg [dreg:$0xc];
	[sflag:s6] =	ssyncadd.s32 $0xFFFFE000  }
0x155: {  	[tilespmem:s15], [sflag:$0x3] =	stream.linear.gather [hbm4b:s23+s15], $0x1400, $0x38;
	[tilespmem:$0x1A0C0] =	vst v63  }
0x156: {  	_ =	swait.ge [sflag:s6], $0x1400  }
0x157: {  	[sflag:s6] =	ssyncset.done $0x0  }
0x158: {  	s24 =	rddreg [dreg:$0xd];
	[sflag:s6] =	ssyncadd.s32 $0xFFFFEC00  }
0x159: {  	[tilespmem:s7], [sflag:$0x3] =	stream.linear.gather [hbm4b:s24+s15], $0x1400, $0x38;
	[tilespmem:$0x1A0C0] =	vst v63  }
0x15a: {  	_ =	swait.ge [sflag:s6], $0x1400  }
0x15b: {  	[sflag:s6] =	ssyncset.done $0x0  }
0x15c: {  	[sflag:s6] =	ssyncadd.s32 $0xFFFFEC00  }
0x15d: {  	[tilespmem:s4], [sflag:$0x1] =	stream.indirect.gather [spmem:s1], $0x40, s15, s8, $0xb8;
	[tilespmem:$0x1A0C0] =	vst v63  }
0x15e: {  	_ = 	snop  }
0x15f: {  	[tilespmem:s9], [sflag:$0x2] =	stream.indirect.gather [spmem:s1], $0x40, s8, s8, $0xb8;
	[tilespmem:$0x1A0C0] =	vst v63  }
0x160: {  	_ =	swait.ge [sflag:s10], $0x2000  }
0x161: {  	[sflag:s10] =	ssyncset.done $0x0  }
0x162: {  	s25 =	simm.s32 $0x1400;
	[sflag:s10] =	ssyncadd.s32 $0xFFFFE000  }
0x163: {  	[spmem:s2] =	stream.indirect.scatter.add.f32 [tilespmem:s4], [sflag:$0x3], $0x40, s25, s8, $0xb8;
	[tilespmem:$0x1A0C0] =	vst v63  }
0x164: {  	_ =	swait.ge [sflag:s6], $0x2000  }
0x165: {  	[sflag:s6] =	ssyncset.done $0x0  }
0x166: {  	s30 =	simm.s32 $0x100;
	[sflag:s6] =	ssyncadd.s32 $0xFFFFE000  }
0x167: {  	[tilespmem:s4], [sflag:$0x1] =	stream.indirect.gather [spmem:s1], $0x40, s30, s8, $0xb8;
	[tilespmem:$0x1A0C0] =	vst v63  }
0x168: {  	_ =	swait.ge [sflag:s11], $0x2000  }
0x169: {  	[sflag:s11] =	ssyncset.done $0x0  }
0x16a: {  	s31 =	simm.s32 $0x1480;
	[sflag:s11] =	ssyncadd.s32 $0xFFFFE000  }
0x16b: {  	[spmem:s2] =	stream.indirect.scatter.add.f32 [tilespmem:s9], [sflag:$0x3], $0x40, s31, s8, $0xb8;
	[tilespmem:$0x1A0C0] =	vst v63  }
0x16c: {  	_ =	swait.ge [sflag:s6], $0x2000  }
0x16d: {  	[sflag:s6] =	ssyncset.done $0x0  }
0x16e: {  	s16 =	simm.s32 $0x180;
	s15 =	simm.s32 $0x400;
	[sflag:s6] =	ssyncadd.s32 $0xFFFFE000  }
.LBB2_10:
0x16f: {  	[tilespmem:s9], [sflag:$0x2] =	stream.indirect.gather [spmem:s1], $0x40, s16, s8, $0xb8;
	[tilespmem:$0x1A0C0] =	vst v63  }
0x170: {  	s16 =	smov.u32 s15  }
0x171: {  	p3 =	sne.s32 s15, $0x4800;
	s15 =	sadd.s32 $0x400, s15;
	_ =	swait.ge [sflag:s10], $0x2000  }
0x172: {  	s16 =	sshra.s32 s16, $0x2;
	[sflag:s10] =	ssyncset.done $0x0  }
0x173: {  	s17 =	sadd.s32 $0x1400, s16;
	[sflag:s10] =	ssyncadd.s32 $0xFFFFE000  }
0x174: {  	[spmem:s2] =	stream.indirect.scatter.add.f32 [tilespmem:s4], [sflag:$0x3], $0x40, s17, s8, $0xb8;
	[tilespmem:$0x1A0C0] =	vst v63  }
0x175: {  	_ =	swait.ge [sflag:s6], $0x2000  }
0x176: {  	[sflag:s6] =	ssyncset.done $0x0  }
0x177: {  	s17 =	sadd.s32 $0x100, s16;
	[sflag:s6] =	ssyncadd.s32 $0xFFFFE000  }
0x178: {  	[tilespmem:s4], [sflag:$0x1] =	stream.indirect.gather [spmem:s1], $0x40, s17, s8, $0xb8;
	[tilespmem:$0x1A0C0] =	vst v63  }
0x179: {  	_ =	swait.ge [sflag:s11], $0x2000  }
0x17a: {  	[sflag:s11] =	ssyncset.done $0x0  }
.Ltmp5:
0x17b: {  	s17 =	sadd.s32 $0x1480, s16;
	[sflag:s11] =	ssyncadd.s32 $0xFFFFE000;
	(pc) =	sbr.rel @p3 .LBB2_10-.Ltmp5, $4  }
0x17c: {  	[spmem:s2] =	stream.indirect.scatter.add.f32 [tilespmem:s9], [sflag:$0x3], $0x40, s17, s8, $0xb8;
	[tilespmem:$0x1A0C0] =	vst v63  }
0x17d: {  	_ =	swait.ge [sflag:s6], $0x2000  }
0x17e: {  	[sflag:s6] =	ssyncset.done $0x0  }
0x17f: {  	s16 =	sadd.s32 $0x180, s16;
	[sflag:s6] =	ssyncadd.s32 $0xFFFFE000  }
0x180: {  	[tilespmem:s9], [sflag:$0x2] =	stream.indirect.gather [spmem:s1], $0x40, s16, s8, $0xb8;
	[tilespmem:$0x1A0C0] =	vst v63  }
0x181: {  	_ =	swait.ge [sflag:s10], $0x2000  }
0x182: {  	[sflag:s10] =	ssyncset.done $0x0  }
0x183: {  	[sflag:s10] =	ssyncadd.s32 $0xFFFFE000  }
0x184: {  	[spmem:s2] =	stream.indirect.scatter.add.f32 [tilespmem:s4], [sflag:$0x3], $0x40, s12, s8, $0xb8;
	[tilespmem:$0x1A0C0] =	vst v63  }
0x185: {  	_ =	swait.ge [sflag:s6], $0x2000  }
0x186: {  	[sflag:s6] =	ssyncset.done $0x0  }
0x187: {  	[sflag:s6] =	ssyncadd.s32 $0xFFFFE000  }
0x188: {  	_ =	swait.ge [sflag:s11], $0x2000  }
0x189: {  	s22 =	sadd.s32 $0xFFFFFFFF, s20;
	[sflag:s11] =	ssyncset.done $0x0  }
0x18a: {  	p4 =	sne.s32 s22, $0x0;
	[sflag:s11] =	ssyncadd.s32 $0xFFFFE000  }
0x18b: {  	[spmem:s2] =	stream.indirect.scatter.add.f32 [tilespmem:s9], [sflag:$0x3], $0x40, s13, s8, $0xb8;
	[tilespmem:$0x1A0C0] =	vst v63  }
.Ltmp6:
0x18c: {  	_ =	swait.ge [sflag:s6], $0x2000;
	(pc) =	sbr.rel @!p4 .LBB2_12-.Ltmp6, $4  }
0x18d: {  	[sflag:s6] =	ssyncset.done $0x0  }
0x18e: {  	[sflag:s6] =	ssyncadd.s32 $0xFFFFE000  }
0x18f: {  	s15 =	stileid.u32;
	[bflag:$0x0] =	sbarrier.arrive $0xFFFF  }
0x190: {  	s17 =	simm.s32 @!p0 $0x4;
	p3 =	por $0x0, $0x0;
	s16 =	sshll.u32 s15, $0x6  }
0x191: {  	s15 =	simm.s32 @!p0 $0x4;
	s22 =	sadd.s32 $0xFFFFFFFF, s22  }
0x192: {  	s15 =	simm.s32 @p0 $0x3;
	p4 =	sne.s32 s22, $0x0  }
.Ltmp7:
0x193: {  	s30 =	sadd.s32 s15, s16;
	(pc) =	sbr.rel @!p4 .LBB2_15-.Ltmp7, $4  }
0x194: {  	s31 =	sadd.s32 s18, s5;
	s23 =	sshrl.u32 s21, $0x3;
	s30 =	sadd.s32 $0x1C00, s30  }
0x195: {  	[hbm:s31], [sflag:s30] =	dma.local [spmem:s23], $0x80  }
0x196: {  	p3 =	por $0x1, $0x1;
	_ =	swait.ge [sflag:s15], $0x80  }
0x197: {  	s31 =	sadd.s32 $0x80, s18;
	s30 =	sadd.s32 $0x400, s21;
	[sflag:s15] =	ssyncset.done $0x0  }
.LBB2_14:
0x198: {  	[sflag:s15] =	ssyncadd.s32 $0xFFFFFF80;
	s15 =	smov.u32 s17;
	s22 =	sadd.s32 $0xFFFFFFFF, s22  }
0x199: {  	s23 =	smov.u32 s16;
	s15 =	simm.s32 @p0 $0x3;
	p4 =	sne.s32 s22, $0x0  }
.Ltmp8:
0x19a: {  	s23 =	sadd.s32 s15, s23;
	(pc) =	sbr.rel @p4 .LBB2_14-.Ltmp8, $4  }
0x19b: {  	s24 =	sadd.s32 s31, s5;
	s25 =	sshrl.u32 s30, $0x3;
	s23 =	sadd.s32 $0x1C00, s23  }
0x19c: {  	[hbm:s24], [sflag:s23] =	dma.local [spmem:s25], $0x80  }
0x19d: {  	s31 =	sadd.s32 $0x80, s31;
	_ =	swait.ge [sflag:s15], $0x80  }
0x19e: {  	s30 =	sadd.s32 $0x400, s30;
	[sflag:s15] =	ssyncset.done $0x0  }
.LBB2_15:
0x19f: {  	s17 =	simm.s32 @p0 $0x3  }
0x1a0: {  	[sflag:s15] =	ssyncadd.s32 @p3 $0xFFFFFF80;
	s24 =	sadd.s32 s17, s16  }
0x1a1: {  	s25 =	sadd.s32 s31, s5;
	s22 =	sshrl.u32 s30, $0x3;
	s15 =	sadd.s32 $0x1C00, s24  }
0x1a2: {  	[hbm:s25], [sflag:s15] =	dma.local [spmem:s22], $0x80  }
0x1a3: {  	_ =	swait.ge [sflag:s17], $0x80  }
0x1a4: {  	s14 =	sadd.s32 $0x1, s14;
	s31 =	rddreg [dreg:$0x11]  }
0x1a5: {  	p3 =	sne.s32 s14, s31  }
.Ltmp9:
0x1a6: {  	_ = 	snop;
	(pc) =	sbr.rel @p3 .LBB2_1-.Ltmp9, $4  }
.Ltmp10:
0x1a7: {  	_ = 	snop;
	(pc) =	sbr.rel @!p3 .LBB2_16-.Ltmp10, $4  }
0x1a8: {  	_ = 	snop  }
0x1a9: {  	[sflag:s17] =	ssyncset.done $0x0  }
0x1aa: {  	[sflag:s17] =	ssyncadd.s32 $0xFFFFFF80  }
0x1ab: {  	_ = 	snop  }
.LBB2_12:
.Ltmp11:
0x1ac: {  	(pc) =	sbr.rel .LBB2_15-.Ltmp11, $2  }
0x1ad: {  	_ =	sdelay $0x2  }
0x1ae: {  	s31 =	smov.u32 s18;
	s30 =	smov.u32 s21  }
.LBB2_16:
0x1af: {  	_ =	sfence.sel $0x180000  }
0x1b0: {  	[bflag:$0x0] =	sbarrier.arrive $0xFFFF  }
0x1b1: {  	_ =	strace $0x9000004A  }
0x1b2: {  	s0 =	stileid.u32;
	[bflag:$0x2] =	sbarrier.arrive $0xFFFF  }
0x1b3: {  	p0 =	sne.s32 s0, $0x0;
	s0 =	rddreg [dreg:$0x3]  }
0x1b4: {  	s0 =	sadd.s32 @!p0 $0x100000, s0  }
0x1b5: {  	[sflag:s0] =	ssyncadd.tile.s32 @!p0 $0x1;
	_ =	shalt  }
.Lfunc_end2:
_tile_overlayer_lowered:
.L_overlay_start_2:
0x1b6: {  	(tag) =	ssettag $0x2  }
0x1b7: {  	s0 =	rddreg [dreg:$0x0];
	s2 =	stileid.u32  }
0x1b8: {  	s1 =	rddreg [dreg:$0x1];
	p0 =	sne.s32 s2, $0x0  }
0x1b9: {  	s3 =	rddreg [dreg:$0x2];
	[bflag:$0x3] =	sbarrier.arrive $0xFFFF;
	s2 =	simm.s32 @!p0 $0x1C03  }
0x1ba: {  	[timem:s3], [sflag:s2] =	dma.local @!p0 [hbm:s0], s1  }
0x1bb: {  	s0 =	simm.s32 @!p0 $0x3  }
0x1bc: {  	_ =	swait.ge @!p0 [sflag:s0], s1  }
0x1bd: {  	s1 =	ssub.s32 @!p0 $0x0, s1;
	[sflag:s0] =	ssyncset.done @!p0 $0x0  }
0x1be: {  	[sflag:s0] =	ssyncadd.s32 @!p0 s1  }
0x1bf: {  	[bflag:$0x3] =	sbarrier.arrive $0xFFFF  }
0x1c0: {  	_ =	shalt  }

</sc_bundles>
